<compile_context>
chip_gen: v7x
topology: tpu7x:2x2x1
jax: 0.10.2.dev20260603
libtpu: 0.0.44.dev20260713+nightly
codegen_flags: <defaults>
</compile_context>

<pallas_src>
import functools

import jax
import jax.numpy as jnp
from jax import lax
from jax.experimental import pallas as pl
from jax.experimental.pallas import tpu as pltpu
from jax.experimental.pallas import tpu_sc as plsc

_L = 16
_NC = 2
_NS = 16
_NW = _NC * _NS

_BR = 8
_NBUF = 6
_K = 2


@functools.lru_cache(maxsize=None)
def _sc_min1_2d(rows, cols, row0, span):
    per_w = span // _NW
    n_chunks = per_w // _BR
    assert n_chunks >= 2 * _NBUF
    m0 = _NBUF - _K
    m1 = n_chunks - _K
    n_main = ((m1 - m0) // _NBUF) * _NBUF
    mesh = plsc.VectorSubcoreMesh(core_axis_name="c", subcore_axis_name="s")

    @functools.partial(
        pl.kernel,
        out_type=jax.ShapeDtypeStruct((span, cols), jnp.float32),
        mesh=mesh,
        scratch_types=(
            [pltpu.VMEM((_BR, cols), jnp.float32) for _ in range(_NBUF)]
            + [pltpu.SemaphoreType.DMA for _ in range(2 * _NBUF)]
        ),
    )
    def k(x_hbm, o_hbm, *scratch):
        bufs = scratch[:_NBUF]
        rsems = scratch[_NBUF:2 * _NBUF]
        wsems = scratch[2 * _NBUF:]
        wid = lax.axis_index("s") * _NC + lax.axis_index("c")
        rbase = row0 + wid * per_w
        obase = wid * per_w

        def read(c, slot):
            pltpu.async_copy(
                x_hbm.at[pl.ds(rbase + c * _BR, _BR), :], bufs[slot],
                rsems[slot])

        def write(c, slot):
            pltpu.async_copy(
                bufs[slot], o_hbm.at[pl.ds(obase + c * _BR, _BR), :],
                wsems[slot])

        def wait_r(slot):
            pltpu.make_async_copy(
                x_hbm.at[pl.ds(rbase, _BR), :], bufs[slot], rsems[slot]).wait()

        def wait_w(slot):
            pltpu.make_async_copy(
                bufs[slot], o_hbm.at[pl.ds(obase, _BR), :], wsems[slot]).wait()

        def compute(slot):
            buf = bufs[slot]

            @plsc.parallel_loop(0, cols, step=_L, unroll=2)
            def _col(j):
                for r in range(_BR):
                    buf[r, pl.ds(j, _L)] = jnp.minimum(buf[r, pl.ds(j, _L)],
                                                       1.0)


        for c in range(_K):
            read(c, c)
        for t in range(m0):
            read(t + _K, t + _K)
            wait_r(t % _NBUF)
            compute(t % _NBUF)
            if t >= 1:
                write(t - 1, (t - 1) % _NBUF)

        @pl.loop(0, n_main, step=_NBUF)
        def _main(i):
            for j in range(_NBUF):
                t = m0 + i + j
                sp = (m0 + j + _K) % _NBUF
                sc = (m0 + j) % _NBUF
                sw = (m0 + j - 1) % _NBUF
                wait_w(sp)
                read(t + _K, sp)
                wait_r(sc)
                compute(sc)
                write(t - 1, sw)

        for t in range(m0 + n_main, m1):
            sp = (t + _K) % _NBUF
            sc = t % _NBUF
            wait_w(sp)
            read(t + _K, sp)
            wait_r(sc)
            compute(sc)
            write(t - 1, (t - 1) % _NBUF)
        for t in range(m1, n_chunks):
            wait_r(t % _NBUF)
            compute(t % _NBUF)
            write(t - 1, (t - 1) % _NBUF)
        write(n_chunks - 1, (n_chunks - 1) % _NBUF)
        for slot in range(_NBUF):
            wait_w(slot)

    return k


def kernel(x):
    b, m, n = x.shape
    rows = b * m
    out = _sc_min1_2d(rows, n, 0, rows)(x.reshape(rows, n))
    return out.reshape(b, m, n)

# --- scband reference (transcript-rebuilt; emitter-appended) ---
"""Pipeline reference for scband-my-model-87522843560413 (READ-ONLY COPY).

The authoritative reference and input builder live on the scoring server;
editing this copy changes nothing except your own understanding.
"""

import jax, jax.numpy as jnp
import numpy as np


def setup_inputs(seed: int = 0) -> dict:
    key = jax.random.key(seed)
    x = jax.random.normal(key, (4, 8192, 2048), dtype=jnp.float32)
    return {"x": x}


def reference(x):
    # Original: x_sparse = tf.sparse.from_dense(x); ones_sparse = tf.sparse.from_dense(tf.ones_like(x));
    # result = tf.sparse.minimum(x_sparse, ones_sparse).
    # tf.sparse.minimum treats missing entries as 0, so the dense equivalent of the
    # resulting SparseTensor is: where x != 0 -> min(x, 1); where x == 0 -> min(0, 1) = 0.
    # That is exactly jnp.minimum(x, 1) since min(0, 1) = 0.
    # JAX has no first-class sparse tensor in core, so we return the dense materialization,
    # which is value-equivalent to tf.sparse.to_dense of the original output.
    ones = jnp.ones_like(x)
    return jnp.minimum(x, ones)

if __name__ == "__main__":
    import jax
    _d = setup_inputs()
    print(jax.jit(kernel)(*tuple(_d.values())))

</pallas_src>

<mosaic_0001>
#map = affine_map<(d0, d1) -> (0, 0)>
module attributes {stable_mosaic.version = 14 : i64} {
  func.func @k(%arg0: i32, %arg1: i32, %arg2: memref<32768x2048xf32, #tpu.memory_space<hbm>>, %arg3: memref<32768x2048xf32, #tpu.memory_space<hbm>>, %arg4: memref<8x2048xf32, #tpu.memory_space<vmem>>, %arg5: memref<8x2048xf32, #tpu.memory_space<vmem>>, %arg6: memref<8x2048xf32, #tpu.memory_space<vmem>>, %arg7: memref<8x2048xf32, #tpu.memory_space<vmem>>, %arg8: memref<8x2048xf32, #tpu.memory_space<vmem>>, %arg9: memref<8x2048xf32, #tpu.memory_space<vmem>>, %arg10: memref<!tpu.dma_semaphore, #tpu.memory_space<semaphore_mem>>, %arg11: memref<!tpu.dma_semaphore, #tpu.memory_space<semaphore_mem>>, %arg12: memref<!tpu.dma_semaphore, #tpu.memory_space<semaphore_mem>>, %arg13: memref<!tpu.dma_semaphore, #tpu.memory_space<semaphore_mem>>, %arg14: memref<!tpu.dma_semaphore, #tpu.memory_space<semaphore_mem>>, %arg15: memref<!tpu.dma_semaphore, #tpu.memory_space<semaphore_mem>>, %arg16: memref<!tpu.dma_semaphore, #tpu.memory_space<semaphore_mem>>, %arg17: memref<!tpu.dma_semaphore, #tpu.memory_space<semaphore_mem>>, %arg18: memref<!tpu.dma_semaphore, #tpu.memory_space<semaphore_mem>>, %arg19: memref<!tpu.dma_semaphore, #tpu.memory_space<semaphore_mem>>, %arg20: memref<!tpu.dma_semaphore, #tpu.memory_space<semaphore_mem>>, %arg21: memref<!tpu.dma_semaphore, #tpu.memory_space<semaphore_mem>>) attributes {dimension_semantics = [#tpu.dimension_semantics<core_parallel>, #tpu.dimension_semantics<subcore_parallel>], iteration_bounds = array<i64: 2, 16>, scalar_prefetch = 0 : i64, scratch_operands = 18 : i64, tpu.core_type = #tpu.core_type<sc_vector_subcore>, window_params = [{transform_indices = #map}, {transform_indices = #map}]} {
    %mul3A = arith.constant 2 : i32
    %mul3A_0 = arith.muli %arg1, %mul3A : i32
    %add3A = arith.addi %mul3A_0, %arg0 : i32
    %mul3A_1 = arith.constant 1024 : i32
    %mul3A_2 = arith.muli %add3A, %mul3A_1 : i32
    %add3A_3 = arith.constant 0 : i32
    %add3A_4 = arith.addi %add3A_3, %mul3A_2 : i32
    %mul3A_5 = arith.constant 1024 : i32
    %mul3A_6 = arith.muli %add3A, %mul3A_5 : i32
    %add3A_7 = arith.constant 0 : i32
    %add3A_8 = arith.addi %add3A_4, %add3A_7 : i32
    %dma_start3A = arith.constant 0 : i32
    %dma_start3A_9 = tpu.memref_slice %arg2[%add3A_8, %dma_start3A] : memref<32768x2048xf32, #tpu.memory_space<hbm>> -> memref<8x2048xf32, #tpu.memory_space<hbm>>
    %dma_start3A_10 = arith.constant 0 : i32
    %dma_start3A_11 = tpu.memref_slice %arg2[%add3A_8, %dma_start3A_10] : memref<32768x2048xf32, #tpu.memory_space<hbm>> -> memref<8x2048xf32, #tpu.memory_space<hbm>>
    tpu.enqueue_dma source(%dma_start3A_11 : memref<8x2048xf32, #tpu.memory_space<hbm>>) target(%arg4 : memref<8x2048xf32, #tpu.memory_space<vmem>>) target_semaphore(%arg10 : memref<!tpu.dma_semaphore, #tpu.memory_space<semaphore_mem>>)
    %add3A_12 = arith.constant 8 : i32
    %add3A_13 = arith.addi %add3A_4, %add3A_12 : i32
    %dma_start3A_14 = arith.constant 0 : i32
    %dma_start3A_15 = tpu.memref_slice %arg2[%add3A_13, %dma_start3A_14] : memref<32768x2048xf32, #tpu.memory_space<hbm>> -> memref<8x2048xf32, #tpu.memory_space<hbm>>
    %dma_start3A_16 = arith.constant 0 : i32
    %dma_start3A_17 = tpu.memref_slice %arg2[%add3A_13, %dma_start3A_16] : memref<32768x2048xf32, #tpu.memory_space<hbm>> -> memref<8x2048xf32, #tpu.memory_space<hbm>>
    tpu.enqueue_dma source(%dma_start3A_17 : memref<8x2048xf32, #tpu.memory_space<hbm>>) target(%arg5 : memref<8x2048xf32, #tpu.memory_space<vmem>>) target_semaphore(%arg11 : memref<!tpu.dma_semaphore, #tpu.memory_space<semaphore_mem>>)
    %add3A_18 = arith.constant 16 : i32
    %add3A_19 = arith.addi %add3A_4, %add3A_18 : i32
    %dma_start3A_20 = arith.constant 0 : i32
    %dma_start3A_21 = tpu.memref_slice %arg2[%add3A_19, %dma_start3A_20] : memref<32768x2048xf32, #tpu.memory_space<hbm>> -> memref<8x2048xf32, #tpu.memory_space<hbm>>
    %dma_start3A_22 = arith.constant 0 : i32
    %dma_start3A_23 = tpu.memref_slice %arg2[%add3A_19, %dma_start3A_22] : memref<32768x2048xf32, #tpu.memory_space<hbm>> -> memref<8x2048xf32, #tpu.memory_space<hbm>>
    tpu.enqueue_dma source(%dma_start3A_23 : memref<8x2048xf32, #tpu.memory_space<hbm>>) target(%arg6 : memref<8x2048xf32, #tpu.memory_space<vmem>>) target_semaphore(%arg12 : memref<!tpu.dma_semaphore, #tpu.memory_space<semaphore_mem>>)
    %dma_wait3A = arith.constant 0 : i32
    %dma_wait3A_24 = tpu.memref_slice %arg2[%add3A_4, %dma_wait3A] : memref<32768x2048xf32, #tpu.memory_space<hbm>> -> memref<8x2048xf32, #tpu.memory_space<hbm>>
    %dma_wait3A_25 = arith.constant 0 : i32
    %dma_wait3A_26 = tpu.memref_slice %arg2[%add3A_4, %dma_wait3A_25] : memref<32768x2048xf32, #tpu.memory_space<hbm>> -> memref<8x2048xf32, #tpu.memory_space<hbm>>
    tpu.wait_dma2 semaphore(%arg10 : memref<!tpu.dma_semaphore, #tpu.memory_space<semaphore_mem>>) src(%dma_wait3A_26 : memref<8x2048xf32, #tpu.memory_space<hbm>>) dst(%arg4 : memref<8x2048xf32, #tpu.memory_space<vmem>>)
    %parallel_loop3A = arith.constant 0 : i32
    %parallel_loop3A_27 = arith.constant 2048 : i32
    %parallel_loop3A_28 = arith.constant 16 : i32
    scf.for %parallel_loop3A_192 = %parallel_loop3A to %parallel_loop3A_27 step %parallel_loop3A_28  : i32 {
      %parallel_loop3A_193 = arith.constant 0 : i32
      %parallel_loop3A_194 = arith.index_cast %parallel_loop3A_193 : i32 to index
      %parallel_loop3A_195 = arith.index_cast %parallel_loop3A_192 : i32 to index
      %parallel_loop3A_196 = tpu.vector_load %arg4[%parallel_loop3A_194, %parallel_loop3A_195] {strides = array<i32>} : memref<8x2048xf32, #tpu.memory_space<vmem>>, vector<1x16xf32>,
      %parallel_loop3A_197 = vector.shape_cast %parallel_loop3A_196 : vector<1x16xf32> to vector<16xf32>
      %parallel_loop3A_198 = arith.constant 1.000000e+00 : f32
      %parallel_loop3A_199 = vector.broadcast %parallel_loop3A_198 : f32 to vector<16xf32>
      %parallel_loop3A_200 = arith.minimumf %parallel_loop3A_197, %parallel_loop3A_199 : vector<16xf32>
      %parallel_loop3A_201 = arith.constant 0 : i32
      %parallel_loop3A_202 = arith.index_cast %parallel_loop3A_201 : i32 to index
      %parallel_loop3A_203 = arith.index_cast %parallel_loop3A_192 : i32 to index
      %parallel_loop3A_204 = tpu.vector_load %arg4[%parallel_loop3A_202, %parallel_loop3A_203] {strides = array<i32>} : memref<8x2048xf32, #tpu.memory_space<vmem>>, vector<1x16xf32>,
      %parallel_loop3A_205 = vector.shape_cast %parallel_loop3A_204 : vector<1x16xf32> to vector<16xf32>
      %parallel_loop3A_206 = vector.shape_cast %parallel_loop3A_200 : vector<16xf32> to vector<1x16xf32>
      tpu.vector_store %arg4[%parallel_loop3A_202, %parallel_loop3A_203], %parallel_loop3A_206 {strides = array<i32>} : memref<8x2048xf32, #tpu.memory_space<vmem>>, vector<1x16xf32>,
      %parallel_loop3A_207 = arith.constant 1 : i32
      %parallel_loop3A_208 = arith.index_cast %parallel_loop3A_207 : i32 to index
      %parallel_loop3A_209 = arith.index_cast %parallel_loop3A_192 : i32 to index
      %parallel_loop3A_210 = tpu.vector_load %arg4[%parallel_loop3A_208, %parallel_loop3A_209] {strides = array<i32>} : memref<8x2048xf32, #tpu.memory_space<vmem>>, vector<1x16xf32>,
      %parallel_loop3A_211 = vector.shape_cast %parallel_loop3A_210 : vector<1x16xf32> to vector<16xf32>
      %parallel_loop3A_212 = arith.constant 1.000000e+00 : f32
      %parallel_loop3A_213 = vector.broadcast %parallel_loop3A_212 : f32 to vector<16xf32>
      %parallel_loop3A_214 = arith.minimumf %parallel_loop3A_211, %parallel_loop3A_213 : vector<16xf32>
      %parallel_loop3A_215 = arith.constant 1 : i32
      %parallel_loop3A_216 = arith.index_cast %parallel_loop3A_215 : i32 to index
      %parallel_loop3A_217 = arith.index_cast %parallel_loop3A_192 : i32 to index
      %parallel_loop3A_218 = tpu.vector_load %arg4[%parallel_loop3A_216, %parallel_loop3A_217] {strides = array<i32>} : memref<8x2048xf32, #tpu.memory_space<vmem>>, vector<1x16xf32>,
      %parallel_loop3A_219 = vector.shape_cast %parallel_loop3A_218 : vector<1x16xf32> to vector<16xf32>
      %parallel_loop3A_220 = vector.shape_cast %parallel_loop3A_214 : vector<16xf32> to vector<1x16xf32>
      tpu.vector_store %arg4[%parallel_loop3A_216, %parallel_loop3A_217], %parallel_loop3A_220 {strides = array<i32>} : memref<8x2048xf32, #tpu.memory_space<vmem>>, vector<1x16xf32>,
      %parallel_loop3A_221 = arith.constant 2 : i32
      %parallel_loop3A_222 = arith.index_cast %parallel_loop3A_221 : i32 to index
      %parallel_loop3A_223 = arith.index_cast %parallel_loop3A_192 : i32 to index
      %parallel_loop3A_224 = tpu.vector_load %arg4[%parallel_loop3A_222, %parallel_loop3A_223] {strides = array<i32>} : memref<8x2048xf32, #tpu.memory_space<vmem>>, vector<1x16xf32>,
      %parallel_loop3A_225 = vector.shape_cast %parallel_loop3A_224 : vector<1x16xf32> to vector<16xf32>
      %parallel_loop3A_226 = arith.constant 1.000000e+00 : f32
      %parallel_loop3A_227 = vector.broadcast %parallel_loop3A_226 : f32 to vector<16xf32>
      %parallel_loop3A_228 = arith.minimumf %parallel_loop3A_225, %parallel_loop3A_227 : vector<16xf32>
      %parallel_loop3A_229 = arith.constant 2 : i32
      %parallel_loop3A_230 = arith.index_cast %parallel_loop3A_229 : i32 to index
      %parallel_loop3A_231 = arith.index_cast %parallel_loop3A_192 : i32 to index
      %parallel_loop3A_232 = tpu.vector_load %arg4[%parallel_loop3A_230, %parallel_loop3A_231] {strides = array<i32>} : memref<8x2048xf32, #tpu.memory_space<vmem>>, vector<1x16xf32>,
      %parallel_loop3A_233 = vector.shape_cast %parallel_loop3A_232 : vector<1x16xf32> to vector<16xf32>
      %parallel_loop3A_234 = vector.shape_cast %parallel_loop3A_228 : vector<16xf32> to vector<1x16xf32>
      tpu.vector_store %arg4[%parallel_loop3A_230, %parallel_loop3A_231], %parallel_loop3A_234 {strides = array<i32>} : memref<8x2048xf32, #tpu.memory_space<vmem>>, vector<1x16xf32>,
      %parallel_loop3A_235 = arith.constant 3 : i32
      %parallel_loop3A_236 = arith.index_cast %parallel_loop3A_235 : i32 to index
      %parallel_loop3A_237 = arith.index_cast %parallel_loop3A_192 : i32 to index
      %parallel_loop3A_238 = tpu.vector_load %arg4[%parallel_loop3A_236, %parallel_loop3A_237] {strides = array<i32>} : memref<8x2048xf32, #tpu.memory_space<vmem>>, vector<1x16xf32>,
      %parallel_loop3A_239 = vector.shape_cast %parallel_loop3A_238 : vector<1x16xf32> to vector<16xf32>
      %parallel_loop3A_240 = arith.constant 1.000000e+00 : f32
      %parallel_loop3A_241 = vector.broadcast %parallel_loop3A_240 : f32 to vector<16xf32>
      %parallel_loop3A_242 = arith.minimumf %parallel_loop3A_239, %parallel_loop3A_241 : vector<16xf32>
      %parallel_loop3A_243 = arith.constant 3 : i32
      %parallel_loop3A_244 = arith.index_cast %parallel_loop3A_243 : i32 to index
      %parallel_loop3A_245 = arith.index_cast %parallel_loop3A_192 : i32 to index
      %parallel_loop3A_246 = tpu.vector_load %arg4[%parallel_loop3A_244, %parallel_loop3A_245] {strides = array<i32>} : memref<8x2048xf32, #tpu.memory_space<vmem>>, vector<1x16xf32>,
      %parallel_loop3A_247 = vector.shape_cast %parallel_loop3A_246 : vector<1x16xf32> to vector<16xf32>
      %parallel_loop3A_248 = vector.shape_cast %parallel_loop3A_242 : vector<16xf32> to vector<1x16xf32>
      tpu.vector_store %arg4[%parallel_loop3A_244, %parallel_loop3A_245], %parallel_loop3A_248 {strides = array<i32>} : memref<8x2048xf32, #tpu.memory_space<vmem>>, vector<1x16xf32>,
      %parallel_loop3A_249 = arith.constant 4 : i32
      %parallel_loop3A_250 = arith.index_cast %parallel_loop3A_249 : i32 to index
      %parallel_loop3A_251 = arith.index_cast %parallel_loop3A_192 : i32 to index
      %parallel_loop3A_252 = tpu.vector_load %arg4[%parallel_loop3A_250, %parallel_loop3A_251] {strides = array<i32>} : memref<8x2048xf32, #tpu.memory_space<vmem>>, vector<1x16xf32>,
      %parallel_loop3A_253 = vector.shape_cast %parallel_loop3A_252 : vector<1x16xf32> to vector<16xf32>
      %parallel_loop3A_254 = arith.constant 1.000000e+00 : f32
      %parallel_loop3A_255 = vector.broadcast %parallel_loop3A_254 : f32 to vector<16xf32>
      %parallel_loop3A_256 = arith.minimumf %parallel_loop3A_253, %parallel_loop3A_255 : vector<16xf32>
      %parallel_loop3A_257 = arith.constant 4 : i32
      %parallel_loop3A_258 = arith.index_cast %parallel_loop3A_257 : i32 to index
      %parallel_loop3A_259 = arith.index_cast %parallel_loop3A_192 : i32 to index
      %parallel_loop3A_260 = tpu.vector_load %arg4[%parallel_loop3A_258, %parallel_loop3A_259] {strides = array<i32>} : memref<8x2048xf32, #tpu.memory_space<vmem>>, vector<1x16xf32>,
      %parallel_loop3A_261 = vector.shape_cast %parallel_loop3A_260 : vector<1x16xf32> to vector<16xf32>
      %parallel_loop3A_262 = vector.shape_cast %parallel_loop3A_256 : vector<16xf32> to vector<1x16xf32>
      tpu.vector_store %arg4[%parallel_loop3A_258, %parallel_loop3A_259], %parallel_loop3A_262 {strides = array<i32>} : memref<8x2048xf32, #tpu.memory_space<vmem>>, vector<1x16xf32>,
      %parallel_loop3A_263 = arith.constant 5 : i32
      %parallel_loop3A_264 = arith.index_cast %parallel_loop3A_263 : i32 to index
      %parallel_loop3A_265 = arith.index_cast %parallel_loop3A_192 : i32 to index
      %parallel_loop3A_266 = tpu.vector_load %arg4[%parallel_loop3A_264, %parallel_loop3A_265] {strides = array<i32>} : memref<8x2048xf32, #tpu.memory_space<vmem>>, vector<1x16xf32>,
      %parallel_loop3A_267 = vector.shape_cast %parallel_loop3A_266 : vector<1x16xf32> to vector<16xf32>
      %parallel_loop3A_268 = arith.constant 1.000000e+00 : f32
      %parallel_loop3A_269 = vector.broadcast %parallel_loop3A_268 : f32 to vector<16xf32>
      %parallel_loop3A_270 = arith.minimumf %parallel_loop3A_267, %parallel_loop3A_269 : vector<16xf32>
      %parallel_loop3A_271 = arith.constant 5 : i32
      %parallel_loop3A_272 = arith.index_cast %parallel_loop3A_271 : i32 to index
      %parallel_loop3A_273 = arith.index_cast %parallel_loop3A_192 : i32 to index
      %parallel_loop3A_274 = tpu.vector_load %arg4[%parallel_loop3A_272, %parallel_loop3A_273] {strides = array<i32>} : memref<8x2048xf32, #tpu.memory_space<vmem>>, vector<1x16xf32>,
      %parallel_loop3A_275 = vector.shape_cast %parallel_loop3A_274 : vector<1x16xf32> to vector<16xf32>
      %parallel_loop3A_276 = vector.shape_cast %parallel_loop3A_270 : vector<16xf32> to vector<1x16xf32>
      tpu.vector_store %arg4[%parallel_loop3A_272, %parallel_loop3A_273], %parallel_loop3A_276 {strides = array<i32>} : memref<8x2048xf32, #tpu.memory_space<vmem>>, vector<1x16xf32>,
      %parallel_loop3A_277 = arith.constant 6 : i32
      %parallel_loop3A_278 = arith.index_cast %parallel_loop3A_277 : i32 to index
      %parallel_loop3A_279 = arith.index_cast %parallel_loop3A_192 : i32 to index
      %parallel_loop3A_280 = tpu.vector_load %arg4[%parallel_loop3A_278, %parallel_loop3A_279] {strides = array<i32>} : memref<8x2048xf32, #tpu.memory_space<vmem>>, vector<1x16xf32>,
      %parallel_loop3A_281 = vector.shape_cast %parallel_loop3A_280 : vector<1x16xf32> to vector<16xf32>
      %parallel_loop3A_282 = arith.constant 1.000000e+00 : f32
      %parallel_loop3A_283 = vector.broadcast %parallel_loop3A_282 : f32 to vector<16xf32>
      %parallel_loop3A_284 = arith.minimumf %parallel_loop3A_281, %parallel_loop3A_283 : vector<16xf32>
      %parallel_loop3A_285 = arith.constant 6 : i32
      %parallel_loop3A_286 = arith.index_cast %parallel_loop3A_285 : i32 to index
      %parallel_loop3A_287 = arith.index_cast %parallel_loop3A_192 : i32 to index
      %parallel_loop3A_288 = tpu.vector_load %arg4[%parallel_loop3A_286, %parallel_loop3A_287] {strides = array<i32>} : memref<8x2048xf32, #tpu.memory_space<vmem>>, vector<1x16xf32>,
      %parallel_loop3A_289 = vector.shape_cast %parallel_loop3A_288 : vector<1x16xf32> to vector<16xf32>
      %parallel_loop3A_290 = vector.shape_cast %parallel_loop3A_284 : vector<16xf32> to vector<1x16xf32>
      tpu.vector_store %arg4[%parallel_loop3A_286, %parallel_loop3A_287], %parallel_loop3A_290 {strides = array<i32>} : memref<8x2048xf32, #tpu.memory_space<vmem>>, vector<1x16xf32>,
      %parallel_loop3A_291 = arith.constant 7 : i32
      %parallel_loop3A_292 = arith.index_cast %parallel_loop3A_291 : i32 to index
      %parallel_loop3A_293 = arith.index_cast %parallel_loop3A_192 : i32 to index
      %parallel_loop3A_294 = tpu.vector_load %arg4[%parallel_loop3A_292, %parallel_loop3A_293] {strides = array<i32>} : memref<8x2048xf32, #tpu.memory_space<vmem>>, vector<1x16xf32>,
      %parallel_loop3A_295 = vector.shape_cast %parallel_loop3A_294 : vector<1x16xf32> to vector<16xf32>
      %parallel_loop3A_296 = arith.constant 1.000000e+00 : f32
      %parallel_loop3A_297 = vector.broadcast %parallel_loop3A_296 : f32 to vector<16xf32>
      %parallel_loop3A_298 = arith.minimumf %parallel_loop3A_295, %parallel_loop3A_297 : vector<16xf32>
      %parallel_loop3A_299 = arith.constant 7 : i32
      %parallel_loop3A_300 = arith.index_cast %parallel_loop3A_299 : i32 to index
      %parallel_loop3A_301 = arith.index_cast %parallel_loop3A_192 : i32 to index
      %parallel_loop3A_302 = tpu.vector_load %arg4[%parallel_loop3A_300, %parallel_loop3A_301] {strides = array<i32>} : memref<8x2048xf32, #tpu.memory_space<vmem>>, vector<1x16xf32>,
      %parallel_loop3A_303 = vector.shape_cast %parallel_loop3A_302 : vector<1x16xf32> to vector<16xf32>
      %parallel_loop3A_304 = vector.shape_cast %parallel_loop3A_298 : vector<16xf32> to vector<1x16xf32>
      tpu.vector_store %arg4[%parallel_loop3A_300, %parallel_loop3A_301], %parallel_loop3A_304 {strides = array<i32>} : memref<8x2048xf32, #tpu.memory_space<vmem>>, vector<1x16xf32>,
    } {sc.loop_unroll_factor = 2 : i64, sc.parallel_access}
    %add3A_29 = arith.constant 24 : i32
    %add3A_30 = arith.addi %add3A_4, %add3A_29 : i32
    %dma_start3A_31 = arith.constant 0 : i32
    %dma_start3A_32 = tpu.memref_slice %arg2[%add3A_30, %dma_start3A_31] : memref<32768x2048xf32, #tpu.memory_space<hbm>> -> memref<8x2048xf32, #tpu.memory_space<hbm>>
    %dma_start3A_33 = arith.constant 0 : i32
    %dma_start3A_34 = tpu.memref_slice %arg2[%add3A_30, %dma_start3A_33] : memref<32768x2048xf32, #tpu.memory_space<hbm>> -> memref<8x2048xf32, #tpu.memory_space<hbm>>
    tpu.enqueue_dma source(%dma_start3A_34 : memref<8x2048xf32, #tpu.memory_space<hbm>>) target(%arg7 : memref<8x2048xf32, #tpu.memory_space<vmem>>) target_semaphore(%arg13 : memref<!tpu.dma_semaphore, #tpu.memory_space<semaphore_mem>>)
    %dma_wait3A_35 = arith.constant 0 : i32
    %dma_wait3A_36 = tpu.memref_slice %arg2[%add3A_4, %dma_wait3A_35] : memref<32768x2048xf32, #tpu.memory_space<hbm>> -> memref<8x2048xf32, #tpu.memory_space<hbm>>
    %dma_wait3A_37 = arith.constant 0 : i32
    %dma_wait3A_38 = tpu.memref_slice %arg2[%add3A_4, %dma_wait3A_37] : memref<32768x2048xf32, #tpu.memory_space<hbm>> -> memref<8x2048xf32, #tpu.memory_space<hbm>>
    tpu.wait_dma2 semaphore(%arg11 : memref<!tpu.dma_semaphore, #tpu.memory_space<semaphore_mem>>) src(%dma_wait3A_38 : memref<8x2048xf32, #tpu.memory_space<hbm>>) dst(%arg5 : memref<8x2048xf32, #tpu.memory_space<vmem>>)
    %parallel_loop3A_39 = arith.constant 0 : i32
    %parallel_loop3A_40 = arith.constant 2048 : i32
    %parallel_loop3A_41 = arith.constant 16 : i32
    scf.for %parallel_loop3A_192 = %parallel_loop3A_39 to %parallel_loop3A_40 step %parallel_loop3A_41  : i32 {
      %parallel_loop3A_193 = arith.constant 0 : i32
      %parallel_loop3A_194 = arith.index_cast %parallel_loop3A_193 : i32 to index
      %parallel_loop3A_195 = arith.index_cast %parallel_loop3A_192 : i32 to index
      %parallel_loop3A_196 = tpu.vector_load %arg5[%parallel_loop3A_194, %parallel_loop3A_195] {strides = array<i32>} : memref<8x2048xf32, #tpu.memory_space<vmem>>, vector<1x16xf32>,
      %parallel_loop3A_197 = vector.shape_cast %parallel_loop3A_196 : vector<1x16xf32> to vector<16xf32>
      %parallel_loop3A_198 = arith.constant 1.000000e+00 : f32
      %parallel_loop3A_199 = vector.broadcast %parallel_loop3A_198 : f32 to vector<16xf32>
      %parallel_loop3A_200 = arith.minimumf %parallel_loop3A_197, %parallel_loop3A_199 : vector<16xf32>
      %parallel_loop3A_201 = arith.constant 0 : i32
      %parallel_loop3A_202 = arith.index_cast %parallel_loop3A_201 : i32 to index
      %parallel_loop3A_203 = arith.index_cast %parallel_loop3A_192 : i32 to index
      %parallel_loop3A_204 = tpu.vector_load %arg5[%parallel_loop3A_202, %parallel_loop3A_203] {strides = array<i32>} : memref<8x2048xf32, #tpu.memory_space<vmem>>, vector<1x16xf32>,
      %parallel_loop3A_205 = vector.shape_cast %parallel_loop3A_204 : vector<1x16xf32> to vector<16xf32>
      %parallel_loop3A_206 = vector.shape_cast %parallel_loop3A_200 : vector<16xf32> to vector<1x16xf32>
      tpu.vector_store %arg5[%parallel_loop3A_202, %parallel_loop3A_203], %parallel_loop3A_206 {strides = array<i32>} : memref<8x2048xf32, #tpu.memory_space<vmem>>, vector<1x16xf32>,
      %parallel_loop3A_207 = arith.constant 1 : i32
      %parallel_loop3A_208 = arith.index_cast %parallel_loop3A_207 : i32 to index
      %parallel_loop3A_209 = arith.index_cast %parallel_loop3A_192 : i32 to index
      %parallel_loop3A_210 = tpu.vector_load %arg5[%parallel_loop3A_208, %parallel_loop3A_209] {strides = array<i32>} : memref<8x2048xf32, #tpu.memory_space<vmem>>, vector<1x16xf32>,
      %parallel_loop3A_211 = vector.shape_cast %parallel_loop3A_210 : vector<1x16xf32> to vector<16xf32>
      %parallel_loop3A_212 = arith.constant 1.000000e+00 : f32
      %parallel_loop3A_213 = vector.broadcast %parallel_loop3A_212 : f32 to vector<16xf32>
      %parallel_loop3A_214 = arith.minimumf %parallel_loop3A_211, %parallel_loop3A_213 : vector<16xf32>
      %parallel_loop3A_215 = arith.constant 1 : i32
      %parallel_loop3A_216 = arith.index_cast %parallel_loop3A_215 : i32 to index
      %parallel_loop3A_217 = arith.index_cast %parallel_loop3A_192 : i32 to index
      %parallel_loop3A_218 = tpu.vector_load %arg5[%parallel_loop3A_216, %parallel_loop3A_217] {strides = array<i32>} : memref<8x2048xf32, #tpu.memory_space<vmem>>, vector<1x16xf32>,
      %parallel_loop3A_219 = vector.shape_cast %parallel_loop3A_218 : vector<1x16xf32> to vector<16xf32>
      %parallel_loop3A_220 = vector.shape_cast %parallel_loop3A_214 : vector<16xf32> to vector<1x16xf32>
      tpu.vector_store %arg5[%parallel_loop3A_216, %parallel_loop3A_217], %parallel_loop3A_220 {strides = array<i32>} : memref<8x2048xf32, #tpu.memory_space<vmem>>, vector<1x16xf32>,
      %parallel_loop3A_221 = arith.constant 2 : i32
      %parallel_loop3A_222 = arith.index_cast %parallel_loop3A_221 : i32 to index
      %parallel_loop3A_223 = arith.index_cast %parallel_loop3A_192 : i32 to index
      %parallel_loop3A_224 = tpu.vector_load %arg5[%parallel_loop3A_222, %parallel_loop3A_223] {strides = array<i32>} : memref<8x2048xf32, #tpu.memory_space<vmem>>, vector<1x16xf32>,
      %parallel_loop3A_225 = vector.shape_cast %parallel_loop3A_224 : vector<1x16xf32> to vector<16xf32>
      %parallel_loop3A_226 = arith.constant 1.000000e+00 : f32
      %parallel_loop3A_227 = vector.broadcast %parallel_loop3A_226 : f32 to vector<16xf32>
      %parallel_loop3A_228 = arith.minimumf %parallel_loop3A_225, %parallel_loop3A_227 : vector<16xf32>
      %parallel_loop3A_229 = arith.constant 2 : i32
      %parallel_loop3A_230 = arith.index_cast %parallel_loop3A_229 : i32 to index
      %parallel_loop3A_231 = arith.index_cast %parallel_loop3A_192 : i32 to index
      %parallel_loop3A_232 = tpu.vector_load %arg5[%parallel_loop3A_230, %parallel_loop3A_231] {strides = array<i32>} : memref<8x2048xf32, #tpu.memory_space<vmem>>, vector<1x16xf32>,
      %parallel_loop3A_233 = vector.shape_cast %parallel_loop3A_232 : vector<1x16xf32> to vector<16xf32>
      %parallel_loop3A_234 = vector.shape_cast %parallel_loop3A_228 : vector<16xf32> to vector<1x16xf32>
      tpu.vector_store %arg5[%parallel_loop3A_230, %parallel_loop3A_231], %parallel_loop3A_234 {strides = array<i32>} : memref<8x2048xf32, #tpu.memory_space<vmem>>, vector<1x16xf32>,
      %parallel_loop3A_235 = arith.constant 3 : i32
      %parallel_loop3A_236 = arith.index_cast %parallel_loop3A_235 : i32 to index
      %parallel_loop3A_237 = arith.index_cast %parallel_loop3A_192 : i32 to index
      %parallel_loop3A_238 = tpu.vector_load %arg5[%parallel_loop3A_236, %parallel_loop3A_237] {strides = array<i32>} : memref<8x2048xf32, #tpu.memory_space<vmem>>, vector<1x16xf32>,
      %parallel_loop3A_239 = vector.shape_cast %parallel_loop3A_238 : vector<1x16xf32> to vector<16xf32>
      %parallel_loop3A_240 = arith.constant 1.000000e+00 : f32
      %parallel_loop3A_241 = vector.broadcast %parallel_loop3A_240 : f32 to vector<16xf32>
      %parallel_loop3A_242 = arith.minimumf %parallel_loop3A_239, %parallel_loop3A_241 : vector<16xf32>
      %parallel_loop3A_243 = arith.constant 3 : i32
      %parallel_loop3A_244 = arith.index_cast %parallel_loop3A_243 : i32 to index
      %parallel_loop3A_245 = arith.index_cast %parallel_loop3A_192 : i32 to index
      %parallel_loop3A_246 = tpu.vector_load %arg5[%parallel_loop3A_244, %parallel_loop3A_245] {strides = array<i32>} : memref<8x2048xf32, #tpu.memory_space<vmem>>, vector<1x16xf32>,
      %parallel_loop3A_247 = vector.shape_cast %parallel_loop3A_246 : vector<1x16xf32> to vector<16xf32>
      %parallel_loop3A_248 = vector.shape_cast %parallel_loop3A_242 : vector<16xf32> to vector<1x16xf32>
      tpu.vector_store %arg5[%parallel_loop3A_244, %parallel_loop3A_245], %parallel_loop3A_248 {strides = array<i32>} : memref<8x2048xf32, #tpu.memory_space<vmem>>, vector<1x16xf32>,
      %parallel_loop3A_249 = arith.constant 4 : i32
      %parallel_loop3A_250 = arith.index_cast %parallel_loop3A_249 : i32 to index
      %parallel_loop3A_251 = arith.index_cast %parallel_loop3A_192 : i32 to index
      %parallel_loop3A_252 = tpu.vector_load %arg5[%parallel_loop3A_250, %parallel_loop3A_251] {strides = array<i32>} : memref<8x2048xf32, #tpu.memory_space<vmem>>, vector<1x16xf32>,
      %parallel_loop3A_253 = vector.shape_cast %parallel_loop3A_252 : vector<1x16xf32> to vector<16xf32>
      %parallel_loop3A_254 = arith.constant 1.000000e+00 : f32
      %parallel_loop3A_255 = vector.broadcast %parallel_loop3A_254 : f32 to vector<16xf32>
      %parallel_loop3A_256 = arith.minimumf %parallel_loop3A_253, %parallel_loop3A_255 : vector<16xf32>
      %parallel_loop3A_257 = arith.constant 4 : i32
      %parallel_loop3A_258 = arith.index_cast %parallel_loop3A_257 : i32 to index
      %parallel_loop3A_259 = arith.index_cast %parallel_loop3A_192 : i32 to index
      %parallel_loop3A_260 = tpu.vector_load %arg5[%parallel_loop3A_258, %parallel_loop3A_259] {strides = array<i32>} : memref<8x2048xf32, #tpu.memory_space<vmem>>, vector<1x16xf32>,
      %parallel_loop3A_261 = vector.shape_cast %parallel_loop3A_260 : vector<1x16xf32> to vector<16xf32>
      %parallel_loop3A_262 = vector.shape_cast %parallel_loop3A_256 : vector<16xf32> to vector<1x16xf32>
      tpu.vector_store %arg5[%parallel_loop3A_258, %parallel_loop3A_259], %parallel_loop3A_262 {strides = array<i32>} : memref<8x2048xf32, #tpu.memory_space<vmem>>, vector<1x16xf32>,
      %parallel_loop3A_263 = arith.constant 5 : i32
      %parallel_loop3A_264 = arith.index_cast %parallel_loop3A_263 : i32 to index
      %parallel_loop3A_265 = arith.index_cast %parallel_loop3A_192 : i32 to index
      %parallel_loop3A_266 = tpu.vector_load %arg5[%parallel_loop3A_264, %parallel_loop3A_265] {strides = array<i32>} : memref<8x2048xf32, #tpu.memory_space<vmem>>, vector<1x16xf32>,
      %parallel_loop3A_267 = vector.shape_cast %parallel_loop3A_266 : vector<1x16xf32> to vector<16xf32>
      %parallel_loop3A_268 = arith.constant 1.000000e+00 : f32
      %parallel_loop3A_269 = vector.broadcast %parallel_loop3A_268 : f32 to vector<16xf32>
      %parallel_loop3A_270 = arith.minimumf %parallel_loop3A_267, %parallel_loop3A_269 : vector<16xf32>
      %parallel_loop3A_271 = arith.constant 5 : i32
      %parallel_loop3A_272 = arith.index_cast %parallel_loop3A_271 : i32 to index
      %parallel_loop3A_273 = arith.index_cast %parallel_loop3A_192 : i32 to index
      %parallel_loop3A_274 = tpu.vector_load %arg5[%parallel_loop3A_272, %parallel_loop3A_273] {strides = array<i32>} : memref<8x2048xf32, #tpu.memory_space<vmem>>, vector<1x16xf32>,
      %parallel_loop3A_275 = vector.shape_cast %parallel_loop3A_274 : vector<1x16xf32> to vector<16xf32>
      %parallel_loop3A_276 = vector.shape_cast %parallel_loop3A_270 : vector<16xf32> to vector<1x16xf32>
      tpu.vector_store %arg5[%parallel_loop3A_272, %parallel_loop3A_273], %parallel_loop3A_276 {strides = array<i32>} : memref<8x2048xf32, #tpu.memory_space<vmem>>, vector<1x16xf32>,
      %parallel_loop3A_277 = arith.constant 6 : i32
      %parallel_loop3A_278 = arith.index_cast %parallel_loop3A_277 : i32 to index
      %parallel_loop3A_279 = arith.index_cast %parallel_loop3A_192 : i32 to index
      %parallel_loop3A_280 = tpu.vector_load %arg5[%parallel_loop3A_278, %parallel_loop3A_279] {strides = array<i32>} : memref<8x2048xf32, #tpu.memory_space<vmem>>, vector<1x16xf32>,
      %parallel_loop3A_281 = vector.shape_cast %parallel_loop3A_280 : vector<1x16xf32> to vector<16xf32>
      %parallel_loop3A_282 = arith.constant 1.000000e+00 : f32
      %parallel_loop3A_283 = vector.broadcast %parallel_loop3A_282 : f32 to vector<16xf32>
      %parallel_loop3A_284 = arith.minimumf %parallel_loop3A_281, %parallel_loop3A_283 : vector<16xf32>
      %parallel_loop3A_285 = arith.constant 6 : i32
      %parallel_loop3A_286 = arith.index_cast %parallel_loop3A_285 : i32 to index
      %parallel_loop3A_287 = arith.index_cast %parallel_loop3A_192 : i32 to index
      %parallel_loop3A_288 = tpu.vector_load %arg5[%parallel_loop3A_286, %parallel_loop3A_287] {strides = array<i32>} : memref<8x2048xf32, #tpu.memory_space<vmem>>, vector<1x16xf32>,
      %parallel_loop3A_289 = vector.shape_cast %parallel_loop3A_288 : vector<1x16xf32> to vector<16xf32>
      %parallel_loop3A_290 = vector.shape_cast %parallel_loop3A_284 : vector<16xf32> to vector<1x16xf32>
      tpu.vector_store %arg5[%parallel_loop3A_286, %parallel_loop3A_287], %parallel_loop3A_290 {strides = array<i32>} : memref<8x2048xf32, #tpu.memory_space<vmem>>, vector<1x16xf32>,
      %parallel_loop3A_291 = arith.constant 7 : i32
      %parallel_loop3A_292 = arith.index_cast %parallel_loop3A_291 : i32 to index
      %parallel_loop3A_293 = arith.index_cast %parallel_loop3A_192 : i32 to index
      %parallel_loop3A_294 = tpu.vector_load %arg5[%parallel_loop3A_292, %parallel_loop3A_293] {strides = array<i32>} : memref<8x2048xf32, #tpu.memory_space<vmem>>, vector<1x16xf32>,
      %parallel_loop3A_295 = vector.shape_cast %parallel_loop3A_294 : vector<1x16xf32> to vector<16xf32>
      %parallel_loop3A_296 = arith.constant 1.000000e+00 : f32
      %parallel_loop3A_297 = vector.broadcast %parallel_loop3A_296 : f32 to vector<16xf32>
      %parallel_loop3A_298 = arith.minimumf %parallel_loop3A_295, %parallel_loop3A_297 : vector<16xf32>
      %parallel_loop3A_299 = arith.constant 7 : i32
      %parallel_loop3A_300 = arith.index_cast %parallel_loop3A_299 : i32 to index
      %parallel_loop3A_301 = arith.index_cast %parallel_loop3A_192 : i32 to index
      %parallel_loop3A_302 = tpu.vector_load %arg5[%parallel_loop3A_300, %parallel_loop3A_301] {strides = array<i32>} : memref<8x2048xf32, #tpu.memory_space<vmem>>, vector<1x16xf32>,
      %parallel_loop3A_303 = vector.shape_cast %parallel_loop3A_302 : vector<1x16xf32> to vector<16xf32>
      %parallel_loop3A_304 = vector.shape_cast %parallel_loop3A_298 : vector<16xf32> to vector<1x16xf32>
      tpu.vector_store %arg5[%parallel_loop3A_300, %parallel_loop3A_301], %parallel_loop3A_304 {strides = array<i32>} : memref<8x2048xf32, #tpu.memory_space<vmem>>, vector<1x16xf32>,
    } {sc.loop_unroll_factor = 2 : i64, sc.parallel_access}
    %add3A_42 = arith.constant 0 : i32
    %add3A_43 = arith.addi %mul3A_6, %add3A_42 : i32
    %dma_start3A_44 = arith.constant 0 : i32
    %dma_start3A_45 = tpu.memref_slice %arg3[%add3A_43, %dma_start3A_44] : memref<32768x2048xf32, #tpu.memory_space<hbm>> -> memref<8x2048xf32, #tpu.memory_space<hbm>>
    %dma_start3A_46 = arith.constant 0 : i32
    %dma_start3A_47 = tpu.memref_slice %arg3[%add3A_43, %dma_start3A_46] : memref<32768x2048xf32, #tpu.memory_space<hbm>> -> memref<8x2048xf32, #tpu.memory_space<hbm>>
    tpu.enqueue_dma source(%arg4 : memref<8x2048xf32, #tpu.memory_space<vmem>>) target(%dma_start3A_47 : memref<8x2048xf32, #tpu.memory_space<hbm>>) target_semaphore(%arg16 : memref<!tpu.dma_semaphore, #tpu.memory_space<semaphore_mem>>)
    %add3A_48 = arith.constant 32 : i32
    %add3A_49 = arith.addi %add3A_4, %add3A_48 : i32
    %dma_start3A_50 = arith.constant 0 : i32
    %dma_start3A_51 = tpu.memref_slice %arg2[%add3A_49, %dma_start3A_50] : memref<32768x2048xf32, #tpu.memory_space<hbm>> -> memref<8x2048xf32, #tpu.memory_space<hbm>>
    %dma_start3A_52 = arith.constant 0 : i32
    %dma_start3A_53 = tpu.memref_slice %arg2[%add3A_49, %dma_start3A_52] : memref<32768x2048xf32, #tpu.memory_space<hbm>> -> memref<8x2048xf32, #tpu.memory_space<hbm>>
    tpu.enqueue_dma source(%dma_start3A_53 : memref<8x2048xf32, #tpu.memory_space<hbm>>) target(%arg8 : memref<8x2048xf32, #tpu.memory_space<vmem>>) target_semaphore(%arg14 : memref<!tpu.dma_semaphore, #tpu.memory_space<semaphore_mem>>)
    %dma_wait3A_54 = arith.constant 0 : i32
    %dma_wait3A_55 = tpu.memref_slice %arg2[%add3A_4, %dma_wait3A_54] : memref<32768x2048xf32, #tpu.memory_space<hbm>> -> memref<8x2048xf32, #tpu.memory_space<hbm>>
    %dma_wait3A_56 = arith.constant 0 : i32
    %dma_wait3A_57 = tpu.memref_slice %arg2[%add3A_4, %dma_wait3A_56] : memref<32768x2048xf32, #tpu.memory_space<hbm>> -> memref<8x2048xf32, #tpu.memory_space<hbm>>
    tpu.wait_dma2 semaphore(%arg12 : memref<!tpu.dma_semaphore, #tpu.memory_space<semaphore_mem>>) src(%dma_wait3A_57 : memref<8x2048xf32, #tpu.memory_space<hbm>>) dst(%arg6 : memref<8x2048xf32, #tpu.memory_space<vmem>>)
    %parallel_loop3A_58 = arith.constant 0 : i32
    %parallel_loop3A_59 = arith.constant 2048 : i32
    %parallel_loop3A_60 = arith.constant 16 : i32
    scf.for %parallel_loop3A_192 = %parallel_loop3A_58 to %parallel_loop3A_59 step %parallel_loop3A_60  : i32 {
      %parallel_loop3A_193 = arith.constant 0 : i32
      %parallel_loop3A_194 = arith.index_cast %parallel_loop3A_193 : i32 to index
      %parallel_loop3A_195 = arith.index_cast %parallel_loop3A_192 : i32 to index
      %parallel_loop3A_196 = tpu.vector_load %arg6[%parallel_loop3A_194, %parallel_loop3A_195] {strides = array<i32>} : memref<8x2048xf32, #tpu.memory_space<vmem>>, vector<1x16xf32>,
      %parallel_loop3A_197 = vector.shape_cast %parallel_loop3A_196 : vector<1x16xf32> to vector<16xf32>
      %parallel_loop3A_198 = arith.constant 1.000000e+00 : f32
      %parallel_loop3A_199 = vector.broadcast %parallel_loop3A_198 : f32 to vector<16xf32>
      %parallel_loop3A_200 = arith.minimumf %parallel_loop3A_197, %parallel_loop3A_199 : vector<16xf32>
      %parallel_loop3A_201 = arith.constant 0 : i32
      %parallel_loop3A_202 = arith.index_cast %parallel_loop3A_201 : i32 to index
      %parallel_loop3A_203 = arith.index_cast %parallel_loop3A_192 : i32 to index
      %parallel_loop3A_204 = tpu.vector_load %arg6[%parallel_loop3A_202, %parallel_loop3A_203] {strides = array<i32>} : memref<8x2048xf32, #tpu.memory_space<vmem>>, vector<1x16xf32>,
      %parallel_loop3A_205 = vector.shape_cast %parallel_loop3A_204 : vector<1x16xf32> to vector<16xf32>
      %parallel_loop3A_206 = vector.shape_cast %parallel_loop3A_200 : vector<16xf32> to vector<1x16xf32>
      tpu.vector_store %arg6[%parallel_loop3A_202, %parallel_loop3A_203], %parallel_loop3A_206 {strides = array<i32>} : memref<8x2048xf32, #tpu.memory_space<vmem>>, vector<1x16xf32>,
      %parallel_loop3A_207 = arith.constant 1 : i32
      %parallel_loop3A_208 = arith.index_cast %parallel_loop3A_207 : i32 to index
      %parallel_loop3A_209 = arith.index_cast %parallel_loop3A_192 : i32 to index
      %parallel_loop3A_210 = tpu.vector_load %arg6[%parallel_loop3A_208, %parallel_loop3A_209] {strides = array<i32>} : memref<8x2048xf32, #tpu.memory_space<vmem>>, vector<1x16xf32>,
      %parallel_loop3A_211 = vector.shape_cast %parallel_loop3A_210 : vector<1x16xf32> to vector<16xf32>
      %parallel_loop3A_212 = arith.constant 1.000000e+00 : f32
      %parallel_loop3A_213 = vector.broadcast %parallel_loop3A_212 : f32 to vector<16xf32>
      %parallel_loop3A_214 = arith.minimumf %parallel_loop3A_211, %parallel_loop3A_213 : vector<16xf32>
      %parallel_loop3A_215 = arith.constant 1 : i32
      %parallel_loop3A_216 = arith.index_cast %parallel_loop3A_215 : i32 to index
      %parallel_loop3A_217 = arith.index_cast %parallel_loop3A_192 : i32 to index
      %parallel_loop3A_218 = tpu.vector_load %arg6[%parallel_loop3A_216, %parallel_loop3A_217] {strides = array<i32>} : memref<8x2048xf32, #tpu.memory_space<vmem>>, vector<1x16xf32>,
      %parallel_loop3A_219 = vector.shape_cast %parallel_loop3A_218 : vector<1x16xf32> to vector<16xf32>
      %parallel_loop3A_220 = vector.shape_cast %parallel_loop3A_214 : vector<16xf32> to vector<1x16xf32>
      tpu.vector_store %arg6[%parallel_loop3A_216, %parallel_loop3A_217], %parallel_loop3A_220 {strides = array<i32>} : memref<8x2048xf32, #tpu.memory_space<vmem>>, vector<1x16xf32>,
      %parallel_loop3A_221 = arith.constant 2 : i32
      %parallel_loop3A_222 = arith.index_cast %parallel_loop3A_221 : i32 to index
      %parallel_loop3A_223 = arith.index_cast %parallel_loop3A_192 : i32 to index
      %parallel_loop3A_224 = tpu.vector_load %arg6[%parallel_loop3A_222, %parallel_loop3A_223] {strides = array<i32>} : memref<8x2048xf32, #tpu.memory_space<vmem>>, vector<1x16xf32>,
      %parallel_loop3A_225 = vector.shape_cast %parallel_loop3A_224 : vector<1x16xf32> to vector<16xf32>
      %parallel_loop3A_226 = arith.constant 1.000000e+00 : f32
      %parallel_loop3A_227 = vector.broadcast %parallel_loop3A_226 : f32 to vector<16xf32>
      %parallel_loop3A_228 = arith.minimumf %parallel_loop3A_225, %parallel_loop3A_227 : vector<16xf32>
      %parallel_loop3A_229 = arith.constant 2 : i32
      %parallel_loop3A_230 = arith.index_cast %parallel_loop3A_229 : i32 to index
      %parallel_loop3A_231 = arith.index_cast %parallel_loop3A_192 : i32 to index
      %parallel_loop3A_232 = tpu.vector_load %arg6[%parallel_loop3A_230, %parallel_loop3A_231] {strides = array<i32>} : memref<8x2048xf32, #tpu.memory_space<vmem>>, vector<1x16xf32>,
      %parallel_loop3A_233 = vector.shape_cast %parallel_loop3A_232 : vector<1x16xf32> to vector<16xf32>
      %parallel_loop3A_234 = vector.shape_cast %parallel_loop3A_228 : vector<16xf32> to vector<1x16xf32>
      tpu.vector_store %arg6[%parallel_loop3A_230, %parallel_loop3A_231], %parallel_loop3A_234 {strides = array<i32>} : memref<8x2048xf32, #tpu.memory_space<vmem>>, vector<1x16xf32>,
      %parallel_loop3A_235 = arith.constant 3 : i32
      %parallel_loop3A_236 = arith.index_cast %parallel_loop3A_235 : i32 to index
      %parallel_loop3A_237 = arith.index_cast %parallel_loop3A_192 : i32 to index
      %parallel_loop3A_238 = tpu.vector_load %arg6[%parallel_loop3A_236, %parallel_loop3A_237] {strides = array<i32>} : memref<8x2048xf32, #tpu.memory_space<vmem>>, vector<1x16xf32>,
      %parallel_loop3A_239 = vector.shape_cast %parallel_loop3A_238 : vector<1x16xf32> to vector<16xf32>
      %parallel_loop3A_240 = arith.constant 1.000000e+00 : f32
      %parallel_loop3A_241 = vector.broadcast %parallel_loop3A_240 : f32 to vector<16xf32>
      %parallel_loop3A_242 = arith.minimumf %parallel_loop3A_239, %parallel_loop3A_241 : vector<16xf32>
      %parallel_loop3A_243 = arith.constant 3 : i32
      %parallel_loop3A_244 = arith.index_cast %parallel_loop3A_243 : i32 to index
      %parallel_loop3A_245 = arith.index_cast %parallel_loop3A_192 : i32 to index
      %parallel_loop3A_246 = tpu.vector_load %arg6[%parallel_loop3A_244, %parallel_loop3A_245] {strides = array<i32>} : memref<8x2048xf32, #tpu.memory_space<vmem>>, vector<1x16xf32>,
      %parallel_loop3A_247 = vector.shape_cast %parallel_loop3A_246 : vector<1x16xf32> to vector<16xf32>
      %parallel_loop3A_248 = vector.shape_cast %parallel_loop3A_242 : vector<16xf32> to vector<1x16xf32>
      tpu.vector_store %arg6[%parallel_loop3A_244, %parallel_loop3A_245], %parallel_loop3A_248 {strides = array<i32>} : memref<8x2048xf32, #tpu.memory_space<vmem>>, vector<1x16xf32>,
      %parallel_loop3A_249 = arith.constant 4 : i32
      %parallel_loop3A_250 = arith.index_cast %parallel_loop3A_249 : i32 to index
      %parallel_loop3A_251 = arith.index_cast %parallel_loop3A_192 : i32 to index
      %parallel_loop3A_252 = tpu.vector_load %arg6[%parallel_loop3A_250, %parallel_loop3A_251] {strides = array<i32>} : memref<8x2048xf32, #tpu.memory_space<vmem>>, vector<1x16xf32>,
      %parallel_loop3A_253 = vector.shape_cast %parallel_loop3A_252 : vector<1x16xf32> to vector<16xf32>
      %parallel_loop3A_254 = arith.constant 1.000000e+00 : f32
      %parallel_loop3A_255 = vector.broadcast %parallel_loop3A_254 : f32 to vector<16xf32>
      %parallel_loop3A_256 = arith.minimumf %parallel_loop3A_253, %parallel_loop3A_255 : vector<16xf32>
      %parallel_loop3A_257 = arith.constant 4 : i32
      %parallel_loop3A_258 = arith.index_cast %parallel_loop3A_257 : i32 to index
      %parallel_loop3A_259 = arith.index_cast %parallel_loop3A_192 : i32 to index
      %parallel_loop3A_260 = tpu.vector_load %arg6[%parallel_loop3A_258, %parallel_loop3A_259] {strides = array<i32>} : memref<8x2048xf32, #tpu.memory_space<vmem>>, vector<1x16xf32>,
      %parallel_loop3A_261 = vector.shape_cast %parallel_loop3A_260 : vector<1x16xf32> to vector<16xf32>
      %parallel_loop3A_262 = vector.shape_cast %parallel_loop3A_256 : vector<16xf32> to vector<1x16xf32>
      tpu.vector_store %arg6[%parallel_loop3A_258, %parallel_loop3A_259], %parallel_loop3A_262 {strides = array<i32>} : memref<8x2048xf32, #tpu.memory_space<vmem>>, vector<1x16xf32>,
      %parallel_loop3A_263 = arith.constant 5 : i32
      %parallel_loop3A_264 = arith.index_cast %parallel_loop3A_263 : i32 to index
      %parallel_loop3A_265 = arith.index_cast %parallel_loop3A_192 : i32 to index
      %parallel_loop3A_266 = tpu.vector_load %arg6[%parallel_loop3A_264, %parallel_loop3A_265] {strides = array<i32>} : memref<8x2048xf32, #tpu.memory_space<vmem>>, vector<1x16xf32>,
      %parallel_loop3A_267 = vector.shape_cast %parallel_loop3A_266 : vector<1x16xf32> to vector<16xf32>
      %parallel_loop3A_268 = arith.constant 1.000000e+00 : f32
      %parallel_loop3A_269 = vector.broadcast %parallel_loop3A_268 : f32 to vector<16xf32>
      %parallel_loop3A_270 = arith.minimumf %parallel_loop3A_267, %parallel_loop3A_269 : vector<16xf32>
      %parallel_loop3A_271 = arith.constant 5 : i32
      %parallel_loop3A_272 = arith.index_cast %parallel_loop3A_271 : i32 to index
      %parallel_loop3A_273 = arith.index_cast %parallel_loop3A_192 : i32 to index
      %parallel_loop3A_274 = tpu.vector_load %arg6[%parallel_loop3A_272, %parallel_loop3A_273] {strides = array<i32>} : memref<8x2048xf32, #tpu.memory_space<vmem>>, vector<1x16xf32>,
      %parallel_loop3A_275 = vector.shape_cast %parallel_loop3A_274 : vector<1x16xf32> to vector<16xf32>
      %parallel_loop3A_276 = vector.shape_cast %parallel_loop3A_270 : vector<16xf32> to vector<1x16xf32>
      tpu.vector_store %arg6[%parallel_loop3A_272, %parallel_loop3A_273], %parallel_loop3A_276 {strides = array<i32>} : memref<8x2048xf32, #tpu.memory_space<vmem>>, vector<1x16xf32>,
      %parallel_loop3A_277 = arith.constant 6 : i32
      %parallel_loop3A_278 = arith.index_cast %parallel_loop3A_277 : i32 to index
      %parallel_loop3A_279 = arith.index_cast %parallel_loop3A_192 : i32 to index
      %parallel_loop3A_280 = tpu.vector_load %arg6[%parallel_loop3A_278, %parallel_loop3A_279] {strides = array<i32>} : memref<8x2048xf32, #tpu.memory_space<vmem>>, vector<1x16xf32>,
      %parallel_loop3A_281 = vector.shape_cast %parallel_loop3A_280 : vector<1x16xf32> to vector<16xf32>
      %parallel_loop3A_282 = arith.constant 1.000000e+00 : f32
      %parallel_loop3A_283 = vector.broadcast %parallel_loop3A_282 : f32 to vector<16xf32>
      %parallel_loop3A_284 = arith.minimumf %parallel_loop3A_281, %parallel_loop3A_283 : vector<16xf32>
      %parallel_loop3A_285 = arith.constant 6 : i32
      %parallel_loop3A_286 = arith.index_cast %parallel_loop3A_285 : i32 to index
      %parallel_loop3A_287 = arith.index_cast %parallel_loop3A_192 : i32 to index
      %parallel_loop3A_288 = tpu.vector_load %arg6[%parallel_loop3A_286, %parallel_loop3A_287] {strides = array<i32>} : memref<8x2048xf32, #tpu.memory_space<vmem>>, vector<1x16xf32>,
      %parallel_loop3A_289 = vector.shape_cast %parallel_loop3A_288 : vector<1x16xf32> to vector<16xf32>
      %parallel_loop3A_290 = vector.shape_cast %parallel_loop3A_284 : vector<16xf32> to vector<1x16xf32>
      tpu.vector_store %arg6[%parallel_loop3A_286, %parallel_loop3A_287], %parallel_loop3A_290 {strides = array<i32>} : memref<8x2048xf32, #tpu.memory_space<vmem>>, vector<1x16xf32>,
      %parallel_loop3A_291 = arith.constant 7 : i32
      %parallel_loop3A_292 = arith.index_cast %parallel_loop3A_291 : i32 to index
      %parallel_loop3A_293 = arith.index_cast %parallel_loop3A_192 : i32 to index
      %parallel_loop3A_294 = tpu.vector_load %arg6[%parallel_loop3A_292, %parallel_loop3A_293] {strides = array<i32>} : memref<8x2048xf32, #tpu.memory_space<vmem>>, vector<1x16xf32>,
      %parallel_loop3A_295 = vector.shape_cast %parallel_loop3A_294 : vector<1x16xf32> to vector<16xf32>
      %parallel_loop3A_296 = arith.constant 1.000000e+00 : f32
      %parallel_loop3A_297 = vector.broadcast %parallel_loop3A_296 : f32 to vector<16xf32>
      %parallel_loop3A_298 = arith.minimumf %parallel_loop3A_295, %parallel_loop3A_297 : vector<16xf32>
      %parallel_loop3A_299 = arith.constant 7 : i32
      %parallel_loop3A_300 = arith.index_cast %parallel_loop3A_299 : i32 to index
      %parallel_loop3A_301 = arith.index_cast %parallel_loop3A_192 : i32 to index
      %parallel_loop3A_302 = tpu.vector_load %arg6[%parallel_loop3A_300, %parallel_loop3A_301] {strides = array<i32>} : memref<8x2048xf32, #tpu.memory_space<vmem>>, vector<1x16xf32>,
      %parallel_loop3A_303 = vector.shape_cast %parallel_loop3A_302 : vector<1x16xf32> to vector<16xf32>
      %parallel_loop3A_304 = vector.shape_cast %parallel_loop3A_298 : vector<16xf32> to vector<1x16xf32>
      tpu.vector_store %arg6[%parallel_loop3A_300, %parallel_loop3A_301], %parallel_loop3A_304 {strides = array<i32>} : memref<8x2048xf32, #tpu.memory_space<vmem>>, vector<1x16xf32>,
    } {sc.loop_unroll_factor = 2 : i64, sc.parallel_access}
    %add3A_61 = arith.constant 8 : i32
    %add3A_62 = arith.addi %mul3A_6, %add3A_61 : i32
    %dma_start3A_63 = arith.constant 0 : i32
    %dma_start3A_64 = tpu.memref_slice %arg3[%add3A_62, %dma_start3A_63] : memref<32768x2048xf32, #tpu.memory_space<hbm>> -> memref<8x2048xf32, #tpu.memory_space<hbm>>
    %dma_start3A_65 = arith.constant 0 : i32
    %dma_start3A_66 = tpu.memref_slice %arg3[%add3A_62, %dma_start3A_65] : memref<32768x2048xf32, #tpu.memory_space<hbm>> -> memref<8x2048xf32, #tpu.memory_space<hbm>>
    tpu.enqueue_dma source(%arg5 : memref<8x2048xf32, #tpu.memory_space<vmem>>) target(%dma_start3A_66 : memref<8x2048xf32, #tpu.memory_space<hbm>>) target_semaphore(%arg17 : memref<!tpu.dma_semaphore, #tpu.memory_space<semaphore_mem>>)
    %add3A_67 = arith.constant 40 : i32
    %add3A_68 = arith.addi %add3A_4, %add3A_67 : i32
    %dma_start3A_69 = arith.constant 0 : i32
    %dma_start3A_70 = tpu.memref_slice %arg2[%add3A_68, %dma_start3A_69] : memref<32768x2048xf32, #tpu.memory_space<hbm>> -> memref<8x2048xf32, #tpu.memory_space<hbm>>
    %dma_start3A_71 = arith.constant 0 : i32
    %dma_start3A_72 = tpu.memref_slice %arg2[%add3A_68, %dma_start3A_71] : memref<32768x2048xf32, #tpu.memory_space<hbm>> -> memref<8x2048xf32, #tpu.memory_space<hbm>>
    tpu.enqueue_dma source(%dma_start3A_72 : memref<8x2048xf32, #tpu.memory_space<hbm>>) target(%arg9 : memref<8x2048xf32, #tpu.memory_space<vmem>>) target_semaphore(%arg15 : memref<!tpu.dma_semaphore, #tpu.memory_space<semaphore_mem>>)
    %dma_wait3A_73 = arith.constant 0 : i32
    %dma_wait3A_74 = tpu.memref_slice %arg2[%add3A_4, %dma_wait3A_73] : memref<32768x2048xf32, #tpu.memory_space<hbm>> -> memref<8x2048xf32, #tpu.memory_space<hbm>>
    %dma_wait3A_75 = arith.constant 0 : i32
    %dma_wait3A_76 = tpu.memref_slice %arg2[%add3A_4, %dma_wait3A_75] : memref<32768x2048xf32, #tpu.memory_space<hbm>> -> memref<8x2048xf32, #tpu.memory_space<hbm>>
    tpu.wait_dma2 semaphore(%arg13 : memref<!tpu.dma_semaphore, #tpu.memory_space<semaphore_mem>>) src(%dma_wait3A_76 : memref<8x2048xf32, #tpu.memory_space<hbm>>) dst(%arg7 : memref<8x2048xf32, #tpu.memory_space<vmem>>)
    %parallel_loop3A_77 = arith.constant 0 : i32
    %parallel_loop3A_78 = arith.constant 2048 : i32
    %parallel_loop3A_79 = arith.constant 16 : i32
    scf.for %parallel_loop3A_192 = %parallel_loop3A_77 to %parallel_loop3A_78 step %parallel_loop3A_79  : i32 {
      %parallel_loop3A_193 = arith.constant 0 : i32
      %parallel_loop3A_194 = arith.index_cast %parallel_loop3A_193 : i32 to index
      %parallel_loop3A_195 = arith.index_cast %parallel_loop3A_192 : i32 to index
      %parallel_loop3A_196 = tpu.vector_load %arg7[%parallel_loop3A_194, %parallel_loop3A_195] {strides = array<i32>} : memref<8x2048xf32, #tpu.memory_space<vmem>>, vector<1x16xf32>,
      %parallel_loop3A_197 = vector.shape_cast %parallel_loop3A_196 : vector<1x16xf32> to vector<16xf32>
      %parallel_loop3A_198 = arith.constant 1.000000e+00 : f32
      %parallel_loop3A_199 = vector.broadcast %parallel_loop3A_198 : f32 to vector<16xf32>
      %parallel_loop3A_200 = arith.minimumf %parallel_loop3A_197, %parallel_loop3A_199 : vector<16xf32>
      %parallel_loop3A_201 = arith.constant 0 : i32
      %parallel_loop3A_202 = arith.index_cast %parallel_loop3A_201 : i32 to index
      %parallel_loop3A_203 = arith.index_cast %parallel_loop3A_192 : i32 to index
      %parallel_loop3A_204 = tpu.vector_load %arg7[%parallel_loop3A_202, %parallel_loop3A_203] {strides = array<i32>} : memref<8x2048xf32, #tpu.memory_space<vmem>>, vector<1x16xf32>,
      %parallel_loop3A_205 = vector.shape_cast %parallel_loop3A_204 : vector<1x16xf32> to vector<16xf32>
      %parallel_loop3A_206 = vector.shape_cast %parallel_loop3A_200 : vector<16xf32> to vector<1x16xf32>
      tpu.vector_store %arg7[%parallel_loop3A_202, %parallel_loop3A_203], %parallel_loop3A_206 {strides = array<i32>} : memref<8x2048xf32, #tpu.memory_space<vmem>>, vector<1x16xf32>,
      %parallel_loop3A_207 = arith.constant 1 : i32
      %parallel_loop3A_208 = arith.index_cast %parallel_loop3A_207 : i32 to index
      %parallel_loop3A_209 = arith.index_cast %parallel_loop3A_192 : i32 to index
      %parallel_loop3A_210 = tpu.vector_load %arg7[%parallel_loop3A_208, %parallel_loop3A_209] {strides = array<i32>} : memref<8x2048xf32, #tpu.memory_space<vmem>>, vector<1x16xf32>,
      %parallel_loop3A_211 = vector.shape_cast %parallel_loop3A_210 : vector<1x16xf32> to vector<16xf32>
      %parallel_loop3A_212 = arith.constant 1.000000e+00 : f32
      %parallel_loop3A_213 = vector.broadcast %parallel_loop3A_212 : f32 to vector<16xf32>
      %parallel_loop3A_214 = arith.minimumf %parallel_loop3A_211, %parallel_loop3A_213 : vector<16xf32>
      %parallel_loop3A_215 = arith.constant 1 : i32
      %parallel_loop3A_216 = arith.index_cast %parallel_loop3A_215 : i32 to index
      %parallel_loop3A_217 = arith.index_cast %parallel_loop3A_192 : i32 to index
      %parallel_loop3A_218 = tpu.vector_load %arg7[%parallel_loop3A_216, %parallel_loop3A_217] {strides = array<i32>} : memref<8x2048xf32, #tpu.memory_space<vmem>>, vector<1x16xf32>,
      %parallel_loop3A_219 = vector.shape_cast %parallel_loop3A_218 : vector<1x16xf32> to vector<16xf32>
      %parallel_loop3A_220 = vector.shape_cast %parallel_loop3A_214 : vector<16xf32> to vector<1x16xf32>
      tpu.vector_store %arg7[%parallel_loop3A_216, %parallel_loop3A_217], %parallel_loop3A_220 {strides = array<i32>} : memref<8x2048xf32, #tpu.memory_space<vmem>>, vector<1x16xf32>,
      %parallel_loop3A_221 = arith.constant 2 : i32
      %parallel_loop3A_222 = arith.index_cast %parallel_loop3A_221 : i32 to index
      %parallel_loop3A_223 = arith.index_cast %parallel_loop3A_192 : i32 to index
      %parallel_loop3A_224 = tpu.vector_load %arg7[%parallel_loop3A_222, %parallel_loop3A_223] {strides = array<i32>} : memref<8x2048xf32, #tpu.memory_space<vmem>>, vector<1x16xf32>,
      %parallel_loop3A_225 = vector.shape_cast %parallel_loop3A_224 : vector<1x16xf32> to vector<16xf32>
      %parallel_loop3A_226 = arith.constant 1.000000e+00 : f32
      %parallel_loop3A_227 = vector.broadcast %parallel_loop3A_226 : f32 to vector<16xf32>
      %parallel_loop3A_228 = arith.minimumf %parallel_loop3A_225, %parallel_loop3A_227 : vector<16xf32>
      %parallel_loop3A_229 = arith.constant 2 : i32
      %parallel_loop3A_230 = arith.index_cast %parallel_loop3A_229 : i32 to index
      %parallel_loop3A_231 = arith.index_cast %parallel_loop3A_192 : i32 to index
      %parallel_loop3A_232 = tpu.vector_load %arg7[%parallel_loop3A_230, %parallel_loop3A_231] {strides = array<i32>} : memref<8x2048xf32, #tpu.memory_space<vmem>>, vector<1x16xf32>,
      %parallel_loop3A_233 = vector.shape_cast %parallel_loop3A_232 : vector<1x16xf32> to vector<16xf32>
      %parallel_loop3A_234 = vector.shape_cast %parallel_loop3A_228 : vector<16xf32> to vector<1x16xf32>
      tpu.vector_store %arg7[%parallel_loop3A_230, %parallel_loop3A_231], %parallel_loop3A_234 {strides = array<i32>} : memref<8x2048xf32, #tpu.memory_space<vmem>>, vector<1x16xf32>,
      %parallel_loop3A_235 = arith.constant 3 : i32
      %parallel_loop3A_236 = arith.index_cast %parallel_loop3A_235 : i32 to index
      %parallel_loop3A_237 = arith.index_cast %parallel_loop3A_192 : i32 to index
      %parallel_loop3A_238 = tpu.vector_load %arg7[%parallel_loop3A_236, %parallel_loop3A_237] {strides = array<i32>} : memref<8x2048xf32, #tpu.memory_space<vmem>>, vector<1x16xf32>,
      %parallel_loop3A_239 = vector.shape_cast %parallel_loop3A_238 : vector<1x16xf32> to vector<16xf32>
      %parallel_loop3A_240 = arith.constant 1.000000e+00 : f32
      %parallel_loop3A_241 = vector.broadcast %parallel_loop3A_240 : f32 to vector<16xf32>
      %parallel_loop3A_242 = arith.minimumf %parallel_loop3A_239, %parallel_loop3A_241 : vector<16xf32>
      %parallel_loop3A_243 = arith.constant 3 : i32
      %parallel_loop3A_244 = arith.index_cast %parallel_loop3A_243 : i32 to index
      %parallel_loop3A_245 = arith.index_cast %parallel_loop3A_192 : i32 to index
      %parallel_loop3A_246 = tpu.vector_load %arg7[%parallel_loop3A_244, %parallel_loop3A_245] {strides = array<i32>} : memref<8x2048xf32, #tpu.memory_space<vmem>>, vector<1x16xf32>,
      %parallel_loop3A_247 = vector.shape_cast %parallel_loop3A_246 : vector<1x16xf32> to vector<16xf32>
      %parallel_loop3A_248 = vector.shape_cast %parallel_loop3A_242 : vector<16xf32> to vector<1x16xf32>
      tpu.vector_store %arg7[%parallel_loop3A_244, %parallel_loop3A_245], %parallel_loop3A_248 {strides = array<i32>} : memref<8x2048xf32, #tpu.memory_space<vmem>>, vector<1x16xf32>,
      %parallel_loop3A_249 = arith.constant 4 : i32
      %parallel_loop3A_250 = arith.index_cast %parallel_loop3A_249 : i32 to index
      %parallel_loop3A_251 = arith.index_cast %parallel_loop3A_192 : i32 to index
      %parallel_loop3A_252 = tpu.vector_load %arg7[%parallel_loop3A_250, %parallel_loop3A_251] {strides = array<i32>} : memref<8x2048xf32, #tpu.memory_space<vmem>>, vector<1x16xf32>,
      %parallel_loop3A_253 = vector.shape_cast %parallel_loop3A_252 : vector<1x16xf32> to vector<16xf32>
      %parallel_loop3A_254 = arith.constant 1.000000e+00 : f32
      %parallel_loop3A_255 = vector.broadcast %parallel_loop3A_254 : f32 to vector<16xf32>
      %parallel_loop3A_256 = arith.minimumf %parallel_loop3A_253, %parallel_loop3A_255 : vector<16xf32>
      %parallel_loop3A_257 = arith.constant 4 : i32
      %parallel_loop3A_258 = arith.index_cast %parallel_loop3A_257 : i32 to index
      %parallel_loop3A_259 = arith.index_cast %parallel_loop3A_192 : i32 to index
      %parallel_loop3A_260 = tpu.vector_load %arg7[%parallel_loop3A_258, %parallel_loop3A_259] {strides = array<i32>} : memref<8x2048xf32, #tpu.memory_space<vmem>>, vector<1x16xf32>,
      %parallel_loop3A_261 = vector.shape_cast %parallel_loop3A_260 : vector<1x16xf32> to vector<16xf32>
      %parallel_loop3A_262 = vector.shape_cast %parallel_loop3A_256 : vector<16xf32> to vector<1x16xf32>
      tpu.vector_store %arg7[%parallel_loop3A_258, %parallel_loop3A_259], %parallel_loop3A_262 {strides = array<i32>} : memref<8x2048xf32, #tpu.memory_space<vmem>>, vector<1x16xf32>,
      %parallel_loop3A_263 = arith.constant 5 : i32
      %parallel_loop3A_264 = arith.index_cast %parallel_loop3A_263 : i32 to index
      %parallel_loop3A_265 = arith.index_cast %parallel_loop3A_192 : i32 to index
      %parallel_loop3A_266 = tpu.vector_load %arg7[%parallel_loop3A_264, %parallel_loop3A_265] {strides = array<i32>} : memref<8x2048xf32, #tpu.memory_space<vmem>>, vector<1x16xf32>,
      %parallel_loop3A_267 = vector.shape_cast %parallel_loop3A_266 : vector<1x16xf32> to vector<16xf32>
      %parallel_loop3A_268 = arith.constant 1.000000e+00 : f32
      %parallel_loop3A_269 = vector.broadcast %parallel_loop3A_268 : f32 to vector<16xf32>
      %parallel_loop3A_270 = arith.minimumf %parallel_loop3A_267, %parallel_loop3A_269 : vector<16xf32>
      %parallel_loop3A_271 = arith.constant 5 : i32
      %parallel_loop3A_272 = arith.index_cast %parallel_loop3A_271 : i32 to index
      %parallel_loop3A_273 = arith.index_cast %parallel_loop3A_192 : i32 to index
      %parallel_loop3A_274 = tpu.vector_load %arg7[%parallel_loop3A_272, %parallel_loop3A_273] {strides = array<i32>} : memref<8x2048xf32, #tpu.memory_space<vmem>>, vector<1x16xf32>,
      %parallel_loop3A_275 = vector.shape_cast %parallel_loop3A_274 : vector<1x16xf32> to vector<16xf32>
      %parallel_loop3A_276 = vector.shape_cast %parallel_loop3A_270 : vector<16xf32> to vector<1x16xf32>
      tpu.vector_store %arg7[%parallel_loop3A_272, %parallel_loop3A_273], %parallel_loop3A_276 {strides = array<i32>} : memref<8x2048xf32, #tpu.memory_space<vmem>>, vector<1x16xf32>,
      %parallel_loop3A_277 = arith.constant 6 : i32
      %parallel_loop3A_278 = arith.index_cast %parallel_loop3A_277 : i32 to index
      %parallel_loop3A_279 = arith.index_cast %parallel_loop3A_192 : i32 to index
      %parallel_loop3A_280 = tpu.vector_load %arg7[%parallel_loop3A_278, %parallel_loop3A_279] {strides = array<i32>} : memref<8x2048xf32, #tpu.memory_space<vmem>>, vector<1x16xf32>,
      %parallel_loop3A_281 = vector.shape_cast %parallel_loop3A_280 : vector<1x16xf32> to vector<16xf32>
      %parallel_loop3A_282 = arith.constant 1.000000e+00 : f32
      %parallel_loop3A_283 = vector.broadcast %parallel_loop3A_282 : f32 to vector<16xf32>
      %parallel_loop3A_284 = arith.minimumf %parallel_loop3A_281, %parallel_loop3A_283 : vector<16xf32>
      %parallel_loop3A_285 = arith.constant 6 : i32
      %parallel_loop3A_286 = arith.index_cast %parallel_loop3A_285 : i32 to index
      %parallel_loop3A_287 = arith.index_cast %parallel_loop3A_192 : i32 to index
      %parallel_loop3A_288 = tpu.vector_load %arg7[%parallel_loop3A_286, %parallel_loop3A_287] {strides = array<i32>} : memref<8x2048xf32, #tpu.memory_space<vmem>>, vector<1x16xf32>,
      %parallel_loop3A_289 = vector.shape_cast %parallel_loop3A_288 : vector<1x16xf32> to vector<16xf32>
      %parallel_loop3A_290 = vector.shape_cast %parallel_loop3A_284 : vector<16xf32> to vector<1x16xf32>
      tpu.vector_store %arg7[%parallel_loop3A_286, %parallel_loop3A_287], %parallel_loop3A_290 {strides = array<i32>} : memref<8x2048xf32, #tpu.memory_space<vmem>>, vector<1x16xf32>,
      %parallel_loop3A_291 = arith.constant 7 : i32
      %parallel_loop3A_292 = arith.index_cast %parallel_loop3A_291 : i32 to index
      %parallel_loop3A_293 = arith.index_cast %parallel_loop3A_192 : i32 to index
      %parallel_loop3A_294 = tpu.vector_load %arg7[%parallel_loop3A_292, %parallel_loop3A_293] {strides = array<i32>} : memref<8x2048xf32, #tpu.memory_space<vmem>>, vector<1x16xf32>,
      %parallel_loop3A_295 = vector.shape_cast %parallel_loop3A_294 : vector<1x16xf32> to vector<16xf32>
      %parallel_loop3A_296 = arith.constant 1.000000e+00 : f32
      %parallel_loop3A_297 = vector.broadcast %parallel_loop3A_296 : f32 to vector<16xf32>
      %parallel_loop3A_298 = arith.minimumf %parallel_loop3A_295, %parallel_loop3A_297 : vector<16xf32>
      %parallel_loop3A_299 = arith.constant 7 : i32
      %parallel_loop3A_300 = arith.index_cast %parallel_loop3A_299 : i32 to index
      %parallel_loop3A_301 = arith.index_cast %parallel_loop3A_192 : i32 to index
      %parallel_loop3A_302 = tpu.vector_load %arg7[%parallel_loop3A_300, %parallel_loop3A_301] {strides = array<i32>} : memref<8x2048xf32, #tpu.memory_space<vmem>>, vector<1x16xf32>,
      %parallel_loop3A_303 = vector.shape_cast %parallel_loop3A_302 : vector<1x16xf32> to vector<16xf32>
      %parallel_loop3A_304 = vector.shape_cast %parallel_loop3A_298 : vector<16xf32> to vector<1x16xf32>
      tpu.vector_store %arg7[%parallel_loop3A_300, %parallel_loop3A_301], %parallel_loop3A_304 {strides = array<i32>} : memref<8x2048xf32, #tpu.memory_space<vmem>>, vector<1x16xf32>,
    } {sc.loop_unroll_factor = 2 : i64, sc.parallel_access}
    %add3A_80 = arith.constant 16 : i32
    %add3A_81 = arith.addi %mul3A_6, %add3A_80 : i32
    %dma_start3A_82 = arith.constant 0 : i32
    %dma_start3A_83 = tpu.memref_slice %arg3[%add3A_81, %dma_start3A_82] : memref<32768x2048xf32, #tpu.memory_space<hbm>> -> memref<8x2048xf32, #tpu.memory_space<hbm>>
    %dma_start3A_84 = arith.constant 0 : i32
    %dma_start3A_85 = tpu.memref_slice %arg3[%add3A_81, %dma_start3A_84] : memref<32768x2048xf32, #tpu.memory_space<hbm>> -> memref<8x2048xf32, #tpu.memory_space<hbm>>
    tpu.enqueue_dma source(%arg6 : memref<8x2048xf32, #tpu.memory_space<vmem>>) target(%dma_start3A_85 : memref<8x2048xf32, #tpu.memory_space<hbm>>) target_semaphore(%arg18 : memref<!tpu.dma_semaphore, #tpu.memory_space<semaphore_mem>>)
    %scan3A = arith.constant 0 : i32
    %scan3A_86 = arith.constant 20 : i32
    %scan3A_87 = arith.addi %scan3A, %scan3A_86 : i32
    %scan3A_88 = arith.constant 1 : i32
    scf.for %scan3A_192 = %scan3A to %scan3A_87 step %scan3A_88  : i32 {
      %mul3A_193 = arith.constant 6 : i32
      %mul3A_194 = arith.muli %scan3A_192, %mul3A_193 : i32
      %add3A_195 = arith.constant 0 : i32
      %add3A_196 = arith.addi %add3A_195, %mul3A_194 : i32
      %add3A_197 = arith.constant 4 : i32
      %add3A_198 = arith.addi %add3A_197, %add3A_196 : i32
      %add3A_199 = arith.constant 0 : i32
      %add3A_200 = arith.addi %add3A_198, %add3A_199 : i32
      %dma_wait3A_201 = arith.constant 0 : i32
      %dma_wait3A_202 = tpu.memref_slice %arg3[%mul3A_6, %dma_wait3A_201] : memref<32768x2048xf32, #tpu.memory_space<hbm>> -> memref<8x2048xf32, #tpu.memory_space<hbm>>
      %dma_wait3A_203 = arith.constant 0 : i32
      %dma_wait3A_204 = tpu.memref_slice %arg3[%mul3A_6, %dma_wait3A_203] : memref<32768x2048xf32, #tpu.memory_space<hbm>> -> memref<8x2048xf32, #tpu.memory_space<hbm>>
      tpu.wait_dma2 semaphore(%arg16 : memref<!tpu.dma_semaphore, #tpu.memory_space<semaphore_mem>>) src(%arg4 : memref<8x2048xf32, #tpu.memory_space<vmem>>) dst(%dma_wait3A_204 : memref<8x2048xf32, #tpu.memory_space<hbm>>)
      %add3A_205 = arith.constant 2 : i32
      %add3A_206 = arith.addi %add3A_200, %add3A_205 : i32
      %mul3A_207 = arith.constant 8 : i32
      %mul3A_208 = arith.muli %add3A_206, %mul3A_207 : i32
      %add3A_209 = arith.addi %add3A_4, %mul3A_208 : i32
      %dma_start3A_210 = arith.constant 0 : i32
      %dma_start3A_211 = tpu.memref_slice %arg2[%add3A_209, %dma_start3A_210] : memref<32768x2048xf32, #tpu.memory_space<hbm>> -> memref<8x2048xf32, #tpu.memory_space<hbm>>
      %dma_start3A_212 = arith.constant 0 : i32
      %dma_start3A_213 = tpu.memref_slice %arg2[%add3A_209, %dma_start3A_212] : memref<32768x2048xf32, #tpu.memory_space<hbm>> -> memref<8x2048xf32, #tpu.memory_space<hbm>>
      tpu.enqueue_dma source(%dma_start3A_213 : memref<8x2048xf32, #tpu.memory_space<hbm>>) target(%arg4 : memref<8x2048xf32, #tpu.memory_space<vmem>>) target_semaphore(%arg10 : memref<!tpu.dma_semaphore, #tpu.memory_space<semaphore_mem>>)
      %dma_wait3A_214 = arith.constant 0 : i32
      %dma_wait3A_215 = tpu.memref_slice %arg2[%add3A_4, %dma_wait3A_214] : memref<32768x2048xf32, #tpu.memory_space<hbm>> -> memref<8x2048xf32, #tpu.memory_space<hbm>>
      %dma_wait3A_216 = arith.constant 0 : i32
      %dma_wait3A_217 = tpu.memref_slice %arg2[%add3A_4, %dma_wait3A_216] : memref<32768x2048xf32, #tpu.memory_space<hbm>> -> memref<8x2048xf32, #tpu.memory_space<hbm>>
      tpu.wait_dma2 semaphore(%arg14 : memref<!tpu.dma_semaphore, #tpu.memory_space<semaphore_mem>>) src(%dma_wait3A_217 : memref<8x2048xf32, #tpu.memory_space<hbm>>) dst(%arg8 : memref<8x2048xf32, #tpu.memory_space<vmem>>)
      %parallel_loop3A_218 = arith.constant 0 : i32
      %parallel_loop3A_219 = arith.constant 2048 : i32
      %parallel_loop3A_220 = arith.constant 16 : i32
      scf.for %parallel_loop3A_394 = %parallel_loop3A_218 to %parallel_loop3A_219 step %parallel_loop3A_220  : i32 {
        %parallel_loop3A_395 = arith.constant 0 : i32
        %parallel_loop3A_396 = arith.index_cast %parallel_loop3A_395 : i32 to index
        %parallel_loop3A_397 = arith.index_cast %parallel_loop3A_394 : i32 to index
        %parallel_loop3A_398 = tpu.vector_load %arg8[%parallel_loop3A_396, %parallel_loop3A_397] {strides = array<i32>} : memref<8x2048xf32, #tpu.memory_space<vmem>>, vector<1x16xf32>,
        %parallel_loop3A_399 = vector.shape_cast %parallel_loop3A_398 : vector<1x16xf32> to vector<16xf32>
        %parallel_loop3A_400 = arith.constant 1.000000e+00 : f32
        %parallel_loop3A_401 = vector.broadcast %parallel_loop3A_400 : f32 to vector<16xf32>
        %parallel_loop3A_402 = arith.minimumf %parallel_loop3A_399, %parallel_loop3A_401 : vector<16xf32>
        %parallel_loop3A_403 = arith.constant 0 : i32
        %parallel_loop3A_404 = arith.index_cast %parallel_loop3A_403 : i32 to index
        %parallel_loop3A_405 = arith.index_cast %parallel_loop3A_394 : i32 to index
        %parallel_loop3A_406 = tpu.vector_load %arg8[%parallel_loop3A_404, %parallel_loop3A_405] {strides = array<i32>} : memref<8x2048xf32, #tpu.memory_space<vmem>>, vector<1x16xf32>,
        %parallel_loop3A_407 = vector.shape_cast %parallel_loop3A_406 : vector<1x16xf32> to vector<16xf32>
        %parallel_loop3A_408 = vector.shape_cast %parallel_loop3A_402 : vector<16xf32> to vector<1x16xf32>
        tpu.vector_store %arg8[%parallel_loop3A_404, %parallel_loop3A_405], %parallel_loop3A_408 {strides = array<i32>} : memref<8x2048xf32, #tpu.memory_space<vmem>>, vector<1x16xf32>,
        %parallel_loop3A_409 = arith.constant 1 : i32
        %parallel_loop3A_410 = arith.index_cast %parallel_loop3A_409 : i32 to index
        %parallel_loop3A_411 = arith.index_cast %parallel_loop3A_394 : i32 to index
        %parallel_loop3A_412 = tpu.vector_load %arg8[%parallel_loop3A_410, %parallel_loop3A_411] {strides = array<i32>} : memref<8x2048xf32, #tpu.memory_space<vmem>>, vector<1x16xf32>,
        %parallel_loop3A_413 = vector.shape_cast %parallel_loop3A_412 : vector<1x16xf32> to vector<16xf32>
        %parallel_loop3A_414 = arith.constant 1.000000e+00 : f32
        %parallel_loop3A_415 = vector.broadcast %parallel_loop3A_414 : f32 to vector<16xf32>
        %parallel_loop3A_416 = arith.minimumf %parallel_loop3A_413, %parallel_loop3A_415 : vector<16xf32>
        %parallel_loop3A_417 = arith.constant 1 : i32
        %parallel_loop3A_418 = arith.index_cast %parallel_loop3A_417 : i32 to index
        %parallel_loop3A_419 = arith.index_cast %parallel_loop3A_394 : i32 to index
        %parallel_loop3A_420 = tpu.vector_load %arg8[%parallel_loop3A_418, %parallel_loop3A_419] {strides = array<i32>} : memref<8x2048xf32, #tpu.memory_space<vmem>>, vector<1x16xf32>,
        %parallel_loop3A_421 = vector.shape_cast %parallel_loop3A_420 : vector<1x16xf32> to vector<16xf32>
        %parallel_loop3A_422 = vector.shape_cast %parallel_loop3A_416 : vector<16xf32> to vector<1x16xf32>
        tpu.vector_store %arg8[%parallel_loop3A_418, %parallel_loop3A_419], %parallel_loop3A_422 {strides = array<i32>} : memref<8x2048xf32, #tpu.memory_space<vmem>>, vector<1x16xf32>,
        %parallel_loop3A_423 = arith.constant 2 : i32
        %parallel_loop3A_424 = arith.index_cast %parallel_loop3A_423 : i32 to index
        %parallel_loop3A_425 = arith.index_cast %parallel_loop3A_394 : i32 to index
        %parallel_loop3A_426 = tpu.vector_load %arg8[%parallel_loop3A_424, %parallel_loop3A_425] {strides = array<i32>} : memref<8x2048xf32, #tpu.memory_space<vmem>>, vector<1x16xf32>,
        %parallel_loop3A_427 = vector.shape_cast %parallel_loop3A_426 : vector<1x16xf32> to vector<16xf32>
        %parallel_loop3A_428 = arith.constant 1.000000e+00 : f32
        %parallel_loop3A_429 = vector.broadcast %parallel_loop3A_428 : f32 to vector<16xf32>
        %parallel_loop3A_430 = arith.minimumf %parallel_loop3A_427, %parallel_loop3A_429 : vector<16xf32>
        %parallel_loop3A_431 = arith.constant 2 : i32
        %parallel_loop3A_432 = arith.index_cast %parallel_loop3A_431 : i32 to index
        %parallel_loop3A_433 = arith.index_cast %parallel_loop3A_394 : i32 to index
        %parallel_loop3A_434 = tpu.vector_load %arg8[%parallel_loop3A_432, %parallel_loop3A_433] {strides = array<i32>} : memref<8x2048xf32, #tpu.memory_space<vmem>>, vector<1x16xf32>,
        %parallel_loop3A_435 = vector.shape_cast %parallel_loop3A_434 : vector<1x16xf32> to vector<16xf32>
        %parallel_loop3A_436 = vector.shape_cast %parallel_loop3A_430 : vector<16xf32> to vector<1x16xf32>
        tpu.vector_store %arg8[%parallel_loop3A_432, %parallel_loop3A_433], %parallel_loop3A_436 {strides = array<i32>} : memref<8x2048xf32, #tpu.memory_space<vmem>>, vector<1x16xf32>,
        %parallel_loop3A_437 = arith.constant 3 : i32
        %parallel_loop3A_438 = arith.index_cast %parallel_loop3A_437 : i32 to index
        %parallel_loop3A_439 = arith.index_cast %parallel_loop3A_394 : i32 to index
        %parallel_loop3A_440 = tpu.vector_load %arg8[%parallel_loop3A_438, %parallel_loop3A_439] {strides = array<i32>} : memref<8x2048xf32, #tpu.memory_space<vmem>>, vector<1x16xf32>,
        %parallel_loop3A_441 = vector.shape_cast %parallel_loop3A_440 : vector<1x16xf32> to vector<16xf32>
        %parallel_loop3A_442 = arith.constant 1.000000e+00 : f32
        %parallel_loop3A_443 = vector.broadcast %parallel_loop3A_442 : f32 to vector<16xf32>
        %parallel_loop3A_444 = arith.minimumf %parallel_loop3A_441, %parallel_loop3A_443 : vector<16xf32>
        %parallel_loop3A_445 = arith.constant 3 : i32
        %parallel_loop3A_446 = arith.index_cast %parallel_loop3A_445 : i32 to index
        %parallel_loop3A_447 = arith.index_cast %parallel_loop3A_394 : i32 to index
        %parallel_loop3A_448 = tpu.vector_load %arg8[%parallel_loop3A_446, %parallel_loop3A_447] {strides = array<i32>} : memref<8x2048xf32, #tpu.memory_space<vmem>>, vector<1x16xf32>,
        %parallel_loop3A_449 = vector.shape_cast %parallel_loop3A_448 : vector<1x16xf32> to vector<16xf32>
        %parallel_loop3A_450 = vector.shape_cast %parallel_loop3A_444 : vector<16xf32> to vector<1x16xf32>
        tpu.vector_store %arg8[%parallel_loop3A_446, %parallel_loop3A_447], %parallel_loop3A_450 {strides = array<i32>} : memref<8x2048xf32, #tpu.memory_space<vmem>>, vector<1x16xf32>,
        %parallel_loop3A_451 = arith.constant 4 : i32
        %parallel_loop3A_452 = arith.index_cast %parallel_loop3A_451 : i32 to index
        %parallel_loop3A_453 = arith.index_cast %parallel_loop3A_394 : i32 to index
        %parallel_loop3A_454 = tpu.vector_load %arg8[%parallel_loop3A_452, %parallel_loop3A_453] {strides = array<i32>} : memref<8x2048xf32, #tpu.memory_space<vmem>>, vector<1x16xf32>,
        %parallel_loop3A_455 = vector.shape_cast %parallel_loop3A_454 : vector<1x16xf32> to vector<16xf32>
        %parallel_loop3A_456 = arith.constant 1.000000e+00 : f32
        %parallel_loop3A_457 = vector.broadcast %parallel_loop3A_456 : f32 to vector<16xf32>
        %parallel_loop3A_458 = arith.minimumf %parallel_loop3A_455, %parallel_loop3A_457 : vector<16xf32>
        %parallel_loop3A_459 = arith.constant 4 : i32
        %parallel_loop3A_460 = arith.index_cast %parallel_loop3A_459 : i32 to index
        %parallel_loop3A_461 = arith.index_cast %parallel_loop3A_394 : i32 to index
        %parallel_loop3A_462 = tpu.vector_load %arg8[%parallel_loop3A_460, %parallel_loop3A_461] {strides = array<i32>} : memref<8x2048xf32, #tpu.memory_space<vmem>>, vector<1x16xf32>,
        %parallel_loop3A_463 = vector.shape_cast %parallel_loop3A_462 : vector<1x16xf32> to vector<16xf32>
        %parallel_loop3A_464 = vector.shape_cast %parallel_loop3A_458 : vector<16xf32> to vector<1x16xf32>
        tpu.vector_store %arg8[%parallel_loop3A_460, %parallel_loop3A_461], %parallel_loop3A_464 {strides = array<i32>} : memref<8x2048xf32, #tpu.memory_space<vmem>>, vector<1x16xf32>,
        %parallel_loop3A_465 = arith.constant 5 : i32
        %parallel_loop3A_466 = arith.index_cast %parallel_loop3A_465 : i32 to index
        %parallel_loop3A_467 = arith.index_cast %parallel_loop3A_394 : i32 to index
        %parallel_loop3A_468 = tpu.vector_load %arg8[%parallel_loop3A_466, %parallel_loop3A_467] {strides = array<i32>} : memref<8x2048xf32, #tpu.memory_space<vmem>>, vector<1x16xf32>,
        %parallel_loop3A_469 = vector.shape_cast %parallel_loop3A_468 : vector<1x16xf32> to vector<16xf32>
        %parallel_loop3A_470 = arith.constant 1.000000e+00 : f32
        %parallel_loop3A_471 = vector.broadcast %parallel_loop3A_470 : f32 to vector<16xf32>
        %parallel_loop3A_472 = arith.minimumf %parallel_loop3A_469, %parallel_loop3A_471 : vector<16xf32>
        %parallel_loop3A_473 = arith.constant 5 : i32
        %parallel_loop3A_474 = arith.index_cast %parallel_loop3A_473 : i32 to index
        %parallel_loop3A_475 = arith.index_cast %parallel_loop3A_394 : i32 to index
        %parallel_loop3A_476 = tpu.vector_load %arg8[%parallel_loop3A_474, %parallel_loop3A_475] {strides = array<i32>} : memref<8x2048xf32, #tpu.memory_space<vmem>>, vector<1x16xf32>,
        %parallel_loop3A_477 = vector.shape_cast %parallel_loop3A_476 : vector<1x16xf32> to vector<16xf32>
        %parallel_loop3A_478 = vector.shape_cast %parallel_loop3A_472 : vector<16xf32> to vector<1x16xf32>
        tpu.vector_store %arg8[%parallel_loop3A_474, %parallel_loop3A_475], %parallel_loop3A_478 {strides = array<i32>} : memref<8x2048xf32, #tpu.memory_space<vmem>>, vector<1x16xf32>,
        %parallel_loop3A_479 = arith.constant 6 : i32
        %parallel_loop3A_480 = arith.index_cast %parallel_loop3A_479 : i32 to index
        %parallel_loop3A_481 = arith.index_cast %parallel_loop3A_394 : i32 to index
        %parallel_loop3A_482 = tpu.vector_load %arg8[%parallel_loop3A_480, %parallel_loop3A_481] {strides = array<i32>} : memref<8x2048xf32, #tpu.memory_space<vmem>>, vector<1x16xf32>,
        %parallel_loop3A_483 = vector.shape_cast %parallel_loop3A_482 : vector<1x16xf32> to vector<16xf32>
        %parallel_loop3A_484 = arith.constant 1.000000e+00 : f32
        %parallel_loop3A_485 = vector.broadcast %parallel_loop3A_484 : f32 to vector<16xf32>
        %parallel_loop3A_486 = arith.minimumf %parallel_loop3A_483, %parallel_loop3A_485 : vector<16xf32>
        %parallel_loop3A_487 = arith.constant 6 : i32
        %parallel_loop3A_488 = arith.index_cast %parallel_loop3A_487 : i32 to index
        %parallel_loop3A_489 = arith.index_cast %parallel_loop3A_394 : i32 to index
        %parallel_loop3A_490 = tpu.vector_load %arg8[%parallel_loop3A_488, %parallel_loop3A_489] {strides = array<i32>} : memref<8x2048xf32, #tpu.memory_space<vmem>>, vector<1x16xf32>,
        %parallel_loop3A_491 = vector.shape_cast %parallel_loop3A_490 : vector<1x16xf32> to vector<16xf32>
        %parallel_loop3A_492 = vector.shape_cast %parallel_loop3A_486 : vector<16xf32> to vector<1x16xf32>
        tpu.vector_store %arg8[%parallel_loop3A_488, %parallel_loop3A_489], %parallel_loop3A_492 {strides = array<i32>} : memref<8x2048xf32, #tpu.memory_space<vmem>>, vector<1x16xf32>,
        %parallel_loop3A_493 = arith.constant 7 : i32
        %parallel_loop3A_494 = arith.index_cast %parallel_loop3A_493 : i32 to index
        %parallel_loop3A_495 = arith.index_cast %parallel_loop3A_394 : i32 to index
        %parallel_loop3A_496 = tpu.vector_load %arg8[%parallel_loop3A_494, %parallel_loop3A_495] {strides = array<i32>} : memref<8x2048xf32, #tpu.memory_space<vmem>>, vector<1x16xf32>,
        %parallel_loop3A_497 = vector.shape_cast %parallel_loop3A_496 : vector<1x16xf32> to vector<16xf32>
        %parallel_loop3A_498 = arith.constant 1.000000e+00 : f32
        %parallel_loop3A_499 = vector.broadcast %parallel_loop3A_498 : f32 to vector<16xf32>
        %parallel_loop3A_500 = arith.minimumf %parallel_loop3A_497, %parallel_loop3A_499 : vector<16xf32>
        %parallel_loop3A_501 = arith.constant 7 : i32
        %parallel_loop3A_502 = arith.index_cast %parallel_loop3A_501 : i32 to index
        %parallel_loop3A_503 = arith.index_cast %parallel_loop3A_394 : i32 to index
        %parallel_loop3A_504 = tpu.vector_load %arg8[%parallel_loop3A_502, %parallel_loop3A_503] {strides = array<i32>} : memref<8x2048xf32, #tpu.memory_space<vmem>>, vector<1x16xf32>,
        %parallel_loop3A_505 = vector.shape_cast %parallel_loop3A_504 : vector<1x16xf32> to vector<16xf32>
        %parallel_loop3A_506 = vector.shape_cast %parallel_loop3A_500 : vector<16xf32> to vector<1x16xf32>
        tpu.vector_store %arg8[%parallel_loop3A_502, %parallel_loop3A_503], %parallel_loop3A_506 {strides = array<i32>} : memref<8x2048xf32, #tpu.memory_space<vmem>>, vector<1x16xf32>,
      } {sc.loop_unroll_factor = 2 : i64, sc.parallel_access}
      %sub3A = arith.constant 1 : i32
      %sub3A_221 = arith.subi %add3A_200, %sub3A : i32
      %mul3A_222 = arith.constant 8 : i32
      %mul3A_223 = arith.muli %sub3A_221, %mul3A_222 : i32
      %add3A_224 = arith.addi %mul3A_6, %mul3A_223 : i32
      %dma_start3A_225 = arith.constant 0 : i32
      %dma_start3A_226 = tpu.memref_slice %arg3[%add3A_224, %dma_start3A_225] : memref<32768x2048xf32, #tpu.memory_space<hbm>> -> memref<8x2048xf32, #tpu.memory_space<hbm>>
      %dma_start3A_227 = arith.constant 0 : i32
      %dma_start3A_228 = tpu.memref_slice %arg3[%add3A_224, %dma_start3A_227] : memref<32768x2048xf32, #tpu.memory_space<hbm>> -> memref<8x2048xf32, #tpu.memory_space<hbm>>
      tpu.enqueue_dma source(%arg7 : memref<8x2048xf32, #tpu.memory_space<vmem>>) target(%dma_start3A_228 : memref<8x2048xf32, #tpu.memory_space<hbm>>) target_semaphore(%arg19 : memref<!tpu.dma_semaphore, #tpu.memory_space<semaphore_mem>>)
      %add3A_229 = arith.constant 4 : i32
      %add3A_230 = arith.addi %add3A_229, %add3A_196 : i32
      %add3A_231 = arith.constant 1 : i32
      %add3A_232 = arith.addi %add3A_230, %add3A_231 : i32
      %dma_wait3A_233 = arith.constant 0 : i32
      %dma_wait3A_234 = tpu.memref_slice %arg3[%mul3A_6, %dma_wait3A_233] : memref<32768x2048xf32, #tpu.memory_space<hbm>> -> memref<8x2048xf32, #tpu.memory_space<hbm>>
      %dma_wait3A_235 = arith.constant 0 : i32
      %dma_wait3A_236 = tpu.memref_slice %arg3[%mul3A_6, %dma_wait3A_235] : memref<32768x2048xf32, #tpu.memory_space<hbm>> -> memref<8x2048xf32, #tpu.memory_space<hbm>>
      tpu.wait_dma2 semaphore(%arg17 : memref<!tpu.dma_semaphore, #tpu.memory_space<semaphore_mem>>) src(%arg5 : memref<8x2048xf32, #tpu.memory_space<vmem>>) dst(%dma_wait3A_236 : memref<8x2048xf32, #tpu.memory_space<hbm>>)
      %add3A_237 = arith.constant 2 : i32
      %add3A_238 = arith.addi %add3A_232, %add3A_237 : i32
      %mul3A_239 = arith.constant 8 : i32
      %mul3A_240 = arith.muli %add3A_238, %mul3A_239 : i32
      %add3A_241 = arith.addi %add3A_4, %mul3A_240 : i32
      %dma_start3A_242 = arith.constant 0 : i32
      %dma_start3A_243 = tpu.memref_slice %arg2[%add3A_241, %dma_start3A_242] : memref<32768x2048xf32, #tpu.memory_space<hbm>> -> memref<8x2048xf32, #tpu.memory_space<hbm>>
      %dma_start3A_244 = arith.constant 0 : i32
      %dma_start3A_245 = tpu.memref_slice %arg2[%add3A_241, %dma_start3A_244] : memref<32768x2048xf32, #tpu.memory_space<hbm>> -> memref<8x2048xf32, #tpu.memory_space<hbm>>
      tpu.enqueue_dma source(%dma_start3A_245 : memref<8x2048xf32, #tpu.memory_space<hbm>>) target(%arg5 : memref<8x2048xf32, #tpu.memory_space<vmem>>) target_semaphore(%arg11 : memref<!tpu.dma_semaphore, #tpu.memory_space<semaphore_mem>>)
      %dma_wait3A_246 = arith.constant 0 : i32
      %dma_wait3A_247 = tpu.memref_slice %arg2[%add3A_4, %dma_wait3A_246] : memref<32768x2048xf32, #tpu.memory_space<hbm>> -> memref<8x2048xf32, #tpu.memory_space<hbm>>
      %dma_wait3A_248 = arith.constant 0 : i32
      %dma_wait3A_249 = tpu.memref_slice %arg2[%add3A_4, %dma_wait3A_248] : memref<32768x2048xf32, #tpu.memory_space<hbm>> -> memref<8x2048xf32, #tpu.memory_space<hbm>>
      tpu.wait_dma2 semaphore(%arg15 : memref<!tpu.dma_semaphore, #tpu.memory_space<semaphore_mem>>) src(%dma_wait3A_249 : memref<8x2048xf32, #tpu.memory_space<hbm>>) dst(%arg9 : memref<8x2048xf32, #tpu.memory_space<vmem>>)
      %parallel_loop3A_250 = arith.constant 0 : i32
      %parallel_loop3A_251 = arith.constant 2048 : i32
      %parallel_loop3A_252 = arith.constant 16 : i32
      scf.for %parallel_loop3A_394 = %parallel_loop3A_250 to %parallel_loop3A_251 step %parallel_loop3A_252  : i32 {
        %parallel_loop3A_395 = arith.constant 0 : i32
        %parallel_loop3A_396 = arith.index_cast %parallel_loop3A_395 : i32 to index
        %parallel_loop3A_397 = arith.index_cast %parallel_loop3A_394 : i32 to index
        %parallel_loop3A_398 = tpu.vector_load %arg9[%parallel_loop3A_396, %parallel_loop3A_397] {strides = array<i32>} : memref<8x2048xf32, #tpu.memory_space<vmem>>, vector<1x16xf32>,
        %parallel_loop3A_399 = vector.shape_cast %parallel_loop3A_398 : vector<1x16xf32> to vector<16xf32>
        %parallel_loop3A_400 = arith.constant 1.000000e+00 : f32
        %parallel_loop3A_401 = vector.broadcast %parallel_loop3A_400 : f32 to vector<16xf32>
        %parallel_loop3A_402 = arith.minimumf %parallel_loop3A_399, %parallel_loop3A_401 : vector<16xf32>
        %parallel_loop3A_403 = arith.constant 0 : i32
        %parallel_loop3A_404 = arith.index_cast %parallel_loop3A_403 : i32 to index
        %parallel_loop3A_405 = arith.index_cast %parallel_loop3A_394 : i32 to index
        %parallel_loop3A_406 = tpu.vector_load %arg9[%parallel_loop3A_404, %parallel_loop3A_405] {strides = array<i32>} : memref<8x2048xf32, #tpu.memory_space<vmem>>, vector<1x16xf32>,
        %parallel_loop3A_407 = vector.shape_cast %parallel_loop3A_406 : vector<1x16xf32> to vector<16xf32>
        %parallel_loop3A_408 = vector.shape_cast %parallel_loop3A_402 : vector<16xf32> to vector<1x16xf32>
        tpu.vector_store %arg9[%parallel_loop3A_404, %parallel_loop3A_405], %parallel_loop3A_408 {strides = array<i32>} : memref<8x2048xf32, #tpu.memory_space<vmem>>, vector<1x16xf32>,
        %parallel_loop3A_409 = arith.constant 1 : i32
        %parallel_loop3A_410 = arith.index_cast %parallel_loop3A_409 : i32 to index
        %parallel_loop3A_411 = arith.index_cast %parallel_loop3A_394 : i32 to index
        %parallel_loop3A_412 = tpu.vector_load %arg9[%parallel_loop3A_410, %parallel_loop3A_411] {strides = array<i32>} : memref<8x2048xf32, #tpu.memory_space<vmem>>, vector<1x16xf32>,
        %parallel_loop3A_413 = vector.shape_cast %parallel_loop3A_412 : vector<1x16xf32> to vector<16xf32>
        %parallel_loop3A_414 = arith.constant 1.000000e+00 : f32
        %parallel_loop3A_415 = vector.broadcast %parallel_loop3A_414 : f32 to vector<16xf32>
        %parallel_loop3A_416 = arith.minimumf %parallel_loop3A_413, %parallel_loop3A_415 : vector<16xf32>
        %parallel_loop3A_417 = arith.constant 1 : i32
        %parallel_loop3A_418 = arith.index_cast %parallel_loop3A_417 : i32 to index
        %parallel_loop3A_419 = arith.index_cast %parallel_loop3A_394 : i32 to index
        %parallel_loop3A_420 = tpu.vector_load %arg9[%parallel_loop3A_418, %parallel_loop3A_419] {strides = array<i32>} : memref<8x2048xf32, #tpu.memory_space<vmem>>, vector<1x16xf32>,
        %parallel_loop3A_421 = vector.shape_cast %parallel_loop3A_420 : vector<1x16xf32> to vector<16xf32>
        %parallel_loop3A_422 = vector.shape_cast %parallel_loop3A_416 : vector<16xf32> to vector<1x16xf32>
        tpu.vector_store %arg9[%parallel_loop3A_418, %parallel_loop3A_419], %parallel_loop3A_422 {strides = array<i32>} : memref<8x2048xf32, #tpu.memory_space<vmem>>, vector<1x16xf32>,
        %parallel_loop3A_423 = arith.constant 2 : i32
        %parallel_loop3A_424 = arith.index_cast %parallel_loop3A_423 : i32 to index
        %parallel_loop3A_425 = arith.index_cast %parallel_loop3A_394 : i32 to index
        %parallel_loop3A_426 = tpu.vector_load %arg9[%parallel_loop3A_424, %parallel_loop3A_425] {strides = array<i32>} : memref<8x2048xf32, #tpu.memory_space<vmem>>, vector<1x16xf32>,
        %parallel_loop3A_427 = vector.shape_cast %parallel_loop3A_426 : vector<1x16xf32> to vector<16xf32>
        %parallel_loop3A_428 = arith.constant 1.000000e+00 : f32
        %parallel_loop3A_429 = vector.broadcast %parallel_loop3A_428 : f32 to vector<16xf32>
        %parallel_loop3A_430 = arith.minimumf %parallel_loop3A_427, %parallel_loop3A_429 : vector<16xf32>
        %parallel_loop3A_431 = arith.constant 2 : i32
        %parallel_loop3A_432 = arith.index_cast %parallel_loop3A_431 : i32 to index
        %parallel_loop3A_433 = arith.index_cast %parallel_loop3A_394 : i32 to index
        %parallel_loop3A_434 = tpu.vector_load %arg9[%parallel_loop3A_432, %parallel_loop3A_433] {strides = array<i32>} : memref<8x2048xf32, #tpu.memory_space<vmem>>, vector<1x16xf32>,
        %parallel_loop3A_435 = vector.shape_cast %parallel_loop3A_434 : vector<1x16xf32> to vector<16xf32>
        %parallel_loop3A_436 = vector.shape_cast %parallel_loop3A_430 : vector<16xf32> to vector<1x16xf32>
        tpu.vector_store %arg9[%parallel_loop3A_432, %parallel_loop3A_433], %parallel_loop3A_436 {strides = array<i32>} : memref<8x2048xf32, #tpu.memory_space<vmem>>, vector<1x16xf32>,
        %parallel_loop3A_437 = arith.constant 3 : i32
        %parallel_loop3A_438 = arith.index_cast %parallel_loop3A_437 : i32 to index
        %parallel_loop3A_439 = arith.index_cast %parallel_loop3A_394 : i32 to index
        %parallel_loop3A_440 = tpu.vector_load %arg9[%parallel_loop3A_438, %parallel_loop3A_439] {strides = array<i32>} : memref<8x2048xf32, #tpu.memory_space<vmem>>, vector<1x16xf32>,
        %parallel_loop3A_441 = vector.shape_cast %parallel_loop3A_440 : vector<1x16xf32> to vector<16xf32>
        %parallel_loop3A_442 = arith.constant 1.000000e+00 : f32
        %parallel_loop3A_443 = vector.broadcast %parallel_loop3A_442 : f32 to vector<16xf32>
        %parallel_loop3A_444 = arith.minimumf %parallel_loop3A_441, %parallel_loop3A_443 : vector<16xf32>
        %parallel_loop3A_445 = arith.constant 3 : i32
        %parallel_loop3A_446 = arith.index_cast %parallel_loop3A_445 : i32 to index
        %parallel_loop3A_447 = arith.index_cast %parallel_loop3A_394 : i32 to index
        %parallel_loop3A_448 = tpu.vector_load %arg9[%parallel_loop3A_446, %parallel_loop3A_447] {strides = array<i32>} : memref<8x2048xf32, #tpu.memory_space<vmem>>, vector<1x16xf32>,
        %parallel_loop3A_449 = vector.shape_cast %parallel_loop3A_448 : vector<1x16xf32> to vector<16xf32>
        %parallel_loop3A_450 = vector.shape_cast %parallel_loop3A_444 : vector<16xf32> to vector<1x16xf32>
        tpu.vector_store %arg9[%parallel_loop3A_446, %parallel_loop3A_447], %parallel_loop3A_450 {strides = array<i32>} : memref<8x2048xf32, #tpu.memory_space<vmem>>, vector<1x16xf32>,
        %parallel_loop3A_451 = arith.constant 4 : i32
        %parallel_loop3A_452 = arith.index_cast %parallel_loop3A_451 : i32 to index
        %parallel_loop3A_453 = arith.index_cast %parallel_loop3A_394 : i32 to index
        %parallel_loop3A_454 = tpu.vector_load %arg9[%parallel_loop3A_452, %parallel_loop3A_453] {strides = array<i32>} : memref<8x2048xf32, #tpu.memory_space<vmem>>, vector<1x16xf32>,
        %parallel_loop3A_455 = vector.shape_cast %parallel_loop3A_454 : vector<1x16xf32> to vector<16xf32>
        %parallel_loop3A_456 = arith.constant 1.000000e+00 : f32
        %parallel_loop3A_457 = vector.broadcast %parallel_loop3A_456 : f32 to vector<16xf32>
        %parallel_loop3A_458 = arith.minimumf %parallel_loop3A_455, %parallel_loop3A_457 : vector<16xf32>
        %parallel_loop3A_459 = arith.constant 4 : i32
        %parallel_loop3A_460 = arith.index_cast %parallel_loop3A_459 : i32 to index
        %parallel_loop3A_461 = arith.index_cast %parallel_loop3A_394 : i32 to index
        %parallel_loop3A_462 = tpu.vector_load %arg9[%parallel_loop3A_460, %parallel_loop3A_461] {strides = array<i32>} : memref<8x2048xf32, #tpu.memory_space<vmem>>, vector<1x16xf32>,
        %parallel_loop3A_463 = vector.shape_cast %parallel_loop3A_462 : vector<1x16xf32> to vector<16xf32>
        %parallel_loop3A_464 = vector.shape_cast %parallel_loop3A_458 : vector<16xf32> to vector<1x16xf32>
        tpu.vector_store %arg9[%parallel_loop3A_460, %parallel_loop3A_461], %parallel_loop3A_464 {strides = array<i32>} : memref<8x2048xf32, #tpu.memory_space<vmem>>, vector<1x16xf32>,
        %parallel_loop3A_465 = arith.constant 5 : i32
        %parallel_loop3A_466 = arith.index_cast %parallel_loop3A_465 : i32 to index
        %parallel_loop3A_467 = arith.index_cast %parallel_loop3A_394 : i32 to index
        %parallel_loop3A_468 = tpu.vector_load %arg9[%parallel_loop3A_466, %parallel_loop3A_467] {strides = array<i32>} : memref<8x2048xf32, #tpu.memory_space<vmem>>, vector<1x16xf32>,
        %parallel_loop3A_469 = vector.shape_cast %parallel_loop3A_468 : vector<1x16xf32> to vector<16xf32>
        %parallel_loop3A_470 = arith.constant 1.000000e+00 : f32
        %parallel_loop3A_471 = vector.broadcast %parallel_loop3A_470 : f32 to vector<16xf32>
        %parallel_loop3A_472 = arith.minimumf %parallel_loop3A_469, %parallel_loop3A_471 : vector<16xf32>
        %parallel_loop3A_473 = arith.constant 5 : i32
        %parallel_loop3A_474 = arith.index_cast %parallel_loop3A_473 : i32 to index
        %parallel_loop3A_475 = arith.index_cast %parallel_loop3A_394 : i32 to index
        %parallel_loop3A_476 = tpu.vector_load %arg9[%parallel_loop3A_474, %parallel_loop3A_475] {strides = array<i32>} : memref<8x2048xf32, #tpu.memory_space<vmem>>, vector<1x16xf32>,
        %parallel_loop3A_477 = vector.shape_cast %parallel_loop3A_476 : vector<1x16xf32> to vector<16xf32>
        %parallel_loop3A_478 = vector.shape_cast %parallel_loop3A_472 : vector<16xf32> to vector<1x16xf32>
        tpu.vector_store %arg9[%parallel_loop3A_474, %parallel_loop3A_475], %parallel_loop3A_478 {strides = array<i32>} : memref<8x2048xf32, #tpu.memory_space<vmem>>, vector<1x16xf32>,
        %parallel_loop3A_479 = arith.constant 6 : i32
        %parallel_loop3A_480 = arith.index_cast %parallel_loop3A_479 : i32 to index
        %parallel_loop3A_481 = arith.index_cast %parallel_loop3A_394 : i32 to index
        %parallel_loop3A_482 = tpu.vector_load %arg9[%parallel_loop3A_480, %parallel_loop3A_481] {strides = array<i32>} : memref<8x2048xf32, #tpu.memory_space<vmem>>, vector<1x16xf32>,
        %parallel_loop3A_483 = vector.shape_cast %parallel_loop3A_482 : vector<1x16xf32> to vector<16xf32>
        %parallel_loop3A_484 = arith.constant 1.000000e+00 : f32
        %parallel_loop3A_485 = vector.broadcast %parallel_loop3A_484 : f32 to vector<16xf32>
        %parallel_loop3A_486 = arith.minimumf %parallel_loop3A_483, %parallel_loop3A_485 : vector<16xf32>
        %parallel_loop3A_487 = arith.constant 6 : i32
        %parallel_loop3A_488 = arith.index_cast %parallel_loop3A_487 : i32 to index
        %parallel_loop3A_489 = arith.index_cast %parallel_loop3A_394 : i32 to index
        %parallel_loop3A_490 = tpu.vector_load %arg9[%parallel_loop3A_488, %parallel_loop3A_489] {strides = array<i32>} : memref<8x2048xf32, #tpu.memory_space<vmem>>, vector<1x16xf32>,
        %parallel_loop3A_491 = vector.shape_cast %parallel_loop3A_490 : vector<1x16xf32> to vector<16xf32>
        %parallel_loop3A_492 = vector.shape_cast %parallel_loop3A_486 : vector<16xf32> to vector<1x16xf32>
        tpu.vector_store %arg9[%parallel_loop3A_488, %parallel_loop3A_489], %parallel_loop3A_492 {strides = array<i32>} : memref<8x2048xf32, #tpu.memory_space<vmem>>, vector<1x16xf32>,
        %parallel_loop3A_493 = arith.constant 7 : i32
        %parallel_loop3A_494 = arith.index_cast %parallel_loop3A_493 : i32 to index
        %parallel_loop3A_495 = arith.index_cast %parallel_loop3A_394 : i32 to index
        %parallel_loop3A_496 = tpu.vector_load %arg9[%parallel_loop3A_494, %parallel_loop3A_495] {strides = array<i32>} : memref<8x2048xf32, #tpu.memory_space<vmem>>, vector<1x16xf32>,
        %parallel_loop3A_497 = vector.shape_cast %parallel_loop3A_496 : vector<1x16xf32> to vector<16xf32>
        %parallel_loop3A_498 = arith.constant 1.000000e+00 : f32
        %parallel_loop3A_499 = vector.broadcast %parallel_loop3A_498 : f32 to vector<16xf32>
        %parallel_loop3A_500 = arith.minimumf %parallel_loop3A_497, %parallel_loop3A_499 : vector<16xf32>
        %parallel_loop3A_501 = arith.constant 7 : i32
        %parallel_loop3A_502 = arith.index_cast %parallel_loop3A_501 : i32 to index
        %parallel_loop3A_503 = arith.index_cast %parallel_loop3A_394 : i32 to index
        %parallel_loop3A_504 = tpu.vector_load %arg9[%parallel_loop3A_502, %parallel_loop3A_503] {strides = array<i32>} : memref<8x2048xf32, #tpu.memory_space<vmem>>, vector<1x16xf32>,
        %parallel_loop3A_505 = vector.shape_cast %parallel_loop3A_504 : vector<1x16xf32> to vector<16xf32>
        %parallel_loop3A_506 = vector.shape_cast %parallel_loop3A_500 : vector<16xf32> to vector<1x16xf32>
        tpu.vector_store %arg9[%parallel_loop3A_502, %parallel_loop3A_503], %parallel_loop3A_506 {strides = array<i32>} : memref<8x2048xf32, #tpu.memory_space<vmem>>, vector<1x16xf32>,
      } {sc.loop_unroll_factor = 2 : i64, sc.parallel_access}
      %sub3A_253 = arith.constant 1 : i32
      %sub3A_254 = arith.subi %add3A_232, %sub3A_253 : i32
      %mul3A_255 = arith.constant 8 : i32
      %mul3A_256 = arith.muli %sub3A_254, %mul3A_255 : i32
      %add3A_257 = arith.addi %mul3A_6, %mul3A_256 : i32
      %dma_start3A_258 = arith.constant 0 : i32
      %dma_start3A_259 = tpu.memref_slice %arg3[%add3A_257, %dma_start3A_258] : memref<32768x2048xf32, #tpu.memory_space<hbm>> -> memref<8x2048xf32, #tpu.memory_space<hbm>>
      %dma_start3A_260 = arith.constant 0 : i32
      %dma_start3A_261 = tpu.memref_slice %arg3[%add3A_257, %dma_start3A_260] : memref<32768x2048xf32, #tpu.memory_space<hbm>> -> memref<8x2048xf32, #tpu.memory_space<hbm>>
      tpu.enqueue_dma source(%arg8 : memref<8x2048xf32, #tpu.memory_space<vmem>>) target(%dma_start3A_261 : memref<8x2048xf32, #tpu.memory_space<hbm>>) target_semaphore(%arg20 : memref<!tpu.dma_semaphore, #tpu.memory_space<semaphore_mem>>)
      %add3A_262 = arith.constant 4 : i32
      %add3A_263 = arith.addi %add3A_262, %add3A_196 : i32
      %add3A_264 = arith.constant 2 : i32
      %add3A_265 = arith.addi %add3A_263, %add3A_264 : i32
      %dma_wait3A_266 = arith.constant 0 : i32
      %dma_wait3A_267 = tpu.memref_slice %arg3[%mul3A_6, %dma_wait3A_266] : memref<32768x2048xf32, #tpu.memory_space<hbm>> -> memref<8x2048xf32, #tpu.memory_space<hbm>>
      %dma_wait3A_268 = arith.constant 0 : i32
      %dma_wait3A_269 = tpu.memref_slice %arg3[%mul3A_6, %dma_wait3A_268] : memref<32768x2048xf32, #tpu.memory_space<hbm>> -> memref<8x2048xf32, #tpu.memory_space<hbm>>
      tpu.wait_dma2 semaphore(%arg18 : memref<!tpu.dma_semaphore, #tpu.memory_space<semaphore_mem>>) src(%arg6 : memref<8x2048xf32, #tpu.memory_space<vmem>>) dst(%dma_wait3A_269 : memref<8x2048xf32, #tpu.memory_space<hbm>>)
      %add3A_270 = arith.constant 2 : i32
      %add3A_271 = arith.addi %add3A_265, %add3A_270 : i32
      %mul3A_272 = arith.constant 8 : i32
      %mul3A_273 = arith.muli %add3A_271, %mul3A_272 : i32
      %add3A_274 = arith.addi %add3A_4, %mul3A_273 : i32
      %dma_start3A_275 = arith.constant 0 : i32
      %dma_start3A_276 = tpu.memref_slice %arg2[%add3A_274, %dma_start3A_275] : memref<32768x2048xf32, #tpu.memory_space<hbm>> -> memref<8x2048xf32, #tpu.memory_space<hbm>>
      %dma_start3A_277 = arith.constant 0 : i32
      %dma_start3A_278 = tpu.memref_slice %arg2[%add3A_274, %dma_start3A_277] : memref<32768x2048xf32, #tpu.memory_space<hbm>> -> memref<8x2048xf32, #tpu.memory_space<hbm>>
      tpu.enqueue_dma source(%dma_start3A_278 : memref<8x2048xf32, #tpu.memory_space<hbm>>) target(%arg6 : memref<8x2048xf32, #tpu.memory_space<vmem>>) target_semaphore(%arg12 : memref<!tpu.dma_semaphore, #tpu.memory_space<semaphore_mem>>)
      %dma_wait3A_279 = arith.constant 0 : i32
      %dma_wait3A_280 = tpu.memref_slice %arg2[%add3A_4, %dma_wait3A_279] : memref<32768x2048xf32, #tpu.memory_space<hbm>> -> memref<8x2048xf32, #tpu.memory_space<hbm>>
      %dma_wait3A_281 = arith.constant 0 : i32
      %dma_wait3A_282 = tpu.memref_slice %arg2[%add3A_4, %dma_wait3A_281] : memref<32768x2048xf32, #tpu.memory_space<hbm>> -> memref<8x2048xf32, #tpu.memory_space<hbm>>
      tpu.wait_dma2 semaphore(%arg10 : memref<!tpu.dma_semaphore, #tpu.memory_space<semaphore_mem>>) src(%dma_wait3A_282 : memref<8x2048xf32, #tpu.memory_space<hbm>>) dst(%arg4 : memref<8x2048xf32, #tpu.memory_space<vmem>>)
      %parallel_loop3A_283 = arith.constant 0 : i32
      %parallel_loop3A_284 = arith.constant 2048 : i32
      %parallel_loop3A_285 = arith.constant 16 : i32
      scf.for %parallel_loop3A_394 = %parallel_loop3A_283 to %parallel_loop3A_284 step %parallel_loop3A_285  : i32 {
        %parallel_loop3A_395 = arith.constant 0 : i32
        %parallel_loop3A_396 = arith.index_cast %parallel_loop3A_395 : i32 to index
        %parallel_loop3A_397 = arith.index_cast %parallel_loop3A_394 : i32 to index
        %parallel_loop3A_398 = tpu.vector_load %arg4[%parallel_loop3A_396, %parallel_loop3A_397] {strides = array<i32>} : memref<8x2048xf32, #tpu.memory_space<vmem>>, vector<1x16xf32>,
        %parallel_loop3A_399 = vector.shape_cast %parallel_loop3A_398 : vector<1x16xf32> to vector<16xf32>
        %parallel_loop3A_400 = arith.constant 1.000000e+00 : f32
        %parallel_loop3A_401 = vector.broadcast %parallel_loop3A_400 : f32 to vector<16xf32>
        %parallel_loop3A_402 = arith.minimumf %parallel_loop3A_399, %parallel_loop3A_401 : vector<16xf32>
        %parallel_loop3A_403 = arith.constant 0 : i32
        %parallel_loop3A_404 = arith.index_cast %parallel_loop3A_403 : i32 to index
        %parallel_loop3A_405 = arith.index_cast %parallel_loop3A_394 : i32 to index
        %parallel_loop3A_406 = tpu.vector_load %arg4[%parallel_loop3A_404, %parallel_loop3A_405] {strides = array<i32>} : memref<8x2048xf32, #tpu.memory_space<vmem>>, vector<1x16xf32>,
        %parallel_loop3A_407 = vector.shape_cast %parallel_loop3A_406 : vector<1x16xf32> to vector<16xf32>
        %parallel_loop3A_408 = vector.shape_cast %parallel_loop3A_402 : vector<16xf32> to vector<1x16xf32>
        tpu.vector_store %arg4[%parallel_loop3A_404, %parallel_loop3A_405], %parallel_loop3A_408 {strides = array<i32>} : memref<8x2048xf32, #tpu.memory_space<vmem>>, vector<1x16xf32>,
        %parallel_loop3A_409 = arith.constant 1 : i32
        %parallel_loop3A_410 = arith.index_cast %parallel_loop3A_409 : i32 to index
        %parallel_loop3A_411 = arith.index_cast %parallel_loop3A_394 : i32 to index
        %parallel_loop3A_412 = tpu.vector_load %arg4[%parallel_loop3A_410, %parallel_loop3A_411] {strides = array<i32>} : memref<8x2048xf32, #tpu.memory_space<vmem>>, vector<1x16xf32>,
        %parallel_loop3A_413 = vector.shape_cast %parallel_loop3A_412 : vector<1x16xf32> to vector<16xf32>
        %parallel_loop3A_414 = arith.constant 1.000000e+00 : f32
        %parallel_loop3A_415 = vector.broadcast %parallel_loop3A_414 : f32 to vector<16xf32>
        %parallel_loop3A_416 = arith.minimumf %parallel_loop3A_413, %parallel_loop3A_415 : vector<16xf32>
        %parallel_loop3A_417 = arith.constant 1 : i32
        %parallel_loop3A_418 = arith.index_cast %parallel_loop3A_417 : i32 to index
        %parallel_loop3A_419 = arith.index_cast %parallel_loop3A_394 : i32 to index
        %parallel_loop3A_420 = tpu.vector_load %arg4[%parallel_loop3A_418, %parallel_loop3A_419] {strides = array<i32>} : memref<8x2048xf32, #tpu.memory_space<vmem>>, vector<1x16xf32>,
        %parallel_loop3A_421 = vector.shape_cast %parallel_loop3A_420 : vector<1x16xf32> to vector<16xf32>
        %parallel_loop3A_422 = vector.shape_cast %parallel_loop3A_416 : vector<16xf32> to vector<1x16xf32>
        tpu.vector_store %arg4[%parallel_loop3A_418, %parallel_loop3A_419], %parallel_loop3A_422 {strides = array<i32>} : memref<8x2048xf32, #tpu.memory_space<vmem>>, vector<1x16xf32>,
        %parallel_loop3A_423 = arith.constant 2 : i32
        %parallel_loop3A_424 = arith.index_cast %parallel_loop3A_423 : i32 to index
        %parallel_loop3A_425 = arith.index_cast %parallel_loop3A_394 : i32 to index
        %parallel_loop3A_426 = tpu.vector_load %arg4[%parallel_loop3A_424, %parallel_loop3A_425] {strides = array<i32>} : memref<8x2048xf32, #tpu.memory_space<vmem>>, vector<1x16xf32>,
        %parallel_loop3A_427 = vector.shape_cast %parallel_loop3A_426 : vector<1x16xf32> to vector<16xf32>
        %parallel_loop3A_428 = arith.constant 1.000000e+00 : f32
        %parallel_loop3A_429 = vector.broadcast %parallel_loop3A_428 : f32 to vector<16xf32>
        %parallel_loop3A_430 = arith.minimumf %parallel_loop3A_427, %parallel_loop3A_429 : vector<16xf32>
        %parallel_loop3A_431 = arith.constant 2 : i32
        %parallel_loop3A_432 = arith.index_cast %parallel_loop3A_431 : i32 to index
        %parallel_loop3A_433 = arith.index_cast %parallel_loop3A_394 : i32 to index
        %parallel_loop3A_434 = tpu.vector_load %arg4[%parallel_loop3A_432, %parallel_loop3A_433] {strides = array<i32>} : memref<8x2048xf32, #tpu.memory_space<vmem>>, vector<1x16xf32>,
        %parallel_loop3A_435 = vector.shape_cast %parallel_loop3A_434 : vector<1x16xf32> to vector<16xf32>
        %parallel_loop3A_436 = vector.shape_cast %parallel_loop3A_430 : vector<16xf32> to vector<1x16xf32>
        tpu.vector_store %arg4[%parallel_loop3A_432, %parallel_loop3A_433], %parallel_loop3A_436 {strides = array<i32>} : memref<8x2048xf32, #tpu.memory_space<vmem>>, vector<1x16xf32>,
        %parallel_loop3A_437 = arith.constant 3 : i32
        %parallel_loop3A_438 = arith.index_cast %parallel_loop3A_437 : i32 to index
        %parallel_loop3A_439 = arith.index_cast %parallel_loop3A_394 : i32 to index
        %parallel_loop3A_440 = tpu.vector_load %arg4[%parallel_loop3A_438, %parallel_loop3A_439] {strides = array<i32>} : memref<8x2048xf32, #tpu.memory_space<vmem>>, vector<1x16xf32>,
        %parallel_loop3A_441 = vector.shape_cast %parallel_loop3A_440 : vector<1x16xf32> to vector<16xf32>
        %parallel_loop3A_442 = arith.constant 1.000000e+00 : f32
        %parallel_loop3A_443 = vector.broadcast %parallel_loop3A_442 : f32 to vector<16xf32>
        %parallel_loop3A_444 = arith.minimumf %parallel_loop3A_441, %parallel_loop3A_443 : vector<16xf32>
        %parallel_loop3A_445 = arith.constant 3 : i32
        %parallel_loop3A_446 = arith.index_cast %parallel_loop3A_445 : i32 to index
        %parallel_loop3A_447 = arith.index_cast %parallel_loop3A_394 : i32 to index
        %parallel_loop3A_448 = tpu.vector_load %arg4[%parallel_loop3A_446, %parallel_loop3A_447] {strides = array<i32>} : memref<8x2048xf32, #tpu.memory_space<vmem>>, vector<1x16xf32>,
        %parallel_loop3A_449 = vector.shape_cast %parallel_loop3A_448 : vector<1x16xf32> to vector<16xf32>
        %parallel_loop3A_450 = vector.shape_cast %parallel_loop3A_444 : vector<16xf32> to vector<1x16xf32>
        tpu.vector_store %arg4[%parallel_loop3A_446, %parallel_loop3A_447], %parallel_loop3A_450 {strides = array<i32>} : memref<8x2048xf32, #tpu.memory_space<vmem>>, vector<1x16xf32>,
        %parallel_loop3A_451 = arith.constant 4 : i32
        %parallel_loop3A_452 = arith.index_cast %parallel_loop3A_451 : i32 to index
        %parallel_loop3A_453 = arith.index_cast %parallel_loop3A_394 : i32 to index
        %parallel_loop3A_454 = tpu.vector_load %arg4[%parallel_loop3A_452, %parallel_loop3A_453] {strides = array<i32>} : memref<8x2048xf32, #tpu.memory_space<vmem>>, vector<1x16xf32>,
        %parallel_loop3A_455 = vector.shape_cast %parallel_loop3A_454 : vector<1x16xf32> to vector<16xf32>
        %parallel_loop3A_456 = arith.constant 1.000000e+00 : f32
        %parallel_loop3A_457 = vector.broadcast %parallel_loop3A_456 : f32 to vector<16xf32>
        %parallel_loop3A_458 = arith.minimumf %parallel_loop3A_455, %parallel_loop3A_457 : vector<16xf32>
        %parallel_loop3A_459 = arith.constant 4 : i32
        %parallel_loop3A_460 = arith.index_cast %parallel_loop3A_459 : i32 to index
        %parallel_loop3A_461 = arith.index_cast %parallel_loop3A_394 : i32 to index
        %parallel_loop3A_462 = tpu.vector_load %arg4[%parallel_loop3A_460, %parallel_loop3A_461] {strides = array<i32>} : memref<8x2048xf32, #tpu.memory_space<vmem>>, vector<1x16xf32>,
        %parallel_loop3A_463 = vector.shape_cast %parallel_loop3A_462 : vector<1x16xf32> to vector<16xf32>
        %parallel_loop3A_464 = vector.shape_cast %parallel_loop3A_458 : vector<16xf32> to vector<1x16xf32>
        tpu.vector_store %arg4[%parallel_loop3A_460, %parallel_loop3A_461], %parallel_loop3A_464 {strides = array<i32>} : memref<8x2048xf32, #tpu.memory_space<vmem>>, vector<1x16xf32>,
        %parallel_loop3A_465 = arith.constant 5 : i32
        %parallel_loop3A_466 = arith.index_cast %parallel_loop3A_465 : i32 to index
        %parallel_loop3A_467 = arith.index_cast %parallel_loop3A_394 : i32 to index
        %parallel_loop3A_468 = tpu.vector_load %arg4[%parallel_loop3A_466, %parallel_loop3A_467] {strides = array<i32>} : memref<8x2048xf32, #tpu.memory_space<vmem>>, vector<1x16xf32>,
        %parallel_loop3A_469 = vector.shape_cast %parallel_loop3A_468 : vector<1x16xf32> to vector<16xf32>
        %parallel_loop3A_470 = arith.constant 1.000000e+00 : f32
        %parallel_loop3A_471 = vector.broadcast %parallel_loop3A_470 : f32 to vector<16xf32>
        %parallel_loop3A_472 = arith.minimumf %parallel_loop3A_469, %parallel_loop3A_471 : vector<16xf32>
        %parallel_loop3A_473 = arith.constant 5 : i32
        %parallel_loop3A_474 = arith.index_cast %parallel_loop3A_473 : i32 to index
        %parallel_loop3A_475 = arith.index_cast %parallel_loop3A_394 : i32 to index
        %parallel_loop3A_476 = tpu.vector_load %arg4[%parallel_loop3A_474, %parallel_loop3A_475] {strides = array<i32>} : memref<8x2048xf32, #tpu.memory_space<vmem>>, vector<1x16xf32>,
        %parallel_loop3A_477 = vector.shape_cast %parallel_loop3A_476 : vector<1x16xf32> to vector<16xf32>
        %parallel_loop3A_478 = vector.shape_cast %parallel_loop3A_472 : vector<16xf32> to vector<1x16xf32>
        tpu.vector_store %arg4[%parallel_loop3A_474, %parallel_loop3A_475], %parallel_loop3A_478 {strides = array<i32>} : memref<8x2048xf32, #tpu.memory_space<vmem>>, vector<1x16xf32>,
        %parallel_loop3A_479 = arith.constant 6 : i32
        %parallel_loop3A_480 = arith.index_cast %parallel_loop3A_479 : i32 to index
        %parallel_loop3A_481 = arith.index_cast %parallel_loop3A_394 : i32 to index
        %parallel_loop3A_482 = tpu.vector_load %arg4[%parallel_loop3A_480, %parallel_loop3A_481] {strides = array<i32>} : memref<8x2048xf32, #tpu.memory_space<vmem>>, vector<1x16xf32>,
        %parallel_loop3A_483 = vector.shape_cast %parallel_loop3A_482 : vector<1x16xf32> to vector<16xf32>
        %parallel_loop3A_484 = arith.constant 1.000000e+00 : f32
        %parallel_loop3A_485 = vector.broadcast %parallel_loop3A_484 : f32 to vector<16xf32>
        %parallel_loop3A_486 = arith.minimumf %parallel_loop3A_483, %parallel_loop3A_485 : vector<16xf32>
        %parallel_loop3A_487 = arith.constant 6 : i32
        %parallel_loop3A_488 = arith.index_cast %parallel_loop3A_487 : i32 to index
        %parallel_loop3A_489 = arith.index_cast %parallel_loop3A_394 : i32 to index
        %parallel_loop3A_490 = tpu.vector_load %arg4[%parallel_loop3A_488, %parallel_loop3A_489] {strides = array<i32>} : memref<8x2048xf32, #tpu.memory_space<vmem>>, vector<1x16xf32>,
        %parallel_loop3A_491 = vector.shape_cast %parallel_loop3A_490 : vector<1x16xf32> to vector<16xf32>
        %parallel_loop3A_492 = vector.shape_cast %parallel_loop3A_486 : vector<16xf32> to vector<1x16xf32>
        tpu.vector_store %arg4[%parallel_loop3A_488, %parallel_loop3A_489], %parallel_loop3A_492 {strides = array<i32>} : memref<8x2048xf32, #tpu.memory_space<vmem>>, vector<1x16xf32>,
        %parallel_loop3A_493 = arith.constant 7 : i32
        %parallel_loop3A_494 = arith.index_cast %parallel_loop3A_493 : i32 to index
        %parallel_loop3A_495 = arith.index_cast %parallel_loop3A_394 : i32 to index
        %parallel_loop3A_496 = tpu.vector_load %arg4[%parallel_loop3A_494, %parallel_loop3A_495] {strides = array<i32>} : memref<8x2048xf32, #tpu.memory_space<vmem>>, vector<1x16xf32>,
        %parallel_loop3A_497 = vector.shape_cast %parallel_loop3A_496 : vector<1x16xf32> to vector<16xf32>
        %parallel_loop3A_498 = arith.constant 1.000000e+00 : f32
        %parallel_loop3A_499 = vector.broadcast %parallel_loop3A_498 : f32 to vector<16xf32>
        %parallel_loop3A_500 = arith.minimumf %parallel_loop3A_497, %parallel_loop3A_499 : vector<16xf32>
        %parallel_loop3A_501 = arith.constant 7 : i32
        %parallel_loop3A_502 = arith.index_cast %parallel_loop3A_501 : i32 to index
        %parallel_loop3A_503 = arith.index_cast %parallel_loop3A_394 : i32 to index
        %parallel_loop3A_504 = tpu.vector_load %arg4[%parallel_loop3A_502, %parallel_loop3A_503] {strides = array<i32>} : memref<8x2048xf32, #tpu.memory_space<vmem>>, vector<1x16xf32>,
        %parallel_loop3A_505 = vector.shape_cast %parallel_loop3A_504 : vector<1x16xf32> to vector<16xf32>
        %parallel_loop3A_506 = vector.shape_cast %parallel_loop3A_500 : vector<16xf32> to vector<1x16xf32>
        tpu.vector_store %arg4[%parallel_loop3A_502, %parallel_loop3A_503], %parallel_loop3A_506 {strides = array<i32>} : memref<8x2048xf32, #tpu.memory_space<vmem>>, vector<1x16xf32>,
      } {sc.loop_unroll_factor = 2 : i64, sc.parallel_access}
      %sub3A_286 = arith.constant 1 : i32
      %sub3A_287 = arith.subi %add3A_265, %sub3A_286 : i32
      %mul3A_288 = arith.constant 8 : i32
      %mul3A_289 = arith.muli %sub3A_287, %mul3A_288 : i32
      %add3A_290 = arith.addi %mul3A_6, %mul3A_289 : i32
      %dma_start3A_291 = arith.constant 0 : i32
      %dma_start3A_292 = tpu.memref_slice %arg3[%add3A_290, %dma_start3A_291] : memref<32768x2048xf32, #tpu.memory_space<hbm>> -> memref<8x2048xf32, #tpu.memory_space<hbm>>
      %dma_start3A_293 = arith.constant 0 : i32
      %dma_start3A_294 = tpu.memref_slice %arg3[%add3A_290, %dma_start3A_293] : memref<32768x2048xf32, #tpu.memory_space<hbm>> -> memref<8x2048xf32, #tpu.memory_space<hbm>>
      tpu.enqueue_dma source(%arg9 : memref<8x2048xf32, #tpu.memory_space<vmem>>) target(%dma_start3A_294 : memref<8x2048xf32, #tpu.memory_space<hbm>>) target_semaphore(%arg21 : memref<!tpu.dma_semaphore, #tpu.memory_space<semaphore_mem>>)
      %add3A_295 = arith.constant 4 : i32
      %add3A_296 = arith.addi %add3A_295, %add3A_196 : i32
      %add3A_297 = arith.constant 3 : i32
      %add3A_298 = arith.addi %add3A_296, %add3A_297 : i32
      %dma_wait3A_299 = arith.constant 0 : i32
      %dma_wait3A_300 = tpu.memref_slice %arg3[%mul3A_6, %dma_wait3A_299] : memref<32768x2048xf32, #tpu.memory_space<hbm>> -> memref<8x2048xf32, #tpu.memory_space<hbm>>
      %dma_wait3A_301 = arith.constant 0 : i32
      %dma_wait3A_302 = tpu.memref_slice %arg3[%mul3A_6, %dma_wait3A_301] : memref<32768x2048xf32, #tpu.memory_space<hbm>> -> memref<8x2048xf32, #tpu.memory_space<hbm>>
      tpu.wait_dma2 semaphore(%arg19 : memref<!tpu.dma_semaphore, #tpu.memory_space<semaphore_mem>>) src(%arg7 : memref<8x2048xf32, #tpu.memory_space<vmem>>) dst(%dma_wait3A_302 : memref<8x2048xf32, #tpu.memory_space<hbm>>)
      %add3A_303 = arith.constant 2 : i32
      %add3A_304 = arith.addi %add3A_298, %add3A_303 : i32
      %mul3A_305 = arith.constant 8 : i32
      %mul3A_306 = arith.muli %add3A_304, %mul3A_305 : i32
      %add3A_307 = arith.addi %add3A_4, %mul3A_306 : i32
      %dma_start3A_308 = arith.constant 0 : i32
      %dma_start3A_309 = tpu.memref_slice %arg2[%add3A_307, %dma_start3A_308] : memref<32768x2048xf32, #tpu.memory_space<hbm>> -> memref<8x2048xf32, #tpu.memory_space<hbm>>
      %dma_start3A_310 = arith.constant 0 : i32
      %dma_start3A_311 = tpu.memref_slice %arg2[%add3A_307, %dma_start3A_310] : memref<32768x2048xf32, #tpu.memory_space<hbm>> -> memref<8x2048xf32, #tpu.memory_space<hbm>>
      tpu.enqueue_dma source(%dma_start3A_311 : memref<8x2048xf32, #tpu.memory_space<hbm>>) target(%arg7 : memref<8x2048xf32, #tpu.memory_space<vmem>>) target_semaphore(%arg13 : memref<!tpu.dma_semaphore, #tpu.memory_space<semaphore_mem>>)
      %dma_wait3A_312 = arith.constant 0 : i32
      %dma_wait3A_313 = tpu.memref_slice %arg2[%add3A_4, %dma_wait3A_312] : memref<32768x2048xf32, #tpu.memory_space<hbm>> -> memref<8x2048xf32, #tpu.memory_space<hbm>>
      %dma_wait3A_314 = arith.constant 0 : i32
      %dma_wait3A_315 = tpu.memref_slice %arg2[%add3A_4, %dma_wait3A_314] : memref<32768x2048xf32, #tpu.memory_space<hbm>> -> memref<8x2048xf32, #tpu.memory_space<hbm>>
      tpu.wait_dma2 semaphore(%arg11 : memref<!tpu.dma_semaphore, #tpu.memory_space<semaphore_mem>>) src(%dma_wait3A_315 : memref<8x2048xf32, #tpu.memory_space<hbm>>) dst(%arg5 : memref<8x2048xf32, #tpu.memory_space<vmem>>)
      %parallel_loop3A_316 = arith.constant 0 : i32
      %parallel_loop3A_317 = arith.constant 2048 : i32
      %parallel_loop3A_318 = arith.constant 16 : i32
      scf.for %parallel_loop3A_394 = %parallel_loop3A_316 to %parallel_loop3A_317 step %parallel_loop3A_318  : i32 {
        %parallel_loop3A_395 = arith.constant 0 : i32
        %parallel_loop3A_396 = arith.index_cast %parallel_loop3A_395 : i32 to index
        %parallel_loop3A_397 = arith.index_cast %parallel_loop3A_394 : i32 to index
        %parallel_loop3A_398 = tpu.vector_load %arg5[%parallel_loop3A_396, %parallel_loop3A_397] {strides = array<i32>} : memref<8x2048xf32, #tpu.memory_space<vmem>>, vector<1x16xf32>,
        %parallel_loop3A_399 = vector.shape_cast %parallel_loop3A_398 : vector<1x16xf32> to vector<16xf32>
        %parallel_loop3A_400 = arith.constant 1.000000e+00 : f32
        %parallel_loop3A_401 = vector.broadcast %parallel_loop3A_400 : f32 to vector<16xf32>
        %parallel_loop3A_402 = arith.minimumf %parallel_loop3A_399, %parallel_loop3A_401 : vector<16xf32>
        %parallel_loop3A_403 = arith.constant 0 : i32
        %parallel_loop3A_404 = arith.index_cast %parallel_loop3A_403 : i32 to index
        %parallel_loop3A_405 = arith.index_cast %parallel_loop3A_394 : i32 to index
        %parallel_loop3A_406 = tpu.vector_load %arg5[%parallel_loop3A_404, %parallel_loop3A_405] {strides = array<i32>} : memref<8x2048xf32, #tpu.memory_space<vmem>>, vector<1x16xf32>,
        %parallel_loop3A_407 = vector.shape_cast %parallel_loop3A_406 : vector<1x16xf32> to vector<16xf32>
        %parallel_loop3A_408 = vector.shape_cast %parallel_loop3A_402 : vector<16xf32> to vector<1x16xf32>
        tpu.vector_store %arg5[%parallel_loop3A_404, %parallel_loop3A_405], %parallel_loop3A_408 {strides = array<i32>} : memref<8x2048xf32, #tpu.memory_space<vmem>>, vector<1x16xf32>,
        %parallel_loop3A_409 = arith.constant 1 : i32
        %parallel_loop3A_410 = arith.index_cast %parallel_loop3A_409 : i32 to index
        %parallel_loop3A_411 = arith.index_cast %parallel_loop3A_394 : i32 to index
        %parallel_loop3A_412 = tpu.vector_load %arg5[%parallel_loop3A_410, %parallel_loop3A_411] {strides = array<i32>} : memref<8x2048xf32, #tpu.memory_space<vmem>>, vector<1x16xf32>,
        %parallel_loop3A_413 = vector.shape_cast %parallel_loop3A_412 : vector<1x16xf32> to vector<16xf32>
        %parallel_loop3A_414 = arith.constant 1.000000e+00 : f32
        %parallel_loop3A_415 = vector.broadcast %parallel_loop3A_414 : f32 to vector<16xf32>
        %parallel_loop3A_416 = arith.minimumf %parallel_loop3A_413, %parallel_loop3A_415 : vector<16xf32>
        %parallel_loop3A_417 = arith.constant 1 : i32
        %parallel_loop3A_418 = arith.index_cast %parallel_loop3A_417 : i32 to index
        %parallel_loop3A_419 = arith.index_cast %parallel_loop3A_394 : i32 to index
        %parallel_loop3A_420 = tpu.vector_load %arg5[%parallel_loop3A_418, %parallel_loop3A_419] {strides = array<i32>} : memref<8x2048xf32, #tpu.memory_space<vmem>>, vector<1x16xf32>,
        %parallel_loop3A_421 = vector.shape_cast %parallel_loop3A_420 : vector<1x16xf32> to vector<16xf32>
        %parallel_loop3A_422 = vector.shape_cast %parallel_loop3A_416 : vector<16xf32> to vector<1x16xf32>
        tpu.vector_store %arg5[%parallel_loop3A_418, %parallel_loop3A_419], %parallel_loop3A_422 {strides = array<i32>} : memref<8x2048xf32, #tpu.memory_space<vmem>>, vector<1x16xf32>,
        %parallel_loop3A_423 = arith.constant 2 : i32
        %parallel_loop3A_424 = arith.index_cast %parallel_loop3A_423 : i32 to index
        %parallel_loop3A_425 = arith.index_cast %parallel_loop3A_394 : i32 to index
        %parallel_loop3A_426 = tpu.vector_load %arg5[%parallel_loop3A_424, %parallel_loop3A_425] {strides = array<i32>} : memref<8x2048xf32, #tpu.memory_space<vmem>>, vector<1x16xf32>,
        %parallel_loop3A_427 = vector.shape_cast %parallel_loop3A_426 : vector<1x16xf32> to vector<16xf32>
        %parallel_loop3A_428 = arith.constant 1.000000e+00 : f32
        %parallel_loop3A_429 = vector.broadcast %parallel_loop3A_428 : f32 to vector<16xf32>
        %parallel_loop3A_430 = arith.minimumf %parallel_loop3A_427, %parallel_loop3A_429 : vector<16xf32>
        %parallel_loop3A_431 = arith.constant 2 : i32
        %parallel_loop3A_432 = arith.index_cast %parallel_loop3A_431 : i32 to index
        %parallel_loop3A_433 = arith.index_cast %parallel_loop3A_394 : i32 to index
        %parallel_loop3A_434 = tpu.vector_load %arg5[%parallel_loop3A_432, %parallel_loop3A_433] {strides = array<i32>} : memref<8x2048xf32, #tpu.memory_space<vmem>>, vector<1x16xf32>,
        %parallel_loop3A_435 = vector.shape_cast %parallel_loop3A_434 : vector<1x16xf32> to vector<16xf32>
        %parallel_loop3A_436 = vector.shape_cast %parallel_loop3A_430 : vector<16xf32> to vector<1x16xf32>
        tpu.vector_store %arg5[%parallel_loop3A_432, %parallel_loop3A_433], %parallel_loop3A_436 {strides = array<i32>} : memref<8x2048xf32, #tpu.memory_space<vmem>>, vector<1x16xf32>,
        %parallel_loop3A_437 = arith.constant 3 : i32
        %parallel_loop3A_438 = arith.index_cast %parallel_loop3A_437 : i32 to index
        %parallel_loop3A_439 = arith.index_cast %parallel_loop3A_394 : i32 to index
        %parallel_loop3A_440 = tpu.vector_load %arg5[%parallel_loop3A_438, %parallel_loop3A_439] {strides = array<i32>} : memref<8x2048xf32, #tpu.memory_space<vmem>>, vector<1x16xf32>,
        %parallel_loop3A_441 = vector.shape_cast %parallel_loop3A_440 : vector<1x16xf32> to vector<16xf32>
        %parallel_loop3A_442 = arith.constant 1.000000e+00 : f32
        %parallel_loop3A_443 = vector.broadcast %parallel_loop3A_442 : f32 to vector<16xf32>
        %parallel_loop3A_444 = arith.minimumf %parallel_loop3A_441, %parallel_loop3A_443 : vector<16xf32>
        %parallel_loop3A_445 = arith.constant 3 : i32
        %parallel_loop3A_446 = arith.index_cast %parallel_loop3A_445 : i32 to index
        %parallel_loop3A_447 = arith.index_cast %parallel_loop3A_394 : i32 to index
        %parallel_loop3A_448 = tpu.vector_load %arg5[%parallel_loop3A_446, %parallel_loop3A_447] {strides = array<i32>} : memref<8x2048xf32, #tpu.memory_space<vmem>>, vector<1x16xf32>,
        %parallel_loop3A_449 = vector.shape_cast %parallel_loop3A_448 : vector<1x16xf32> to vector<16xf32>
        %parallel_loop3A_450 = vector.shape_cast %parallel_loop3A_444 : vector<16xf32> to vector<1x16xf32>
        tpu.vector_store %arg5[%parallel_loop3A_446, %parallel_loop3A_447], %parallel_loop3A_450 {strides = array<i32>} : memref<8x2048xf32, #tpu.memory_space<vmem>>, vector<1x16xf32>,
        %parallel_loop3A_451 = arith.constant 4 : i32
        %parallel_loop3A_452 = arith.index_cast %parallel_loop3A_451 : i32 to index
        %parallel_loop3A_453 = arith.index_cast %parallel_loop3A_394 : i32 to index
        %parallel_loop3A_454 = tpu.vector_load %arg5[%parallel_loop3A_452, %parallel_loop3A_453] {strides = array<i32>} : memref<8x2048xf32, #tpu.memory_space<vmem>>, vector<1x16xf32>,
        %parallel_loop3A_455 = vector.shape_cast %parallel_loop3A_454 : vector<1x16xf32> to vector<16xf32>
        %parallel_loop3A_456 = arith.constant 1.000000e+00 : f32
        %parallel_loop3A_457 = vector.broadcast %parallel_loop3A_456 : f32 to vector<16xf32>
        %parallel_loop3A_458 = arith.minimumf %parallel_loop3A_455, %parallel_loop3A_457 : vector<16xf32>
        %parallel_loop3A_459 = arith.constant 4 : i32
        %parallel_loop3A_460 = arith.index_cast %parallel_loop3A_459 : i32 to index
        %parallel_loop3A_461 = arith.index_cast %parallel_loop3A_394 : i32 to index
        %parallel_loop3A_462 = tpu.vector_load %arg5[%parallel_loop3A_460, %parallel_loop3A_461] {strides = array<i32>} : memref<8x2048xf32, #tpu.memory_space<vmem>>, vector<1x16xf32>,
        %parallel_loop3A_463 = vector.shape_cast %parallel_loop3A_462 : vector<1x16xf32> to vector<16xf32>
        %parallel_loop3A_464 = vector.shape_cast %parallel_loop3A_458 : vector<16xf32> to vector<1x16xf32>
        tpu.vector_store %arg5[%parallel_loop3A_460, %parallel_loop3A_461], %parallel_loop3A_464 {strides = array<i32>} : memref<8x2048xf32, #tpu.memory_space<vmem>>, vector<1x16xf32>,
        %parallel_loop3A_465 = arith.constant 5 : i32
        %parallel_loop3A_466 = arith.index_cast %parallel_loop3A_465 : i32 to index
        %parallel_loop3A_467 = arith.index_cast %parallel_loop3A_394 : i32 to index
        %parallel_loop3A_468 = tpu.vector_load %arg5[%parallel_loop3A_466, %parallel_loop3A_467] {strides = array<i32>} : memref<8x2048xf32, #tpu.memory_space<vmem>>, vector<1x16xf32>,
        %parallel_loop3A_469 = vector.shape_cast %parallel_loop3A_468 : vector<1x16xf32> to vector<16xf32>
        %parallel_loop3A_470 = arith.constant 1.000000e+00 : f32
        %parallel_loop3A_471 = vector.broadcast %parallel_loop3A_470 : f32 to vector<16xf32>
        %parallel_loop3A_472 = arith.minimumf %parallel_loop3A_469, %parallel_loop3A_471 : vector<16xf32>
        %parallel_loop3A_473 = arith.constant 5 : i32
        %parallel_loop3A_474 = arith.index_cast %parallel_loop3A_473 : i32 to index
        %parallel_loop3A_475 = arith.index_cast %parallel_loop3A_394 : i32 to index
        %parallel_loop3A_476 = tpu.vector_load %arg5[%parallel_loop3A_474, %parallel_loop3A_475] {strides = array<i32>} : memref<8x2048xf32, #tpu.memory_space<vmem>>, vector<1x16xf32>,
        %parallel_loop3A_477 = vector.shape_cast %parallel_loop3A_476 : vector<1x16xf32> to vector<16xf32>
        %parallel_loop3A_478 = vector.shape_cast %parallel_loop3A_472 : vector<16xf32> to vector<1x16xf32>
        tpu.vector_store %arg5[%parallel_loop3A_474, %parallel_loop3A_475], %parallel_loop3A_478 {strides = array<i32>} : memref<8x2048xf32, #tpu.memory_space<vmem>>, vector<1x16xf32>,
        %parallel_loop3A_479 = arith.constant 6 : i32
        %parallel_loop3A_480 = arith.index_cast %parallel_loop3A_479 : i32 to index
        %parallel_loop3A_481 = arith.index_cast %parallel_loop3A_394 : i32 to index
        %parallel_loop3A_482 = tpu.vector_load %arg5[%parallel_loop3A_480, %parallel_loop3A_481] {strides = array<i32>} : memref<8x2048xf32, #tpu.memory_space<vmem>>, vector<1x16xf32>,
        %parallel_loop3A_483 = vector.shape_cast %parallel_loop3A_482 : vector<1x16xf32> to vector<16xf32>
        %parallel_loop3A_484 = arith.constant 1.000000e+00 : f32
        %parallel_loop3A_485 = vector.broadcast %parallel_loop3A_484 : f32 to vector<16xf32>
        %parallel_loop3A_486 = arith.minimumf %parallel_loop3A_483, %parallel_loop3A_485 : vector<16xf32>
        %parallel_loop3A_487 = arith.constant 6 : i32
        %parallel_loop3A_488 = arith.index_cast %parallel_loop3A_487 : i32 to index
        %parallel_loop3A_489 = arith.index_cast %parallel_loop3A_394 : i32 to index
        %parallel_loop3A_490 = tpu.vector_load %arg5[%parallel_loop3A_488, %parallel_loop3A_489] {strides = array<i32>} : memref<8x2048xf32, #tpu.memory_space<vmem>>, vector<1x16xf32>,
        %parallel_loop3A_491 = vector.shape_cast %parallel_loop3A_490 : vector<1x16xf32> to vector<16xf32>
        %parallel_loop3A_492 = vector.shape_cast %parallel_loop3A_486 : vector<16xf32> to vector<1x16xf32>
        tpu.vector_store %arg5[%parallel_loop3A_488, %parallel_loop3A_489], %parallel_loop3A_492 {strides = array<i32>} : memref<8x2048xf32, #tpu.memory_space<vmem>>, vector<1x16xf32>,
        %parallel_loop3A_493 = arith.constant 7 : i32
        %parallel_loop3A_494 = arith.index_cast %parallel_loop3A_493 : i32 to index
        %parallel_loop3A_495 = arith.index_cast %parallel_loop3A_394 : i32 to index
        %parallel_loop3A_496 = tpu.vector_load %arg5[%parallel_loop3A_494, %parallel_loop3A_495] {strides = array<i32>} : memref<8x2048xf32, #tpu.memory_space<vmem>>, vector<1x16xf32>,
        %parallel_loop3A_497 = vector.shape_cast %parallel_loop3A_496 : vector<1x16xf32> to vector<16xf32>
        %parallel_loop3A_498 = arith.constant 1.000000e+00 : f32
        %parallel_loop3A_499 = vector.broadcast %parallel_loop3A_498 : f32 to vector<16xf32>
        %parallel_loop3A_500 = arith.minimumf %parallel_loop3A_497, %parallel_loop3A_499 : vector<16xf32>
        %parallel_loop3A_501 = arith.constant 7 : i32
        %parallel_loop3A_502 = arith.index_cast %parallel_loop3A_501 : i32 to index
        %parallel_loop3A_503 = arith.index_cast %parallel_loop3A_394 : i32 to index
        %parallel_loop3A_504 = tpu.vector_load %arg5[%parallel_loop3A_502, %parallel_loop3A_503] {strides = array<i32>} : memref<8x2048xf32, #tpu.memory_space<vmem>>, vector<1x16xf32>,
        %parallel_loop3A_505 = vector.shape_cast %parallel_loop3A_504 : vector<1x16xf32> to vector<16xf32>
        %parallel_loop3A_506 = vector.shape_cast %parallel_loop3A_500 : vector<16xf32> to vector<1x16xf32>
        tpu.vector_store %arg5[%parallel_loop3A_502, %parallel_loop3A_503], %parallel_loop3A_506 {strides = array<i32>} : memref<8x2048xf32, #tpu.memory_space<vmem>>, vector<1x16xf32>,
      } {sc.loop_unroll_factor = 2 : i64, sc.parallel_access}
      %sub3A_319 = arith.constant 1 : i32
      %sub3A_320 = arith.subi %add3A_298, %sub3A_319 : i32
      %mul3A_321 = arith.constant 8 : i32
      %mul3A_322 = arith.muli %sub3A_320, %mul3A_321 : i32
      %add3A_323 = arith.addi %mul3A_6, %mul3A_322 : i32
      %dma_start3A_324 = arith.constant 0 : i32
      %dma_start3A_325 = tpu.memref_slice %arg3[%add3A_323, %dma_start3A_324] : memref<32768x2048xf32, #tpu.memory_space<hbm>> -> memref<8x2048xf32, #tpu.memory_space<hbm>>
      %dma_start3A_326 = arith.constant 0 : i32
      %dma_start3A_327 = tpu.memref_slice %arg3[%add3A_323, %dma_start3A_326] : memref<32768x2048xf32, #tpu.memory_space<hbm>> -> memref<8x2048xf32, #tpu.memory_space<hbm>>
      tpu.enqueue_dma source(%arg4 : memref<8x2048xf32, #tpu.memory_space<vmem>>) target(%dma_start3A_327 : memref<8x2048xf32, #tpu.memory_space<hbm>>) target_semaphore(%arg16 : memref<!tpu.dma_semaphore, #tpu.memory_space<semaphore_mem>>)
      %add3A_328 = arith.constant 4 : i32
      %add3A_329 = arith.addi %add3A_328, %add3A_196 : i32
      %add3A_330 = arith.constant 4 : i32
      %add3A_331 = arith.addi %add3A_329, %add3A_330 : i32
      %dma_wait3A_332 = arith.constant 0 : i32
      %dma_wait3A_333 = tpu.memref_slice %arg3[%mul3A_6, %dma_wait3A_332] : memref<32768x2048xf32, #tpu.memory_space<hbm>> -> memref<8x2048xf32, #tpu.memory_space<hbm>>
      %dma_wait3A_334 = arith.constant 0 : i32
      %dma_wait3A_335 = tpu.memref_slice %arg3[%mul3A_6, %dma_wait3A_334] : memref<32768x2048xf32, #tpu.memory_space<hbm>> -> memref<8x2048xf32, #tpu.memory_space<hbm>>
      tpu.wait_dma2 semaphore(%arg20 : memref<!tpu.dma_semaphore, #tpu.memory_space<semaphore_mem>>) src(%arg8 : memref<8x2048xf32, #tpu.memory_space<vmem>>) dst(%dma_wait3A_335 : memref<8x2048xf32, #tpu.memory_space<hbm>>)
      %add3A_336 = arith.constant 2 : i32
      %add3A_337 = arith.addi %add3A_331, %add3A_336 : i32
      %mul3A_338 = arith.constant 8 : i32
      %mul3A_339 = arith.muli %add3A_337, %mul3A_338 : i32
      %add3A_340 = arith.addi %add3A_4, %mul3A_339 : i32
      %dma_start3A_341 = arith.constant 0 : i32
      %dma_start3A_342 = tpu.memref_slice %arg2[%add3A_340, %dma_start3A_341] : memref<32768x2048xf32, #tpu.memory_space<hbm>> -> memref<8x2048xf32, #tpu.memory_space<hbm>>
      %dma_start3A_343 = arith.constant 0 : i32
      %dma_start3A_344 = tpu.memref_slice %arg2[%add3A_340, %dma_start3A_343] : memref<32768x2048xf32, #tpu.memory_space<hbm>> -> memref<8x2048xf32, #tpu.memory_space<hbm>>
      tpu.enqueue_dma source(%dma_start3A_344 : memref<8x2048xf32, #tpu.memory_space<hbm>>) target(%arg8 : memref<8x2048xf32, #tpu.memory_space<vmem>>) target_semaphore(%arg14 : memref<!tpu.dma_semaphore, #tpu.memory_space<semaphore_mem>>)
      %dma_wait3A_345 = arith.constant 0 : i32
      %dma_wait3A_346 = tpu.memref_slice %arg2[%add3A_4, %dma_wait3A_345] : memref<32768x2048xf32, #tpu.memory_space<hbm>> -> memref<8x2048xf32, #tpu.memory_space<hbm>>
      %dma_wait3A_347 = arith.constant 0 : i32
      %dma_wait3A_348 = tpu.memref_slice %arg2[%add3A_4, %dma_wait3A_347] : memref<32768x2048xf32, #tpu.memory_space<hbm>> -> memref<8x2048xf32, #tpu.memory_space<hbm>>
      tpu.wait_dma2 semaphore(%arg12 : memref<!tpu.dma_semaphore, #tpu.memory_space<semaphore_mem>>) src(%dma_wait3A_348 : memref<8x2048xf32, #tpu.memory_space<hbm>>) dst(%arg6 : memref<8x2048xf32, #tpu.memory_space<vmem>>)
      %parallel_loop3A_349 = arith.constant 0 : i32
      %parallel_loop3A_350 = arith.constant 2048 : i32
      %parallel_loop3A_351 = arith.constant 16 : i32
      scf.for %parallel_loop3A_394 = %parallel_loop3A_349 to %parallel_loop3A_350 step %parallel_loop3A_351  : i32 {
        %parallel_loop3A_395 = arith.constant 0 : i32
        %parallel_loop3A_396 = arith.index_cast %parallel_loop3A_395 : i32 to index
        %parallel_loop3A_397 = arith.index_cast %parallel_loop3A_394 : i32 to index
        %parallel_loop3A_398 = tpu.vector_load %arg6[%parallel_loop3A_396, %parallel_loop3A_397] {strides = array<i32>} : memref<8x2048xf32, #tpu.memory_space<vmem>>, vector<1x16xf32>,
        %parallel_loop3A_399 = vector.shape_cast %parallel_loop3A_398 : vector<1x16xf32> to vector<16xf32>
        %parallel_loop3A_400 = arith.constant 1.000000e+00 : f32
        %parallel_loop3A_401 = vector.broadcast %parallel_loop3A_400 : f32 to vector<16xf32>
        %parallel_loop3A_402 = arith.minimumf %parallel_loop3A_399, %parallel_loop3A_401 : vector<16xf32>
        %parallel_loop3A_403 = arith.constant 0 : i32
        %parallel_loop3A_404 = arith.index_cast %parallel_loop3A_403 : i32 to index
        %parallel_loop3A_405 = arith.index_cast %parallel_loop3A_394 : i32 to index
        %parallel_loop3A_406 = tpu.vector_load %arg6[%parallel_loop3A_404, %parallel_loop3A_405] {strides = array<i32>} : memref<8x2048xf32, #tpu.memory_space<vmem>>, vector<1x16xf32>,
        %parallel_loop3A_407 = vector.shape_cast %parallel_loop3A_406 : vector<1x16xf32> to vector<16xf32>
        %parallel_loop3A_408 = vector.shape_cast %parallel_loop3A_402 : vector<16xf32> to vector<1x16xf32>
        tpu.vector_store %arg6[%parallel_loop3A_404, %parallel_loop3A_405], %parallel_loop3A_408 {strides = array<i32>} : memref<8x2048xf32, #tpu.memory_space<vmem>>, vector<1x16xf32>,
        %parallel_loop3A_409 = arith.constant 1 : i32
        %parallel_loop3A_410 = arith.index_cast %parallel_loop3A_409 : i32 to index
        %parallel_loop3A_411 = arith.index_cast %parallel_loop3A_394 : i32 to index
        %parallel_loop3A_412 = tpu.vector_load %arg6[%parallel_loop3A_410, %parallel_loop3A_411] {strides = array<i32>} : memref<8x2048xf32, #tpu.memory_space<vmem>>, vector<1x16xf32>,
        %parallel_loop3A_413 = vector.shape_cast %parallel_loop3A_412 : vector<1x16xf32> to vector<16xf32>
        %parallel_loop3A_414 = arith.constant 1.000000e+00 : f32
        %parallel_loop3A_415 = vector.broadcast %parallel_loop3A_414 : f32 to vector<16xf32>
        %parallel_loop3A_416 = arith.minimumf %parallel_loop3A_413, %parallel_loop3A_415 : vector<16xf32>
        %parallel_loop3A_417 = arith.constant 1 : i32
        %parallel_loop3A_418 = arith.index_cast %parallel_loop3A_417 : i32 to index
        %parallel_loop3A_419 = arith.index_cast %parallel_loop3A_394 : i32 to index
        %parallel_loop3A_420 = tpu.vector_load %arg6[%parallel_loop3A_418, %parallel_loop3A_419] {strides = array<i32>} : memref<8x2048xf32, #tpu.memory_space<vmem>>, vector<1x16xf32>,
        %parallel_loop3A_421 = vector.shape_cast %parallel_loop3A_420 : vector<1x16xf32> to vector<16xf32>
        %parallel_loop3A_422 = vector.shape_cast %parallel_loop3A_416 : vector<16xf32> to vector<1x16xf32>
        tpu.vector_store %arg6[%parallel_loop3A_418, %parallel_loop3A_419], %parallel_loop3A_422 {strides = array<i32>} : memref<8x2048xf32, #tpu.memory_space<vmem>>, vector<1x16xf32>,
        %parallel_loop3A_423 = arith.constant 2 : i32
        %parallel_loop3A_424 = arith.index_cast %parallel_loop3A_423 : i32 to index
        %parallel_loop3A_425 = arith.index_cast %parallel_loop3A_394 : i32 to index
        %parallel_loop3A_426 = tpu.vector_load %arg6[%parallel_loop3A_424, %parallel_loop3A_425] {strides = array<i32>} : memref<8x2048xf32, #tpu.memory_space<vmem>>, vector<1x16xf32>,
        %parallel_loop3A_427 = vector.shape_cast %parallel_loop3A_426 : vector<1x16xf32> to vector<16xf32>
        %parallel_loop3A_428 = arith.constant 1.000000e+00 : f32
        %parallel_loop3A_429 = vector.broadcast %parallel_loop3A_428 : f32 to vector<16xf32>
        %parallel_loop3A_430 = arith.minimumf %parallel_loop3A_427, %parallel_loop3A_429 : vector<16xf32>
        %parallel_loop3A_431 = arith.constant 2 : i32
        %parallel_loop3A_432 = arith.index_cast %parallel_loop3A_431 : i32 to index
        %parallel_loop3A_433 = arith.index_cast %parallel_loop3A_394 : i32 to index
        %parallel_loop3A_434 = tpu.vector_load %arg6[%parallel_loop3A_432, %parallel_loop3A_433] {strides = array<i32>} : memref<8x2048xf32, #tpu.memory_space<vmem>>, vector<1x16xf32>,
        %parallel_loop3A_435 = vector.shape_cast %parallel_loop3A_434 : vector<1x16xf32> to vector<16xf32>
        %parallel_loop3A_436 = vector.shape_cast %parallel_loop3A_430 : vector<16xf32> to vector<1x16xf32>
        tpu.vector_store %arg6[%parallel_loop3A_432, %parallel_loop3A_433], %parallel_loop3A_436 {strides = array<i32>} : memref<8x2048xf32, #tpu.memory_space<vmem>>, vector<1x16xf32>,
        %parallel_loop3A_437 = arith.constant 3 : i32
        %parallel_loop3A_438 = arith.index_cast %parallel_loop3A_437 : i32 to index
        %parallel_loop3A_439 = arith.index_cast %parallel_loop3A_394 : i32 to index
        %parallel_loop3A_440 = tpu.vector_load %arg6[%parallel_loop3A_438, %parallel_loop3A_439] {strides = array<i32>} : memref<8x2048xf32, #tpu.memory_space<vmem>>, vector<1x16xf32>,
        %parallel_loop3A_441 = vector.shape_cast %parallel_loop3A_440 : vector<1x16xf32> to vector<16xf32>
        %parallel_loop3A_442 = arith.constant 1.000000e+00 : f32
        %parallel_loop3A_443 = vector.broadcast %parallel_loop3A_442 : f32 to vector<16xf32>
        %parallel_loop3A_444 = arith.minimumf %parallel_loop3A_441, %parallel_loop3A_443 : vector<16xf32>
        %parallel_loop3A_445 = arith.constant 3 : i32
        %parallel_loop3A_446 = arith.index_cast %parallel_loop3A_445 : i32 to index
        %parallel_loop3A_447 = arith.index_cast %parallel_loop3A_394 : i32 to index
        %parallel_loop3A_448 = tpu.vector_load %arg6[%parallel_loop3A_446, %parallel_loop3A_447] {strides = array<i32>} : memref<8x2048xf32, #tpu.memory_space<vmem>>, vector<1x16xf32>,
        %parallel_loop3A_449 = vector.shape_cast %parallel_loop3A_448 : vector<1x16xf32> to vector<16xf32>
        %parallel_loop3A_450 = vector.shape_cast %parallel_loop3A_444 : vector<16xf32> to vector<1x16xf32>
        tpu.vector_store %arg6[%parallel_loop3A_446, %parallel_loop3A_447], %parallel_loop3A_450 {strides = array<i32>} : memref<8x2048xf32, #tpu.memory_space<vmem>>, vector<1x16xf32>,
        %parallel_loop3A_451 = arith.constant 4 : i32
        %parallel_loop3A_452 = arith.index_cast %parallel_loop3A_451 : i32 to index
        %parallel_loop3A_453 = arith.index_cast %parallel_loop3A_394 : i32 to index
        %parallel_loop3A_454 = tpu.vector_load %arg6[%parallel_loop3A_452, %parallel_loop3A_453] {strides = array<i32>} : memref<8x2048xf32, #tpu.memory_space<vmem>>, vector<1x16xf32>,
        %parallel_loop3A_455 = vector.shape_cast %parallel_loop3A_454 : vector<1x16xf32> to vector<16xf32>
        %parallel_loop3A_456 = arith.constant 1.000000e+00 : f32
        %parallel_loop3A_457 = vector.broadcast %parallel_loop3A_456 : f32 to vector<16xf32>
        %parallel_loop3A_458 = arith.minimumf %parallel_loop3A_455, %parallel_loop3A_457 : vector<16xf32>
        %parallel_loop3A_459 = arith.constant 4 : i32
        %parallel_loop3A_460 = arith.index_cast %parallel_loop3A_459 : i32 to index
        %parallel_loop3A_461 = arith.index_cast %parallel_loop3A_394 : i32 to index
        %parallel_loop3A_462 = tpu.vector_load %arg6[%parallel_loop3A_460, %parallel_loop3A_461] {strides = array<i32>} : memref<8x2048xf32, #tpu.memory_space<vmem>>, vector<1x16xf32>,
        %parallel_loop3A_463 = vector.shape_cast %parallel_loop3A_462 : vector<1x16xf32> to vector<16xf32>
        %parallel_loop3A_464 = vector.shape_cast %parallel_loop3A_458 : vector<16xf32> to vector<1x16xf32>
        tpu.vector_store %arg6[%parallel_loop3A_460, %parallel_loop3A_461], %parallel_loop3A_464 {strides = array<i32>} : memref<8x2048xf32, #tpu.memory_space<vmem>>, vector<1x16xf32>,
        %parallel_loop3A_465 = arith.constant 5 : i32
        %parallel_loop3A_466 = arith.index_cast %parallel_loop3A_465 : i32 to index
        %parallel_loop3A_467 = arith.index_cast %parallel_loop3A_394 : i32 to index
        %parallel_loop3A_468 = tpu.vector_load %arg6[%parallel_loop3A_466, %parallel_loop3A_467] {strides = array<i32>} : memref<8x2048xf32, #tpu.memory_space<vmem>>, vector<1x16xf32>,
        %parallel_loop3A_469 = vector.shape_cast %parallel_loop3A_468 : vector<1x16xf32> to vector<16xf32>
        %parallel_loop3A_470 = arith.constant 1.000000e+00 : f32
        %parallel_loop3A_471 = vector.broadcast %parallel_loop3A_470 : f32 to vector<16xf32>
        %parallel_loop3A_472 = arith.minimumf %parallel_loop3A_469, %parallel_loop3A_471 : vector<16xf32>
        %parallel_loop3A_473 = arith.constant 5 : i32
        %parallel_loop3A_474 = arith.index_cast %parallel_loop3A_473 : i32 to index
        %parallel_loop3A_475 = arith.index_cast %parallel_loop3A_394 : i32 to index
        %parallel_loop3A_476 = tpu.vector_load %arg6[%parallel_loop3A_474, %parallel_loop3A_475] {strides = array<i32>} : memref<8x2048xf32, #tpu.memory_space<vmem>>, vector<1x16xf32>,
        %parallel_loop3A_477 = vector.shape_cast %parallel_loop3A_476 : vector<1x16xf32> to vector<16xf32>
        %parallel_loop3A_478 = vector.shape_cast %parallel_loop3A_472 : vector<16xf32> to vector<1x16xf32>
        tpu.vector_store %arg6[%parallel_loop3A_474, %parallel_loop3A_475], %parallel_loop3A_478 {strides = array<i32>} : memref<8x2048xf32, #tpu.memory_space<vmem>>, vector<1x16xf32>,
        %parallel_loop3A_479 = arith.constant 6 : i32
        %parallel_loop3A_480 = arith.index_cast %parallel_loop3A_479 : i32 to index
        %parallel_loop3A_481 = arith.index_cast %parallel_loop3A_394 : i32 to index
        %parallel_loop3A_482 = tpu.vector_load %arg6[%parallel_loop3A_480, %parallel_loop3A_481] {strides = array<i32>} : memref<8x2048xf32, #tpu.memory_space<vmem>>, vector<1x16xf32>,
        %parallel_loop3A_483 = vector.shape_cast %parallel_loop3A_482 : vector<1x16xf32> to vector<16xf32>
        %parallel_loop3A_484 = arith.constant 1.000000e+00 : f32
        %parallel_loop3A_485 = vector.broadcast %parallel_loop3A_484 : f32 to vector<16xf32>
        %parallel_loop3A_486 = arith.minimumf %parallel_loop3A_483, %parallel_loop3A_485 : vector<16xf32>
        %parallel_loop3A_487 = arith.constant 6 : i32
        %parallel_loop3A_488 = arith.index_cast %parallel_loop3A_487 : i32 to index
        %parallel_loop3A_489 = arith.index_cast %parallel_loop3A_394 : i32 to index
        %parallel_loop3A_490 = tpu.vector_load %arg6[%parallel_loop3A_488, %parallel_loop3A_489] {strides = array<i32>} : memref<8x2048xf32, #tpu.memory_space<vmem>>, vector<1x16xf32>,
        %parallel_loop3A_491 = vector.shape_cast %parallel_loop3A_490 : vector<1x16xf32> to vector<16xf32>
        %parallel_loop3A_492 = vector.shape_cast %parallel_loop3A_486 : vector<16xf32> to vector<1x16xf32>
        tpu.vector_store %arg6[%parallel_loop3A_488, %parallel_loop3A_489], %parallel_loop3A_492 {strides = array<i32>} : memref<8x2048xf32, #tpu.memory_space<vmem>>, vector<1x16xf32>,
        %parallel_loop3A_493 = arith.constant 7 : i32
        %parallel_loop3A_494 = arith.index_cast %parallel_loop3A_493 : i32 to index
        %parallel_loop3A_495 = arith.index_cast %parallel_loop3A_394 : i32 to index
        %parallel_loop3A_496 = tpu.vector_load %arg6[%parallel_loop3A_494, %parallel_loop3A_495] {strides = array<i32>} : memref<8x2048xf32, #tpu.memory_space<vmem>>, vector<1x16xf32>,
        %parallel_loop3A_497 = vector.shape_cast %parallel_loop3A_496 : vector<1x16xf32> to vector<16xf32>
        %parallel_loop3A_498 = arith.constant 1.000000e+00 : f32
        %parallel_loop3A_499 = vector.broadcast %parallel_loop3A_498 : f32 to vector<16xf32>
        %parallel_loop3A_500 = arith.minimumf %parallel_loop3A_497, %parallel_loop3A_499 : vector<16xf32>
        %parallel_loop3A_501 = arith.constant 7 : i32
        %parallel_loop3A_502 = arith.index_cast %parallel_loop3A_501 : i32 to index
        %parallel_loop3A_503 = arith.index_cast %parallel_loop3A_394 : i32 to index
        %parallel_loop3A_504 = tpu.vector_load %arg6[%parallel_loop3A_502, %parallel_loop3A_503] {strides = array<i32>} : memref<8x2048xf32, #tpu.memory_space<vmem>>, vector<1x16xf32>,
        %parallel_loop3A_505 = vector.shape_cast %parallel_loop3A_504 : vector<1x16xf32> to vector<16xf32>
        %parallel_loop3A_506 = vector.shape_cast %parallel_loop3A_500 : vector<16xf32> to vector<1x16xf32>
        tpu.vector_store %arg6[%parallel_loop3A_502, %parallel_loop3A_503], %parallel_loop3A_506 {strides = array<i32>} : memref<8x2048xf32, #tpu.memory_space<vmem>>, vector<1x16xf32>,
      } {sc.loop_unroll_factor = 2 : i64, sc.parallel_access}
      %sub3A_352 = arith.constant 1 : i32
      %sub3A_353 = arith.subi %add3A_331, %sub3A_352 : i32
      %mul3A_354 = arith.constant 8 : i32
      %mul3A_355 = arith.muli %sub3A_353, %mul3A_354 : i32
      %add3A_356 = arith.addi %mul3A_6, %mul3A_355 : i32
      %dma_start3A_357 = arith.constant 0 : i32
      %dma_start3A_358 = tpu.memref_slice %arg3[%add3A_356, %dma_start3A_357] : memref<32768x2048xf32, #tpu.memory_space<hbm>> -> memref<8x2048xf32, #tpu.memory_space<hbm>>
      %dma_start3A_359 = arith.constant 0 : i32
      %dma_start3A_360 = tpu.memref_slice %arg3[%add3A_356, %dma_start3A_359] : memref<32768x2048xf32, #tpu.memory_space<hbm>> -> memref<8x2048xf32, #tpu.memory_space<hbm>>
      tpu.enqueue_dma source(%arg5 : memref<8x2048xf32, #tpu.memory_space<vmem>>) target(%dma_start3A_360 : memref<8x2048xf32, #tpu.memory_space<hbm>>) target_semaphore(%arg17 : memref<!tpu.dma_semaphore, #tpu.memory_space<semaphore_mem>>)
      %add3A_361 = arith.constant 4 : i32
      %add3A_362 = arith.addi %add3A_361, %add3A_196 : i32
      %add3A_363 = arith.constant 5 : i32
      %add3A_364 = arith.addi %add3A_362, %add3A_363 : i32
      %dma_wait3A_365 = arith.constant 0 : i32
      %dma_wait3A_366 = tpu.memref_slice %arg3[%mul3A_6, %dma_wait3A_365] : memref<32768x2048xf32, #tpu.memory_space<hbm>> -> memref<8x2048xf32, #tpu.memory_space<hbm>>
      %dma_wait3A_367 = arith.constant 0 : i32
      %dma_wait3A_368 = tpu.memref_slice %arg3[%mul3A_6, %dma_wait3A_367] : memref<32768x2048xf32, #tpu.memory_space<hbm>> -> memref<8x2048xf32, #tpu.memory_space<hbm>>
      tpu.wait_dma2 semaphore(%arg21 : memref<!tpu.dma_semaphore, #tpu.memory_space<semaphore_mem>>) src(%arg9 : memref<8x2048xf32, #tpu.memory_space<vmem>>) dst(%dma_wait3A_368 : memref<8x2048xf32, #tpu.memory_space<hbm>>)
      %add3A_369 = arith.constant 2 : i32
      %add3A_370 = arith.addi %add3A_364, %add3A_369 : i32
      %mul3A_371 = arith.constant 8 : i32
      %mul3A_372 = arith.muli %add3A_370, %mul3A_371 : i32
      %add3A_373 = arith.addi %add3A_4, %mul3A_372 : i32
      %dma_start3A_374 = arith.constant 0 : i32
      %dma_start3A_375 = tpu.memref_slice %arg2[%add3A_373, %dma_start3A_374] : memref<32768x2048xf32, #tpu.memory_space<hbm>> -> memref<8x2048xf32, #tpu.memory_space<hbm>>
      %dma_start3A_376 = arith.constant 0 : i32
      %dma_start3A_377 = tpu.memref_slice %arg2[%add3A_373, %dma_start3A_376] : memref<32768x2048xf32, #tpu.memory_space<hbm>> -> memref<8x2048xf32, #tpu.memory_space<hbm>>
      tpu.enqueue_dma source(%dma_start3A_377 : memref<8x2048xf32, #tpu.memory_space<hbm>>) target(%arg9 : memref<8x2048xf32, #tpu.memory_space<vmem>>) target_semaphore(%arg15 : memref<!tpu.dma_semaphore, #tpu.memory_space<semaphore_mem>>)
      %dma_wait3A_378 = arith.constant 0 : i32
      %dma_wait3A_379 = tpu.memref_slice %arg2[%add3A_4, %dma_wait3A_378] : memref<32768x2048xf32, #tpu.memory_space<hbm>> -> memref<8x2048xf32, #tpu.memory_space<hbm>>
      %dma_wait3A_380 = arith.constant 0 : i32
      %dma_wait3A_381 = tpu.memref_slice %arg2[%add3A_4, %dma_wait3A_380] : memref<32768x2048xf32, #tpu.memory_space<hbm>> -> memref<8x2048xf32, #tpu.memory_space<hbm>>
      tpu.wait_dma2 semaphore(%arg13 : memref<!tpu.dma_semaphore, #tpu.memory_space<semaphore_mem>>) src(%dma_wait3A_381 : memref<8x2048xf32, #tpu.memory_space<hbm>>) dst(%arg7 : memref<8x2048xf32, #tpu.memory_space<vmem>>)
      %parallel_loop3A_382 = arith.constant 0 : i32
      %parallel_loop3A_383 = arith.constant 2048 : i32
      %parallel_loop3A_384 = arith.constant 16 : i32
      scf.for %parallel_loop3A_394 = %parallel_loop3A_382 to %parallel_loop3A_383 step %parallel_loop3A_384  : i32 {
        %parallel_loop3A_395 = arith.constant 0 : i32
        %parallel_loop3A_396 = arith.index_cast %parallel_loop3A_395 : i32 to index
        %parallel_loop3A_397 = arith.index_cast %parallel_loop3A_394 : i32 to index
        %parallel_loop3A_398 = tpu.vector_load %arg7[%parallel_loop3A_396, %parallel_loop3A_397] {strides = array<i32>} : memref<8x2048xf32, #tpu.memory_space<vmem>>, vector<1x16xf32>,
        %parallel_loop3A_399 = vector.shape_cast %parallel_loop3A_398 : vector<1x16xf32> to vector<16xf32>
        %parallel_loop3A_400 = arith.constant 1.000000e+00 : f32
        %parallel_loop3A_401 = vector.broadcast %parallel_loop3A_400 : f32 to vector<16xf32>
        %parallel_loop3A_402 = arith.minimumf %parallel_loop3A_399, %parallel_loop3A_401 : vector<16xf32>
        %parallel_loop3A_403 = arith.constant 0 : i32
        %parallel_loop3A_404 = arith.index_cast %parallel_loop3A_403 : i32 to index
        %parallel_loop3A_405 = arith.index_cast %parallel_loop3A_394 : i32 to index
        %parallel_loop3A_406 = tpu.vector_load %arg7[%parallel_loop3A_404, %parallel_loop3A_405] {strides = array<i32>} : memref<8x2048xf32, #tpu.memory_space<vmem>>, vector<1x16xf32>,
        %parallel_loop3A_407 = vector.shape_cast %parallel_loop3A_406 : vector<1x16xf32> to vector<16xf32>
        %parallel_loop3A_408 = vector.shape_cast %parallel_loop3A_402 : vector<16xf32> to vector<1x16xf32>
        tpu.vector_store %arg7[%parallel_loop3A_404, %parallel_loop3A_405], %parallel_loop3A_408 {strides = array<i32>} : memref<8x2048xf32, #tpu.memory_space<vmem>>, vector<1x16xf32>,
        %parallel_loop3A_409 = arith.constant 1 : i32
        %parallel_loop3A_410 = arith.index_cast %parallel_loop3A_409 : i32 to index
        %parallel_loop3A_411 = arith.index_cast %parallel_loop3A_394 : i32 to index
        %parallel_loop3A_412 = tpu.vector_load %arg7[%parallel_loop3A_410, %parallel_loop3A_411] {strides = array<i32>} : memref<8x2048xf32, #tpu.memory_space<vmem>>, vector<1x16xf32>,
        %parallel_loop3A_413 = vector.shape_cast %parallel_loop3A_412 : vector<1x16xf32> to vector<16xf32>
        %parallel_loop3A_414 = arith.constant 1.000000e+00 : f32
        %parallel_loop3A_415 = vector.broadcast %parallel_loop3A_414 : f32 to vector<16xf32>
        %parallel_loop3A_416 = arith.minimumf %parallel_loop3A_413, %parallel_loop3A_415 : vector<16xf32>
        %parallel_loop3A_417 = arith.constant 1 : i32
        %parallel_loop3A_418 = arith.index_cast %parallel_loop3A_417 : i32 to index
        %parallel_loop3A_419 = arith.index_cast %parallel_loop3A_394 : i32 to index
        %parallel_loop3A_420 = tpu.vector_load %arg7[%parallel_loop3A_418, %parallel_loop3A_419] {strides = array<i32>} : memref<8x2048xf32, #tpu.memory_space<vmem>>, vector<1x16xf32>,
        %parallel_loop3A_421 = vector.shape_cast %parallel_loop3A_420 : vector<1x16xf32> to vector<16xf32>
        %parallel_loop3A_422 = vector.shape_cast %parallel_loop3A_416 : vector<16xf32> to vector<1x16xf32>
        tpu.vector_store %arg7[%parallel_loop3A_418, %parallel_loop3A_419], %parallel_loop3A_422 {strides = array<i32>} : memref<8x2048xf32, #tpu.memory_space<vmem>>, vector<1x16xf32>,
        %parallel_loop3A_423 = arith.constant 2 : i32
        %parallel_loop3A_424 = arith.index_cast %parallel_loop3A_423 : i32 to index
        %parallel_loop3A_425 = arith.index_cast %parallel_loop3A_394 : i32 to index
        %parallel_loop3A_426 = tpu.vector_load %arg7[%parallel_loop3A_424, %parallel_loop3A_425] {strides = array<i32>} : memref<8x2048xf32, #tpu.memory_space<vmem>>, vector<1x16xf32>,
        %parallel_loop3A_427 = vector.shape_cast %parallel_loop3A_426 : vector<1x16xf32> to vector<16xf32>
        %parallel_loop3A_428 = arith.constant 1.000000e+00 : f32
        %parallel_loop3A_429 = vector.broadcast %parallel_loop3A_428 : f32 to vector<16xf32>
        %parallel_loop3A_430 = arith.minimumf %parallel_loop3A_427, %parallel_loop3A_429 : vector<16xf32>
        %parallel_loop3A_431 = arith.constant 2 : i32
        %parallel_loop3A_432 = arith.index_cast %parallel_loop3A_431 : i32 to index
        %parallel_loop3A_433 = arith.index_cast %parallel_loop3A_394 : i32 to index
        %parallel_loop3A_434 = tpu.vector_load %arg7[%parallel_loop3A_432, %parallel_loop3A_433] {strides = array<i32>} : memref<8x2048xf32, #tpu.memory_space<vmem>>, vector<1x16xf32>,
        %parallel_loop3A_435 = vector.shape_cast %parallel_loop3A_434 : vector<1x16xf32> to vector<16xf32>
        %parallel_loop3A_436 = vector.shape_cast %parallel_loop3A_430 : vector<16xf32> to vector<1x16xf32>
        tpu.vector_store %arg7[%parallel_loop3A_432, %parallel_loop3A_433], %parallel_loop3A_436 {strides = array<i32>} : memref<8x2048xf32, #tpu.memory_space<vmem>>, vector<1x16xf32>,
        %parallel_loop3A_437 = arith.constant 3 : i32
        %parallel_loop3A_438 = arith.index_cast %parallel_loop3A_437 : i32 to index
        %parallel_loop3A_439 = arith.index_cast %parallel_loop3A_394 : i32 to index
        %parallel_loop3A_440 = tpu.vector_load %arg7[%parallel_loop3A_438, %parallel_loop3A_439] {strides = array<i32>} : memref<8x2048xf32, #tpu.memory_space<vmem>>, vector<1x16xf32>,
        %parallel_loop3A_441 = vector.shape_cast %parallel_loop3A_440 : vector<1x16xf32> to vector<16xf32>
        %parallel_loop3A_442 = arith.constant 1.000000e+00 : f32
        %parallel_loop3A_443 = vector.broadcast %parallel_loop3A_442 : f32 to vector<16xf32>
        %parallel_loop3A_444 = arith.minimumf %parallel_loop3A_441, %parallel_loop3A_443 : vector<16xf32>
        %parallel_loop3A_445 = arith.constant 3 : i32
        %parallel_loop3A_446 = arith.index_cast %parallel_loop3A_445 : i32 to index
        %parallel_loop3A_447 = arith.index_cast %parallel_loop3A_394 : i32 to index
        %parallel_loop3A_448 = tpu.vector_load %arg7[%parallel_loop3A_446, %parallel_loop3A_447] {strides = array<i32>} : memref<8x2048xf32, #tpu.memory_space<vmem>>, vector<1x16xf32>,
        %parallel_loop3A_449 = vector.shape_cast %parallel_loop3A_448 : vector<1x16xf32> to vector<16xf32>
        %parallel_loop3A_450 = vector.shape_cast %parallel_loop3A_444 : vector<16xf32> to vector<1x16xf32>
        tpu.vector_store %arg7[%parallel_loop3A_446, %parallel_loop3A_447], %parallel_loop3A_450 {strides = array<i32>} : memref<8x2048xf32, #tpu.memory_space<vmem>>, vector<1x16xf32>,
        %parallel_loop3A_451 = arith.constant 4 : i32
        %parallel_loop3A_452 = arith.index_cast %parallel_loop3A_451 : i32 to index
        %parallel_loop3A_453 = arith.index_cast %parallel_loop3A_394 : i32 to index
        %parallel_loop3A_454 = tpu.vector_load %arg7[%parallel_loop3A_452, %parallel_loop3A_453] {strides = array<i32>} : memref<8x2048xf32, #tpu.memory_space<vmem>>, vector<1x16xf32>,
        %parallel_loop3A_455 = vector.shape_cast %parallel_loop3A_454 : vector<1x16xf32> to vector<16xf32>
        %parallel_loop3A_456 = arith.constant 1.000000e+00 : f32
        %parallel_loop3A_457 = vector.broadcast %parallel_loop3A_456 : f32 to vector<16xf32>
        %parallel_loop3A_458 = arith.minimumf %parallel_loop3A_455, %parallel_loop3A_457 : vector<16xf32>
        %parallel_loop3A_459 = arith.constant 4 : i32
        %parallel_loop3A_460 = arith.index_cast %parallel_loop3A_459 : i32 to index
        %parallel_loop3A_461 = arith.index_cast %parallel_loop3A_394 : i32 to index
        %parallel_loop3A_462 = tpu.vector_load %arg7[%parallel_loop3A_460, %parallel_loop3A_461] {strides = array<i32>} : memref<8x2048xf32, #tpu.memory_space<vmem>>, vector<1x16xf32>,
        %parallel_loop3A_463 = vector.shape_cast %parallel_loop3A_462 : vector<1x16xf32> to vector<16xf32>
        %parallel_loop3A_464 = vector.shape_cast %parallel_loop3A_458 : vector<16xf32> to vector<1x16xf32>
        tpu.vector_store %arg7[%parallel_loop3A_460, %parallel_loop3A_461], %parallel_loop3A_464 {strides = array<i32>} : memref<8x2048xf32, #tpu.memory_space<vmem>>, vector<1x16xf32>,
        %parallel_loop3A_465 = arith.constant 5 : i32
        %parallel_loop3A_466 = arith.index_cast %parallel_loop3A_465 : i32 to index
        %parallel_loop3A_467 = arith.index_cast %parallel_loop3A_394 : i32 to index
        %parallel_loop3A_468 = tpu.vector_load %arg7[%parallel_loop3A_466, %parallel_loop3A_467] {strides = array<i32>} : memref<8x2048xf32, #tpu.memory_space<vmem>>, vector<1x16xf32>,
        %parallel_loop3A_469 = vector.shape_cast %parallel_loop3A_468 : vector<1x16xf32> to vector<16xf32>
        %parallel_loop3A_470 = arith.constant 1.000000e+00 : f32
        %parallel_loop3A_471 = vector.broadcast %parallel_loop3A_470 : f32 to vector<16xf32>
        %parallel_loop3A_472 = arith.minimumf %parallel_loop3A_469, %parallel_loop3A_471 : vector<16xf32>
        %parallel_loop3A_473 = arith.constant 5 : i32
        %parallel_loop3A_474 = arith.index_cast %parallel_loop3A_473 : i32 to index
        %parallel_loop3A_475 = arith.index_cast %parallel_loop3A_394 : i32 to index
        %parallel_loop3A_476 = tpu.vector_load %arg7[%parallel_loop3A_474, %parallel_loop3A_475] {strides = array<i32>} : memref<8x2048xf32, #tpu.memory_space<vmem>>, vector<1x16xf32>,
        %parallel_loop3A_477 = vector.shape_cast %parallel_loop3A_476 : vector<1x16xf32> to vector<16xf32>
        %parallel_loop3A_478 = vector.shape_cast %parallel_loop3A_472 : vector<16xf32> to vector<1x16xf32>
        tpu.vector_store %arg7[%parallel_loop3A_474, %parallel_loop3A_475], %parallel_loop3A_478 {strides = array<i32>} : memref<8x2048xf32, #tpu.memory_space<vmem>>, vector<1x16xf32>,
        %parallel_loop3A_479 = arith.constant 6 : i32
        %parallel_loop3A_480 = arith.index_cast %parallel_loop3A_479 : i32 to index
        %parallel_loop3A_481 = arith.index_cast %parallel_loop3A_394 : i32 to index
        %parallel_loop3A_482 = tpu.vector_load %arg7[%parallel_loop3A_480, %parallel_loop3A_481] {strides = array<i32>} : memref<8x2048xf32, #tpu.memory_space<vmem>>, vector<1x16xf32>,
        %parallel_loop3A_483 = vector.shape_cast %parallel_loop3A_482 : vector<1x16xf32> to vector<16xf32>
        %parallel_loop3A_484 = arith.constant 1.000000e+00 : f32
        %parallel_loop3A_485 = vector.broadcast %parallel_loop3A_484 : f32 to vector<16xf32>
        %parallel_loop3A_486 = arith.minimumf %parallel_loop3A_483, %parallel_loop3A_485 : vector<16xf32>
        %parallel_loop3A_487 = arith.constant 6 : i32
        %parallel_loop3A_488 = arith.index_cast %parallel_loop3A_487 : i32 to index
        %parallel_loop3A_489 = arith.index_cast %parallel_loop3A_394 : i32 to index
        %parallel_loop3A_490 = tpu.vector_load %arg7[%parallel_loop3A_488, %parallel_loop3A_489] {strides = array<i32>} : memref<8x2048xf32, #tpu.memory_space<vmem>>, vector<1x16xf32>,
        %parallel_loop3A_491 = vector.shape_cast %parallel_loop3A_490 : vector<1x16xf32> to vector<16xf32>
        %parallel_loop3A_492 = vector.shape_cast %parallel_loop3A_486 : vector<16xf32> to vector<1x16xf32>
        tpu.vector_store %arg7[%parallel_loop3A_488, %parallel_loop3A_489], %parallel_loop3A_492 {strides = array<i32>} : memref<8x2048xf32, #tpu.memory_space<vmem>>, vector<1x16xf32>,
        %parallel_loop3A_493 = arith.constant 7 : i32
        %parallel_loop3A_494 = arith.index_cast %parallel_loop3A_493 : i32 to index
        %parallel_loop3A_495 = arith.index_cast %parallel_loop3A_394 : i32 to index
        %parallel_loop3A_496 = tpu.vector_load %arg7[%parallel_loop3A_494, %parallel_loop3A_495] {strides = array<i32>} : memref<8x2048xf32, #tpu.memory_space<vmem>>, vector<1x16xf32>,
        %parallel_loop3A_497 = vector.shape_cast %parallel_loop3A_496 : vector<1x16xf32> to vector<16xf32>
        %parallel_loop3A_498 = arith.constant 1.000000e+00 : f32
        %parallel_loop3A_499 = vector.broadcast %parallel_loop3A_498 : f32 to vector<16xf32>
        %parallel_loop3A_500 = arith.minimumf %parallel_loop3A_497, %parallel_loop3A_499 : vector<16xf32>
        %parallel_loop3A_501 = arith.constant 7 : i32
        %parallel_loop3A_502 = arith.index_cast %parallel_loop3A_501 : i32 to index
        %parallel_loop3A_503 = arith.index_cast %parallel_loop3A_394 : i32 to index
        %parallel_loop3A_504 = tpu.vector_load %arg7[%parallel_loop3A_502, %parallel_loop3A_503] {strides = array<i32>} : memref<8x2048xf32, #tpu.memory_space<vmem>>, vector<1x16xf32>,
        %parallel_loop3A_505 = vector.shape_cast %parallel_loop3A_504 : vector<1x16xf32> to vector<16xf32>
        %parallel_loop3A_506 = vector.shape_cast %parallel_loop3A_500 : vector<16xf32> to vector<1x16xf32>
        tpu.vector_store %arg7[%parallel_loop3A_502, %parallel_loop3A_503], %parallel_loop3A_506 {strides = array<i32>} : memref<8x2048xf32, #tpu.memory_space<vmem>>, vector<1x16xf32>,
      } {sc.loop_unroll_factor = 2 : i64, sc.parallel_access}
      %sub3A_385 = arith.constant 1 : i32
      %sub3A_386 = arith.subi %add3A_364, %sub3A_385 : i32
      %mul3A_387 = arith.constant 8 : i32
      %mul3A_388 = arith.muli %sub3A_386, %mul3A_387 : i32
      %add3A_389 = arith.addi %mul3A_6, %mul3A_388 : i32
      %dma_start3A_390 = arith.constant 0 : i32
      %dma_start3A_391 = tpu.memref_slice %arg3[%add3A_389, %dma_start3A_390] : memref<32768x2048xf32, #tpu.memory_space<hbm>> -> memref<8x2048xf32, #tpu.memory_space<hbm>>
      %dma_start3A_392 = arith.constant 0 : i32
      %dma_start3A_393 = tpu.memref_slice %arg3[%add3A_389, %dma_start3A_392] : memref<32768x2048xf32, #tpu.memory_space<hbm>> -> memref<8x2048xf32, #tpu.memory_space<hbm>>
      tpu.enqueue_dma source(%arg6 : memref<8x2048xf32, #tpu.memory_space<vmem>>) target(%dma_start3A_393 : memref<8x2048xf32, #tpu.memory_space<hbm>>) target_semaphore(%arg18 : memref<!tpu.dma_semaphore, #tpu.memory_space<semaphore_mem>>)
    }
    %scan3A_89 = arith.constant 20 : i32
    %dma_wait3A_90 = arith.constant 0 : i32
    %dma_wait3A_91 = tpu.memref_slice %arg3[%mul3A_6, %dma_wait3A_90] : memref<32768x2048xf32, #tpu.memory_space<hbm>> -> memref<8x2048xf32, #tpu.memory_space<hbm>>
    %dma_wait3A_92 = arith.constant 0 : i32
    %dma_wait3A_93 = tpu.memref_slice %arg3[%mul3A_6, %dma_wait3A_92] : memref<32768x2048xf32, #tpu.memory_space<hbm>> -> memref<8x2048xf32, #tpu.memory_space<hbm>>
    tpu.wait_dma2 semaphore(%arg16 : memref<!tpu.dma_semaphore, #tpu.memory_space<semaphore_mem>>) src(%arg4 : memref<8x2048xf32, #tpu.memory_space<vmem>>) dst(%dma_wait3A_93 : memref<8x2048xf32, #tpu.memory_space<hbm>>)
    %add3A_94 = arith.constant 1008 : i32
    %add3A_95 = arith.addi %add3A_4, %add3A_94 : i32
    %dma_start3A_96 = arith.constant 0 : i32
    %dma_start3A_97 = tpu.memref_slice %arg2[%add3A_95, %dma_start3A_96] : memref<32768x2048xf32, #tpu.memory_space<hbm>> -> memref<8x2048xf32, #tpu.memory_space<hbm>>
    %dma_start3A_98 = arith.constant 0 : i32
    %dma_start3A_99 = tpu.memref_slice %arg2[%add3A_95, %dma_start3A_98] : memref<32768x2048xf32, #tpu.memory_space<hbm>> -> memref<8x2048xf32, #tpu.memory_space<hbm>>
    tpu.enqueue_dma source(%dma_start3A_99 : memref<8x2048xf32, #tpu.memory_space<hbm>>) target(%arg4 : memref<8x2048xf32, #tpu.memory_space<vmem>>) target_semaphore(%arg10 : memref<!tpu.dma_semaphore, #tpu.memory_space<semaphore_mem>>)
    %dma_wait3A_100 = arith.constant 0 : i32
    %dma_wait3A_101 = tpu.memref_slice %arg2[%add3A_4, %dma_wait3A_100] : memref<32768x2048xf32, #tpu.memory_space<hbm>> -> memref<8x2048xf32, #tpu.memory_space<hbm>>
    %dma_wait3A_102 = arith.constant 0 : i32
    %dma_wait3A_103 = tpu.memref_slice %arg2[%add3A_4, %dma_wait3A_102] : memref<32768x2048xf32, #tpu.memory_space<hbm>> -> memref<8x2048xf32, #tpu.memory_space<hbm>>
    tpu.wait_dma2 semaphore(%arg14 : memref<!tpu.dma_semaphore, #tpu.memory_space<semaphore_mem>>) src(%dma_wait3A_103 : memref<8x2048xf32, #tpu.memory_space<hbm>>) dst(%arg8 : memref<8x2048xf32, #tpu.memory_space<vmem>>)
    %parallel_loop3A_104 = arith.constant 0 : i32
    %parallel_loop3A_105 = arith.constant 2048 : i32
    %parallel_loop3A_106 = arith.constant 16 : i32
    scf.for %parallel_loop3A_192 = %parallel_loop3A_104 to %parallel_loop3A_105 step %parallel_loop3A_106  : i32 {
      %parallel_loop3A_193 = arith.constant 0 : i32
      %parallel_loop3A_194 = arith.index_cast %parallel_loop3A_193 : i32 to index
      %parallel_loop3A_195 = arith.index_cast %parallel_loop3A_192 : i32 to index
      %parallel_loop3A_196 = tpu.vector_load %arg8[%parallel_loop3A_194, %parallel_loop3A_195] {strides = array<i32>} : memref<8x2048xf32, #tpu.memory_space<vmem>>, vector<1x16xf32>,
      %parallel_loop3A_197 = vector.shape_cast %parallel_loop3A_196 : vector<1x16xf32> to vector<16xf32>
      %parallel_loop3A_198 = arith.constant 1.000000e+00 : f32
      %parallel_loop3A_199 = vector.broadcast %parallel_loop3A_198 : f32 to vector<16xf32>
      %parallel_loop3A_200 = arith.minimumf %parallel_loop3A_197, %parallel_loop3A_199 : vector<16xf32>
      %parallel_loop3A_201 = arith.constant 0 : i32
      %parallel_loop3A_202 = arith.index_cast %parallel_loop3A_201 : i32 to index
      %parallel_loop3A_203 = arith.index_cast %parallel_loop3A_192 : i32 to index
      %parallel_loop3A_204 = tpu.vector_load %arg8[%parallel_loop3A_202, %parallel_loop3A_203] {strides = array<i32>} : memref<8x2048xf32, #tpu.memory_space<vmem>>, vector<1x16xf32>,
      %parallel_loop3A_205 = vector.shape_cast %parallel_loop3A_204 : vector<1x16xf32> to vector<16xf32>
      %parallel_loop3A_206 = vector.shape_cast %parallel_loop3A_200 : vector<16xf32> to vector<1x16xf32>
      tpu.vector_store %arg8[%parallel_loop3A_202, %parallel_loop3A_203], %parallel_loop3A_206 {strides = array<i32>} : memref<8x2048xf32, #tpu.memory_space<vmem>>, vector<1x16xf32>,
      %parallel_loop3A_207 = arith.constant 1 : i32
      %parallel_loop3A_208 = arith.index_cast %parallel_loop3A_207 : i32 to index
      %parallel_loop3A_209 = arith.index_cast %parallel_loop3A_192 : i32 to index
      %parallel_loop3A_210 = tpu.vector_load %arg8[%parallel_loop3A_208, %parallel_loop3A_209] {strides = array<i32>} : memref<8x2048xf32, #tpu.memory_space<vmem>>, vector<1x16xf32>,
      %parallel_loop3A_211 = vector.shape_cast %parallel_loop3A_210 : vector<1x16xf32> to vector<16xf32>
      %parallel_loop3A_212 = arith.constant 1.000000e+00 : f32
      %parallel_loop3A_213 = vector.broadcast %parallel_loop3A_212 : f32 to vector<16xf32>
      %parallel_loop3A_214 = arith.minimumf %parallel_loop3A_211, %parallel_loop3A_213 : vector<16xf32>
      %parallel_loop3A_215 = arith.constant 1 : i32
      %parallel_loop3A_216 = arith.index_cast %parallel_loop3A_215 : i32 to index
      %parallel_loop3A_217 = arith.index_cast %parallel_loop3A_192 : i32 to index
      %parallel_loop3A_218 = tpu.vector_load %arg8[%parallel_loop3A_216, %parallel_loop3A_217] {strides = array<i32>} : memref<8x2048xf32, #tpu.memory_space<vmem>>, vector<1x16xf32>,
      %parallel_loop3A_219 = vector.shape_cast %parallel_loop3A_218 : vector<1x16xf32> to vector<16xf32>
      %parallel_loop3A_220 = vector.shape_cast %parallel_loop3A_214 : vector<16xf32> to vector<1x16xf32>
      tpu.vector_store %arg8[%parallel_loop3A_216, %parallel_loop3A_217], %parallel_loop3A_220 {strides = array<i32>} : memref<8x2048xf32, #tpu.memory_space<vmem>>, vector<1x16xf32>,
      %parallel_loop3A_221 = arith.constant 2 : i32
      %parallel_loop3A_222 = arith.index_cast %parallel_loop3A_221 : i32 to index
      %parallel_loop3A_223 = arith.index_cast %parallel_loop3A_192 : i32 to index
      %parallel_loop3A_224 = tpu.vector_load %arg8[%parallel_loop3A_222, %parallel_loop3A_223] {strides = array<i32>} : memref<8x2048xf32, #tpu.memory_space<vmem>>, vector<1x16xf32>,
      %parallel_loop3A_225 = vector.shape_cast %parallel_loop3A_224 : vector<1x16xf32> to vector<16xf32>
      %parallel_loop3A_226 = arith.constant 1.000000e+00 : f32
      %parallel_loop3A_227 = vector.broadcast %parallel_loop3A_226 : f32 to vector<16xf32>
      %parallel_loop3A_228 = arith.minimumf %parallel_loop3A_225, %parallel_loop3A_227 : vector<16xf32>
      %parallel_loop3A_229 = arith.constant 2 : i32
      %parallel_loop3A_230 = arith.index_cast %parallel_loop3A_229 : i32 to index
      %parallel_loop3A_231 = arith.index_cast %parallel_loop3A_192 : i32 to index
      %parallel_loop3A_232 = tpu.vector_load %arg8[%parallel_loop3A_230, %parallel_loop3A_231] {strides = array<i32>} : memref<8x2048xf32, #tpu.memory_space<vmem>>, vector<1x16xf32>,
      %parallel_loop3A_233 = vector.shape_cast %parallel_loop3A_232 : vector<1x16xf32> to vector<16xf32>
      %parallel_loop3A_234 = vector.shape_cast %parallel_loop3A_228 : vector<16xf32> to vector<1x16xf32>
      tpu.vector_store %arg8[%parallel_loop3A_230, %parallel_loop3A_231], %parallel_loop3A_234 {strides = array<i32>} : memref<8x2048xf32, #tpu.memory_space<vmem>>, vector<1x16xf32>,
      %parallel_loop3A_235 = arith.constant 3 : i32
      %parallel_loop3A_236 = arith.index_cast %parallel_loop3A_235 : i32 to index
      %parallel_loop3A_237 = arith.index_cast %parallel_loop3A_192 : i32 to index
      %parallel_loop3A_238 = tpu.vector_load %arg8[%parallel_loop3A_236, %parallel_loop3A_237] {strides = array<i32>} : memref<8x2048xf32, #tpu.memory_space<vmem>>, vector<1x16xf32>,
      %parallel_loop3A_239 = vector.shape_cast %parallel_loop3A_238 : vector<1x16xf32> to vector<16xf32>
      %parallel_loop3A_240 = arith.constant 1.000000e+00 : f32
      %parallel_loop3A_241 = vector.broadcast %parallel_loop3A_240 : f32 to vector<16xf32>
      %parallel_loop3A_242 = arith.minimumf %parallel_loop3A_239, %parallel_loop3A_241 : vector<16xf32>
      %parallel_loop3A_243 = arith.constant 3 : i32
      %parallel_loop3A_244 = arith.index_cast %parallel_loop3A_243 : i32 to index
      %parallel_loop3A_245 = arith.index_cast %parallel_loop3A_192 : i32 to index
      %parallel_loop3A_246 = tpu.vector_load %arg8[%parallel_loop3A_244, %parallel_loop3A_245] {strides = array<i32>} : memref<8x2048xf32, #tpu.memory_space<vmem>>, vector<1x16xf32>,
      %parallel_loop3A_247 = vector.shape_cast %parallel_loop3A_246 : vector<1x16xf32> to vector<16xf32>
      %parallel_loop3A_248 = vector.shape_cast %parallel_loop3A_242 : vector<16xf32> to vector<1x16xf32>
      tpu.vector_store %arg8[%parallel_loop3A_244, %parallel_loop3A_245], %parallel_loop3A_248 {strides = array<i32>} : memref<8x2048xf32, #tpu.memory_space<vmem>>, vector<1x16xf32>,
      %parallel_loop3A_249 = arith.constant 4 : i32
      %parallel_loop3A_250 = arith.index_cast %parallel_loop3A_249 : i32 to index
      %parallel_loop3A_251 = arith.index_cast %parallel_loop3A_192 : i32 to index
      %parallel_loop3A_252 = tpu.vector_load %arg8[%parallel_loop3A_250, %parallel_loop3A_251] {strides = array<i32>} : memref<8x2048xf32, #tpu.memory_space<vmem>>, vector<1x16xf32>,
      %parallel_loop3A_253 = vector.shape_cast %parallel_loop3A_252 : vector<1x16xf32> to vector<16xf32>
      %parallel_loop3A_254 = arith.constant 1.000000e+00 : f32
      %parallel_loop3A_255 = vector.broadcast %parallel_loop3A_254 : f32 to vector<16xf32>
      %parallel_loop3A_256 = arith.minimumf %parallel_loop3A_253, %parallel_loop3A_255 : vector<16xf32>
      %parallel_loop3A_257 = arith.constant 4 : i32
      %parallel_loop3A_258 = arith.index_cast %parallel_loop3A_257 : i32 to index
      %parallel_loop3A_259 = arith.index_cast %parallel_loop3A_192 : i32 to index
      %parallel_loop3A_260 = tpu.vector_load %arg8[%parallel_loop3A_258, %parallel_loop3A_259] {strides = array<i32>} : memref<8x2048xf32, #tpu.memory_space<vmem>>, vector<1x16xf32>,
      %parallel_loop3A_261 = vector.shape_cast %parallel_loop3A_260 : vector<1x16xf32> to vector<16xf32>
      %parallel_loop3A_262 = vector.shape_cast %parallel_loop3A_256 : vector<16xf32> to vector<1x16xf32>
      tpu.vector_store %arg8[%parallel_loop3A_258, %parallel_loop3A_259], %parallel_loop3A_262 {strides = array<i32>} : memref<8x2048xf32, #tpu.memory_space<vmem>>, vector<1x16xf32>,
      %parallel_loop3A_263 = arith.constant 5 : i32
      %parallel_loop3A_264 = arith.index_cast %parallel_loop3A_263 : i32 to index
      %parallel_loop3A_265 = arith.index_cast %parallel_loop3A_192 : i32 to index
      %parallel_loop3A_266 = tpu.vector_load %arg8[%parallel_loop3A_264, %parallel_loop3A_265] {strides = array<i32>} : memref<8x2048xf32, #tpu.memory_space<vmem>>, vector<1x16xf32>,
      %parallel_loop3A_267 = vector.shape_cast %parallel_loop3A_266 : vector<1x16xf32> to vector<16xf32>
      %parallel_loop3A_268 = arith.constant 1.000000e+00 : f32
      %parallel_loop3A_269 = vector.broadcast %parallel_loop3A_268 : f32 to vector<16xf32>
      %parallel_loop3A_270 = arith.minimumf %parallel_loop3A_267, %parallel_loop3A_269 : vector<16xf32>
      %parallel_loop3A_271 = arith.constant 5 : i32
      %parallel_loop3A_272 = arith.index_cast %parallel_loop3A_271 : i32 to index
      %parallel_loop3A_273 = arith.index_cast %parallel_loop3A_192 : i32 to index
      %parallel_loop3A_274 = tpu.vector_load %arg8[%parallel_loop3A_272, %parallel_loop3A_273] {strides = array<i32>} : memref<8x2048xf32, #tpu.memory_space<vmem>>, vector<1x16xf32>,
      %parallel_loop3A_275 = vector.shape_cast %parallel_loop3A_274 : vector<1x16xf32> to vector<16xf32>
      %parallel_loop3A_276 = vector.shape_cast %parallel_loop3A_270 : vector<16xf32> to vector<1x16xf32>
      tpu.vector_store %arg8[%parallel_loop3A_272, %parallel_loop3A_273], %parallel_loop3A_276 {strides = array<i32>} : memref<8x2048xf32, #tpu.memory_space<vmem>>, vector<1x16xf32>,
      %parallel_loop3A_277 = arith.constant 6 : i32
      %parallel_loop3A_278 = arith.index_cast %parallel_loop3A_277 : i32 to index
      %parallel_loop3A_279 = arith.index_cast %parallel_loop3A_192 : i32 to index
      %parallel_loop3A_280 = tpu.vector_load %arg8[%parallel_loop3A_278, %parallel_loop3A_279] {strides = array<i32>} : memref<8x2048xf32, #tpu.memory_space<vmem>>, vector<1x16xf32>,
      %parallel_loop3A_281 = vector.shape_cast %parallel_loop3A_280 : vector<1x16xf32> to vector<16xf32>
      %parallel_loop3A_282 = arith.constant 1.000000e+00 : f32
      %parallel_loop3A_283 = vector.broadcast %parallel_loop3A_282 : f32 to vector<16xf32>
      %parallel_loop3A_284 = arith.minimumf %parallel_loop3A_281, %parallel_loop3A_283 : vector<16xf32>
      %parallel_loop3A_285 = arith.constant 6 : i32
      %parallel_loop3A_286 = arith.index_cast %parallel_loop3A_285 : i32 to index
      %parallel_loop3A_287 = arith.index_cast %parallel_loop3A_192 : i32 to index
      %parallel_loop3A_288 = tpu.vector_load %arg8[%parallel_loop3A_286, %parallel_loop3A_287] {strides = array<i32>} : memref<8x2048xf32, #tpu.memory_space<vmem>>, vector<1x16xf32>,
      %parallel_loop3A_289 = vector.shape_cast %parallel_loop3A_288 : vector<1x16xf32> to vector<16xf32>
      %parallel_loop3A_290 = vector.shape_cast %parallel_loop3A_284 : vector<16xf32> to vector<1x16xf32>
      tpu.vector_store %arg8[%parallel_loop3A_286, %parallel_loop3A_287], %parallel_loop3A_290 {strides = array<i32>} : memref<8x2048xf32, #tpu.memory_space<vmem>>, vector<1x16xf32>,
      %parallel_loop3A_291 = arith.constant 7 : i32
      %parallel_loop3A_292 = arith.index_cast %parallel_loop3A_291 : i32 to index
      %parallel_loop3A_293 = arith.index_cast %parallel_loop3A_192 : i32 to index
      %parallel_loop3A_294 = tpu.vector_load %arg8[%parallel_loop3A_292, %parallel_loop3A_293] {strides = array<i32>} : memref<8x2048xf32, #tpu.memory_space<vmem>>, vector<1x16xf32>,
      %parallel_loop3A_295 = vector.shape_cast %parallel_loop3A_294 : vector<1x16xf32> to vector<16xf32>
      %parallel_loop3A_296 = arith.constant 1.000000e+00 : f32
      %parallel_loop3A_297 = vector.broadcast %parallel_loop3A_296 : f32 to vector<16xf32>
      %parallel_loop3A_298 = arith.minimumf %parallel_loop3A_295, %parallel_loop3A_297 : vector<16xf32>
      %parallel_loop3A_299 = arith.constant 7 : i32
      %parallel_loop3A_300 = arith.index_cast %parallel_loop3A_299 : i32 to index
      %parallel_loop3A_301 = arith.index_cast %parallel_loop3A_192 : i32 to index
      %parallel_loop3A_302 = tpu.vector_load %arg8[%parallel_loop3A_300, %parallel_loop3A_301] {strides = array<i32>} : memref<8x2048xf32, #tpu.memory_space<vmem>>, vector<1x16xf32>,
      %parallel_loop3A_303 = vector.shape_cast %parallel_loop3A_302 : vector<1x16xf32> to vector<16xf32>
      %parallel_loop3A_304 = vector.shape_cast %parallel_loop3A_298 : vector<16xf32> to vector<1x16xf32>
      tpu.vector_store %arg8[%parallel_loop3A_300, %parallel_loop3A_301], %parallel_loop3A_304 {strides = array<i32>} : memref<8x2048xf32, #tpu.memory_space<vmem>>, vector<1x16xf32>,
    } {sc.loop_unroll_factor = 2 : i64, sc.parallel_access}
    %add3A_107 = arith.constant 984 : i32
    %add3A_108 = arith.addi %mul3A_6, %add3A_107 : i32
    %dma_start3A_109 = arith.constant 0 : i32
    %dma_start3A_110 = tpu.memref_slice %arg3[%add3A_108, %dma_start3A_109] : memref<32768x2048xf32, #tpu.memory_space<hbm>> -> memref<8x2048xf32, #tpu.memory_space<hbm>>
    %dma_start3A_111 = arith.constant 0 : i32
    %dma_start3A_112 = tpu.memref_slice %arg3[%add3A_108, %dma_start3A_111] : memref<32768x2048xf32, #tpu.memory_space<hbm>> -> memref<8x2048xf32, #tpu.memory_space<hbm>>
    tpu.enqueue_dma source(%arg7 : memref<8x2048xf32, #tpu.memory_space<vmem>>) target(%dma_start3A_112 : memref<8x2048xf32, #tpu.memory_space<hbm>>) target_semaphore(%arg19 : memref<!tpu.dma_semaphore, #tpu.memory_space<semaphore_mem>>)
    %dma_wait3A_113 = arith.constant 0 : i32
    %dma_wait3A_114 = tpu.memref_slice %arg3[%mul3A_6, %dma_wait3A_113] : memref<32768x2048xf32, #tpu.memory_space<hbm>> -> memref<8x2048xf32, #tpu.memory_space<hbm>>
    %dma_wait3A_115 = arith.constant 0 : i32
    %dma_wait3A_116 = tpu.memref_slice %arg3[%mul3A_6, %dma_wait3A_115] : memref<32768x2048xf32, #tpu.memory_space<hbm>> -> memref<8x2048xf32, #tpu.memory_space<hbm>>
    tpu.wait_dma2 semaphore(%arg17 : memref<!tpu.dma_semaphore, #tpu.memory_space<semaphore_mem>>) src(%arg5 : memref<8x2048xf32, #tpu.memory_space<vmem>>) dst(%dma_wait3A_116 : memref<8x2048xf32, #tpu.memory_space<hbm>>)
    %add3A_117 = arith.constant 1016 : i32
    %add3A_118 = arith.addi %add3A_4, %add3A_117 : i32
    %dma_start3A_119 = arith.constant 0 : i32
    %dma_start3A_120 = tpu.memref_slice %arg2[%add3A_118, %dma_start3A_119] : memref<32768x2048xf32, #tpu.memory_space<hbm>> -> memref<8x2048xf32, #tpu.memory_space<hbm>>
    %dma_start3A_121 = arith.constant 0 : i32
    %dma_start3A_122 = tpu.memref_slice %arg2[%add3A_118, %dma_start3A_121] : memref<32768x2048xf32, #tpu.memory_space<hbm>> -> memref<8x2048xf32, #tpu.memory_space<hbm>>
    tpu.enqueue_dma source(%dma_start3A_122 : memref<8x2048xf32, #tpu.memory_space<hbm>>) target(%arg5 : memref<8x2048xf32, #tpu.memory_space<vmem>>) target_semaphore(%arg11 : memref<!tpu.dma_semaphore, #tpu.memory_space<semaphore_mem>>)
    %dma_wait3A_123 = arith.constant 0 : i32
    %dma_wait3A_124 = tpu.memref_slice %arg2[%add3A_4, %dma_wait3A_123] : memref<32768x2048xf32, #tpu.memory_space<hbm>> -> memref<8x2048xf32, #tpu.memory_space<hbm>>
    %dma_wait3A_125 = arith.constant 0 : i32
    %dma_wait3A_126 = tpu.memref_slice %arg2[%add3A_4, %dma_wait3A_125] : memref<32768x2048xf32, #tpu.memory_space<hbm>> -> memref<8x2048xf32, #tpu.memory_space<hbm>>
    tpu.wait_dma2 semaphore(%arg15 : memref<!tpu.dma_semaphore, #tpu.memory_space<semaphore_mem>>) src(%dma_wait3A_126 : memref<8x2048xf32, #tpu.memory_space<hbm>>) dst(%arg9 : memref<8x2048xf32, #tpu.memory_space<vmem>>)
    %parallel_loop3A_127 = arith.constant 0 : i32
    %parallel_loop3A_128 = arith.constant 2048 : i32
    %parallel_loop3A_129 = arith.constant 16 : i32
    scf.for %parallel_loop3A_192 = %parallel_loop3A_127 to %parallel_loop3A_128 step %parallel_loop3A_129  : i32 {
      %parallel_loop3A_193 = arith.constant 0 : i32
      %parallel_loop3A_194 = arith.index_cast %parallel_loop3A_193 : i32 to index
      %parallel_loop3A_195 = arith.index_cast %parallel_loop3A_192 : i32 to index
      %parallel_loop3A_196 = tpu.vector_load %arg9[%parallel_loop3A_194, %parallel_loop3A_195] {strides = array<i32>} : memref<8x2048xf32, #tpu.memory_space<vmem>>, vector<1x16xf32>,
      %parallel_loop3A_197 = vector.shape_cast %parallel_loop3A_196 : vector<1x16xf32> to vector<16xf32>
      %parallel_loop3A_198 = arith.constant 1.000000e+00 : f32
      %parallel_loop3A_199 = vector.broadcast %parallel_loop3A_198 : f32 to vector<16xf32>
      %parallel_loop3A_200 = arith.minimumf %parallel_loop3A_197, %parallel_loop3A_199 : vector<16xf32>
      %parallel_loop3A_201 = arith.constant 0 : i32
      %parallel_loop3A_202 = arith.index_cast %parallel_loop3A_201 : i32 to index
      %parallel_loop3A_203 = arith.index_cast %parallel_loop3A_192 : i32 to index
      %parallel_loop3A_204 = tpu.vector_load %arg9[%parallel_loop3A_202, %parallel_loop3A_203] {strides = array<i32>} : memref<8x2048xf32, #tpu.memory_space<vmem>>, vector<1x16xf32>,
      %parallel_loop3A_205 = vector.shape_cast %parallel_loop3A_204 : vector<1x16xf32> to vector<16xf32>
      %parallel_loop3A_206 = vector.shape_cast %parallel_loop3A_200 : vector<16xf32> to vector<1x16xf32>
      tpu.vector_store %arg9[%parallel_loop3A_202, %parallel_loop3A_203], %parallel_loop3A_206 {strides = array<i32>} : memref<8x2048xf32, #tpu.memory_space<vmem>>, vector<1x16xf32>,
      %parallel_loop3A_207 = arith.constant 1 : i32
      %parallel_loop3A_208 = arith.index_cast %parallel_loop3A_207 : i32 to index
      %parallel_loop3A_209 = arith.index_cast %parallel_loop3A_192 : i32 to index
      %parallel_loop3A_210 = tpu.vector_load %arg9[%parallel_loop3A_208, %parallel_loop3A_209] {strides = array<i32>} : memref<8x2048xf32, #tpu.memory_space<vmem>>, vector<1x16xf32>,
      %parallel_loop3A_211 = vector.shape_cast %parallel_loop3A_210 : vector<1x16xf32> to vector<16xf32>
      %parallel_loop3A_212 = arith.constant 1.000000e+00 : f32
      %parallel_loop3A_213 = vector.broadcast %parallel_loop3A_212 : f32 to vector<16xf32>
      %parallel_loop3A_214 = arith.minimumf %parallel_loop3A_211, %parallel_loop3A_213 : vector<16xf32>
      %parallel_loop3A_215 = arith.constant 1 : i32
      %parallel_loop3A_216 = arith.index_cast %parallel_loop3A_215 : i32 to index
      %parallel_loop3A_217 = arith.index_cast %parallel_loop3A_192 : i32 to index
      %parallel_loop3A_218 = tpu.vector_load %arg9[%parallel_loop3A_216, %parallel_loop3A_217] {strides = array<i32>} : memref<8x2048xf32, #tpu.memory_space<vmem>>, vector<1x16xf32>,
      %parallel_loop3A_219 = vector.shape_cast %parallel_loop3A_218 : vector<1x16xf32> to vector<16xf32>
      %parallel_loop3A_220 = vector.shape_cast %parallel_loop3A_214 : vector<16xf32> to vector<1x16xf32>
      tpu.vector_store %arg9[%parallel_loop3A_216, %parallel_loop3A_217], %parallel_loop3A_220 {strides = array<i32>} : memref<8x2048xf32, #tpu.memory_space<vmem>>, vector<1x16xf32>,
      %parallel_loop3A_221 = arith.constant 2 : i32
      %parallel_loop3A_222 = arith.index_cast %parallel_loop3A_221 : i32 to index
      %parallel_loop3A_223 = arith.index_cast %parallel_loop3A_192 : i32 to index
      %parallel_loop3A_224 = tpu.vector_load %arg9[%parallel_loop3A_222, %parallel_loop3A_223] {strides = array<i32>} : memref<8x2048xf32, #tpu.memory_space<vmem>>, vector<1x16xf32>,
      %parallel_loop3A_225 = vector.shape_cast %parallel_loop3A_224 : vector<1x16xf32> to vector<16xf32>
      %parallel_loop3A_226 = arith.constant 1.000000e+00 : f32
      %parallel_loop3A_227 = vector.broadcast %parallel_loop3A_226 : f32 to vector<16xf32>
      %parallel_loop3A_228 = arith.minimumf %parallel_loop3A_225, %parallel_loop3A_227 : vector<16xf32>
      %parallel_loop3A_229 = arith.constant 2 : i32
      %parallel_loop3A_230 = arith.index_cast %parallel_loop3A_229 : i32 to index
      %parallel_loop3A_231 = arith.index_cast %parallel_loop3A_192 : i32 to index
      %parallel_loop3A_232 = tpu.vector_load %arg9[%parallel_loop3A_230, %parallel_loop3A_231] {strides = array<i32>} : memref<8x2048xf32, #tpu.memory_space<vmem>>, vector<1x16xf32>,
      %parallel_loop3A_233 = vector.shape_cast %parallel_loop3A_232 : vector<1x16xf32> to vector<16xf32>
      %parallel_loop3A_234 = vector.shape_cast %parallel_loop3A_228 : vector<16xf32> to vector<1x16xf32>
      tpu.vector_store %arg9[%parallel_loop3A_230, %parallel_loop3A_231], %parallel_loop3A_234 {strides = array<i32>} : memref<8x2048xf32, #tpu.memory_space<vmem>>, vector<1x16xf32>,
      %parallel_loop3A_235 = arith.constant 3 : i32
      %parallel_loop3A_236 = arith.index_cast %parallel_loop3A_235 : i32 to index
      %parallel_loop3A_237 = arith.index_cast %parallel_loop3A_192 : i32 to index
      %parallel_loop3A_238 = tpu.vector_load %arg9[%parallel_loop3A_236, %parallel_loop3A_237] {strides = array<i32>} : memref<8x2048xf32, #tpu.memory_space<vmem>>, vector<1x16xf32>,
      %parallel_loop3A_239 = vector.shape_cast %parallel_loop3A_238 : vector<1x16xf32> to vector<16xf32>
      %parallel_loop3A_240 = arith.constant 1.000000e+00 : f32
      %parallel_loop3A_241 = vector.broadcast %parallel_loop3A_240 : f32 to vector<16xf32>
      %parallel_loop3A_242 = arith.minimumf %parallel_loop3A_239, %parallel_loop3A_241 : vector<16xf32>
      %parallel_loop3A_243 = arith.constant 3 : i32
      %parallel_loop3A_244 = arith.index_cast %parallel_loop3A_243 : i32 to index
      %parallel_loop3A_245 = arith.index_cast %parallel_loop3A_192 : i32 to index
      %parallel_loop3A_246 = tpu.vector_load %arg9[%parallel_loop3A_244, %parallel_loop3A_245] {strides = array<i32>} : memref<8x2048xf32, #tpu.memory_space<vmem>>, vector<1x16xf32>,
      %parallel_loop3A_247 = vector.shape_cast %parallel_loop3A_246 : vector<1x16xf32> to vector<16xf32>
      %parallel_loop3A_248 = vector.shape_cast %parallel_loop3A_242 : vector<16xf32> to vector<1x16xf32>
      tpu.vector_store %arg9[%parallel_loop3A_244, %parallel_loop3A_245], %parallel_loop3A_248 {strides = array<i32>} : memref<8x2048xf32, #tpu.memory_space<vmem>>, vector<1x16xf32>,
      %parallel_loop3A_249 = arith.constant 4 : i32
      %parallel_loop3A_250 = arith.index_cast %parallel_loop3A_249 : i32 to index
      %parallel_loop3A_251 = arith.index_cast %parallel_loop3A_192 : i32 to index
      %parallel_loop3A_252 = tpu.vector_load %arg9[%parallel_loop3A_250, %parallel_loop3A_251] {strides = array<i32>} : memref<8x2048xf32, #tpu.memory_space<vmem>>, vector<1x16xf32>,
      %parallel_loop3A_253 = vector.shape_cast %parallel_loop3A_252 : vector<1x16xf32> to vector<16xf32>
      %parallel_loop3A_254 = arith.constant 1.000000e+00 : f32
      %parallel_loop3A_255 = vector.broadcast %parallel_loop3A_254 : f32 to vector<16xf32>
      %parallel_loop3A_256 = arith.minimumf %parallel_loop3A_253, %parallel_loop3A_255 : vector<16xf32>
      %parallel_loop3A_257 = arith.constant 4 : i32
      %parallel_loop3A_258 = arith.index_cast %parallel_loop3A_257 : i32 to index
      %parallel_loop3A_259 = arith.index_cast %parallel_loop3A_192 : i32 to index
      %parallel_loop3A_260 = tpu.vector_load %arg9[%parallel_loop3A_258, %parallel_loop3A_259] {strides = array<i32>} : memref<8x2048xf32, #tpu.memory_space<vmem>>, vector<1x16xf32>,
      %parallel_loop3A_261 = vector.shape_cast %parallel_loop3A_260 : vector<1x16xf32> to vector<16xf32>
      %parallel_loop3A_262 = vector.shape_cast %parallel_loop3A_256 : vector<16xf32> to vector<1x16xf32>
      tpu.vector_store %arg9[%parallel_loop3A_258, %parallel_loop3A_259], %parallel_loop3A_262 {strides = array<i32>} : memref<8x2048xf32, #tpu.memory_space<vmem>>, vector<1x16xf32>,
      %parallel_loop3A_263 = arith.constant 5 : i32
      %parallel_loop3A_264 = arith.index_cast %parallel_loop3A_263 : i32 to index
      %parallel_loop3A_265 = arith.index_cast %parallel_loop3A_192 : i32 to index
      %parallel_loop3A_266 = tpu.vector_load %arg9[%parallel_loop3A_264, %parallel_loop3A_265] {strides = array<i32>} : memref<8x2048xf32, #tpu.memory_space<vmem>>, vector<1x16xf32>,
      %parallel_loop3A_267 = vector.shape_cast %parallel_loop3A_266 : vector<1x16xf32> to vector<16xf32>
      %parallel_loop3A_268 = arith.constant 1.000000e+00 : f32
      %parallel_loop3A_269 = vector.broadcast %parallel_loop3A_268 : f32 to vector<16xf32>
      %parallel_loop3A_270 = arith.minimumf %parallel_loop3A_267, %parallel_loop3A_269 : vector<16xf32>
      %parallel_loop3A_271 = arith.constant 5 : i32
      %parallel_loop3A_272 = arith.index_cast %parallel_loop3A_271 : i32 to index
      %parallel_loop3A_273 = arith.index_cast %parallel_loop3A_192 : i32 to index
      %parallel_loop3A_274 = tpu.vector_load %arg9[%parallel_loop3A_272, %parallel_loop3A_273] {strides = array<i32>} : memref<8x2048xf32, #tpu.memory_space<vmem>>, vector<1x16xf32>,
      %parallel_loop3A_275 = vector.shape_cast %parallel_loop3A_274 : vector<1x16xf32> to vector<16xf32>
      %parallel_loop3A_276 = vector.shape_cast %parallel_loop3A_270 : vector<16xf32> to vector<1x16xf32>
      tpu.vector_store %arg9[%parallel_loop3A_272, %parallel_loop3A_273], %parallel_loop3A_276 {strides = array<i32>} : memref<8x2048xf32, #tpu.memory_space<vmem>>, vector<1x16xf32>,
      %parallel_loop3A_277 = arith.constant 6 : i32
      %parallel_loop3A_278 = arith.index_cast %parallel_loop3A_277 : i32 to index
      %parallel_loop3A_279 = arith.index_cast %parallel_loop3A_192 : i32 to index
      %parallel_loop3A_280 = tpu.vector_load %arg9[%parallel_loop3A_278, %parallel_loop3A_279] {strides = array<i32>} : memref<8x2048xf32, #tpu.memory_space<vmem>>, vector<1x16xf32>,
      %parallel_loop3A_281 = vector.shape_cast %parallel_loop3A_280 : vector<1x16xf32> to vector<16xf32>
      %parallel_loop3A_282 = arith.constant 1.000000e+00 : f32
      %parallel_loop3A_283 = vector.broadcast %parallel_loop3A_282 : f32 to vector<16xf32>
      %parallel_loop3A_284 = arith.minimumf %parallel_loop3A_281, %parallel_loop3A_283 : vector<16xf32>
      %parallel_loop3A_285 = arith.constant 6 : i32
      %parallel_loop3A_286 = arith.index_cast %parallel_loop3A_285 : i32 to index
      %parallel_loop3A_287 = arith.index_cast %parallel_loop3A_192 : i32 to index
      %parallel_loop3A_288 = tpu.vector_load %arg9[%parallel_loop3A_286, %parallel_loop3A_287] {strides = array<i32>} : memref<8x2048xf32, #tpu.memory_space<vmem>>, vector<1x16xf32>,
      %parallel_loop3A_289 = vector.shape_cast %parallel_loop3A_288 : vector<1x16xf32> to vector<16xf32>
      %parallel_loop3A_290 = vector.shape_cast %parallel_loop3A_284 : vector<16xf32> to vector<1x16xf32>
      tpu.vector_store %arg9[%parallel_loop3A_286, %parallel_loop3A_287], %parallel_loop3A_290 {strides = array<i32>} : memref<8x2048xf32, #tpu.memory_space<vmem>>, vector<1x16xf32>,
      %parallel_loop3A_291 = arith.constant 7 : i32
      %parallel_loop3A_292 = arith.index_cast %parallel_loop3A_291 : i32 to index
      %parallel_loop3A_293 = arith.index_cast %parallel_loop3A_192 : i32 to index
      %parallel_loop3A_294 = tpu.vector_load %arg9[%parallel_loop3A_292, %parallel_loop3A_293] {strides = array<i32>} : memref<8x2048xf32, #tpu.memory_space<vmem>>, vector<1x16xf32>,
      %parallel_loop3A_295 = vector.shape_cast %parallel_loop3A_294 : vector<1x16xf32> to vector<16xf32>
      %parallel_loop3A_296 = arith.constant 1.000000e+00 : f32
      %parallel_loop3A_297 = vector.broadcast %parallel_loop3A_296 : f32 to vector<16xf32>
      %parallel_loop3A_298 = arith.minimumf %parallel_loop3A_295, %parallel_loop3A_297 : vector<16xf32>
      %parallel_loop3A_299 = arith.constant 7 : i32
      %parallel_loop3A_300 = arith.index_cast %parallel_loop3A_299 : i32 to index
      %parallel_loop3A_301 = arith.index_cast %parallel_loop3A_192 : i32 to index
      %parallel_loop3A_302 = tpu.vector_load %arg9[%parallel_loop3A_300, %parallel_loop3A_301] {strides = array<i32>} : memref<8x2048xf32, #tpu.memory_space<vmem>>, vector<1x16xf32>,
      %parallel_loop3A_303 = vector.shape_cast %parallel_loop3A_302 : vector<1x16xf32> to vector<16xf32>
      %parallel_loop3A_304 = vector.shape_cast %parallel_loop3A_298 : vector<16xf32> to vector<1x16xf32>
      tpu.vector_store %arg9[%parallel_loop3A_300, %parallel_loop3A_301], %parallel_loop3A_304 {strides = array<i32>} : memref<8x2048xf32, #tpu.memory_space<vmem>>, vector<1x16xf32>,
    } {sc.loop_unroll_factor = 2 : i64, sc.parallel_access}
    %add3A_130 = arith.constant 992 : i32
    %add3A_131 = arith.addi %mul3A_6, %add3A_130 : i32
    %dma_start3A_132 = arith.constant 0 : i32
    %dma_start3A_133 = tpu.memref_slice %arg3[%add3A_131, %dma_start3A_132] : memref<32768x2048xf32, #tpu.memory_space<hbm>> -> memref<8x2048xf32, #tpu.memory_space<hbm>>
    %dma_start3A_134 = arith.constant 0 : i32
    %dma_start3A_135 = tpu.memref_slice %arg3[%add3A_131, %dma_start3A_134] : memref<32768x2048xf32, #tpu.memory_space<hbm>> -> memref<8x2048xf32, #tpu.memory_space<hbm>>
    tpu.enqueue_dma source(%arg8 : memref<8x2048xf32, #tpu.memory_space<vmem>>) target(%dma_start3A_135 : memref<8x2048xf32, #tpu.memory_space<hbm>>) target_semaphore(%arg20 : memref<!tpu.dma_semaphore, #tpu.memory_space<semaphore_mem>>)
    %dma_wait3A_136 = arith.constant 0 : i32
    %dma_wait3A_137 = tpu.memref_slice %arg2[%add3A_4, %dma_wait3A_136] : memref<32768x2048xf32, #tpu.memory_space<hbm>> -> memref<8x2048xf32, #tpu.memory_space<hbm>>
    %dma_wait3A_138 = arith.constant 0 : i32
    %dma_wait3A_139 = tpu.memref_slice %arg2[%add3A_4, %dma_wait3A_138] : memref<32768x2048xf32, #tpu.memory_space<hbm>> -> memref<8x2048xf32, #tpu.memory_space<hbm>>
    tpu.wait_dma2 semaphore(%arg10 : memref<!tpu.dma_semaphore, #tpu.memory_space<semaphore_mem>>) src(%dma_wait3A_139 : memref<8x2048xf32, #tpu.memory_space<hbm>>) dst(%arg4 : memref<8x2048xf32, #tpu.memory_space<vmem>>)
    %parallel_loop3A_140 = arith.constant 0 : i32
    %parallel_loop3A_141 = arith.constant 2048 : i32
    %parallel_loop3A_142 = arith.constant 16 : i32
    scf.for %parallel_loop3A_192 = %parallel_loop3A_140 to %parallel_loop3A_141 step %parallel_loop3A_142  : i32 {
      %parallel_loop3A_193 = arith.constant 0 : i32
      %parallel_loop3A_194 = arith.index_cast %parallel_loop3A_193 : i32 to index
      %parallel_loop3A_195 = arith.index_cast %parallel_loop3A_192 : i32 to index
      %parallel_loop3A_196 = tpu.vector_load %arg4[%parallel_loop3A_194, %parallel_loop3A_195] {strides = array<i32>} : memref<8x2048xf32, #tpu.memory_space<vmem>>, vector<1x16xf32>,
      %parallel_loop3A_197 = vector.shape_cast %parallel_loop3A_196 : vector<1x16xf32> to vector<16xf32>
      %parallel_loop3A_198 = arith.constant 1.000000e+00 : f32
      %parallel_loop3A_199 = vector.broadcast %parallel_loop3A_198 : f32 to vector<16xf32>
      %parallel_loop3A_200 = arith.minimumf %parallel_loop3A_197, %parallel_loop3A_199 : vector<16xf32>
      %parallel_loop3A_201 = arith.constant 0 : i32
      %parallel_loop3A_202 = arith.index_cast %parallel_loop3A_201 : i32 to index
      %parallel_loop3A_203 = arith.index_cast %parallel_loop3A_192 : i32 to index
      %parallel_loop3A_204 = tpu.vector_load %arg4[%parallel_loop3A_202, %parallel_loop3A_203] {strides = array<i32>} : memref<8x2048xf32, #tpu.memory_space<vmem>>, vector<1x16xf32>,
      %parallel_loop3A_205 = vector.shape_cast %parallel_loop3A_204 : vector<1x16xf32> to vector<16xf32>
      %parallel_loop3A_206 = vector.shape_cast %parallel_loop3A_200 : vector<16xf32> to vector<1x16xf32>
      tpu.vector_store %arg4[%parallel_loop3A_202, %parallel_loop3A_203], %parallel_loop3A_206 {strides = array<i32>} : memref<8x2048xf32, #tpu.memory_space<vmem>>, vector<1x16xf32>,
      %parallel_loop3A_207 = arith.constant 1 : i32
      %parallel_loop3A_208 = arith.index_cast %parallel_loop3A_207 : i32 to index
      %parallel_loop3A_209 = arith.index_cast %parallel_loop3A_192 : i32 to index
      %parallel_loop3A_210 = tpu.vector_load %arg4[%parallel_loop3A_208, %parallel_loop3A_209] {strides = array<i32>} : memref<8x2048xf32, #tpu.memory_space<vmem>>, vector<1x16xf32>,
      %parallel_loop3A_211 = vector.shape_cast %parallel_loop3A_210 : vector<1x16xf32> to vector<16xf32>
      %parallel_loop3A_212 = arith.constant 1.000000e+00 : f32
      %parallel_loop3A_213 = vector.broadcast %parallel_loop3A_212 : f32 to vector<16xf32>
      %parallel_loop3A_214 = arith.minimumf %parallel_loop3A_211, %parallel_loop3A_213 : vector<16xf32>
      %parallel_loop3A_215 = arith.constant 1 : i32
      %parallel_loop3A_216 = arith.index_cast %parallel_loop3A_215 : i32 to index
      %parallel_loop3A_217 = arith.index_cast %parallel_loop3A_192 : i32 to index
      %parallel_loop3A_218 = tpu.vector_load %arg4[%parallel_loop3A_216, %parallel_loop3A_217] {strides = array<i32>} : memref<8x2048xf32, #tpu.memory_space<vmem>>, vector<1x16xf32>,
      %parallel_loop3A_219 = vector.shape_cast %parallel_loop3A_218 : vector<1x16xf32> to vector<16xf32>
      %parallel_loop3A_220 = vector.shape_cast %parallel_loop3A_214 : vector<16xf32> to vector<1x16xf32>
      tpu.vector_store %arg4[%parallel_loop3A_216, %parallel_loop3A_217], %parallel_loop3A_220 {strides = array<i32>} : memref<8x2048xf32, #tpu.memory_space<vmem>>, vector<1x16xf32>,
      %parallel_loop3A_221 = arith.constant 2 : i32
      %parallel_loop3A_222 = arith.index_cast %parallel_loop3A_221 : i32 to index
      %parallel_loop3A_223 = arith.index_cast %parallel_loop3A_192 : i32 to index
      %parallel_loop3A_224 = tpu.vector_load %arg4[%parallel_loop3A_222, %parallel_loop3A_223] {strides = array<i32>} : memref<8x2048xf32, #tpu.memory_space<vmem>>, vector<1x16xf32>,
      %parallel_loop3A_225 = vector.shape_cast %parallel_loop3A_224 : vector<1x16xf32> to vector<16xf32>
      %parallel_loop3A_226 = arith.constant 1.000000e+00 : f32
      %parallel_loop3A_227 = vector.broadcast %parallel_loop3A_226 : f32 to vector<16xf32>
      %parallel_loop3A_228 = arith.minimumf %parallel_loop3A_225, %parallel_loop3A_227 : vector<16xf32>
      %parallel_loop3A_229 = arith.constant 2 : i32
      %parallel_loop3A_230 = arith.index_cast %parallel_loop3A_229 : i32 to index
      %parallel_loop3A_231 = arith.index_cast %parallel_loop3A_192 : i32 to index
      %parallel_loop3A_232 = tpu.vector_load %arg4[%parallel_loop3A_230, %parallel_loop3A_231] {strides = array<i32>} : memref<8x2048xf32, #tpu.memory_space<vmem>>, vector<1x16xf32>,
      %parallel_loop3A_233 = vector.shape_cast %parallel_loop3A_232 : vector<1x16xf32> to vector<16xf32>
      %parallel_loop3A_234 = vector.shape_cast %parallel_loop3A_228 : vector<16xf32> to vector<1x16xf32>
      tpu.vector_store %arg4[%parallel_loop3A_230, %parallel_loop3A_231], %parallel_loop3A_234 {strides = array<i32>} : memref<8x2048xf32, #tpu.memory_space<vmem>>, vector<1x16xf32>,
      %parallel_loop3A_235 = arith.constant 3 : i32
      %parallel_loop3A_236 = arith.index_cast %parallel_loop3A_235 : i32 to index
      %parallel_loop3A_237 = arith.index_cast %parallel_loop3A_192 : i32 to index
      %parallel_loop3A_238 = tpu.vector_load %arg4[%parallel_loop3A_236, %parallel_loop3A_237] {strides = array<i32>} : memref<8x2048xf32, #tpu.memory_space<vmem>>, vector<1x16xf32>,
      %parallel_loop3A_239 = vector.shape_cast %parallel_loop3A_238 : vector<1x16xf32> to vector<16xf32>
      %parallel_loop3A_240 = arith.constant 1.000000e+00 : f32
      %parallel_loop3A_241 = vector.broadcast %parallel_loop3A_240 : f32 to vector<16xf32>
      %parallel_loop3A_242 = arith.minimumf %parallel_loop3A_239, %parallel_loop3A_241 : vector<16xf32>
      %parallel_loop3A_243 = arith.constant 3 : i32
      %parallel_loop3A_244 = arith.index_cast %parallel_loop3A_243 : i32 to index
      %parallel_loop3A_245 = arith.index_cast %parallel_loop3A_192 : i32 to index
      %parallel_loop3A_246 = tpu.vector_load %arg4[%parallel_loop3A_244, %parallel_loop3A_245] {strides = array<i32>} : memref<8x2048xf32, #tpu.memory_space<vmem>>, vector<1x16xf32>,
      %parallel_loop3A_247 = vector.shape_cast %parallel_loop3A_246 : vector<1x16xf32> to vector<16xf32>
      %parallel_loop3A_248 = vector.shape_cast %parallel_loop3A_242 : vector<16xf32> to vector<1x16xf32>
      tpu.vector_store %arg4[%parallel_loop3A_244, %parallel_loop3A_245], %parallel_loop3A_248 {strides = array<i32>} : memref<8x2048xf32, #tpu.memory_space<vmem>>, vector<1x16xf32>,
      %parallel_loop3A_249 = arith.constant 4 : i32
      %parallel_loop3A_250 = arith.index_cast %parallel_loop3A_249 : i32 to index
      %parallel_loop3A_251 = arith.index_cast %parallel_loop3A_192 : i32 to index
      %parallel_loop3A_252 = tpu.vector_load %arg4[%parallel_loop3A_250, %parallel_loop3A_251] {strides = array<i32>} : memref<8x2048xf32, #tpu.memory_space<vmem>>, vector<1x16xf32>,
      %parallel_loop3A_253 = vector.shape_cast %parallel_loop3A_252 : vector<1x16xf32> to vector<16xf32>
      %parallel_loop3A_254 = arith.constant 1.000000e+00 : f32
      %parallel_loop3A_255 = vector.broadcast %parallel_loop3A_254 : f32 to vector<16xf32>
      %parallel_loop3A_256 = arith.minimumf %parallel_loop3A_253, %parallel_loop3A_255 : vector<16xf32>
      %parallel_loop3A_257 = arith.constant 4 : i32
      %parallel_loop3A_258 = arith.index_cast %parallel_loop3A_257 : i32 to index
      %parallel_loop3A_259 = arith.index_cast %parallel_loop3A_192 : i32 to index
      %parallel_loop3A_260 = tpu.vector_load %arg4[%parallel_loop3A_258, %parallel_loop3A_259] {strides = array<i32>} : memref<8x2048xf32, #tpu.memory_space<vmem>>, vector<1x16xf32>,
      %parallel_loop3A_261 = vector.shape_cast %parallel_loop3A_260 : vector<1x16xf32> to vector<16xf32>
      %parallel_loop3A_262 = vector.shape_cast %parallel_loop3A_256 : vector<16xf32> to vector<1x16xf32>
      tpu.vector_store %arg4[%parallel_loop3A_258, %parallel_loop3A_259], %parallel_loop3A_262 {strides = array<i32>} : memref<8x2048xf32, #tpu.memory_space<vmem>>, vector<1x16xf32>,
      %parallel_loop3A_263 = arith.constant 5 : i32
      %parallel_loop3A_264 = arith.index_cast %parallel_loop3A_263 : i32 to index
      %parallel_loop3A_265 = arith.index_cast %parallel_loop3A_192 : i32 to index
      %parallel_loop3A_266 = tpu.vector_load %arg4[%parallel_loop3A_264, %parallel_loop3A_265] {strides = array<i32>} : memref<8x2048xf32, #tpu.memory_space<vmem>>, vector<1x16xf32>,
      %parallel_loop3A_267 = vector.shape_cast %parallel_loop3A_266 : vector<1x16xf32> to vector<16xf32>
      %parallel_loop3A_268 = arith.constant 1.000000e+00 : f32
      %parallel_loop3A_269 = vector.broadcast %parallel_loop3A_268 : f32 to vector<16xf32>
      %parallel_loop3A_270 = arith.minimumf %parallel_loop3A_267, %parallel_loop3A_269 : vector<16xf32>
      %parallel_loop3A_271 = arith.constant 5 : i32
      %parallel_loop3A_272 = arith.index_cast %parallel_loop3A_271 : i32 to index
      %parallel_loop3A_273 = arith.index_cast %parallel_loop3A_192 : i32 to index
      %parallel_loop3A_274 = tpu.vector_load %arg4[%parallel_loop3A_272, %parallel_loop3A_273] {strides = array<i32>} : memref<8x2048xf32, #tpu.memory_space<vmem>>, vector<1x16xf32>,
      %parallel_loop3A_275 = vector.shape_cast %parallel_loop3A_274 : vector<1x16xf32> to vector<16xf32>
      %parallel_loop3A_276 = vector.shape_cast %parallel_loop3A_270 : vector<16xf32> to vector<1x16xf32>
      tpu.vector_store %arg4[%parallel_loop3A_272, %parallel_loop3A_273], %parallel_loop3A_276 {strides = array<i32>} : memref<8x2048xf32, #tpu.memory_space<vmem>>, vector<1x16xf32>,
      %parallel_loop3A_277 = arith.constant 6 : i32
      %parallel_loop3A_278 = arith.index_cast %parallel_loop3A_277 : i32 to index
      %parallel_loop3A_279 = arith.index_cast %parallel_loop3A_192 : i32 to index
      %parallel_loop3A_280 = tpu.vector_load %arg4[%parallel_loop3A_278, %parallel_loop3A_279] {strides = array<i32>} : memref<8x2048xf32, #tpu.memory_space<vmem>>, vector<1x16xf32>,
      %parallel_loop3A_281 = vector.shape_cast %parallel_loop3A_280 : vector<1x16xf32> to vector<16xf32>
      %parallel_loop3A_282 = arith.constant 1.000000e+00 : f32
      %parallel_loop3A_283 = vector.broadcast %parallel_loop3A_282 : f32 to vector<16xf32>
      %parallel_loop3A_284 = arith.minimumf %parallel_loop3A_281, %parallel_loop3A_283 : vector<16xf32>
      %parallel_loop3A_285 = arith.constant 6 : i32
      %parallel_loop3A_286 = arith.index_cast %parallel_loop3A_285 : i32 to index
      %parallel_loop3A_287 = arith.index_cast %parallel_loop3A_192 : i32 to index
      %parallel_loop3A_288 = tpu.vector_load %arg4[%parallel_loop3A_286, %parallel_loop3A_287] {strides = array<i32>} : memref<8x2048xf32, #tpu.memory_space<vmem>>, vector<1x16xf32>,
      %parallel_loop3A_289 = vector.shape_cast %parallel_loop3A_288 : vector<1x16xf32> to vector<16xf32>
      %parallel_loop3A_290 = vector.shape_cast %parallel_loop3A_284 : vector<16xf32> to vector<1x16xf32>
      tpu.vector_store %arg4[%parallel_loop3A_286, %parallel_loop3A_287], %parallel_loop3A_290 {strides = array<i32>} : memref<8x2048xf32, #tpu.memory_space<vmem>>, vector<1x16xf32>,
      %parallel_loop3A_291 = arith.constant 7 : i32
      %parallel_loop3A_292 = arith.index_cast %parallel_loop3A_291 : i32 to index
      %parallel_loop3A_293 = arith.index_cast %parallel_loop3A_192 : i32 to index
      %parallel_loop3A_294 = tpu.vector_load %arg4[%parallel_loop3A_292, %parallel_loop3A_293] {strides = array<i32>} : memref<8x2048xf32, #tpu.memory_space<vmem>>, vector<1x16xf32>,
      %parallel_loop3A_295 = vector.shape_cast %parallel_loop3A_294 : vector<1x16xf32> to vector<16xf32>
      %parallel_loop3A_296 = arith.constant 1.000000e+00 : f32
      %parallel_loop3A_297 = vector.broadcast %parallel_loop3A_296 : f32 to vector<16xf32>
      %parallel_loop3A_298 = arith.minimumf %parallel_loop3A_295, %parallel_loop3A_297 : vector<16xf32>
      %parallel_loop3A_299 = arith.constant 7 : i32
      %parallel_loop3A_300 = arith.index_cast %parallel_loop3A_299 : i32 to index
      %parallel_loop3A_301 = arith.index_cast %parallel_loop3A_192 : i32 to index
      %parallel_loop3A_302 = tpu.vector_load %arg4[%parallel_loop3A_300, %parallel_loop3A_301] {strides = array<i32>} : memref<8x2048xf32, #tpu.memory_space<vmem>>, vector<1x16xf32>,
      %parallel_loop3A_303 = vector.shape_cast %parallel_loop3A_302 : vector<1x16xf32> to vector<16xf32>
      %parallel_loop3A_304 = vector.shape_cast %parallel_loop3A_298 : vector<16xf32> to vector<1x16xf32>
      tpu.vector_store %arg4[%parallel_loop3A_300, %parallel_loop3A_301], %parallel_loop3A_304 {strides = array<i32>} : memref<8x2048xf32, #tpu.memory_space<vmem>>, vector<1x16xf32>,
    } {sc.loop_unroll_factor = 2 : i64, sc.parallel_access}
    %add3A_143 = arith.constant 1000 : i32
    %add3A_144 = arith.addi %mul3A_6, %add3A_143 : i32
    %dma_start3A_145 = arith.constant 0 : i32
    %dma_start3A_146 = tpu.memref_slice %arg3[%add3A_144, %dma_start3A_145] : memref<32768x2048xf32, #tpu.memory_space<hbm>> -> memref<8x2048xf32, #tpu.memory_space<hbm>>
    %dma_start3A_147 = arith.constant 0 : i32
    %dma_start3A_148 = tpu.memref_slice %arg3[%add3A_144, %dma_start3A_147] : memref<32768x2048xf32, #tpu.memory_space<hbm>> -> memref<8x2048xf32, #tpu.memory_space<hbm>>
    tpu.enqueue_dma source(%arg9 : memref<8x2048xf32, #tpu.memory_space<vmem>>) target(%dma_start3A_148 : memref<8x2048xf32, #tpu.memory_space<hbm>>) target_semaphore(%arg21 : memref<!tpu.dma_semaphore, #tpu.memory_space<semaphore_mem>>)
    %dma_wait3A_149 = arith.constant 0 : i32
    %dma_wait3A_150 = tpu.memref_slice %arg2[%add3A_4, %dma_wait3A_149] : memref<32768x2048xf32, #tpu.memory_space<hbm>> -> memref<8x2048xf32, #tpu.memory_space<hbm>>
    %dma_wait3A_151 = arith.constant 0 : i32
    %dma_wait3A_152 = tpu.memref_slice %arg2[%add3A_4, %dma_wait3A_151] : memref<32768x2048xf32, #tpu.memory_space<hbm>> -> memref<8x2048xf32, #tpu.memory_space<hbm>>
    tpu.wait_dma2 semaphore(%arg11 : memref<!tpu.dma_semaphore, #tpu.memory_space<semaphore_mem>>) src(%dma_wait3A_152 : memref<8x2048xf32, #tpu.memory_space<hbm>>) dst(%arg5 : memref<8x2048xf32, #tpu.memory_space<vmem>>)
    %parallel_loop3A_153 = arith.constant 0 : i32
    %parallel_loop3A_154 = arith.constant 2048 : i32
    %parallel_loop3A_155 = arith.constant 16 : i32
    scf.for %parallel_loop3A_192 = %parallel_loop3A_153 to %parallel_loop3A_154 step %parallel_loop3A_155  : i32 {
      %parallel_loop3A_193 = arith.constant 0 : i32
      %parallel_loop3A_194 = arith.index_cast %parallel_loop3A_193 : i32 to index
      %parallel_loop3A_195 = arith.index_cast %parallel_loop3A_192 : i32 to index
      %parallel_loop3A_196 = tpu.vector_load %arg5[%parallel_loop3A_194, %parallel_loop3A_195] {strides = array<i32>} : memref<8x2048xf32, #tpu.memory_space<vmem>>, vector<1x16xf32>,
      %parallel_loop3A_197 = vector.shape_cast %parallel_loop3A_196 : vector<1x16xf32> to vector<16xf32>
      %parallel_loop3A_198 = arith.constant 1.000000e+00 : f32
      %parallel_loop3A_199 = vector.broadcast %parallel_loop3A_198 : f32 to vector<16xf32>
      %parallel_loop3A_200 = arith.minimumf %parallel_loop3A_197, %parallel_loop3A_199 : vector<16xf32>
      %parallel_loop3A_201 = arith.constant 0 : i32
      %parallel_loop3A_202 = arith.index_cast %parallel_loop3A_201 : i32 to index
      %parallel_loop3A_203 = arith.index_cast %parallel_loop3A_192 : i32 to index
      %parallel_loop3A_204 = tpu.vector_load %arg5[%parallel_loop3A_202, %parallel_loop3A_203] {strides = array<i32>} : memref<8x2048xf32, #tpu.memory_space<vmem>>, vector<1x16xf32>,
      %parallel_loop3A_205 = vector.shape_cast %parallel_loop3A_204 : vector<1x16xf32> to vector<16xf32>
      %parallel_loop3A_206 = vector.shape_cast %parallel_loop3A_200 : vector<16xf32> to vector<1x16xf32>
      tpu.vector_store %arg5[%parallel_loop3A_202, %parallel_loop3A_203], %parallel_loop3A_206 {strides = array<i32>} : memref<8x2048xf32, #tpu.memory_space<vmem>>, vector<1x16xf32>,
      %parallel_loop3A_207 = arith.constant 1 : i32
      %parallel_loop3A_208 = arith.index_cast %parallel_loop3A_207 : i32 to index
      %parallel_loop3A_209 = arith.index_cast %parallel_loop3A_192 : i32 to index
      %parallel_loop3A_210 = tpu.vector_load %arg5[%parallel_loop3A_208, %parallel_loop3A_209] {strides = array<i32>} : memref<8x2048xf32, #tpu.memory_space<vmem>>, vector<1x16xf32>,
      %parallel_loop3A_211 = vector.shape_cast %parallel_loop3A_210 : vector<1x16xf32> to vector<16xf32>
      %parallel_loop3A_212 = arith.constant 1.000000e+00 : f32
      %parallel_loop3A_213 = vector.broadcast %parallel_loop3A_212 : f32 to vector<16xf32>
      %parallel_loop3A_214 = arith.minimumf %parallel_loop3A_211, %parallel_loop3A_213 : vector<16xf32>
      %parallel_loop3A_215 = arith.constant 1 : i32
      %parallel_loop3A_216 = arith.index_cast %parallel_loop3A_215 : i32 to index
      %parallel_loop3A_217 = arith.index_cast %parallel_loop3A_192 : i32 to index
      %parallel_loop3A_218 = tpu.vector_load %arg5[%parallel_loop3A_216, %parallel_loop3A_217] {strides = array<i32>} : memref<8x2048xf32, #tpu.memory_space<vmem>>, vector<1x16xf32>,
      %parallel_loop3A_219 = vector.shape_cast %parallel_loop3A_218 : vector<1x16xf32> to vector<16xf32>
      %parallel_loop3A_220 = vector.shape_cast %parallel_loop3A_214 : vector<16xf32> to vector<1x16xf32>
      tpu.vector_store %arg5[%parallel_loop3A_216, %parallel_loop3A_217], %parallel_loop3A_220 {strides = array<i32>} : memref<8x2048xf32, #tpu.memory_space<vmem>>, vector<1x16xf32>,
      %parallel_loop3A_221 = arith.constant 2 : i32
      %parallel_loop3A_222 = arith.index_cast %parallel_loop3A_221 : i32 to index
      %parallel_loop3A_223 = arith.index_cast %parallel_loop3A_192 : i32 to index
      %parallel_loop3A_224 = tpu.vector_load %arg5[%parallel_loop3A_222, %parallel_loop3A_223] {strides = array<i32>} : memref<8x2048xf32, #tpu.memory_space<vmem>>, vector<1x16xf32>,
      %parallel_loop3A_225 = vector.shape_cast %parallel_loop3A_224 : vector<1x16xf32> to vector<16xf32>
      %parallel_loop3A_226 = arith.constant 1.000000e+00 : f32
      %parallel_loop3A_227 = vector.broadcast %parallel_loop3A_226 : f32 to vector<16xf32>
      %parallel_loop3A_228 = arith.minimumf %parallel_loop3A_225, %parallel_loop3A_227 : vector<16xf32>
      %parallel_loop3A_229 = arith.constant 2 : i32
      %parallel_loop3A_230 = arith.index_cast %parallel_loop3A_229 : i32 to index
      %parallel_loop3A_231 = arith.index_cast %parallel_loop3A_192 : i32 to index
      %parallel_loop3A_232 = tpu.vector_load %arg5[%parallel_loop3A_230, %parallel_loop3A_231] {strides = array<i32>} : memref<8x2048xf32, #tpu.memory_space<vmem>>, vector<1x16xf32>,
      %parallel_loop3A_233 = vector.shape_cast %parallel_loop3A_232 : vector<1x16xf32> to vector<16xf32>
      %parallel_loop3A_234 = vector.shape_cast %parallel_loop3A_228 : vector<16xf32> to vector<1x16xf32>
      tpu.vector_store %arg5[%parallel_loop3A_230, %parallel_loop3A_231], %parallel_loop3A_234 {strides = array<i32>} : memref<8x2048xf32, #tpu.memory_space<vmem>>, vector<1x16xf32>,
      %parallel_loop3A_235 = arith.constant 3 : i32
      %parallel_loop3A_236 = arith.index_cast %parallel_loop3A_235 : i32 to index
      %parallel_loop3A_237 = arith.index_cast %parallel_loop3A_192 : i32 to index
      %parallel_loop3A_238 = tpu.vector_load %arg5[%parallel_loop3A_236, %parallel_loop3A_237] {strides = array<i32>} : memref<8x2048xf32, #tpu.memory_space<vmem>>, vector<1x16xf32>,
      %parallel_loop3A_239 = vector.shape_cast %parallel_loop3A_238 : vector<1x16xf32> to vector<16xf32>
      %parallel_loop3A_240 = arith.constant 1.000000e+00 : f32
      %parallel_loop3A_241 = vector.broadcast %parallel_loop3A_240 : f32 to vector<16xf32>
      %parallel_loop3A_242 = arith.minimumf %parallel_loop3A_239, %parallel_loop3A_241 : vector<16xf32>
      %parallel_loop3A_243 = arith.constant 3 : i32
      %parallel_loop3A_244 = arith.index_cast %parallel_loop3A_243 : i32 to index
      %parallel_loop3A_245 = arith.index_cast %parallel_loop3A_192 : i32 to index
      %parallel_loop3A_246 = tpu.vector_load %arg5[%parallel_loop3A_244, %parallel_loop3A_245] {strides = array<i32>} : memref<8x2048xf32, #tpu.memory_space<vmem>>, vector<1x16xf32>,
      %parallel_loop3A_247 = vector.shape_cast %parallel_loop3A_246 : vector<1x16xf32> to vector<16xf32>
      %parallel_loop3A_248 = vector.shape_cast %parallel_loop3A_242 : vector<16xf32> to vector<1x16xf32>
      tpu.vector_store %arg5[%parallel_loop3A_244, %parallel_loop3A_245], %parallel_loop3A_248 {strides = array<i32>} : memref<8x2048xf32, #tpu.memory_space<vmem>>, vector<1x16xf32>,
      %parallel_loop3A_249 = arith.constant 4 : i32
      %parallel_loop3A_250 = arith.index_cast %parallel_loop3A_249 : i32 to index
      %parallel_loop3A_251 = arith.index_cast %parallel_loop3A_192 : i32 to index
      %parallel_loop3A_252 = tpu.vector_load %arg5[%parallel_loop3A_250, %parallel_loop3A_251] {strides = array<i32>} : memref<8x2048xf32, #tpu.memory_space<vmem>>, vector<1x16xf32>,
      %parallel_loop3A_253 = vector.shape_cast %parallel_loop3A_252 : vector<1x16xf32> to vector<16xf32>
      %parallel_loop3A_254 = arith.constant 1.000000e+00 : f32
      %parallel_loop3A_255 = vector.broadcast %parallel_loop3A_254 : f32 to vector<16xf32>
      %parallel_loop3A_256 = arith.minimumf %parallel_loop3A_253, %parallel_loop3A_255 : vector<16xf32>
      %parallel_loop3A_257 = arith.constant 4 : i32
      %parallel_loop3A_258 = arith.index_cast %parallel_loop3A_257 : i32 to index
      %parallel_loop3A_259 = arith.index_cast %parallel_loop3A_192 : i32 to index
      %parallel_loop3A_260 = tpu.vector_load %arg5[%parallel_loop3A_258, %parallel_loop3A_259] {strides = array<i32>} : memref<8x2048xf32, #tpu.memory_space<vmem>>, vector<1x16xf32>,
      %parallel_loop3A_261 = vector.shape_cast %parallel_loop3A_260 : vector<1x16xf32> to vector<16xf32>
      %parallel_loop3A_262 = vector.shape_cast %parallel_loop3A_256 : vector<16xf32> to vector<1x16xf32>
      tpu.vector_store %arg5[%parallel_loop3A_258, %parallel_loop3A_259], %parallel_loop3A_262 {strides = array<i32>} : memref<8x2048xf32, #tpu.memory_space<vmem>>, vector<1x16xf32>,
      %parallel_loop3A_263 = arith.constant 5 : i32
      %parallel_loop3A_264 = arith.index_cast %parallel_loop3A_263 : i32 to index
      %parallel_loop3A_265 = arith.index_cast %parallel_loop3A_192 : i32 to index
      %parallel_loop3A_266 = tpu.vector_load %arg5[%parallel_loop3A_264, %parallel_loop3A_265] {strides = array<i32>} : memref<8x2048xf32, #tpu.memory_space<vmem>>, vector<1x16xf32>,
      %parallel_loop3A_267 = vector.shape_cast %parallel_loop3A_266 : vector<1x16xf32> to vector<16xf32>
      %parallel_loop3A_268 = arith.constant 1.000000e+00 : f32
      %parallel_loop3A_269 = vector.broadcast %parallel_loop3A_268 : f32 to vector<16xf32>
      %parallel_loop3A_270 = arith.minimumf %parallel_loop3A_267, %parallel_loop3A_269 : vector<16xf32>
      %parallel_loop3A_271 = arith.constant 5 : i32
      %parallel_loop3A_272 = arith.index_cast %parallel_loop3A_271 : i32 to index
      %parallel_loop3A_273 = arith.index_cast %parallel_loop3A_192 : i32 to index
      %parallel_loop3A_274 = tpu.vector_load %arg5[%parallel_loop3A_272, %parallel_loop3A_273] {strides = array<i32>} : memref<8x2048xf32, #tpu.memory_space<vmem>>, vector<1x16xf32>,
      %parallel_loop3A_275 = vector.shape_cast %parallel_loop3A_274 : vector<1x16xf32> to vector<16xf32>
      %parallel_loop3A_276 = vector.shape_cast %parallel_loop3A_270 : vector<16xf32> to vector<1x16xf32>
      tpu.vector_store %arg5[%parallel_loop3A_272, %parallel_loop3A_273], %parallel_loop3A_276 {strides = array<i32>} : memref<8x2048xf32, #tpu.memory_space<vmem>>, vector<1x16xf32>,
      %parallel_loop3A_277 = arith.constant 6 : i32
      %parallel_loop3A_278 = arith.index_cast %parallel_loop3A_277 : i32 to index
      %parallel_loop3A_279 = arith.index_cast %parallel_loop3A_192 : i32 to index
      %parallel_loop3A_280 = tpu.vector_load %arg5[%parallel_loop3A_278, %parallel_loop3A_279] {strides = array<i32>} : memref<8x2048xf32, #tpu.memory_space<vmem>>, vector<1x16xf32>,
      %parallel_loop3A_281 = vector.shape_cast %parallel_loop3A_280 : vector<1x16xf32> to vector<16xf32>
      %parallel_loop3A_282 = arith.constant 1.000000e+00 : f32
      %parallel_loop3A_283 = vector.broadcast %parallel_loop3A_282 : f32 to vector<16xf32>
      %parallel_loop3A_284 = arith.minimumf %parallel_loop3A_281, %parallel_loop3A_283 : vector<16xf32>
      %parallel_loop3A_285 = arith.constant 6 : i32
      %parallel_loop3A_286 = arith.index_cast %parallel_loop3A_285 : i32 to index
      %parallel_loop3A_287 = arith.index_cast %parallel_loop3A_192 : i32 to index
      %parallel_loop3A_288 = tpu.vector_load %arg5[%parallel_loop3A_286, %parallel_loop3A_287] {strides = array<i32>} : memref<8x2048xf32, #tpu.memory_space<vmem>>, vector<1x16xf32>,
      %parallel_loop3A_289 = vector.shape_cast %parallel_loop3A_288 : vector<1x16xf32> to vector<16xf32>
      %parallel_loop3A_290 = vector.shape_cast %parallel_loop3A_284 : vector<16xf32> to vector<1x16xf32>
      tpu.vector_store %arg5[%parallel_loop3A_286, %parallel_loop3A_287], %parallel_loop3A_290 {strides = array<i32>} : memref<8x2048xf32, #tpu.memory_space<vmem>>, vector<1x16xf32>,
      %parallel_loop3A_291 = arith.constant 7 : i32
      %parallel_loop3A_292 = arith.index_cast %parallel_loop3A_291 : i32 to index
      %parallel_loop3A_293 = arith.index_cast %parallel_loop3A_192 : i32 to index
      %parallel_loop3A_294 = tpu.vector_load %arg5[%parallel_loop3A_292, %parallel_loop3A_293] {strides = array<i32>} : memref<8x2048xf32, #tpu.memory_space<vmem>>, vector<1x16xf32>,
      %parallel_loop3A_295 = vector.shape_cast %parallel_loop3A_294 : vector<1x16xf32> to vector<16xf32>
      %parallel_loop3A_296 = arith.constant 1.000000e+00 : f32
      %parallel_loop3A_297 = vector.broadcast %parallel_loop3A_296 : f32 to vector<16xf32>
      %parallel_loop3A_298 = arith.minimumf %parallel_loop3A_295, %parallel_loop3A_297 : vector<16xf32>
      %parallel_loop3A_299 = arith.constant 7 : i32
      %parallel_loop3A_300 = arith.index_cast %parallel_loop3A_299 : i32 to index
      %parallel_loop3A_301 = arith.index_cast %parallel_loop3A_192 : i32 to index
      %parallel_loop3A_302 = tpu.vector_load %arg5[%parallel_loop3A_300, %parallel_loop3A_301] {strides = array<i32>} : memref<8x2048xf32, #tpu.memory_space<vmem>>, vector<1x16xf32>,
      %parallel_loop3A_303 = vector.shape_cast %parallel_loop3A_302 : vector<1x16xf32> to vector<16xf32>
      %parallel_loop3A_304 = vector.shape_cast %parallel_loop3A_298 : vector<16xf32> to vector<1x16xf32>
      tpu.vector_store %arg5[%parallel_loop3A_300, %parallel_loop3A_301], %parallel_loop3A_304 {strides = array<i32>} : memref<8x2048xf32, #tpu.memory_space<vmem>>, vector<1x16xf32>,
    } {sc.loop_unroll_factor = 2 : i64, sc.parallel_access}
    %add3A_156 = arith.constant 1008 : i32
    %add3A_157 = arith.addi %mul3A_6, %add3A_156 : i32
    %dma_start3A_158 = arith.constant 0 : i32
    %dma_start3A_159 = tpu.memref_slice %arg3[%add3A_157, %dma_start3A_158] : memref<32768x2048xf32, #tpu.memory_space<hbm>> -> memref<8x2048xf32, #tpu.memory_space<hbm>>
    %dma_start3A_160 = arith.constant 0 : i32
    %dma_start3A_161 = tpu.memref_slice %arg3[%add3A_157, %dma_start3A_160] : memref<32768x2048xf32, #tpu.memory_space<hbm>> -> memref<8x2048xf32, #tpu.memory_space<hbm>>
    tpu.enqueue_dma source(%arg4 : memref<8x2048xf32, #tpu.memory_space<vmem>>) target(%dma_start3A_161 : memref<8x2048xf32, #tpu.memory_space<hbm>>) target_semaphore(%arg16 : memref<!tpu.dma_semaphore, #tpu.memory_space<semaphore_mem>>)
    %add3A_162 = arith.constant 1016 : i32
    %add3A_163 = arith.addi %mul3A_6, %add3A_162 : i32
    %dma_start3A_164 = arith.constant 0 : i32
    %dma_start3A_165 = tpu.memref_slice %arg3[%add3A_163, %dma_start3A_164] : memref<32768x2048xf32, #tpu.memory_space<hbm>> -> memref<8x2048xf32, #tpu.memory_space<hbm>>
    %dma_start3A_166 = arith.constant 0 : i32
    %dma_start3A_167 = tpu.memref_slice %arg3[%add3A_163, %dma_start3A_166] : memref<32768x2048xf32, #tpu.memory_space<hbm>> -> memref<8x2048xf32, #tpu.memory_space<hbm>>
    tpu.enqueue_dma source(%arg5 : memref<8x2048xf32, #tpu.memory_space<vmem>>) target(%dma_start3A_167 : memref<8x2048xf32, #tpu.memory_space<hbm>>) target_semaphore(%arg17 : memref<!tpu.dma_semaphore, #tpu.memory_space<semaphore_mem>>)
    %dma_wait3A_168 = arith.constant 0 : i32
    %dma_wait3A_169 = tpu.memref_slice %arg3[%mul3A_6, %dma_wait3A_168] : memref<32768x2048xf32, #tpu.memory_space<hbm>> -> memref<8x2048xf32, #tpu.memory_space<hbm>>
    %dma_wait3A_170 = arith.constant 0 : i32
    %dma_wait3A_171 = tpu.memref_slice %arg3[%mul3A_6, %dma_wait3A_170] : memref<32768x2048xf32, #tpu.memory_space<hbm>> -> memref<8x2048xf32, #tpu.memory_space<hbm>>
    tpu.wait_dma2 semaphore(%arg16 : memref<!tpu.dma_semaphore, #tpu.memory_space<semaphore_mem>>) src(%arg4 : memref<8x2048xf32, #tpu.memory_space<vmem>>) dst(%dma_wait3A_171 : memref<8x2048xf32, #tpu.memory_space<hbm>>)
    %dma_wait3A_172 = arith.constant 0 : i32
    %dma_wait3A_173 = tpu.memref_slice %arg3[%mul3A_6, %dma_wait3A_172] : memref<32768x2048xf32, #tpu.memory_space<hbm>> -> memref<8x2048xf32, #tpu.memory_space<hbm>>
    %dma_wait3A_174 = arith.constant 0 : i32
    %dma_wait3A_175 = tpu.memref_slice %arg3[%mul3A_6, %dma_wait3A_174] : memref<32768x2048xf32, #tpu.memory_space<hbm>> -> memref<8x2048xf32, #tpu.memory_space<hbm>>
    tpu.wait_dma2 semaphore(%arg17 : memref<!tpu.dma_semaphore, #tpu.memory_space<semaphore_mem>>) src(%arg5 : memref<8x2048xf32, #tpu.memory_space<vmem>>) dst(%dma_wait3A_175 : memref<8x2048xf32, #tpu.memory_space<hbm>>)
    %dma_wait3A_176 = arith.constant 0 : i32
    %dma_wait3A_177 = tpu.memref_slice %arg3[%mul3A_6, %dma_wait3A_176] : memref<32768x2048xf32, #tpu.memory_space<hbm>> -> memref<8x2048xf32, #tpu.memory_space<hbm>>
    %dma_wait3A_178 = arith.constant 0 : i32
    %dma_wait3A_179 = tpu.memref_slice %arg3[%mul3A_6, %dma_wait3A_178] : memref<32768x2048xf32, #tpu.memory_space<hbm>> -> memref<8x2048xf32, #tpu.memory_space<hbm>>
    tpu.wait_dma2 semaphore(%arg18 : memref<!tpu.dma_semaphore, #tpu.memory_space<semaphore_mem>>) src(%arg6 : memref<8x2048xf32, #tpu.memory_space<vmem>>) dst(%dma_wait3A_179 : memref<8x2048xf32, #tpu.memory_space<hbm>>)
    %dma_wait3A_180 = arith.constant 0 : i32
    %dma_wait3A_181 = tpu.memref_slice %arg3[%mul3A_6, %dma_wait3A_180] : memref<32768x2048xf32, #tpu.memory_space<hbm>> -> memref<8x2048xf32, #tpu.memory_space<hbm>>
    %dma_wait3A_182 = arith.constant 0 : i32
    %dma_wait3A_183 = tpu.memref_slice %arg3[%mul3A_6, %dma_wait3A_182] : memref<32768x2048xf32, #tpu.memory_space<hbm>> -> memref<8x2048xf32, #tpu.memory_space<hbm>>
    tpu.wait_dma2 semaphore(%arg19 : memref<!tpu.dma_semaphore, #tpu.memory_space<semaphore_mem>>) src(%arg7 : memref<8x2048xf32, #tpu.memory_space<vmem>>) dst(%dma_wait3A_183 : memref<8x2048xf32, #tpu.memory_space<hbm>>)
    %dma_wait3A_184 = arith.constant 0 : i32
    %dma_wait3A_185 = tpu.memref_slice %arg3[%mul3A_6, %dma_wait3A_184] : memref<32768x2048xf32, #tpu.memory_space<hbm>> -> memref<8x2048xf32, #tpu.memory_space<hbm>>
    %dma_wait3A_186 = arith.constant 0 : i32
    %dma_wait3A_187 = tpu.memref_slice %arg3[%mul3A_6, %dma_wait3A_186] : memref<32768x2048xf32, #tpu.memory_space<hbm>> -> memref<8x2048xf32, #tpu.memory_space<hbm>>
    tpu.wait_dma2 semaphore(%arg20 : memref<!tpu.dma_semaphore, #tpu.memory_space<semaphore_mem>>) src(%arg8 : memref<8x2048xf32, #tpu.memory_space<vmem>>) dst(%dma_wait3A_187 : memref<8x2048xf32, #tpu.memory_space<hbm>>)
    %dma_wait3A_188 = arith.constant 0 : i32
    %dma_wait3A_189 = tpu.memref_slice %arg3[%mul3A_6, %dma_wait3A_188] : memref<32768x2048xf32, #tpu.memory_space<hbm>> -> memref<8x2048xf32, #tpu.memory_space<hbm>>
    %dma_wait3A_190 = arith.constant 0 : i32
    %dma_wait3A_191 = tpu.memref_slice %arg3[%mul3A_6, %dma_wait3A_190] : memref<32768x2048xf32, #tpu.memory_space<hbm>> -> memref<8x2048xf32, #tpu.memory_space<hbm>>
    tpu.wait_dma2 semaphore(%arg21 : memref<!tpu.dma_semaphore, #tpu.memory_space<semaphore_mem>>) src(%arg9 : memref<8x2048xf32, #tpu.memory_space<vmem>>) dst(%dma_wait3A_191 : memref<8x2048xf32, #tpu.memory_space<hbm>>)
    return
  }
}

</mosaic_0001>

<sc_bundles>
// kernel: kernel.3.cloned.1.call-start
scs
__scs_entry_jumppad:
0x0: {  	(pc) =	sbr.rel $0x88, $3  }
0x1: {  	(tag) =	ssettag $0x0;
	lr =	simm.s32 $0x1  }
0x2: {  	[smem:$0x3FA0] =	sst lr;
	_ =	strace $0xD0000000  }
0x3: {  	_ = 	snop  }
0x4: {  	_ = 	snop  }
0x5: {  	_ = 	snop  }
0x6: {  	_ = 	snop  }
0x7: {  	_ = 	snop  }
__scs_overlays_trampoline_lowered:
0x8: {  	[smem:$0x3FAF] =	sst s0  }
0x9: {  	[smem:$0x3FB0] =	sst s1  }
0xa: {  	[smem:$0x3FB1] =	sst s2  }
0xb: {  	[smem:$0x3FB2] =	sst s3  }
0xc: {  	[smem:$0x3FB3] =	sst s4  }
0xd: {  	[smem:$0x3FB4] =	sst s5  }
0xe: {  	[smem:$0x3FB5] =	sst s6  }
0xf: {  	[smem:$0x3FB6] =	sst s7  }
0x10: {  	[smem:$0x3FB7] =	sst s8  }
0x11: {  	[smem:$0x3FB8] =	sst s9;
	s0 =	simm.s32 @!p0 $0x0  }
0x12: {  	s1 =	sld [smem:$0x3F9E];
	s0 =	simm.s32 @p0 $0x1  }
0x13: {  	[smem:$0x3FB9] =	sst s0;
	s0 =	simm.s32 @!p1 $0x0  }
0x14: {  	s2 =	sld [smem:$0x3F9D];
	s0 =	simm.s32 @p1 $0x1  }
0x15: {  	[smem:$0x3FBA] =	sst s0;
	s0 =	simm.s32 @!p2 $0x0  }
0x16: {  	s3 =	sld [smem:$0x3FDB];
	s0 =	simm.s32 @p2 $0x1  }
0x17: {  	s4 =	simm.s32 $0x1BF5;
	[smem:$0x3FBC] =	sst s0  }
0x18: {  	s0 =	sld [smem:$0x3F9F];
	_ =	swait.ge [sflag:s4], $0x0  }
0x19: {  	s7 =	sld [smem:$0x3FA0]  }
0x1a: {  	s8 =	sadd.s32 $0xFFFFE003, lr  }
0x1b: {  	s9 =	sadd.s32 $0xFFFFFEF7, lr;
	s5 =	simm.s32 $0xFFFFFFFF;
	p2 =	slt.u32 s8, $0xFFFFF086  }
0x1c: {  	p1 =	slt.u32 s9, $0xF7A;
	s5 =	simm.s32 @!p2 $0x0  }
0x1d: {  	s5 =	simm.s32 @p1 $0x1;
	p0 =	seq.s32 s7, s2  }
0x1e: {  	s7 =	smul.u32 @!p0 $0xF7A, s2;
	p2 =	seq.s32 @!p0 s5, $0x0  }
0x1f: {  	s9 =	smul.u32 $0xF7A, s1;
	s8 =	simm.s32 @!p0 $0x1BF5;
	p2 =	por !p2, p0  }
0x20: {  	[sflag:s8] =	ssyncset.s32 @!p0 $0xFFFFF086;
	s6 =	sadd.s32 @!p0 s3, s7;
	s7 =	simm.s32 @!p0 $0x108  }
0x21: {  	s3 =	sadd.s32 s3, s9;
	s6 =	sadd.s32 @!p0 $0x88, s6;
	s7 =	simm.s32 @p2 $0x1082  }
0x22: {  	[simem:s7], [sflag:s8] =	dma.local @!p0 [hbm:s6], $0xF7A  }
0x23: {  	s9 =	sor.u32 $0xD0000000, s2;
	s6 =	simm.s32 $0x108;
	_ =	swait.ge @!p0 [sflag:s8], $0x0  }
0x24: {  	s3 =	sadd.s32 $0x88, s3;
	s6 =	simm.s32 @!p1 $0x1082;
	[sflag:s4] =	ssyncset.s32 $0xFFFFF086  }
0x25: {  	[simem:s6], [sflag:s4] =	dma.local [hbm:s3], $0xF7A  }
0x26: {  	[smem:$0x3FA0] =	sst s1;
	(tag) =	ssettag s2;
	_ =	strace s9  }
0x27: {  	s1 =	sld [smem:$0x3FB0]  }
0x28: {  	s2 =	sld [smem:$0x3FB1]  }
0x29: {  	s4 =	sld [smem:$0x3FB3]  }
0x2a: {  	p0 =	seq.s32 s5, $0x0;
	s5 =	sld [smem:$0x3FB4]  }
0x2b: {  	s6 =	sld [smem:$0x3FB5]  }
0x2c: {  	s7 =	sld [smem:$0x3FB6]  }
0x2d: {  	s3 =	simm.s32 $0x108;
	s8 =	sld [smem:$0x3FB7]  }
0x2e: {  	s3 =	simm.s32 @!p0 $0x1082;
	s9 =	sld [smem:$0x3FB8]  }
0x2f: {  	lr =	sadd.s32 s0, s3;
	s0 =	sld [smem:$0x3FAF]  }
0x30: {  	s3 =	sld [smem:$0x3FB2]  }
0x31: {  	[smem:$0x3FBB] =	sst s10  }
0x32: {  	s10 =	sld [smem:$0x3FB9];
	_ =	sdelay $0x3  }
0x33: {  	p0 =	seq.s32 s10, $0x1;
	s10 =	sld [smem:$0x3FBB];
	_ =	sdelay $0x3  }
0x34: {  	[smem:$0x3FBB] =	sst s10  }
0x35: {  	s10 =	sld [smem:$0x3FBA];
	_ =	sdelay $0x3  }
0x36: {  	p1 =	seq.s32 s10, $0x1;
	s10 =	sld [smem:$0x3FBB];
	_ =	sdelay $0x3  }
0x37: {  	[smem:$0x3FBB] =	sst s10  }
0x38: {  	s10 =	sld [smem:$0x3FBC]  }
0x39: {  	_ = 	snop;
	(pc) =	sbr.ind lr, $3  }
0x3a: {  	_ = 	snop  }
0x3b: {  	_ = 	snop  }
0x3c: {  	p2 =	seq.s32 s10, $0x1;
	s10 =	sld [smem:$0x3FBB]  }
0x3d: {  	_ =	shalt  }
0x3e: {  	_ =	shalt  }
0x3f: {  	_ =	shalt  }
0x40: {  	_ =	shalt  }
0x41: {  	_ =	shalt  }
0x42: {  	_ =	shalt  }
0x43: {  	_ =	shalt  }
0x44: {  	_ =	shalt  }
0x45: {  	_ =	shalt  }
0x46: {  	_ =	shalt  }
0x47: {  	_ =	shalt  }
0x48: {  	_ =	shalt  }
0x49: {  	_ =	shalt  }
0x4a: {  	_ =	shalt  }
0x4b: {  	_ =	shalt  }
0x4c: {  	_ =	shalt  }
0x4d: {  	_ =	shalt  }
0x4e: {  	_ =	shalt  }
0x4f: {  	_ =	shalt  }
0x50: {  	_ =	shalt  }
0x51: {  	_ =	shalt  }
0x52: {  	_ =	shalt  }
0x53: {  	_ =	shalt  }
0x54: {  	_ =	shalt  }
0x55: {  	_ =	shalt  }
0x56: {  	_ =	shalt  }
0x57: {  	_ =	shalt  }
0x58: {  	_ =	shalt  }
0x59: {  	_ =	shalt  }
0x5a: {  	_ =	shalt  }
0x5b: {  	_ =	shalt  }
0x5c: {  	_ =	shalt  }
0x5d: {  	_ =	shalt  }
0x5e: {  	_ =	shalt  }
0x5f: {  	_ =	shalt  }
0x60: {  	_ =	shalt  }
0x61: {  	_ =	shalt  }
0x62: {  	_ =	shalt  }
0x63: {  	_ =	shalt  }
0x64: {  	_ =	shalt  }
0x65: {  	_ =	shalt  }
0x66: {  	_ =	shalt  }
0x67: {  	_ =	shalt  }
0x68: {  	_ =	shalt  }
0x69: {  	_ =	shalt  }
0x6a: {  	_ =	shalt  }
0x6b: {  	_ =	shalt  }
0x6c: {  	_ =	shalt  }
0x6d: {  	_ =	shalt  }
0x6e: {  	_ =	shalt  }
0x6f: {  	_ =	shalt  }
0x70: {  	_ =	shalt  }
0x71: {  	_ =	shalt  }
0x72: {  	_ =	shalt  }
0x73: {  	_ =	shalt  }
0x74: {  	_ =	shalt  }
0x75: {  	_ =	shalt  }
0x76: {  	_ =	shalt  }
0x77: {  	_ =	shalt  }
0x78: {  	_ =	shalt  }
0x79: {  	_ =	shalt  }
0x7a: {  	_ =	shalt  }
0x7b: {  	_ =	shalt  }
0x7c: {  	_ =	shalt  }
0x7d: {  	_ =	shalt  }
0x7e: {  	_ =	shalt  }
0x7f: {  	_ =	shalt  }
0x80: {  	_ =	shalt  }
0x81: {  	_ =	shalt  }
0x82: {  	_ =	shalt  }
0x83: {  	_ =	shalt  }
0x84: {  	_ =	shalt  }
0x85: {  	_ =	shalt  }
0x86: {  	_ =	shalt  }
0x87: {  	_ =	shalt  }
.Lfunc_end0:
.L_simem_size_0:
called_computation_lowered:
.L_overlay_start_0:
0x88: {  	s2 =	sld [smem:$0x3FD9]  }
0x89: {  	s3 =	sld [smem:$0x3FFE];
	_ =	sdelay $0x1  }
0x8a: {  	s1 =	srdreg.scid  }
0x8b: {  	s0 =	sand.u32 $0x1, s1  }
0x8c: {  	s18 =	sshll.u32 s0, $0xA;
	s2 =	sadd.s32 s3, s2  }
0x8d: {  	s2 =	sadd.s32 s2, s18  }
0x8e: {  	[smem:$0x3FC7] =	sst s2  }
0x8f: {  	_ = 	snop  }
0x90: {  	s2 =	sld [smem:$0x3FC9]  }
0x91: {  	s19 =	sld [smem:$0x3FD0];
	(tm) =	ssettm $0x1  }
0x92: {  	s4 =	sld [smem:$0x3FFB];
	_ =	sdelay $0x3  }
0x93: {  	_ =	strace s4  }
0x94: {  	s4 =	sld [smem:$0x3FFC];
	_ =	sdelay $0x3  }
0x95: {  	_ =	strace s4  }
0x96: {  	s4 =	sld [smem:$0x3FFD];
	_ =	sdelay $0x3  }
0x97: {  	_ =	strace s4  }
0x98: {  	_ =	strace $0x8FFFFFFF  }
0x99: {  	s20 =	sld [smem:$0x3FDB];
	_ =	sdelay $0x1  }
0x9a: {  	s5 =	simm.s32 $_scs_section_size  }
0x9b: {  	s6 =	simm.s32 $_size__tile_overlayer_lowered;
	s7 =	simm.s32 $_tile_overlayer_lowered  }
0x9c: {  	s23 =	simm.s32 $0x1BFF;
	s22 =	sshll.u32 s7, $0x1;
	s4 =	sadd.s32 s5, s20  }
0x9d: {  	s8 =	simm.s32 $0x0;
	s21 =	sshll.u32 s6, $0x1;
	s6 =	sadd.s32 s22, s4  }
0x9e: {  	[timem:s8], [sflag:s23] =	dma.local [hbm:s6], s21  }
0x9f: {  	_ =	swait.ge [sflag:s23], s21  }
0xa0: {  	s5 =	ssub.s32 $0x0, s21;
	[sflag:s23] =	ssyncset.done $0x0  }
0xa1: {  	[sflag:s23] =	ssyncadd.s32 s5;
	_ =	sdelay $0x1  }
0xa2: {  	s24 =	simm.s32 $0x1B8B  }
0xa3: {  	_ =	swait.ge [sflag:s24], $0x1  }
0xa4: {  	[sflag:s24] =	ssyncset.done $0x0  }
0xa5: {  	s25 =	simm.s32 $0x1B8E;
	[sflag:s24] =	ssyncadd.s32 $0xFFFFFFFF  }
0xa6: {  	s26 =	simm.s32 $execute0_lowered;
	[smem:$0x3FD2] =	sst s25  }
0xa7: {  	s5 =	sshll.u32 s26, $0x1;
	_ =	strace $0x80000046;
	[dreg:$0x1] =	wrdreg $0xFFFFFFFF  }
0xa8: {  	s28 =	simm.s32 $_size_execute0_lowered;
	s4 =	sadd.s32 s4, s5;
	[dreg:$0x0] =	wrdreg $0x0  }
0xa9: {  	s5 =	sshll.u32 s28, $0x1;
	[dreg:$0x2] =	wrdreg s4  }
0xaa: {  	[dreg:$0x3] =	wrdreg s5  }
0xab: {  	[dreg:$0x4] =	wrdreg $0xC0  }
0xac: {  	_ =	task [dreg:s8], $0x5FFFF  }
0xad: {  	[dreg:$0x1] =	wrdreg $0xFFFFFFFF  }
0xae: {  	[dreg:$0x0] =	wrdreg $0x60  }
0xaf: {  	[dreg:$0x2] =	wrdreg s2  }
0xb0: {  	[dreg:$0x3] =	wrdreg s19  }
0xb1: {  	[dreg:$0x4] =	wrdreg $0x9  }
0xb2: {  	_ =	task.clear_ibuf [dreg:s8], $0x5FFFF;
	_ =	strace $0x90000046  }
0xb3: {  	s29 =	simm.s32 $0x9;
	_ =	strace $0x80000048  }
0xb4: {  	_ =	swait.ge [sflag:s29], $0x1  }
0xb5: {  	[sflag:s29] =	ssyncadd.s32 $0xFFFFFFFF  }
0xb6: {  	_ =	strace $0x90000048  }
0xb7: {  	_ =	sfence  }
0xb8: {  	s30 =	sld [smem:$0x0];
	_ =	sdelay $0x2  }
0xb9: {  	s31 =	sshll.u32 s1, $0xD;
	s1 =	sshrl.u32 s1, $0x2  }
0xba: {  	s3 =	sand.u32 $0x4000, s31;
	s1 =	sadd.s32 s1, s30  }
0xbb: {  	s0 =	sor.u32 s3, s0;
	s1 =	sshll.u32 s1, $0x11  }
0xbc: {  	s0 =	sor.u32 s1, s0  }
0xbd: {  	s0 =	sadd.s32 $0x8F2B, s0  }
0xbe: {  	[sflag:s0] =	ssyncadd.remote.s32 $0x1  }
0xbf: {  	_ =	sfence.sel $0xFFFF  }
0xc0: {  	[dreg:$0x0] =	wrdreg $0xFFFFFFFF;
	(pc) =	sbr.abs _section_cstart, $3  }
0xc1: {  	[dreg:$0x1] =	wrdreg $0xFFFFFFFF  }
0xc2: {  	_ =	task.clear_ibuf [dreg:s8], $0x2FFFF;
	_ =	strace $0x9FFFFFFF  }
0xc3: {  	(tm) =	ssettm $0x7FFFFFFF  }
tec
execute0_lowered:
.L_overlay_start_1:
0x0: {  	(tag) =	ssettag $0x1  }
0x1: {  	s0 =	srdreg.scid  }
0x2: {  	s1 =	rddreg [dreg:$0x0];
	s4 =	stileid.u32;
	s0 =	sand.u32 $0x1, s0  }
0x3: {  	s4 =	sshll.u32 s4, $0xB;
	s2 =	ssub.s32 $0x2, s0;
	s0 =	sshll.u32 s0, $0xA  }
0x4: {  	s3 =	rddreg [dreg:$0x1];
	s17 =	simm.s32 $0x0;
	s0 =	sor.u32 s0, s4  }
0x5: {  	[smem:$0x7FF] =	sst s17;
	s9 =	sor.u32 $0x18, s0  }
0x6: {  	_ =	strace $0x80000047;
	s10 =	sor.u32 $0x38, s0;
	[dreg:$0xb] =	wrdreg s9  }
0x7: {  	s11 =	sor.u32 $0x20, s0;
	[dreg:$0xc] =	wrdreg s10  }
0x8: {  	s12 =	sor.u32 $0x40, s0;
	[dreg:$0xd] =	wrdreg s11  }
0x9: {  	s13 =	sor.u32 $0x28, s0;
	[dreg:$0xe] =	wrdreg s12  }
0xa: {  	s5 =	sshrl.u32 s2, $0x1;
	s14 =	sor.u32 $0x48, s0;
	[dreg:$0xf] =	wrdreg s13  }
0xb: {  	s2 =	ssub.s32 s2, s5;
	s15 =	sor.u32 $0x50, s0;
	[dreg:$0x10] =	wrdreg s14  }
0xc: {  	s4 =	sshll.u32 s0, $0x8;
	[dreg:$0x11] =	wrdreg s15;
	s21 =	smax.u32 s2, $0x1  }
0xd: {  	s7 =	sadd.s32 s1, s4;
	s23 =	sor.u32 $0x800, s4;
	[dreg:$0x17] =	wrdreg s21  }
0xe: {  	s6 =	sor.u32 $0x1000, s4;
	s8 =	sadd.s32 s1, s23;
	[dreg:$0x3] =	wrdreg s7  }
0xf: {  	s24 =	sadd.s32 s1, s6;
	[dreg:$0x4] =	wrdreg s8  }
0x10: {  	s25 =	sadd.s32 $0x1800, s7;
	[dreg:$0x5] =	wrdreg s24  }
0x11: {  	s5 =	sadd.s32 s3, s23;
	[dreg:$0x6] =	wrdreg s25  }
0x12: {  	s26 =	sadd.s32 s3, s6;
	[dreg:$0x8] =	wrdreg s5  }
0x13: {  	s6 =	sor.u32 $0x30, s0;
	[dreg:$0x9] =	wrdreg s26  }
0x14: {  	s16 =	sor.u32 $0x3F000, s4;
	s0 =	sor.u32 $0x58, s0;
	[dreg:$0xa] =	wrdreg s6  }
0x15: {  	s18 =	sadd.s32 s1, s16;
	[dreg:$0x12] =	wrdreg s0  }
0x16: {  	s20 =	sadd.s32 s3, s16;
	[dreg:$0x13] =	wrdreg s18  }
0x17: {  	s28 =	simm.s32 $0x9;
	s22 =	sadd.s32 $0x2000, s7;
	[dreg:$0x15] =	wrdreg s20  }
0x18: {  	s19 =	sor.u32 $0x3F800, s4;
	s23 =	sadd.s32 $0x2800, s7;
	[dreg:$0x18] =	wrdreg s22  }
0x19: {  	s8 =	sadd.s32 s3, s4;
	s4 =	sadd.s32 s1, s19;
	[dreg:$0x19] =	wrdreg s23  }
0x1a: {  	s29 =	simm.s32 $0xA;
	s0 =	sadd.s32 s3, s19;
	[dreg:$0x14] =	wrdreg s4  }
0x1b: {  	s30 =	simm.s32 $0xB;
	s31 =	simm.s32 $0xC;
	[dreg:$0x16] =	wrdreg s0  }
0x1c: {  	s2 =	simm.s32 $0x0;
	s24 =	sadd.s32 $0x3D800, s8;
	[dreg:$0x7] =	wrdreg s8  }
0x1d: {  	s22 =	simm.s32 $0x4000;
	s25 =	sadd.s32 $0x3E000, s8;
	[dreg:$0x1a] =	wrdreg s24  }
0x1e: {  	s6 =	simm.s32 $0x1;
	s26 =	sadd.s32 $0x3E800, s8;
	[dreg:$0x1b] =	wrdreg s25  }
0x1f: {  	s23 =	simm.s32 $0x7;
	s8 =	simm.s32 $0x2;
	[dreg:$0x1c] =	wrdreg s26  }
0x20: {  	s24 =	simm.s32 $0x5;
	s25 =	simm.s32 $0x8;
	s26 =	simm.s32 $0x6  }
.LBB2_1:
0x21: {  	[dreg:$0x1d] =	wrdreg s2  }
0x22: {  	s0 =	rddreg [dreg:$0x3]  }
0x23: {  	[tilespmem:s17], [sflag:$0x1] =	stream.linear.gather [hbm4b:s0+s17], $0x4000, $0x38;
	[tilespmem:$0x18000] =	vst v63  }
0x24: {  	s2 =	rddreg [dreg:$0x4]  }
0x25: {  	[tilespmem:s22], [sflag:$0x2] =	stream.linear.gather [hbm4b:s2+s17], $0x4000, $0x38;
	[tilespmem:$0x18000] =	vst v63  }
0x26: {  	s4 =	rddreg [dreg:$0x5];
	s5 =	simm.s32 $0x8000  }
0x27: {  	[tilespmem:s5], [sflag:$0x3] =	stream.linear.gather [hbm4b:s4+s17], $0x4000, $0x38;
	[tilespmem:$0x18000] =	vst v63  }
0x28: {  	s7 =	simm.s32 $0x0;
	_ =	swait.ge [sflag:s6], $0x4000  }
0x29: {  	s9 =	sand.u32 $0x3C00, s17;
	s0 =	sand.u32 $0x60, s7;
	[sflag:s6] =	ssyncset.done $0x0  }
0x2a: {  	s4 =	sor.u32 s0, s9;
	[sflag:s6] =	ssyncadd.s32 $0xFFFFC000  }
0x2b: {  	v0 =	vld [tilespmem:s4+$0x10]  }
0x2c: {  	v1 =	vld [tilespmem:s4+$0x90]  }
0x2d: {  	v4 =	vld [tilespmem:s4+$0x210]  }
0x2e: {  	v5 =	vld [tilespmem:s4+$0x290]  }
0x2f: {  	v2 =	vld [tilespmem:s4+$0x110]  }
0x30: {  	v3 =	vld [tilespmem:s4+$0x190]  }
0x31: {  	v0 =	vmin.f32 v0, $1.000000000e+00  }
0x32: {  	v4 =	vmin.f32 v4, $1.000000000e+00;
	[tilespmem:s4+$0x10] =	vst v0;
	v0 =	vmin.f32 v1, $1.000000000e+00;
	v1 =	vld [tilespmem:s4+$0x0]  }
0x33: {  	s10 =	sand.u32 $0x3, s17;
	[tilespmem:s4+$0x210] =	vst v4;
	v4 =	vmin.f32 v5, $1.000000000e+00;
	v5 =	vld [tilespmem:s4+$0x280]  }
0x34: {  	s0 =	sshll.u32 s10, $0x5;
	[tilespmem:s4+$0x90] =	vst v0;
	v0 =	vmin.f32 v2, $1.000000000e+00;
	v2 =	vld [tilespmem:s4+$0x80]  }
0x35: {  	s11 =	sadd.s32 $0x0, s0;
	[tilespmem:s4+$0x110] =	vst v0;
	v0 =	vmin.f32 v3, $1.000000000e+00;
	v3 =	vld [tilespmem:s4+$0x100]  }
0x36: {  	s7 =	simm.s32 $0x100;
	s5 =	simm.s32 $0x20;
	s0 =	sadd.s32 $0x10, s11;
	[tilespmem:s4+$0x190] =	vst v0;
	v0 =	vld [tilespmem:s4+$0x180]  }
0x37: {  	s7 =	sand.u32 $0x3C00, s7;
	s5 =	sand.u32 $0x60, s5;
	s9 =	sor.u32 $0x300, s0;
	v6 =	vld [tilespmem:s4+$0x200];
	[tilespmem:s4+$0x290] =	vst v4;
	v1 =	vmin.f32 v1, $1.000000000e+00  }
0x38: {  	s7 =	sor.u32 s5, s7;
	v4 =	vld [tilespmem:s9+$0x0];
	v5 =	vmin.f32 v5, $1.000000000e+00;
	[tilespmem:s4+$0x0] =	vst v1  }
0x39: {  	v1 =	vmin.f32 v2, $1.000000000e+00;
	v2 =	vld [tilespmem:s7+$0x10];
	[tilespmem:s4+$0x280] =	vst v5  }
0x3a: {  	[tilespmem:s4+$0x80] =	vst v1;
	v1 =	vmin.f32 v3, $1.000000000e+00;
	v3 =	vld [tilespmem:s7+$0x90]  }
0x3b: {  	[tilespmem:s4+$0x100] =	vst v1;
	v0 =	vmin.f32 v0, $1.000000000e+00;
	v1 =	vld [tilespmem:s7+$0x110]  }
0x3c: {  	[tilespmem:s4+$0x180] =	vst v0;
	v0 =	vmin.f32 v6, $1.000000000e+00;
	v6 =	vld [tilespmem:s7+$0x190]  }
0x3d: {  	[tilespmem:s4+$0x200] =	vst v0;
	v0 =	vmin.f32 v4, $1.000000000e+00;
	v4 =	vld [tilespmem:s7+$0x210]  }
0x3e: {  	s0 =	sor.u32 $0x380, s0;
	[tilespmem:s9+$0x0] =	vst v0;
	v0 =	vmin.f32 v2, $1.000000000e+00;
	v2 =	vld [tilespmem:s7+$0x290]  }
0x3f: {  	s16 =	simm.s32 $0x1;
	[tilespmem:s7+$0x10] =	vst v0;
	v0 =	vld [tilespmem:s0+$0x0];
	v3 =	vmin.f32 v3, $1.000000000e+00  }
0x40: {  	s5 =	sand.u32 $0x3, s16;
	[tilespmem:s7+$0x90] =	vst v3;
	v3 =	vld [tilespmem:s7+$0x0];
	v1 =	vmin.f32 v1, $1.000000000e+00  }
0x41: {  	s5 =	sshll.u32 s5, $0x5;
	[tilespmem:s7+$0x110] =	vst v1;
	v1 =	vld [tilespmem:s7+$0x80];
	v6 =	vmin.f32 v6, $1.000000000e+00  }
0x42: {  	s10 =	sadd.s32 $0x100, s5;
	[tilespmem:s7+$0x190] =	vst v6;
	v6 =	vld [tilespmem:s7+$0x100];
	v4 =	vmin.f32 v4, $1.000000000e+00  }
0x43: {  	s12 =	sadd.s32 $0x10, s10;
	[tilespmem:s7+$0x210] =	vst v4;
	v4 =	vld [tilespmem:s7+$0x180];
	v2 =	vmin.f32 v2, $1.000000000e+00  }
0x44: {  	s13 =	sor.u32 $0x300, s12;
	[tilespmem:s7+$0x290] =	vst v2;
	v2 =	vld [tilespmem:s7+$0x200];
	v0 =	vmin.f32 v0, $1.000000000e+00  }
0x45: {  	s4 =	simm.s32 $0x40;
	s9 =	simm.s32 $0x200;
	v5 =	vld [tilespmem:s13+$0x0];
	[tilespmem:s0+$0x0] =	vst v0;
	v0 =	vmin.f32 v3, $1.000000000e+00  }
0x46: {  	s14 =	sor.u32 $0x300, s11;
	s17 =	sand.u32 $0x60, s4;
	s18 =	sand.u32 $0x3C00, s9;
	v3 =	vld [tilespmem:s7+$0x280];
	[tilespmem:s7+$0x0] =	vst v0;
	v0 =	vmin.f32 v1, $1.000000000e+00  }
0x47: {  	s5 =	sor.u32 s17, s18;
	v1 =	vld [tilespmem:s14+$0x0];
	[tilespmem:s7+$0x80] =	vst v0;
	v0 =	vmin.f32 v6, $1.000000000e+00  }
0x48: {  	v6 =	vld [tilespmem:s5+$0x10];
	[tilespmem:s7+$0x100] =	vst v0;
	v0 =	vmin.f32 v4, $1.000000000e+00  }
0x49: {  	v4 =	vld [tilespmem:s5+$0x90];
	[tilespmem:s7+$0x180] =	vst v0;
	v2 =	vmin.f32 v2, $1.000000000e+00  }
0x4a: {  	v0 =	vld [tilespmem:s5+$0x110];
	v5 =	vmin.f32 v5, $1.000000000e+00;
	[tilespmem:s7+$0x200] =	vst v2  }
0x4b: {  	s19 =	sor.u32 $0x380, s12;
	v2 =	vmin.f32 v3, $1.000000000e+00;
	[tilespmem:s13+$0x0] =	vst v5;
	v5 =	vld [tilespmem:s5+$0x190]  }
0x4c: {  	[tilespmem:s7+$0x280] =	vst v2;
	v1 =	vmin.f32 v1, $1.000000000e+00;
	v3 =	vld [tilespmem:s19+$0x0]  }
0x4d: {  	v2 =	vmin.f32 v6, $1.000000000e+00;
	v6 =	vld [tilespmem:s5+$0x210];
	[tilespmem:s14+$0x0] =	vst v1  }
0x4e: {  	[tilespmem:s5+$0x10] =	vst v2;
	v1 =	vmin.f32 v4, $1.000000000e+00;
	v4 =	vld [tilespmem:s5+$0x290]  }
0x4f: {  	s15 =	simm.s32 $0x2;
	v7 =	vld [tilespmem:s5+$0x0];
	[tilespmem:s5+$0x90] =	vst v1;
	v1 =	vmin.f32 v0, $1.000000000e+00  }
0x50: {  	s20 =	sand.u32 $0x3, s15;
	v0 =	vld [tilespmem:s5+$0x80];
	[tilespmem:s5+$0x110] =	vst v1;
	v2 =	vmin.f32 v5, $1.000000000e+00  }
0x51: {  	s7 =	sshll.u32 s20, $0x5;
	v1 =	vld [tilespmem:s5+$0x100];
	[tilespmem:s5+$0x190] =	vst v2;
	v3 =	vmin.f32 v3, $1.000000000e+00  }
0x52: {  	s12 =	sor.u32 $0x380, s11;
	s21 =	sadd.s32 $0x200, s7;
	v2 =	vld [tilespmem:s5+$0x180];
	v5 =	vmin.f32 v6, $1.000000000e+00;
	[tilespmem:s19+$0x0] =	vst v3  }
0x53: {  	s13 =	sor.u32 $0x380, s10;
	s14 =	sor.u32 $0x300, s10;
	s10 =	sadd.s32 $0x10, s21;
	v3 =	vld [tilespmem:s5+$0x200];
	[tilespmem:s5+$0x210] =	vst v5;
	v6 =	vmin.f32 v4, $1.000000000e+00  }
0x54: {  	s7 =	sor.u32 $0x300, s21;
	s2 =	sor.u32 $0x380, s21;
	s16 =	sor.u32 $0x300, s10;
	v5 =	vmin.f32 v7, $1.000000000e+00;
	v4 =	vld [tilespmem:s5+$0x280];
	[tilespmem:s5+$0x290] =	vst v6  }
.LBB2_2:
0x55: {  	s4 =	sadd.s32 $0x20, s4;
	[tilespmem:s5+$0x0] =	vst v5;
	v0 =	vmin.f32 v0, $1.000000000e+00;
	v5 =	vld [tilespmem:s16+$0x0];
	s9 =	sadd.s32 $0x100, s9  }
0x56: {  	s0 =	sand.u32 $0x60, s4;
	s17 =	sand.u32 $0x3C00, s9;
	[tilespmem:s5+$0x80] =	vst v0;
	v0 =	vmin.f32 v1, $1.000000000e+00;
	v1 =	vld [tilespmem:s14+$0x0]  }
0x57: {  	s0 =	sor.u32 s0, s17;
	[tilespmem:s5+$0x100] =	vst v0;
	v0 =	vmin.f32 v2, $1.000000000e+00;
	v2 =	vld [tilespmem:s12+$0x0]  }
0x58: {  	v6 =	vld [tilespmem:s0+$0x10];
	[tilespmem:s5+$0x180] =	vst v0;
	v0 =	vmin.f32 v3, $1.000000000e+00  }
0x59: {  	v3 =	vld [tilespmem:s0+$0x90];
	[tilespmem:s5+$0x200] =	vst v0;
	v0 =	vmin.f32 v4, $1.000000000e+00  }
0x5a: {  	v4 =	vld [tilespmem:s0+$0x110];
	[tilespmem:s5+$0x280] =	vst v0;
	v0 =	vmin.f32 v5, $1.000000000e+00;
	s5 =	smov.u32 s0  }
0x5b: {  	p0 =	slt.u32 s4, $0x7E0;
	s0 =	sor.u32 $0x380, s10;
	v5 =	vld [tilespmem:s5+$0x190];
	[tilespmem:s16+$0x0] =	vst v0;
	v0 =	vmin.f32 v1, $1.000000000e+00  }
0x5c: {  	v7 =	vld [tilespmem:s0+$0x0];
	[tilespmem:s14+$0x0] =	vst v0;
	v0 =	vmin.f32 v2, $1.000000000e+00;
	s14 =	smov.u32 s7  }
0x5d: {  	v1 =	vmin.f32 v6, $1.000000000e+00;
	v6 =	vld [tilespmem:s5+$0x210];
	[tilespmem:s12+$0x0] =	vst v0;
	s12 =	smov.u32 s13;
	s13 =	smov.u32 s2  }
0x5e: {  	[tilespmem:s5+$0x10] =	vst v1;
	v0 =	vmin.f32 v3, $1.000000000e+00;
	v8 =	vld [tilespmem:s5+$0x290]  }
0x5f: {  	s15 =	sadd.s32 $0x1, s15;
	v9 =	vld [tilespmem:s5+$0x0];
	[tilespmem:s5+$0x90] =	vst v0;
	v1 =	vmin.f32 v4, $1.000000000e+00  }
.Ltmp0:
0x60: {  	s2 =	sand.u32 $0x3, s15;
	v0 =	vld [tilespmem:s5+$0x80];
	[tilespmem:s5+$0x110] =	vst v1;
	v2 =	vmin.f32 v5, $1.000000000e+00;
	(pc) =	sbr.rel @p0 .LBB2_2-.Ltmp0, $4  }
0x61: {  	s2 =	sshll.u32 s2, $0x5;
	v1 =	vld [tilespmem:s5+$0x100];
	[tilespmem:s5+$0x190] =	vst v2;
	v3 =	vmin.f32 v7, $1.000000000e+00  }
0x62: {  	s10 =	sadd.s32 s2, s9;
	v2 =	vld [tilespmem:s5+$0x180];
	v4 =	vmin.f32 v6, $1.000000000e+00;
	[tilespmem:s0+$0x0] =	vst v3  }
0x63: {  	s7 =	sor.u32 $0x300, s10;
	s2 =	sor.u32 $0x380, s10;
	s10 =	sadd.s32 $0x10, s10;
	v3 =	vld [tilespmem:s5+$0x200];
	[tilespmem:s5+$0x210] =	vst v4;
	v6 =	vmin.f32 v8, $1.000000000e+00  }
0x64: {  	s16 =	sor.u32 $0x300, s10;
	v5 =	vmin.f32 v9, $1.000000000e+00;
	v4 =	vld [tilespmem:s5+$0x280];
	[tilespmem:s5+$0x290] =	vst v6  }
0x65: {  	[tilespmem:s5+$0x0] =	vst v5;
	v0 =	vmin.f32 v0, $1.000000000e+00  }
0x66: {  	[tilespmem:s5+$0x80] =	vst v0;
	v0 =	vmin.f32 v1, $1.000000000e+00  }
0x67: {  	[tilespmem:s5+$0x100] =	vst v0;
	v0 =	vmin.f32 v2, $1.000000000e+00  }
0x68: {  	[tilespmem:s5+$0x180] =	vst v0;
	v0 =	vmin.f32 v3, $1.000000000e+00  }
0x69: {  	v1 =	vld [tilespmem:s16+$0x0];
	[tilespmem:s5+$0x200] =	vst v0;
	v0 =	vmin.f32 v4, $1.000000000e+00  }
0x6a: {  	v2 =	vld [tilespmem:s14+$0x0];
	[tilespmem:s5+$0x280] =	vst v0  }
0x6b: {  	v0 =	vld [tilespmem:s7+$0x0];
	_ =	sdelay $0x2  }
0x6c: {  	v1 =	vmin.f32 v1, $1.000000000e+00  }
0x6d: {  	s0 =	sor.u32 $0x380, s10;
	v3 =	vld [tilespmem:s12+$0x0];
	[tilespmem:s16+$0x0] =	vst v1;
	v1 =	vmin.f32 v2, $1.000000000e+00  }
0x6e: {  	v2 =	vld [tilespmem:s0+$0x0];
	[tilespmem:s14+$0x0] =	vst v1;
	v0 =	vmin.f32 v0, $1.000000000e+00  }
0x6f: {  	v1 =	vld [tilespmem:s13+$0x0];
	[tilespmem:s7+$0x0] =	vst v0  }
0x70: {  	v0 =	vld [tilespmem:s2+$0x0];
	_ =	sdelay $0x1  }
0x71: {  	v3 =	vmin.f32 v3, $1.000000000e+00  }
0x72: {  	[tilespmem:s12+$0x0] =	vst v3;
	v2 =	vmin.f32 v2, $1.000000000e+00  }
0x73: {  	[tilespmem:s0+$0x0] =	vst v2;
	v1 =	vmin.f32 v1, $1.000000000e+00  }
0x74: {  	[tilespmem:s13+$0x0] =	vst v1;
	v0 =	vmin.f32 v0, $1.000000000e+00  }
0x75: {  	[tilespmem:s2+$0x0] =	vst v0  }
0x76: {  	s17 =	simm.s32 $0x0;
	s4 =	simm.s32 $0xC000;
	s2 =	rddreg [dreg:$0x6]  }
0x77: {  	[tilespmem:s4], [sflag:$0x4] =	stream.linear.gather [hbm4b:s2+s17], $0x4000, $0x38;
	[tilespmem:$0x18000] =	vst v63  }
0x78: {  	s18 =	simm.s32 $0x0;
	_ =	swait.ge [sflag:s8], $0x4000  }
0x79: {  	s19 =	sand.u32 $0x3C00, s17;
	s2 =	sand.u32 $0x60, s18;
	[sflag:s8] =	ssyncset.done $0x0  }
0x7a: {  	s4 =	sor.u32 s2, s19;
	[sflag:s8] =	ssyncadd.s32 $0xFFFFC000  }
0x7b: {  	v0 =	vld [tilespmem:s4+$0x4010]  }
0x7c: {  	v1 =	vld [tilespmem:s4+$0x4090]  }
0x7d: {  	v4 =	vld [tilespmem:s4+$0x4210]  }
0x7e: {  	v5 =	vld [tilespmem:s4+$0x4290]  }
0x7f: {  	v2 =	vld [tilespmem:s4+$0x4110]  }
0x80: {  	v3 =	vld [tilespmem:s4+$0x4190]  }
0x81: {  	v0 =	vmin.f32 v0, $1.000000000e+00  }
0x82: {  	v4 =	vmin.f32 v4, $1.000000000e+00;
	[tilespmem:s4+$0x4010] =	vst v0;
	v0 =	vmin.f32 v1, $1.000000000e+00;
	v1 =	vld [tilespmem:s4+$0x4000]  }
0x83: {  	s0 =	sand.u32 $0x3, s17;
	[tilespmem:s4+$0x4210] =	vst v4;
	v4 =	vmin.f32 v5, $1.000000000e+00;
	v5 =	vld [tilespmem:s4+$0x4280]  }
0x84: {  	s0 =	sshll.u32 s0, $0x5;
	[tilespmem:s4+$0x4090] =	vst v0;
	v0 =	vmin.f32 v2, $1.000000000e+00;
	v2 =	vld [tilespmem:s4+$0x4080]  }
0x85: {  	s2 =	sadd.s32 $0x0, s0;
	[tilespmem:s4+$0x4110] =	vst v0;
	v0 =	vmin.f32 v3, $1.000000000e+00;
	v3 =	vld [tilespmem:s4+$0x4100]  }
0x86: {  	s20 =	simm.s32 $0x20;
	s21 =	simm.s32 $0x100;
	s0 =	sadd.s32 $0x10, s2;
	[tilespmem:s4+$0x4190] =	vst v0;
	v0 =	vld [tilespmem:s4+$0x4180]  }
0x87: {  	s5 =	sand.u32 $0x60, s20;
	s7 =	sand.u32 $0x3C00, s21;
	s9 =	sor.u32 $0x300, s0;
	v6 =	vld [tilespmem:s4+$0x4200];
	[tilespmem:s4+$0x4290] =	vst v4;
	v1 =	vmin.f32 v1, $1.000000000e+00  }
0x88: {  	s7 =	sor.u32 s5, s7;
	v4 =	vld [tilespmem:s9+$0x4000];
	v5 =	vmin.f32 v5, $1.000000000e+00;
	[tilespmem:s4+$0x4000] =	vst v1  }
0x89: {  	v1 =	vmin.f32 v2, $1.000000000e+00;
	v2 =	vld [tilespmem:s7+$0x4010];
	[tilespmem:s4+$0x4280] =	vst v5  }
0x8a: {  	[tilespmem:s4+$0x4080] =	vst v1;
	v1 =	vmin.f32 v3, $1.000000000e+00;
	v3 =	vld [tilespmem:s7+$0x4090]  }
0x8b: {  	[tilespmem:s4+$0x4100] =	vst v1;
	v0 =	vmin.f32 v0, $1.000000000e+00;
	v1 =	vld [tilespmem:s7+$0x4110]  }
0x8c: {  	[tilespmem:s4+$0x4180] =	vst v0;
	v0 =	vmin.f32 v6, $1.000000000e+00;
	v6 =	vld [tilespmem:s7+$0x4190]  }
0x8d: {  	[tilespmem:s4+$0x4200] =	vst v0;
	v0 =	vmin.f32 v4, $1.000000000e+00;
	v4 =	vld [tilespmem:s7+$0x4210]  }
0x8e: {  	s0 =	sor.u32 $0x380, s0;
	[tilespmem:s9+$0x4000] =	vst v0;
	v0 =	vmin.f32 v2, $1.000000000e+00;
	v2 =	vld [tilespmem:s7+$0x4290]  }
0x8f: {  	s10 =	simm.s32 $0x1;
	[tilespmem:s7+$0x4010] =	vst v0;
	v0 =	vld [tilespmem:s0+$0x4000];
	v3 =	vmin.f32 v3, $1.000000000e+00  }
0x90: {  	s5 =	sand.u32 $0x3, s10;
	[tilespmem:s7+$0x4090] =	vst v3;
	v3 =	vld [tilespmem:s7+$0x4000];
	v1 =	vmin.f32 v1, $1.000000000e+00  }
0x91: {  	s5 =	sshll.u32 s5, $0x5;
	[tilespmem:s7+$0x4110] =	vst v1;
	v1 =	vld [tilespmem:s7+$0x4080];
	v6 =	vmin.f32 v6, $1.000000000e+00  }
0x92: {  	s11 =	sadd.s32 $0x100, s5;
	[tilespmem:s7+$0x4190] =	vst v6;
	v6 =	vld [tilespmem:s7+$0x4100];
	v4 =	vmin.f32 v4, $1.000000000e+00  }
0x93: {  	s14 =	sadd.s32 $0x10, s11;
	[tilespmem:s7+$0x4210] =	vst v4;
	v4 =	vld [tilespmem:s7+$0x4180];
	v2 =	vmin.f32 v2, $1.000000000e+00  }
0x94: {  	s15 =	sor.u32 $0x300, s14;
	[tilespmem:s7+$0x4290] =	vst v2;
	v2 =	vld [tilespmem:s7+$0x4200];
	v0 =	vmin.f32 v0, $1.000000000e+00  }
0x95: {  	s4 =	simm.s32 $0x40;
	s9 =	simm.s32 $0x200;
	v5 =	vld [tilespmem:s15+$0x4000];
	[tilespmem:s0+$0x4000] =	vst v0;
	v0 =	vmin.f32 v3, $1.000000000e+00  }
0x96: {  	s16 =	sor.u32 $0x300, s2;
	s17 =	sand.u32 $0x60, s4;
	s18 =	sand.u32 $0x3C00, s9;
	v3 =	vld [tilespmem:s7+$0x4280];
	[tilespmem:s7+$0x4000] =	vst v0;
	v0 =	vmin.f32 v1, $1.000000000e+00  }
0x97: {  	s5 =	sor.u32 s17, s18;
	v1 =	vld [tilespmem:s16+$0x4000];
	[tilespmem:s7+$0x4080] =	vst v0;
	v0 =	vmin.f32 v6, $1.000000000e+00  }
0x98: {  	v6 =	vld [tilespmem:s5+$0x4010];
	[tilespmem:s7+$0x4100] =	vst v0;
	v0 =	vmin.f32 v4, $1.000000000e+00  }
0x99: {  	v4 =	vld [tilespmem:s5+$0x4090];
	[tilespmem:s7+$0x4180] =	vst v0;
	v2 =	vmin.f32 v2, $1.000000000e+00  }
0x9a: {  	v0 =	vld [tilespmem:s5+$0x4110];
	v5 =	vmin.f32 v5, $1.000000000e+00;
	[tilespmem:s7+$0x4200] =	vst v2  }
0x9b: {  	s19 =	sor.u32 $0x380, s14;
	v2 =	vmin.f32 v3, $1.000000000e+00;
	[tilespmem:s15+$0x4000] =	vst v5;
	v5 =	vld [tilespmem:s5+$0x4190]  }
0x9c: {  	[tilespmem:s7+$0x4280] =	vst v2;
	v1 =	vmin.f32 v1, $1.000000000e+00;
	v3 =	vld [tilespmem:s19+$0x4000]  }
0x9d: {  	v2 =	vmin.f32 v6, $1.000000000e+00;
	v6 =	vld [tilespmem:s5+$0x4210];
	[tilespmem:s16+$0x4000] =	vst v1  }
0x9e: {  	[tilespmem:s5+$0x4010] =	vst v2;
	v1 =	vmin.f32 v4, $1.000000000e+00;
	v4 =	vld [tilespmem:s5+$0x4290]  }
0x9f: {  	v7 =	vld [tilespmem:s5+$0x4000];
	s15 =	simm.s32 $0x2;
	[tilespmem:s5+$0x4090] =	vst v1;
	v1 =	vmin.f32 v0, $1.000000000e+00  }
0xa0: {  	s20 =	sand.u32 $0x3, s15;
	v0 =	vld [tilespmem:s5+$0x4080];
	[tilespmem:s5+$0x4110] =	vst v1;
	v2 =	vmin.f32 v5, $1.000000000e+00  }
0xa1: {  	s7 =	sshll.u32 s20, $0x5;
	v1 =	vld [tilespmem:s5+$0x4100];
	[tilespmem:s5+$0x4190] =	vst v2;
	v3 =	vmin.f32 v3, $1.000000000e+00  }
0xa2: {  	s13 =	sor.u32 $0x380, s11;
	s21 =	sadd.s32 $0x200, s7;
	v2 =	vld [tilespmem:s5+$0x4180];
	v5 =	vmin.f32 v6, $1.000000000e+00;
	[tilespmem:s19+$0x4000] =	vst v3  }
0xa3: {  	s14 =	sor.u32 $0x300, s11;
	s12 =	sor.u32 $0x380, s2;
	s10 =	sadd.s32 $0x10, s21;
	v3 =	vld [tilespmem:s5+$0x4200];
	[tilespmem:s5+$0x4210] =	vst v5;
	v6 =	vmin.f32 v4, $1.000000000e+00  }
0xa4: {  	s7 =	sor.u32 $0x300, s21;
	s2 =	sor.u32 $0x380, s21;
	s16 =	sor.u32 $0x300, s10;
	v5 =	vmin.f32 v7, $1.000000000e+00;
	v4 =	vld [tilespmem:s5+$0x4280];
	[tilespmem:s5+$0x4290] =	vst v6  }
.LBB2_4:
0xa5: {  	s4 =	sadd.s32 $0x20, s4;
	[tilespmem:s5+$0x4000] =	vst v5;
	v0 =	vmin.f32 v0, $1.000000000e+00;
	v5 =	vld [tilespmem:s16+$0x4000];
	s9 =	sadd.s32 $0x100, s9  }
0xa6: {  	s0 =	sand.u32 $0x60, s4;
	s17 =	sand.u32 $0x3C00, s9;
	[tilespmem:s5+$0x4080] =	vst v0;
	v0 =	vmin.f32 v1, $1.000000000e+00;
	v1 =	vld [tilespmem:s14+$0x4000]  }
0xa7: {  	s0 =	sor.u32 s0, s17;
	[tilespmem:s5+$0x4100] =	vst v0;
	v0 =	vmin.f32 v2, $1.000000000e+00;
	v2 =	vld [tilespmem:s12+$0x4000]  }
0xa8: {  	v6 =	vld [tilespmem:s0+$0x4010];
	[tilespmem:s5+$0x4180] =	vst v0;
	v0 =	vmin.f32 v3, $1.000000000e+00  }
0xa9: {  	v3 =	vld [tilespmem:s0+$0x4090];
	[tilespmem:s5+$0x4200] =	vst v0;
	v0 =	vmin.f32 v4, $1.000000000e+00  }
0xaa: {  	v4 =	vld [tilespmem:s0+$0x4110];
	[tilespmem:s5+$0x4280] =	vst v0;
	v0 =	vmin.f32 v5, $1.000000000e+00;
	s5 =	smov.u32 s0  }
0xab: {  	p0 =	slt.u32 s4, $0x7E0;
	s0 =	sor.u32 $0x380, s10;
	v5 =	vld [tilespmem:s5+$0x4190];
	[tilespmem:s16+$0x4000] =	vst v0;
	v0 =	vmin.f32 v1, $1.000000000e+00  }
0xac: {  	v7 =	vld [tilespmem:s0+$0x4000];
	[tilespmem:s14+$0x4000] =	vst v0;
	v0 =	vmin.f32 v2, $1.000000000e+00;
	s14 =	smov.u32 s7  }
0xad: {  	v1 =	vmin.f32 v6, $1.000000000e+00;
	v6 =	vld [tilespmem:s5+$0x4210];
	[tilespmem:s12+$0x4000] =	vst v0;
	s12 =	smov.u32 s13;
	s13 =	smov.u32 s2  }
0xae: {  	[tilespmem:s5+$0x4010] =	vst v1;
	v0 =	vmin.f32 v3, $1.000000000e+00;
	v8 =	vld [tilespmem:s5+$0x4290]  }
0xaf: {  	s15 =	sadd.s32 $0x1, s15;
	v9 =	vld [tilespmem:s5+$0x4000];
	[tilespmem:s5+$0x4090] =	vst v0;
	v1 =	vmin.f32 v4, $1.000000000e+00  }
.Ltmp1:
0xb0: {  	s2 =	sand.u32 $0x3, s15;
	v0 =	vld [tilespmem:s5+$0x4080];
	[tilespmem:s5+$0x4110] =	vst v1;
	v2 =	vmin.f32 v5, $1.000000000e+00;
	(pc) =	sbr.rel @p0 .LBB2_4-.Ltmp1, $4  }
0xb1: {  	s2 =	sshll.u32 s2, $0x5;
	v1 =	vld [tilespmem:s5+$0x4100];
	[tilespmem:s5+$0x4190] =	vst v2;
	v3 =	vmin.f32 v7, $1.000000000e+00  }
0xb2: {  	s10 =	sadd.s32 s2, s9;
	v2 =	vld [tilespmem:s5+$0x4180];
	v4 =	vmin.f32 v6, $1.000000000e+00;
	[tilespmem:s0+$0x4000] =	vst v3  }
0xb3: {  	s7 =	sor.u32 $0x300, s10;
	s2 =	sor.u32 $0x380, s10;
	s10 =	sadd.s32 $0x10, s10;
	v3 =	vld [tilespmem:s5+$0x4200];
	[tilespmem:s5+$0x4210] =	vst v4;
	v6 =	vmin.f32 v8, $1.000000000e+00  }
0xb4: {  	s16 =	sor.u32 $0x300, s10;
	v5 =	vmin.f32 v9, $1.000000000e+00;
	v4 =	vld [tilespmem:s5+$0x4280];
	[tilespmem:s5+$0x4290] =	vst v6  }
0xb5: {  	[tilespmem:s5+$0x4000] =	vst v5;
	v0 =	vmin.f32 v0, $1.000000000e+00  }
0xb6: {  	[tilespmem:s5+$0x4080] =	vst v0;
	v0 =	vmin.f32 v1, $1.000000000e+00  }
0xb7: {  	[tilespmem:s5+$0x4100] =	vst v0;
	v0 =	vmin.f32 v2, $1.000000000e+00  }
0xb8: {  	[tilespmem:s5+$0x4180] =	vst v0;
	v0 =	vmin.f32 v3, $1.000000000e+00  }
0xb9: {  	v1 =	vld [tilespmem:s16+$0x4000];
	[tilespmem:s5+$0x4200] =	vst v0;
	v0 =	vmin.f32 v4, $1.000000000e+00  }
0xba: {  	v2 =	vld [tilespmem:s14+$0x4000];
	[tilespmem:s5+$0x4280] =	vst v0  }
0xbb: {  	v0 =	vld [tilespmem:s7+$0x4000];
	_ =	sdelay $0x2  }
0xbc: {  	v1 =	vmin.f32 v1, $1.000000000e+00  }
0xbd: {  	s0 =	sor.u32 $0x380, s10;
	v3 =	vld [tilespmem:s12+$0x4000];
	[tilespmem:s16+$0x4000] =	vst v1;
	v1 =	vmin.f32 v2, $1.000000000e+00  }
0xbe: {  	v2 =	vld [tilespmem:s0+$0x4000];
	[tilespmem:s14+$0x4000] =	vst v1;
	v0 =	vmin.f32 v0, $1.000000000e+00  }
0xbf: {  	v1 =	vld [tilespmem:s13+$0x4000];
	[tilespmem:s7+$0x4000] =	vst v0  }
0xc0: {  	v0 =	vld [tilespmem:s2+$0x4000];
	_ =	sdelay $0x1  }
0xc1: {  	v3 =	vmin.f32 v3, $1.000000000e+00  }
0xc2: {  	[tilespmem:s12+$0x4000] =	vst v3;
	v2 =	vmin.f32 v2, $1.000000000e+00  }
0xc3: {  	[tilespmem:s0+$0x4000] =	vst v2;
	v1 =	vmin.f32 v1, $1.000000000e+00  }
0xc4: {  	[tilespmem:s13+$0x4000] =	vst v1;
	v0 =	vmin.f32 v0, $1.000000000e+00  }
0xc5: {  	[tilespmem:s2+$0x4000] =	vst v0  }
0xc6: {  	s15 =	simm.s32 $0x0;
	s2 =	rddreg [dreg:$0x7]  }
0xc7: {  	[hbm4b:s2+s15] =	stream.linear.scatter [tilespmem:s15], [sflag:$0x7], $0x4000, $0x38;
	[tilespmem:$0x18000] =	vst v63  }
0xc8: {  	s4 =	simm.s32 $0x10000;
	s17 =	simm.s32 $0x3;
	s16 =	rddreg [dreg:$0x18]  }
0xc9: {  	[tilespmem:s4], [sflag:$0x5] =	stream.linear.gather [hbm4b:s16+s15], $0x4000, $0x38;
	[tilespmem:$0x18000] =	vst v63  }
0xca: {  	s18 =	simm.s32 $0x0;
	_ =	swait.ge [sflag:s17], $0x4000  }
0xcb: {  	s19 =	sand.u32 $0x3C00, s15;
	s2 =	sand.u32 $0x60, s18;
	[sflag:s17] =	ssyncset.done $0x0  }
0xcc: {  	s4 =	sor.u32 s2, s19;
	[sflag:s17] =	ssyncadd.s32 $0xFFFFC000  }
0xcd: {  	v0 =	vld [tilespmem:s4+$0x8010]  }
0xce: {  	v1 =	vld [tilespmem:s4+$0x8090]  }
0xcf: {  	v4 =	vld [tilespmem:s4+$0x8210]  }
0xd0: {  	v5 =	vld [tilespmem:s4+$0x8290]  }
0xd1: {  	v2 =	vld [tilespmem:s4+$0x8110]  }
0xd2: {  	v3 =	vld [tilespmem:s4+$0x8190]  }
0xd3: {  	v0 =	vmin.f32 v0, $1.000000000e+00  }
0xd4: {  	v4 =	vmin.f32 v4, $1.000000000e+00;
	[tilespmem:s4+$0x8010] =	vst v0;
	v0 =	vmin.f32 v1, $1.000000000e+00;
	v1 =	vld [tilespmem:s4+$0x8000]  }
0xd5: {  	s0 =	sand.u32 $0x3, s15;
	[tilespmem:s4+$0x8210] =	vst v4;
	v4 =	vmin.f32 v5, $1.000000000e+00;
	v5 =	vld [tilespmem:s4+$0x8280]  }
0xd6: {  	s0 =	sshll.u32 s0, $0x5;
	[tilespmem:s4+$0x8090] =	vst v0;
	v0 =	vmin.f32 v2, $1.000000000e+00;
	v2 =	vld [tilespmem:s4+$0x8080]  }
0xd7: {  	s2 =	sadd.s32 $0x0, s0;
	[tilespmem:s4+$0x8110] =	vst v0;
	v0 =	vmin.f32 v3, $1.000000000e+00;
	v3 =	vld [tilespmem:s4+$0x8100]  }
0xd8: {  	s20 =	simm.s32 $0x20;
	s21 =	simm.s32 $0x100;
	s0 =	sadd.s32 $0x10, s2;
	[tilespmem:s4+$0x8190] =	vst v0;
	v0 =	vld [tilespmem:s4+$0x8180]  }
0xd9: {  	s5 =	sand.u32 $0x60, s20;
	s7 =	sand.u32 $0x3C00, s21;
	s9 =	sor.u32 $0x300, s0;
	v6 =	vld [tilespmem:s4+$0x8200];
	[tilespmem:s4+$0x8290] =	vst v4;
	v1 =	vmin.f32 v1, $1.000000000e+00  }
0xda: {  	s7 =	sor.u32 s5, s7;
	v4 =	vld [tilespmem:s9+$0x8000];
	v5 =	vmin.f32 v5, $1.000000000e+00;
	[tilespmem:s4+$0x8000] =	vst v1  }
0xdb: {  	v1 =	vmin.f32 v2, $1.000000000e+00;
	v2 =	vld [tilespmem:s7+$0x8010];
	[tilespmem:s4+$0x8280] =	vst v5  }
0xdc: {  	[tilespmem:s4+$0x8080] =	vst v1;
	v1 =	vmin.f32 v3, $1.000000000e+00;
	v3 =	vld [tilespmem:s7+$0x8090]  }
0xdd: {  	[tilespmem:s4+$0x8100] =	vst v1;
	v0 =	vmin.f32 v0, $1.000000000e+00;
	v1 =	vld [tilespmem:s7+$0x8110]  }
0xde: {  	[tilespmem:s4+$0x8180] =	vst v0;
	v0 =	vmin.f32 v6, $1.000000000e+00;
	v6 =	vld [tilespmem:s7+$0x8190]  }
0xdf: {  	[tilespmem:s4+$0x8200] =	vst v0;
	v0 =	vmin.f32 v4, $1.000000000e+00;
	v4 =	vld [tilespmem:s7+$0x8210]  }
0xe0: {  	s0 =	sor.u32 $0x380, s0;
	[tilespmem:s9+$0x8000] =	vst v0;
	v0 =	vmin.f32 v2, $1.000000000e+00;
	v2 =	vld [tilespmem:s7+$0x8290]  }
0xe1: {  	s10 =	simm.s32 $0x1;
	[tilespmem:s7+$0x8010] =	vst v0;
	v0 =	vld [tilespmem:s0+$0x8000];
	v3 =	vmin.f32 v3, $1.000000000e+00  }
0xe2: {  	s5 =	sand.u32 $0x3, s10;
	[tilespmem:s7+$0x8090] =	vst v3;
	v3 =	vld [tilespmem:s7+$0x8000];
	v1 =	vmin.f32 v1, $1.000000000e+00  }
0xe3: {  	s5 =	sshll.u32 s5, $0x5;
	[tilespmem:s7+$0x8110] =	vst v1;
	v1 =	vld [tilespmem:s7+$0x8080];
	v6 =	vmin.f32 v6, $1.000000000e+00  }
0xe4: {  	s11 =	sadd.s32 $0x100, s5;
	[tilespmem:s7+$0x8190] =	vst v6;
	v6 =	vld [tilespmem:s7+$0x8100];
	v4 =	vmin.f32 v4, $1.000000000e+00  }
0xe5: {  	s14 =	sadd.s32 $0x10, s11;
	[tilespmem:s7+$0x8210] =	vst v4;
	v4 =	vld [tilespmem:s7+$0x8180];
	v2 =	vmin.f32 v2, $1.000000000e+00  }
0xe6: {  	s15 =	sor.u32 $0x300, s14;
	[tilespmem:s7+$0x8290] =	vst v2;
	v2 =	vld [tilespmem:s7+$0x8200];
	v0 =	vmin.f32 v0, $1.000000000e+00  }
0xe7: {  	s4 =	simm.s32 $0x40;
	s9 =	simm.s32 $0x200;
	v5 =	vld [tilespmem:s15+$0x8000];
	[tilespmem:s0+$0x8000] =	vst v0;
	v0 =	vmin.f32 v3, $1.000000000e+00  }
0xe8: {  	s16 =	sor.u32 $0x300, s2;
	s17 =	sand.u32 $0x60, s4;
	s18 =	sand.u32 $0x3C00, s9;
	v3 =	vld [tilespmem:s7+$0x8280];
	[tilespmem:s7+$0x8000] =	vst v0;
	v0 =	vmin.f32 v1, $1.000000000e+00  }
0xe9: {  	s5 =	sor.u32 s17, s18;
	v1 =	vld [tilespmem:s16+$0x8000];
	[tilespmem:s7+$0x8080] =	vst v0;
	v0 =	vmin.f32 v6, $1.000000000e+00  }
0xea: {  	v6 =	vld [tilespmem:s5+$0x8010];
	[tilespmem:s7+$0x8100] =	vst v0;
	v0 =	vmin.f32 v4, $1.000000000e+00  }
0xeb: {  	v4 =	vld [tilespmem:s5+$0x8090];
	[tilespmem:s7+$0x8180] =	vst v0;
	v2 =	vmin.f32 v2, $1.000000000e+00  }
0xec: {  	v0 =	vld [tilespmem:s5+$0x8110];
	v5 =	vmin.f32 v5, $1.000000000e+00;
	[tilespmem:s7+$0x8200] =	vst v2  }
0xed: {  	s19 =	sor.u32 $0x380, s14;
	v2 =	vmin.f32 v3, $1.000000000e+00;
	[tilespmem:s15+$0x8000] =	vst v5;
	v5 =	vld [tilespmem:s5+$0x8190]  }
0xee: {  	[tilespmem:s7+$0x8280] =	vst v2;
	v1 =	vmin.f32 v1, $1.000000000e+00;
	v3 =	vld [tilespmem:s19+$0x8000]  }
0xef: {  	v2 =	vmin.f32 v6, $1.000000000e+00;
	v6 =	vld [tilespmem:s5+$0x8210];
	[tilespmem:s16+$0x8000] =	vst v1  }
0xf0: {  	[tilespmem:s5+$0x8010] =	vst v2;
	v1 =	vmin.f32 v4, $1.000000000e+00;
	v4 =	vld [tilespmem:s5+$0x8290]  }
0xf1: {  	v7 =	vld [tilespmem:s5+$0x8000];
	s15 =	simm.s32 $0x2;
	[tilespmem:s5+$0x8090] =	vst v1;
	v1 =	vmin.f32 v0, $1.000000000e+00  }
0xf2: {  	s20 =	sand.u32 $0x3, s15;
	v0 =	vld [tilespmem:s5+$0x8080];
	[tilespmem:s5+$0x8110] =	vst v1;
	v2 =	vmin.f32 v5, $1.000000000e+00  }
0xf3: {  	s7 =	sshll.u32 s20, $0x5;
	v1 =	vld [tilespmem:s5+$0x8100];
	[tilespmem:s5+$0x8190] =	vst v2;
	v3 =	vmin.f32 v3, $1.000000000e+00  }
0xf4: {  	s13 =	sor.u32 $0x380, s11;
	s21 =	sadd.s32 $0x200, s7;
	v2 =	vld [tilespmem:s5+$0x8180];
	v5 =	vmin.f32 v6, $1.000000000e+00;
	[tilespmem:s19+$0x8000] =	vst v3  }
0xf5: {  	s14 =	sor.u32 $0x300, s11;
	s12 =	sor.u32 $0x380, s2;
	s10 =	sadd.s32 $0x10, s21;
	v3 =	vld [tilespmem:s5+$0x8200];
	[tilespmem:s5+$0x8210] =	vst v5;
	v6 =	vmin.f32 v4, $1.000000000e+00  }
0xf6: {  	s7 =	sor.u32 $0x300, s21;
	s2 =	sor.u32 $0x380, s21;
	s16 =	sor.u32 $0x300, s10;
	v5 =	vmin.f32 v7, $1.000000000e+00;
	v4 =	vld [tilespmem:s5+$0x8280];
	[tilespmem:s5+$0x8290] =	vst v6  }
.LBB2_6:
0xf7: {  	s4 =	sadd.s32 $0x20, s4;
	[tilespmem:s5+$0x8000] =	vst v5;
	v0 =	vmin.f32 v0, $1.000000000e+00;
	v5 =	vld [tilespmem:s16+$0x8000];
	s9 =	sadd.s32 $0x100, s9  }
0xf8: {  	s0 =	sand.u32 $0x60, s4;
	s17 =	sand.u32 $0x3C00, s9;
	[tilespmem:s5+$0x8080] =	vst v0;
	v0 =	vmin.f32 v1, $1.000000000e+00;
	v1 =	vld [tilespmem:s14+$0x8000]  }
0xf9: {  	s0 =	sor.u32 s0, s17;
	[tilespmem:s5+$0x8100] =	vst v0;
	v0 =	vmin.f32 v2, $1.000000000e+00;
	v2 =	vld [tilespmem:s12+$0x8000]  }
0xfa: {  	v6 =	vld [tilespmem:s0+$0x8010];
	[tilespmem:s5+$0x8180] =	vst v0;
	v0 =	vmin.f32 v3, $1.000000000e+00  }
0xfb: {  	v3 =	vld [tilespmem:s0+$0x8090];
	[tilespmem:s5+$0x8200] =	vst v0;
	v0 =	vmin.f32 v4, $1.000000000e+00  }
0xfc: {  	v4 =	vld [tilespmem:s0+$0x8110];
	[tilespmem:s5+$0x8280] =	vst v0;
	v0 =	vmin.f32 v5, $1.000000000e+00;
	s5 =	smov.u32 s0  }
0xfd: {  	p0 =	slt.u32 s4, $0x7E0;
	s0 =	sor.u32 $0x380, s10;
	v5 =	vld [tilespmem:s5+$0x8190];
	[tilespmem:s16+$0x8000] =	vst v0;
	v0 =	vmin.f32 v1, $1.000000000e+00  }
0xfe: {  	v7 =	vld [tilespmem:s0+$0x8000];
	[tilespmem:s14+$0x8000] =	vst v0;
	v0 =	vmin.f32 v2, $1.000000000e+00;
	s14 =	smov.u32 s7  }
0xff: {  	v1 =	vmin.f32 v6, $1.000000000e+00;
	v6 =	vld [tilespmem:s5+$0x8210];
	[tilespmem:s12+$0x8000] =	vst v0;
	s12 =	smov.u32 s13;
	s13 =	smov.u32 s2  }
0x100: {  	[tilespmem:s5+$0x8010] =	vst v1;
	v0 =	vmin.f32 v3, $1.000000000e+00;
	v8 =	vld [tilespmem:s5+$0x8290]  }
0x101: {  	s15 =	sadd.s32 $0x1, s15;
	v9 =	vld [tilespmem:s5+$0x8000];
	[tilespmem:s5+$0x8090] =	vst v0;
	v1 =	vmin.f32 v4, $1.000000000e+00  }
.Ltmp2:
0x102: {  	s2 =	sand.u32 $0x3, s15;
	v0 =	vld [tilespmem:s5+$0x8080];
	[tilespmem:s5+$0x8110] =	vst v1;
	v2 =	vmin.f32 v5, $1.000000000e+00;
	(pc) =	sbr.rel @p0 .LBB2_6-.Ltmp2, $4  }
0x103: {  	s2 =	sshll.u32 s2, $0x5;
	v1 =	vld [tilespmem:s5+$0x8100];
	[tilespmem:s5+$0x8190] =	vst v2;
	v3 =	vmin.f32 v7, $1.000000000e+00  }
0x104: {  	s10 =	sadd.s32 s2, s9;
	v2 =	vld [tilespmem:s5+$0x8180];
	v4 =	vmin.f32 v6, $1.000000000e+00;
	[tilespmem:s0+$0x8000] =	vst v3  }
0x105: {  	s7 =	sor.u32 $0x300, s10;
	s2 =	sor.u32 $0x380, s10;
	s10 =	sadd.s32 $0x10, s10;
	v3 =	vld [tilespmem:s5+$0x8200];
	[tilespmem:s5+$0x8210] =	vst v4;
	v6 =	vmin.f32 v8, $1.000000000e+00  }
0x106: {  	s16 =	sor.u32 $0x300, s10;
	v5 =	vmin.f32 v9, $1.000000000e+00;
	v4 =	vld [tilespmem:s5+$0x8280];
	[tilespmem:s5+$0x8290] =	vst v6  }
0x107: {  	[tilespmem:s5+$0x8000] =	vst v5;
	v0 =	vmin.f32 v0, $1.000000000e+00  }
0x108: {  	[tilespmem:s5+$0x8080] =	vst v0;
	v0 =	vmin.f32 v1, $1.000000000e+00  }
0x109: {  	[tilespmem:s5+$0x8100] =	vst v0;
	v0 =	vmin.f32 v2, $1.000000000e+00  }
0x10a: {  	[tilespmem:s5+$0x8180] =	vst v0;
	v0 =	vmin.f32 v3, $1.000000000e+00  }
0x10b: {  	v1 =	vld [tilespmem:s16+$0x8000];
	[tilespmem:s5+$0x8200] =	vst v0;
	v0 =	vmin.f32 v4, $1.000000000e+00  }
0x10c: {  	v2 =	vld [tilespmem:s14+$0x8000];
	[tilespmem:s5+$0x8280] =	vst v0  }
0x10d: {  	v0 =	vld [tilespmem:s7+$0x8000];
	_ =	sdelay $0x2  }
0x10e: {  	v1 =	vmin.f32 v1, $1.000000000e+00  }
0x10f: {  	s0 =	sor.u32 $0x380, s10;
	v3 =	vld [tilespmem:s12+$0x8000];
	[tilespmem:s16+$0x8000] =	vst v1;
	v1 =	vmin.f32 v2, $1.000000000e+00  }
0x110: {  	v2 =	vld [tilespmem:s0+$0x8000];
	[tilespmem:s14+$0x8000] =	vst v1;
	v0 =	vmin.f32 v0, $1.000000000e+00  }
0x111: {  	v1 =	vld [tilespmem:s13+$0x8000];
	[tilespmem:s7+$0x8000] =	vst v0  }
0x112: {  	v0 =	vld [tilespmem:s2+$0x8000];
	_ =	sdelay $0x1  }
0x113: {  	v3 =	vmin.f32 v3, $1.000000000e+00  }
0x114: {  	[tilespmem:s12+$0x8000] =	vst v3;
	v2 =	vmin.f32 v2, $1.000000000e+00  }
0x115: {  	[tilespmem:s0+$0x8000] =	vst v2;
	v1 =	vmin.f32 v1, $1.000000000e+00  }
0x116: {  	[tilespmem:s13+$0x8000] =	vst v1;
	v0 =	vmin.f32 v0, $1.000000000e+00  }
0x117: {  	[tilespmem:s2+$0x8000] =	vst v0  }
0x118: {  	s15 =	simm.s32 $0x0;
	s2 =	rddreg [dreg:$0x8]  }
0x119: {  	[hbm4b:s2+s15] =	stream.linear.scatter [tilespmem:s22], [sflag:$0x8], $0x4000, $0x38;
	[tilespmem:$0x18000] =	vst v63  }
0x11a: {  	s4 =	simm.s32 $0x14000;
	s17 =	simm.s32 $0x4;
	s16 =	rddreg [dreg:$0x19]  }
0x11b: {  	[tilespmem:s4], [sflag:$0x6] =	stream.linear.gather [hbm4b:s16+s15], $0x4000, $0x38;
	[tilespmem:$0x18000] =	vst v63  }
0x11c: {  	s18 =	simm.s32 $0x0;
	_ =	swait.ge [sflag:s17], $0x4000  }
0x11d: {  	s19 =	sand.u32 $0x3C00, s15;
	s2 =	sand.u32 $0x60, s18;
	[sflag:s17] =	ssyncset.done $0x0  }
0x11e: {  	s4 =	sor.u32 s2, s19;
	[sflag:s17] =	ssyncadd.s32 $0xFFFFC000  }
0x11f: {  	v0 =	vld [tilespmem:s4+$0xC010]  }
0x120: {  	v1 =	vld [tilespmem:s4+$0xC090]  }
0x121: {  	v4 =	vld [tilespmem:s4+$0xC210]  }
0x122: {  	v5 =	vld [tilespmem:s4+$0xC290]  }
0x123: {  	v2 =	vld [tilespmem:s4+$0xC110]  }
0x124: {  	v3 =	vld [tilespmem:s4+$0xC190]  }
0x125: {  	v0 =	vmin.f32 v0, $1.000000000e+00  }
0x126: {  	v4 =	vmin.f32 v4, $1.000000000e+00;
	[tilespmem:s4+$0xC010] =	vst v0;
	v0 =	vmin.f32 v1, $1.000000000e+00;
	v1 =	vld [tilespmem:s4+$0xC000]  }
0x127: {  	s0 =	sand.u32 $0x3, s15;
	[tilespmem:s4+$0xC210] =	vst v4;
	v4 =	vmin.f32 v5, $1.000000000e+00;
	v5 =	vld [tilespmem:s4+$0xC280]  }
0x128: {  	s0 =	sshll.u32 s0, $0x5;
	[tilespmem:s4+$0xC090] =	vst v0;
	v0 =	vmin.f32 v2, $1.000000000e+00;
	v2 =	vld [tilespmem:s4+$0xC080]  }
0x129: {  	s2 =	sadd.s32 $0x0, s0;
	[tilespmem:s4+$0xC110] =	vst v0;
	v0 =	vmin.f32 v3, $1.000000000e+00;
	v3 =	vld [tilespmem:s4+$0xC100]  }
0x12a: {  	s20 =	simm.s32 $0x20;
	s21 =	simm.s32 $0x100;
	s0 =	sadd.s32 $0x10, s2;
	[tilespmem:s4+$0xC190] =	vst v0;
	v0 =	vld [tilespmem:s4+$0xC180]  }
0x12b: {  	s5 =	sand.u32 $0x60, s20;
	s7 =	sand.u32 $0x3C00, s21;
	s9 =	sor.u32 $0x300, s0;
	v6 =	vld [tilespmem:s4+$0xC200];
	[tilespmem:s4+$0xC290] =	vst v4;
	v1 =	vmin.f32 v1, $1.000000000e+00  }
0x12c: {  	s7 =	sor.u32 s5, s7;
	v4 =	vld [tilespmem:s9+$0xC000];
	v5 =	vmin.f32 v5, $1.000000000e+00;
	[tilespmem:s4+$0xC000] =	vst v1  }
0x12d: {  	v1 =	vmin.f32 v2, $1.000000000e+00;
	v2 =	vld [tilespmem:s7+$0xC010];
	[tilespmem:s4+$0xC280] =	vst v5  }
0x12e: {  	[tilespmem:s4+$0xC080] =	vst v1;
	v1 =	vmin.f32 v3, $1.000000000e+00;
	v3 =	vld [tilespmem:s7+$0xC090]  }
0x12f: {  	[tilespmem:s4+$0xC100] =	vst v1;
	v0 =	vmin.f32 v0, $1.000000000e+00;
	v1 =	vld [tilespmem:s7+$0xC110]  }
0x130: {  	[tilespmem:s4+$0xC180] =	vst v0;
	v0 =	vmin.f32 v6, $1.000000000e+00;
	v6 =	vld [tilespmem:s7+$0xC190]  }
0x131: {  	[tilespmem:s4+$0xC200] =	vst v0;
	v0 =	vmin.f32 v4, $1.000000000e+00;
	v4 =	vld [tilespmem:s7+$0xC210]  }
0x132: {  	s0 =	sor.u32 $0x380, s0;
	[tilespmem:s9+$0xC000] =	vst v0;
	v0 =	vmin.f32 v2, $1.000000000e+00;
	v2 =	vld [tilespmem:s7+$0xC290]  }
0x133: {  	s10 =	simm.s32 $0x1;
	[tilespmem:s7+$0xC010] =	vst v0;
	v0 =	vld [tilespmem:s0+$0xC000];
	v3 =	vmin.f32 v3, $1.000000000e+00  }
0x134: {  	s5 =	sand.u32 $0x3, s10;
	[tilespmem:s7+$0xC090] =	vst v3;
	v3 =	vld [tilespmem:s7+$0xC000];
	v1 =	vmin.f32 v1, $1.000000000e+00  }
0x135: {  	s5 =	sshll.u32 s5, $0x5;
	[tilespmem:s7+$0xC110] =	vst v1;
	v1 =	vld [tilespmem:s7+$0xC080];
	v6 =	vmin.f32 v6, $1.000000000e+00  }
0x136: {  	s11 =	sadd.s32 $0x100, s5;
	[tilespmem:s7+$0xC190] =	vst v6;
	v6 =	vld [tilespmem:s7+$0xC100];
	v4 =	vmin.f32 v4, $1.000000000e+00  }
0x137: {  	s14 =	sadd.s32 $0x10, s11;
	[tilespmem:s7+$0xC210] =	vst v4;
	v4 =	vld [tilespmem:s7+$0xC180];
	v2 =	vmin.f32 v2, $1.000000000e+00  }
0x138: {  	s15 =	sor.u32 $0x300, s14;
	[tilespmem:s7+$0xC290] =	vst v2;
	v2 =	vld [tilespmem:s7+$0xC200];
	v0 =	vmin.f32 v0, $1.000000000e+00  }
0x139: {  	s4 =	simm.s32 $0x40;
	s9 =	simm.s32 $0x200;
	v5 =	vld [tilespmem:s15+$0xC000];
	[tilespmem:s0+$0xC000] =	vst v0;
	v0 =	vmin.f32 v3, $1.000000000e+00  }
0x13a: {  	s16 =	sor.u32 $0x300, s2;
	s17 =	sand.u32 $0x60, s4;
	s18 =	sand.u32 $0x3C00, s9;
	v3 =	vld [tilespmem:s7+$0xC280];
	[tilespmem:s7+$0xC000] =	vst v0;
	v0 =	vmin.f32 v1, $1.000000000e+00  }
0x13b: {  	s5 =	sor.u32 s17, s18;
	v1 =	vld [tilespmem:s16+$0xC000];
	[tilespmem:s7+$0xC080] =	vst v0;
	v0 =	vmin.f32 v6, $1.000000000e+00  }
0x13c: {  	v6 =	vld [tilespmem:s5+$0xC010];
	[tilespmem:s7+$0xC100] =	vst v0;
	v0 =	vmin.f32 v4, $1.000000000e+00  }
0x13d: {  	v4 =	vld [tilespmem:s5+$0xC090];
	[tilespmem:s7+$0xC180] =	vst v0;
	v2 =	vmin.f32 v2, $1.000000000e+00  }
0x13e: {  	v0 =	vld [tilespmem:s5+$0xC110];
	v5 =	vmin.f32 v5, $1.000000000e+00;
	[tilespmem:s7+$0xC200] =	vst v2  }
0x13f: {  	s19 =	sor.u32 $0x380, s14;
	v2 =	vmin.f32 v3, $1.000000000e+00;
	[tilespmem:s15+$0xC000] =	vst v5;
	v5 =	vld [tilespmem:s5+$0xC190]  }
0x140: {  	[tilespmem:s7+$0xC280] =	vst v2;
	v1 =	vmin.f32 v1, $1.000000000e+00;
	v3 =	vld [tilespmem:s19+$0xC000]  }
0x141: {  	v2 =	vmin.f32 v6, $1.000000000e+00;
	v6 =	vld [tilespmem:s5+$0xC210];
	[tilespmem:s16+$0xC000] =	vst v1  }
0x142: {  	[tilespmem:s5+$0xC010] =	vst v2;
	v1 =	vmin.f32 v4, $1.000000000e+00;
	v4 =	vld [tilespmem:s5+$0xC290]  }
0x143: {  	v7 =	vld [tilespmem:s5+$0xC000];
	s15 =	simm.s32 $0x2;
	[tilespmem:s5+$0xC090] =	vst v1;
	v1 =	vmin.f32 v0, $1.000000000e+00  }
0x144: {  	s20 =	sand.u32 $0x3, s15;
	v0 =	vld [tilespmem:s5+$0xC080];
	[tilespmem:s5+$0xC110] =	vst v1;
	v2 =	vmin.f32 v5, $1.000000000e+00  }
0x145: {  	s7 =	sshll.u32 s20, $0x5;
	v1 =	vld [tilespmem:s5+$0xC100];
	[tilespmem:s5+$0xC190] =	vst v2;
	v3 =	vmin.f32 v3, $1.000000000e+00  }
0x146: {  	s13 =	sor.u32 $0x380, s11;
	s21 =	sadd.s32 $0x200, s7;
	v2 =	vld [tilespmem:s5+$0xC180];
	v5 =	vmin.f32 v6, $1.000000000e+00;
	[tilespmem:s19+$0xC000] =	vst v3  }
0x147: {  	s14 =	sor.u32 $0x300, s11;
	s12 =	sor.u32 $0x380, s2;
	s10 =	sadd.s32 $0x10, s21;
	v3 =	vld [tilespmem:s5+$0xC200];
	[tilespmem:s5+$0xC210] =	vst v5;
	v6 =	vmin.f32 v4, $1.000000000e+00  }
0x148: {  	s7 =	sor.u32 $0x300, s21;
	s2 =	sor.u32 $0x380, s21;
	s16 =	sor.u32 $0x300, s10;
	v5 =	vmin.f32 v7, $1.000000000e+00;
	v4 =	vld [tilespmem:s5+$0xC280];
	[tilespmem:s5+$0xC290] =	vst v6  }
.LBB2_8:
0x149: {  	s4 =	sadd.s32 $0x20, s4;
	[tilespmem:s5+$0xC000] =	vst v5;
	v0 =	vmin.f32 v0, $1.000000000e+00;
	v5 =	vld [tilespmem:s16+$0xC000];
	s9 =	sadd.s32 $0x100, s9  }
0x14a: {  	s0 =	sand.u32 $0x60, s4;
	s17 =	sand.u32 $0x3C00, s9;
	[tilespmem:s5+$0xC080] =	vst v0;
	v0 =	vmin.f32 v1, $1.000000000e+00;
	v1 =	vld [tilespmem:s14+$0xC000]  }
0x14b: {  	s0 =	sor.u32 s0, s17;
	[tilespmem:s5+$0xC100] =	vst v0;
	v0 =	vmin.f32 v2, $1.000000000e+00;
	v2 =	vld [tilespmem:s12+$0xC000]  }
0x14c: {  	v6 =	vld [tilespmem:s0+$0xC010];
	[tilespmem:s5+$0xC180] =	vst v0;
	v0 =	vmin.f32 v3, $1.000000000e+00  }
0x14d: {  	v3 =	vld [tilespmem:s0+$0xC090];
	[tilespmem:s5+$0xC200] =	vst v0;
	v0 =	vmin.f32 v4, $1.000000000e+00  }
0x14e: {  	v4 =	vld [tilespmem:s0+$0xC110];
	[tilespmem:s5+$0xC280] =	vst v0;
	v0 =	vmin.f32 v5, $1.000000000e+00;
	s5 =	smov.u32 s0  }
0x14f: {  	p0 =	slt.u32 s4, $0x7E0;
	s0 =	sor.u32 $0x380, s10;
	v5 =	vld [tilespmem:s5+$0xC190];
	[tilespmem:s16+$0xC000] =	vst v0;
	v0 =	vmin.f32 v1, $1.000000000e+00  }
0x150: {  	v7 =	vld [tilespmem:s0+$0xC000];
	[tilespmem:s14+$0xC000] =	vst v0;
	v0 =	vmin.f32 v2, $1.000000000e+00;
	s14 =	smov.u32 s7  }
0x151: {  	v1 =	vmin.f32 v6, $1.000000000e+00;
	v6 =	vld [tilespmem:s5+$0xC210];
	[tilespmem:s12+$0xC000] =	vst v0;
	s12 =	smov.u32 s13;
	s13 =	smov.u32 s2  }
0x152: {  	[tilespmem:s5+$0xC010] =	vst v1;
	v0 =	vmin.f32 v3, $1.000000000e+00;
	v8 =	vld [tilespmem:s5+$0xC290]  }
0x153: {  	s15 =	sadd.s32 $0x1, s15;
	v9 =	vld [tilespmem:s5+$0xC000];
	[tilespmem:s5+$0xC090] =	vst v0;
	v1 =	vmin.f32 v4, $1.000000000e+00  }
.Ltmp3:
0x154: {  	s2 =	sand.u32 $0x3, s15;
	v0 =	vld [tilespmem:s5+$0xC080];
	[tilespmem:s5+$0xC110] =	vst v1;
	v2 =	vmin.f32 v5, $1.000000000e+00;
	(pc) =	sbr.rel @p0 .LBB2_8-.Ltmp3, $4  }
0x155: {  	s2 =	sshll.u32 s2, $0x5;
	v1 =	vld [tilespmem:s5+$0xC100];
	[tilespmem:s5+$0xC190] =	vst v2;
	v3 =	vmin.f32 v7, $1.000000000e+00  }
0x156: {  	s10 =	sadd.s32 s2, s9;
	v2 =	vld [tilespmem:s5+$0xC180];
	v4 =	vmin.f32 v6, $1.000000000e+00;
	[tilespmem:s0+$0xC000] =	vst v3  }
0x157: {  	s7 =	sor.u32 $0x300, s10;
	s2 =	sor.u32 $0x380, s10;
	s10 =	sadd.s32 $0x10, s10;
	v3 =	vld [tilespmem:s5+$0xC200];
	[tilespmem:s5+$0xC210] =	vst v4;
	v6 =	vmin.f32 v8, $1.000000000e+00  }
0x158: {  	s16 =	sor.u32 $0x300, s10;
	v5 =	vmin.f32 v9, $1.000000000e+00;
	v4 =	vld [tilespmem:s5+$0xC280];
	[tilespmem:s5+$0xC290] =	vst v6  }
0x159: {  	[tilespmem:s5+$0xC000] =	vst v5;
	v0 =	vmin.f32 v0, $1.000000000e+00  }
0x15a: {  	[tilespmem:s5+$0xC080] =	vst v0;
	v55 =	vmin.f32 v1, $1.000000000e+00  }
0x15b: {  	[tilespmem:s5+$0xC100] =	vst v55;
	v56 =	vmin.f32 v2, $1.000000000e+00  }
0x15c: {  	[tilespmem:s5+$0xC180] =	vst v56;
	v57 =	vmin.f32 v3, $1.000000000e+00  }
0x15d: {  	v58 =	vld [tilespmem:s16+$0xC000];
	[tilespmem:s5+$0xC200] =	vst v57;
	v59 =	vmin.f32 v4, $1.000000000e+00  }
0x15e: {  	v60 =	vld [tilespmem:s14+$0xC000];
	[tilespmem:s5+$0xC280] =	vst v59  }
0x15f: {  	v0 =	vld [tilespmem:s7+$0xC000];
	_ =	sdelay $0x2  }
0x160: {  	v1 =	vmin.f32 v58, $1.000000000e+00  }
0x161: {  	v61 =	vld [tilespmem:s12+$0xC000];
	s0 =	sor.u32 $0x380, s10;
	v62 =	vmin.f32 v60, $1.000000000e+00;
	[tilespmem:s16+$0xC000] =	vst v1  }
0x162: {  	[tilespmem:s14+$0xC000] =	vst v62;
	v63 =	vld [tilespmem:s0+$0xC000];
	v0 =	vmin.f32 v0, $1.000000000e+00  }
0x163: {  	v1 =	vld [tilespmem:s13+$0xC000];
	[tilespmem:s7+$0xC000] =	vst v0  }
0x164: {  	v0 =	vld [tilespmem:s2+$0xC000];
	_ =	sdelay $0x1  }
0x165: {  	v3 =	vmin.f32 v61, $1.000000000e+00  }
0x166: {  	[tilespmem:s12+$0xC000] =	vst v3;
	v2 =	vmin.f32 v63, $1.000000000e+00  }
0x167: {  	v1 =	vmin.f32 v1, $1.000000000e+00;
	[tilespmem:s0+$0xC000] =	vst v2  }
0x168: {  	[tilespmem:s13+$0xC000] =	vst v1;
	v0 =	vmin.f32 v0, $1.000000000e+00  }
0x169: {  	s9 =	simm.s32 $0x0;
	[tilespmem:s2+$0xC000] =	vst v0  }
0x16a: {  	s21 =	simm.s32 $0x8000;
	s5 =	simm.s32 $0x0;
	s0 =	rddreg [dreg:$0x9]  }
0x16b: {  	[hbm4b:s0+s9] =	stream.linear.scatter [tilespmem:s21], [sflag:$0x9], $0x4000, $0x38;
	[tilespmem:$0x18000] =	vst v63  }
.LBB2_10:
0x16c: {  	s4 =	smul.u32 $0x30, s5;
	_ =	swait.ge [sflag:s23], $0x4000  }
0x16d: {  	s0 =	rddreg [dreg:$0xa]  }
0x16e: {  	s0 =	sadd.s32 s4, s0  }
0x16f: {  	[sflag:s23] =	ssyncset.done $0x0;
	s12 =	sshll.u32 s0, $0x8  }
0x170: {  	[sflag:s23] =	ssyncadd.s32 $0xFFFFC000;
	s0 =	sadd.s32 s1, s12  }
0x171: {  	[tilespmem:s9], [sflag:$0x1] =	stream.linear.gather [hbm4b:s0+s9], $0x4000, $0x38;
	[tilespmem:$0x18000] =	vst v63  }
0x172: {  	s17 =	simm.s32 $0x0;
	_ =	swait.ge [sflag:s24], $0x4000  }
0x173: {  	s2 =	sand.u32 $0x3C00, s9;
	s0 =	sand.u32 $0x60, s17;
	[sflag:s24] =	ssyncset.done $0x0  }
0x174: {  	s7 =	sor.u32 s0, s2;
	[sflag:s24] =	ssyncadd.s32 $0xFFFFC000  }
0x175: {  	v0 =	vld [tilespmem:s7+$0x10010]  }
0x176: {  	v1 =	vld [tilespmem:s7+$0x10090]  }
0x177: {  	v4 =	vld [tilespmem:s7+$0x10210]  }
0x178: {  	v5 =	vld [tilespmem:s7+$0x10290]  }
0x179: {  	v2 =	vld [tilespmem:s7+$0x10110]  }
0x17a: {  	v3 =	vld [tilespmem:s7+$0x10190]  }
0x17b: {  	v0 =	vmin.f32 v0, $1.000000000e+00  }
0x17c: {  	v4 =	vmin.f32 v4, $1.000000000e+00;
	[tilespmem:s7+$0x10010] =	vst v0;
	v0 =	vmin.f32 v1, $1.000000000e+00;
	v1 =	vld [tilespmem:s7+$0x10000]  }
0x17d: {  	s18 =	sand.u32 $0x3, s9;
	[tilespmem:s7+$0x10210] =	vst v4;
	v4 =	vmin.f32 v5, $1.000000000e+00;
	v5 =	vld [tilespmem:s7+$0x10280]  }
0x17e: {  	s0 =	sshll.u32 s18, $0x5;
	[tilespmem:s7+$0x10090] =	vst v0;
	v0 =	vmin.f32 v2, $1.000000000e+00;
	v2 =	vld [tilespmem:s7+$0x10080]  }
0x17f: {  	s2 =	sadd.s32 $0x0, s0;
	[tilespmem:s7+$0x10110] =	vst v0;
	v0 =	vmin.f32 v3, $1.000000000e+00;
	v3 =	vld [tilespmem:s7+$0x10100]  }
0x180: {  	s10 =	simm.s32 $0x20;
	s13 =	simm.s32 $0x100;
	s0 =	sadd.s32 $0x10, s2;
	[tilespmem:s7+$0x10190] =	vst v0;
	v0 =	vld [tilespmem:s7+$0x10180]  }
0x181: {  	s10 =	sand.u32 $0x60, s10;
	s13 =	sand.u32 $0x3C00, s13;
	v6 =	vld [tilespmem:s7+$0x10200];
	s14 =	sor.u32 $0x300, s0;
	[tilespmem:s7+$0x10290] =	vst v4;
	v1 =	vmin.f32 v1, $1.000000000e+00  }
0x182: {  	s10 =	sor.u32 s10, s13;
	v4 =	vld [tilespmem:s14+$0x10000];
	v5 =	vmin.f32 v5, $1.000000000e+00;
	[tilespmem:s7+$0x10000] =	vst v1  }
0x183: {  	v1 =	vmin.f32 v2, $1.000000000e+00;
	v2 =	vld [tilespmem:s10+$0x10010];
	[tilespmem:s7+$0x10280] =	vst v5  }
0x184: {  	[tilespmem:s7+$0x10080] =	vst v1;
	v1 =	vmin.f32 v3, $1.000000000e+00;
	v3 =	vld [tilespmem:s10+$0x10090]  }
0x185: {  	[tilespmem:s7+$0x10100] =	vst v1;
	v0 =	vmin.f32 v0, $1.000000000e+00;
	v1 =	vld [tilespmem:s10+$0x10110]  }
0x186: {  	[tilespmem:s7+$0x10180] =	vst v0;
	v0 =	vmin.f32 v6, $1.000000000e+00;
	v6 =	vld [tilespmem:s10+$0x10190]  }
0x187: {  	[tilespmem:s7+$0x10200] =	vst v0;
	v0 =	vmin.f32 v4, $1.000000000e+00;
	v4 =	vld [tilespmem:s10+$0x10210]  }
0x188: {  	s0 =	sor.u32 $0x380, s0;
	[tilespmem:s14+$0x10000] =	vst v0;
	v0 =	vmin.f32 v2, $1.000000000e+00;
	v2 =	vld [tilespmem:s10+$0x10290]  }
0x189: {  	s19 =	simm.s32 $0x1;
	[tilespmem:s10+$0x10010] =	vst v0;
	v0 =	vld [tilespmem:s0+$0x10000];
	v3 =	vmin.f32 v3, $1.000000000e+00  }
0x18a: {  	s13 =	sand.u32 $0x3, s19;
	[tilespmem:s10+$0x10090] =	vst v3;
	v3 =	vld [tilespmem:s10+$0x10000];
	v1 =	vmin.f32 v1, $1.000000000e+00  }
0x18b: {  	s13 =	sshll.u32 s13, $0x5;
	[tilespmem:s10+$0x10110] =	vst v1;
	v1 =	vld [tilespmem:s10+$0x10080];
	v6 =	vmin.f32 v6, $1.000000000e+00  }
0x18c: {  	s17 =	sadd.s32 $0x100, s13;
	[tilespmem:s10+$0x10190] =	vst v6;
	v6 =	vld [tilespmem:s10+$0x10100];
	v4 =	vmin.f32 v4, $1.000000000e+00  }
0x18d: {  	s16 =	sadd.s32 $0x10, s17;
	[tilespmem:s10+$0x10210] =	vst v4;
	v4 =	vld [tilespmem:s10+$0x10180];
	v2 =	vmin.f32 v2, $1.000000000e+00  }
0x18e: {  	s18 =	sor.u32 $0x300, s16;
	[tilespmem:s10+$0x10290] =	vst v2;
	v2 =	vld [tilespmem:s10+$0x10200];
	v0 =	vmin.f32 v0, $1.000000000e+00  }
0x18f: {  	s15 =	simm.s32 $0x200;
	s13 =	simm.s32 $0x40;
	v5 =	vld [tilespmem:s18+$0x10000];
	[tilespmem:s0+$0x10000] =	vst v0;
	v0 =	vmin.f32 v3, $1.000000000e+00  }
0x190: {  	s11 =	sand.u32 $0x3C00, s15;
	s21 =	sand.u32 $0x60, s13;
	s20 =	sor.u32 $0x300, s2;
	v3 =	vld [tilespmem:s10+$0x10280];
	[tilespmem:s10+$0x10000] =	vst v0;
	v0 =	vmin.f32 v1, $1.000000000e+00  }
0x191: {  	s14 =	sor.u32 s21, s11;
	v1 =	vld [tilespmem:s20+$0x10000];
	[tilespmem:s10+$0x10080] =	vst v0;
	v0 =	vmin.f32 v6, $1.000000000e+00  }
0x192: {  	v6 =	vld [tilespmem:s14+$0x10010];
	[tilespmem:s10+$0x10100] =	vst v0;
	v0 =	vmin.f32 v4, $1.000000000e+00  }
0x193: {  	v4 =	vld [tilespmem:s14+$0x10090];
	[tilespmem:s10+$0x10180] =	vst v0;
	v2 =	vmin.f32 v2, $1.000000000e+00  }
0x194: {  	v0 =	vld [tilespmem:s14+$0x10110];
	v5 =	vmin.f32 v5, $1.000000000e+00;
	[tilespmem:s10+$0x10200] =	vst v2  }
0x195: {  	v2 =	vmin.f32 v3, $1.000000000e+00;
	[tilespmem:s18+$0x10000] =	vst v5;
	v5 =	vld [tilespmem:s14+$0x10190];
	s18 =	sor.u32 $0x380, s16  }
0x196: {  	[tilespmem:s10+$0x10280] =	vst v2;
	v1 =	vmin.f32 v1, $1.000000000e+00;
	v3 =	vld [tilespmem:s18+$0x10000]  }
0x197: {  	v2 =	vmin.f32 v6, $1.000000000e+00;
	v6 =	vld [tilespmem:s14+$0x10210];
	[tilespmem:s20+$0x10000] =	vst v1  }
0x198: {  	[tilespmem:s14+$0x10010] =	vst v2;
	v1 =	vmin.f32 v4, $1.000000000e+00;
	v4 =	vld [tilespmem:s14+$0x10290]  }
0x199: {  	s19 =	simm.s32 $0x2;
	v7 =	vld [tilespmem:s14+$0x10000];
	[tilespmem:s14+$0x10090] =	vst v1;
	v1 =	vmin.f32 v0, $1.000000000e+00  }
0x19a: {  	s20 =	sand.u32 $0x3, s19;
	v0 =	vld [tilespmem:s14+$0x10080];
	[tilespmem:s14+$0x10110] =	vst v1;
	v2 =	vmin.f32 v5, $1.000000000e+00  }
0x19b: {  	s7 =	sshll.u32 s20, $0x5;
	v1 =	vld [tilespmem:s14+$0x10100];
	[tilespmem:s14+$0x10190] =	vst v2;
	v3 =	vmin.f32 v3, $1.000000000e+00  }
0x19c: {  	s16 =	sor.u32 $0x380, s2;
	s21 =	sadd.s32 $0x200, s7;
	v2 =	vld [tilespmem:s14+$0x10180];
	v5 =	vmin.f32 v6, $1.000000000e+00;
	[tilespmem:s18+$0x10000] =	vst v3  }
0x19d: {  	s10 =	sadd.s32 $0x10, s21;
	s7 =	sor.u32 $0x300, s21;
	s2 =	sor.u32 $0x380, s21;
	v3 =	vld [tilespmem:s14+$0x10200];
	[tilespmem:s14+$0x10210] =	vst v5;
	v6 =	vmin.f32 v4, $1.000000000e+00  }
0x19e: {  	s20 =	sor.u32 $0x300, s10;
	s18 =	sor.u32 $0x300, s17;
	s17 =	sor.u32 $0x380, s17;
	v5 =	vmin.f32 v7, $1.000000000e+00;
	v4 =	vld [tilespmem:s14+$0x10280];
	[tilespmem:s14+$0x10290] =	vst v6  }
.LBB2_11:
0x19f: {  	s13 =	sadd.s32 $0x20, s13;
	[tilespmem:s14+$0x10000] =	vst v5;
	v0 =	vmin.f32 v0, $1.000000000e+00;
	v5 =	vld [tilespmem:s20+$0x10000];
	s15 =	sadd.s32 $0x100, s15  }
0x1a0: {  	s0 =	sand.u32 $0x60, s13;
	s21 =	sand.u32 $0x3C00, s15;
	[tilespmem:s14+$0x10080] =	vst v0;
	v0 =	vmin.f32 v1, $1.000000000e+00;
	v1 =	vld [tilespmem:s18+$0x10000]  }
0x1a1: {  	s0 =	sor.u32 s0, s21;
	[tilespmem:s14+$0x10100] =	vst v0;
	v0 =	vmin.f32 v2, $1.000000000e+00;
	v2 =	vld [tilespmem:s16+$0x10000]  }
0x1a2: {  	v6 =	vld [tilespmem:s0+$0x10010];
	[tilespmem:s14+$0x10180] =	vst v0;
	v0 =	vmin.f32 v3, $1.000000000e+00  }
0x1a3: {  	v3 =	vld [tilespmem:s0+$0x10090];
	[tilespmem:s14+$0x10200] =	vst v0;
	v0 =	vmin.f32 v4, $1.000000000e+00  }
0x1a4: {  	v4 =	vld [tilespmem:s0+$0x10110];
	[tilespmem:s14+$0x10280] =	vst v0;
	v0 =	vmin.f32 v5, $1.000000000e+00;
	s14 =	smov.u32 s0  }
0x1a5: {  	p0 =	slt.u32 s13, $0x7E0;
	s0 =	sor.u32 $0x380, s10;
	v5 =	vld [tilespmem:s14+$0x10190];
	[tilespmem:s20+$0x10000] =	vst v0;
	v0 =	vmin.f32 v1, $1.000000000e+00  }
0x1a6: {  	v7 =	vld [tilespmem:s0+$0x10000];
	[tilespmem:s18+$0x10000] =	vst v0;
	v0 =	vmin.f32 v2, $1.000000000e+00;
	s18 =	smov.u32 s7  }
0x1a7: {  	v1 =	vmin.f32 v6, $1.000000000e+00;
	v6 =	vld [tilespmem:s14+$0x10210];
	[tilespmem:s16+$0x10000] =	vst v0;
	s16 =	smov.u32 s17;
	s17 =	smov.u32 s2  }
0x1a8: {  	[tilespmem:s14+$0x10010] =	vst v1;
	v0 =	vmin.f32 v3, $1.000000000e+00;
	v8 =	vld [tilespmem:s14+$0x10290]  }
0x1a9: {  	s19 =	sadd.s32 $0x1, s19;
	v9 =	vld [tilespmem:s14+$0x10000];
	[tilespmem:s14+$0x10090] =	vst v0;
	v1 =	vmin.f32 v4, $1.000000000e+00  }
.Ltmp4:
0x1aa: {  	s2 =	sand.u32 $0x3, s19;
	v0 =	vld [tilespmem:s14+$0x10080];
	[tilespmem:s14+$0x10110] =	vst v1;
	v2 =	vmin.f32 v5, $1.000000000e+00;
	(pc) =	sbr.rel @p0 .LBB2_11-.Ltmp4, $4  }
0x1ab: {  	s2 =	sshll.u32 s2, $0x5;
	v1 =	vld [tilespmem:s14+$0x10100];
	[tilespmem:s14+$0x10190] =	vst v2;
	v3 =	vmin.f32 v7, $1.000000000e+00  }
0x1ac: {  	s10 =	sadd.s32 s2, s15;
	v2 =	vld [tilespmem:s14+$0x10180];
	v4 =	vmin.f32 v6, $1.000000000e+00;
	[tilespmem:s0+$0x10000] =	vst v3  }
0x1ad: {  	s7 =	sor.u32 $0x300, s10;
	s2 =	sor.u32 $0x380, s10;
	s10 =	sadd.s32 $0x10, s10;
	v3 =	vld [tilespmem:s14+$0x10200];
	[tilespmem:s14+$0x10210] =	vst v4;
	v6 =	vmin.f32 v8, $1.000000000e+00  }
0x1ae: {  	s20 =	sor.u32 $0x300, s10;
	v5 =	vmin.f32 v9, $1.000000000e+00;
	v4 =	vld [tilespmem:s14+$0x10280];
	[tilespmem:s14+$0x10290] =	vst v6  }
0x1af: {  	[tilespmem:s14+$0x10000] =	vst v5;
	v0 =	vmin.f32 v0, $1.000000000e+00  }
0x1b0: {  	[tilespmem:s14+$0x10080] =	vst v0;
	v0 =	vmin.f32 v1, $1.000000000e+00  }
0x1b1: {  	v1 =	vld [tilespmem:s20+$0x10000];
	[tilespmem:s14+$0x10100] =	vst v0;
	v0 =	vmin.f32 v2, $1.000000000e+00  }
0x1b2: {  	[tilespmem:s14+$0x10180] =	vst v0;
	v0 =	vmin.f32 v3, $1.000000000e+00  }
0x1b3: {  	v2 =	vld [tilespmem:s18+$0x10000];
	[tilespmem:s14+$0x10200] =	vst v0;
	v0 =	vmin.f32 v4, $1.000000000e+00  }
0x1b4: {  	[tilespmem:s14+$0x10280] =	vst v0  }
0x1b5: {  	v0 =	vld [tilespmem:s7+$0x10000]  }
0x1b6: {  	v1 =	vmin.f32 v1, $1.000000000e+00  }
0x1b7: {  	s0 =	sor.u32 $0x380, s10;
	v3 =	vld [tilespmem:s16+$0x10000];
	[tilespmem:s20+$0x10000] =	vst v1  }
0x1b8: {  	v1 =	vmin.f32 v2, $1.000000000e+00;
	v2 =	vld [tilespmem:s0+$0x10000];
	_ =	sdelay $0x1  }
0x1b9: {  	[tilespmem:s18+$0x10000] =	vst v1;
	v0 =	vmin.f32 v0, $1.000000000e+00  }
0x1ba: {  	v1 =	vld [tilespmem:s17+$0x10000];
	[tilespmem:s7+$0x10000] =	vst v0  }
0x1bb: {  	v3 =	vmin.f32 v3, $1.000000000e+00;
	v0 =	vld [tilespmem:s2+$0x10000]  }
0x1bc: {  	[tilespmem:s16+$0x10000] =	vst v3;
	v2 =	vmin.f32 v2, $1.000000000e+00  }
0x1bd: {  	[tilespmem:s0+$0x10000] =	vst v2  }
0x1be: {  	s0 =	rddreg [dreg:$0xb]  }
0x1bf: {  	v1 =	vmin.f32 v1, $1.000000000e+00;
	s0 =	sadd.s32 s4, s0  }
0x1c0: {  	[tilespmem:s17+$0x10000] =	vst v1;
	s0 =	sshll.u32 s0, $0x8;
	v0 =	vmin.f32 v0, $1.000000000e+00  }
0x1c1: {  	s10 =	simm.s32 $0x0;
	s11 =	simm.s32 $0xC000;
	s0 =	sadd.s32 s3, s0;
	[tilespmem:s2+$0x10000] =	vst v0  }
0x1c2: {  	[hbm4b:s0+s10] =	stream.linear.scatter [tilespmem:s11], [sflag:$0xA], $0x4000, $0x38;
	[tilespmem:$0x18000] =	vst v63  }
0x1c3: {  	_ =	swait.ge [sflag:s25], $0x4000  }
0x1c4: {  	s13 =	rddreg [dreg:$0xc]  }
0x1c5: {  	s0 =	sadd.s32 s4, s13  }
0x1c6: {  	[sflag:s25] =	ssyncset.done $0x0;
	s13 =	sshll.u32 s0, $0x8  }
0x1c7: {  	[sflag:s25] =	ssyncadd.s32 $0xFFFFC000;
	s0 =	sadd.s32 s1, s13  }
0x1c8: {  	[tilespmem:s22], [sflag:$0x2] =	stream.linear.gather [hbm4b:s0+s10], $0x4000, $0x38;
	[tilespmem:$0x18000] =	vst v63  }
0x1c9: {  	s14 =	simm.s32 $0x0;
	_ =	swait.ge [sflag:s26], $0x4000  }
0x1ca: {  	s15 =	sand.u32 $0x3C00, s10;
	s0 =	sand.u32 $0x60, s14;
	[sflag:s26] =	ssyncset.done $0x0  }
0x1cb: {  	s7 =	sor.u32 s0, s15;
	[sflag:s26] =	ssyncadd.s32 $0xFFFFC000  }
0x1cc: {  	v0 =	vld [tilespmem:s7+$0x14010]  }
0x1cd: {  	v1 =	vld [tilespmem:s7+$0x14090]  }
0x1ce: {  	v4 =	vld [tilespmem:s7+$0x14210]  }
0x1cf: {  	v5 =	vld [tilespmem:s7+$0x14290]  }
0x1d0: {  	v2 =	vld [tilespmem:s7+$0x14110]  }
0x1d1: {  	v3 =	vld [tilespmem:s7+$0x14190]  }
0x1d2: {  	v0 =	vmin.f32 v0, $1.000000000e+00  }
0x1d3: {  	v4 =	vmin.f32 v4, $1.000000000e+00;
	[tilespmem:s7+$0x14010] =	vst v0;
	v0 =	vmin.f32 v1, $1.000000000e+00;
	v1 =	vld [tilespmem:s7+$0x14000]  }
0x1d4: {  	s16 =	sand.u32 $0x3, s10;
	[tilespmem:s7+$0x14210] =	vst v4;
	v4 =	vmin.f32 v5, $1.000000000e+00;
	v5 =	vld [tilespmem:s7+$0x14280]  }
0x1d5: {  	s0 =	sshll.u32 s16, $0x5;
	[tilespmem:s7+$0x14090] =	vst v0;
	v0 =	vmin.f32 v2, $1.000000000e+00;
	v2 =	vld [tilespmem:s7+$0x14080]  }
0x1d6: {  	s2 =	sadd.s32 $0x0, s0;
	[tilespmem:s7+$0x14110] =	vst v0;
	v0 =	vmin.f32 v3, $1.000000000e+00;
	v3 =	vld [tilespmem:s7+$0x14100]  }
0x1d7: {  	s18 =	simm.s32 $0x100;
	s17 =	simm.s32 $0x20;
	s0 =	sadd.s32 $0x10, s2;
	[tilespmem:s7+$0x14190] =	vst v0;
	v0 =	vld [tilespmem:s7+$0x14180]  }
0x1d8: {  	s10 =	sand.u32 $0x60, s17;
	s14 =	sand.u32 $0x3C00, s18;
	v6 =	vld [tilespmem:s7+$0x14200];
	s15 =	sor.u32 $0x300, s0;
	[tilespmem:s7+$0x14290] =	vst v4;
	v1 =	vmin.f32 v1, $1.000000000e+00  }
0x1d9: {  	s10 =	sor.u32 s10, s14;
	v4 =	vld [tilespmem:s15+$0x14000];
	v5 =	vmin.f32 v5, $1.000000000e+00;
	[tilespmem:s7+$0x14000] =	vst v1  }
0x1da: {  	v1 =	vmin.f32 v2, $1.000000000e+00;
	v2 =	vld [tilespmem:s10+$0x14010];
	[tilespmem:s7+$0x14280] =	vst v5  }
0x1db: {  	[tilespmem:s7+$0x14080] =	vst v1;
	v1 =	vmin.f32 v3, $1.000000000e+00;
	v3 =	vld [tilespmem:s10+$0x14090]  }
0x1dc: {  	[tilespmem:s7+$0x14100] =	vst v1;
	v0 =	vmin.f32 v0, $1.000000000e+00;
	v1 =	vld [tilespmem:s10+$0x14110]  }
0x1dd: {  	[tilespmem:s7+$0x14180] =	vst v0;
	v0 =	vmin.f32 v6, $1.000000000e+00;
	v6 =	vld [tilespmem:s10+$0x14190]  }
0x1de: {  	[tilespmem:s7+$0x14200] =	vst v0;
	v0 =	vmin.f32 v4, $1.000000000e+00;
	v4 =	vld [tilespmem:s10+$0x14210]  }
0x1df: {  	s0 =	sor.u32 $0x380, s0;
	[tilespmem:s15+$0x14000] =	vst v0;
	v0 =	vmin.f32 v2, $1.000000000e+00;
	v2 =	vld [tilespmem:s10+$0x14290]  }
0x1e0: {  	s19 =	simm.s32 $0x1;
	[tilespmem:s10+$0x14010] =	vst v0;
	v0 =	vld [tilespmem:s0+$0x14000];
	v3 =	vmin.f32 v3, $1.000000000e+00  }
0x1e1: {  	s14 =	sand.u32 $0x3, s19;
	[tilespmem:s10+$0x14090] =	vst v3;
	v3 =	vld [tilespmem:s10+$0x14000];
	v1 =	vmin.f32 v1, $1.000000000e+00  }
0x1e2: {  	s14 =	sshll.u32 s14, $0x5;
	[tilespmem:s10+$0x14110] =	vst v1;
	v1 =	vld [tilespmem:s10+$0x14080];
	v6 =	vmin.f32 v6, $1.000000000e+00  }
0x1e3: {  	s18 =	sadd.s32 $0x100, s14;
	[tilespmem:s10+$0x14190] =	vst v6;
	v6 =	vld [tilespmem:s10+$0x14100];
	v4 =	vmin.f32 v4, $1.000000000e+00  }
0x1e4: {  	s20 =	sadd.s32 $0x10, s18;
	[tilespmem:s10+$0x14210] =	vst v4;
	v4 =	vld [tilespmem:s10+$0x14180];
	v2 =	vmin.f32 v2, $1.000000000e+00  }
0x1e5: {  	s19 =	sor.u32 $0x300, s20;
	[tilespmem:s10+$0x14290] =	vst v2;
	v2 =	vld [tilespmem:s10+$0x14200];
	v0 =	vmin.f32 v0, $1.000000000e+00  }
0x1e6: {  	s16 =	simm.s32 $0x200;
	s14 =	simm.s32 $0x40;
	v5 =	vld [tilespmem:s19+$0x14000];
	[tilespmem:s0+$0x14000] =	vst v0;
	v0 =	vmin.f32 v3, $1.000000000e+00  }
0x1e7: {  	s11 =	sand.u32 $0x3C00, s16;
	s21 =	sor.u32 $0x300, s2;
	s22 =	sand.u32 $0x60, s14;
	v3 =	vld [tilespmem:s10+$0x14280];
	[tilespmem:s10+$0x14000] =	vst v0;
	v0 =	vmin.f32 v1, $1.000000000e+00  }
0x1e8: {  	s15 =	sor.u32 s22, s11;
	v1 =	vld [tilespmem:s21+$0x14000];
	[tilespmem:s10+$0x14080] =	vst v0;
	v0 =	vmin.f32 v6, $1.000000000e+00  }
0x1e9: {  	v6 =	vld [tilespmem:s15+$0x14010];
	[tilespmem:s10+$0x14100] =	vst v0;
	v0 =	vmin.f32 v4, $1.000000000e+00  }
0x1ea: {  	v4 =	vld [tilespmem:s15+$0x14090];
	[tilespmem:s10+$0x14180] =	vst v0;
	v2 =	vmin.f32 v2, $1.000000000e+00  }
0x1eb: {  	v0 =	vld [tilespmem:s15+$0x14110];
	v5 =	vmin.f32 v5, $1.000000000e+00;
	[tilespmem:s10+$0x14200] =	vst v2  }
0x1ec: {  	v2 =	vmin.f32 v3, $1.000000000e+00;
	[tilespmem:s19+$0x14000] =	vst v5;
	v5 =	vld [tilespmem:s15+$0x14190];
	s19 =	sor.u32 $0x380, s20  }
0x1ed: {  	[tilespmem:s10+$0x14280] =	vst v2;
	v1 =	vmin.f32 v1, $1.000000000e+00;
	v3 =	vld [tilespmem:s19+$0x14000]  }
0x1ee: {  	v2 =	vmin.f32 v6, $1.000000000e+00;
	v6 =	vld [tilespmem:s15+$0x14210];
	[tilespmem:s21+$0x14000] =	vst v1  }
0x1ef: {  	[tilespmem:s15+$0x14010] =	vst v2;
	v1 =	vmin.f32 v4, $1.000000000e+00;
	v4 =	vld [tilespmem:s15+$0x14290]  }
0x1f0: {  	v7 =	vld [tilespmem:s15+$0x14000];
	s20 =	simm.s32 $0x2;
	[tilespmem:s15+$0x14090] =	vst v1;
	v1 =	vmin.f32 v0, $1.000000000e+00  }
0x1f1: {  	s21 =	sand.u32 $0x3, s20;
	v0 =	vld [tilespmem:s15+$0x14080];
	[tilespmem:s15+$0x14110] =	vst v1;
	v2 =	vmin.f32 v5, $1.000000000e+00  }
0x1f2: {  	s7 =	sshll.u32 s21, $0x5;
	v1 =	vld [tilespmem:s15+$0x14100];
	[tilespmem:s15+$0x14190] =	vst v2;
	v3 =	vmin.f32 v3, $1.000000000e+00  }
0x1f3: {  	s17 =	sor.u32 $0x380, s2;
	s22 =	sadd.s32 $0x200, s7;
	v2 =	vld [tilespmem:s15+$0x14180];
	v5 =	vmin.f32 v6, $1.000000000e+00;
	[tilespmem:s19+$0x14000] =	vst v3  }
0x1f4: {  	s10 =	sadd.s32 $0x10, s22;
	s7 =	sor.u32 $0x300, s22;
	s2 =	sor.u32 $0x380, s22;
	v3 =	vld [tilespmem:s15+$0x14200];
	[tilespmem:s15+$0x14210] =	vst v5;
	v6 =	vmin.f32 v4, $1.000000000e+00  }
0x1f5: {  	s21 =	sor.u32 $0x300, s10;
	s19 =	sor.u32 $0x300, s18;
	s18 =	sor.u32 $0x380, s18;
	v5 =	vmin.f32 v7, $1.000000000e+00;
	v4 =	vld [tilespmem:s15+$0x14280];
	[tilespmem:s15+$0x14290] =	vst v6  }
.LBB2_13:
0x1f6: {  	s14 =	sadd.s32 $0x20, s14;
	[tilespmem:s15+$0x14000] =	vst v5;
	v0 =	vmin.f32 v0, $1.000000000e+00;
	v5 =	vld [tilespmem:s21+$0x14000];
	s16 =	sadd.s32 $0x100, s16  }
0x1f7: {  	s0 =	sand.u32 $0x60, s14;
	s11 =	sand.u32 $0x3C00, s16;
	[tilespmem:s15+$0x14080] =	vst v0;
	v0 =	vmin.f32 v1, $1.000000000e+00;
	v1 =	vld [tilespmem:s19+$0x14000]  }
0x1f8: {  	s0 =	sor.u32 s0, s11;
	[tilespmem:s15+$0x14100] =	vst v0;
	v0 =	vmin.f32 v2, $1.000000000e+00;
	v2 =	vld [tilespmem:s17+$0x14000]  }
0x1f9: {  	v6 =	vld [tilespmem:s0+$0x14010];
	[tilespmem:s15+$0x14180] =	vst v0;
	v0 =	vmin.f32 v3, $1.000000000e+00  }
0x1fa: {  	v3 =	vld [tilespmem:s0+$0x14090];
	[tilespmem:s15+$0x14200] =	vst v0;
	v0 =	vmin.f32 v4, $1.000000000e+00  }
0x1fb: {  	v4 =	vld [tilespmem:s0+$0x14110];
	[tilespmem:s15+$0x14280] =	vst v0;
	v0 =	vmin.f32 v5, $1.000000000e+00;
	s15 =	smov.u32 s0  }
0x1fc: {  	p0 =	slt.u32 s14, $0x7E0;
	s0 =	sor.u32 $0x380, s10;
	v5 =	vld [tilespmem:s15+$0x14190];
	[tilespmem:s21+$0x14000] =	vst v0;
	v0 =	vmin.f32 v1, $1.000000000e+00  }
0x1fd: {  	v7 =	vld [tilespmem:s0+$0x14000];
	[tilespmem:s19+$0x14000] =	vst v0;
	v0 =	vmin.f32 v2, $1.000000000e+00;
	s19 =	smov.u32 s7  }
0x1fe: {  	v1 =	vmin.f32 v6, $1.000000000e+00;
	v6 =	vld [tilespmem:s15+$0x14210];
	[tilespmem:s17+$0x14000] =	vst v0;
	s17 =	smov.u32 s18;
	s18 =	smov.u32 s2  }
0x1ff: {  	[tilespmem:s15+$0x14010] =	vst v1;
	v0 =	vmin.f32 v3, $1.000000000e+00;
	v8 =	vld [tilespmem:s15+$0x14290]  }
0x200: {  	s20 =	sadd.s32 $0x1, s20;
	v9 =	vld [tilespmem:s15+$0x14000];
	[tilespmem:s15+$0x14090] =	vst v0;
	v1 =	vmin.f32 v4, $1.000000000e+00  }
.Ltmp5:
0x201: {  	s2 =	sand.u32 $0x3, s20;
	v0 =	vld [tilespmem:s15+$0x14080];
	[tilespmem:s15+$0x14110] =	vst v1;
	v2 =	vmin.f32 v5, $1.000000000e+00;
	(pc) =	sbr.rel @p0 .LBB2_13-.Ltmp5, $4  }
0x202: {  	s2 =	sshll.u32 s2, $0x5;
	v1 =	vld [tilespmem:s15+$0x14100];
	[tilespmem:s15+$0x14190] =	vst v2;
	v3 =	vmin.f32 v7, $1.000000000e+00  }
0x203: {  	s10 =	sadd.s32 s2, s16;
	v2 =	vld [tilespmem:s15+$0x14180];
	v4 =	vmin.f32 v6, $1.000000000e+00;
	[tilespmem:s0+$0x14000] =	vst v3  }
0x204: {  	s7 =	sor.u32 $0x300, s10;
	s2 =	sor.u32 $0x380, s10;
	s10 =	sadd.s32 $0x10, s10;
	v3 =	vld [tilespmem:s15+$0x14200];
	[tilespmem:s15+$0x14210] =	vst v4;
	v6 =	vmin.f32 v8, $1.000000000e+00  }
0x205: {  	s21 =	sor.u32 $0x300, s10;
	v5 =	vmin.f32 v9, $1.000000000e+00;
	v4 =	vld [tilespmem:s15+$0x14280];
	[tilespmem:s15+$0x14290] =	vst v6  }
0x206: {  	[tilespmem:s15+$0x14000] =	vst v5;
	v0 =	vmin.f32 v0, $1.000000000e+00  }
0x207: {  	[tilespmem:s15+$0x14080] =	vst v0;
	v0 =	vmin.f32 v1, $1.000000000e+00  }
0x208: {  	v1 =	vld [tilespmem:s21+$0x14000];
	[tilespmem:s15+$0x14100] =	vst v0;
	v0 =	vmin.f32 v2, $1.000000000e+00  }
0x209: {  	[tilespmem:s15+$0x14180] =	vst v0;
	v0 =	vmin.f32 v3, $1.000000000e+00  }
0x20a: {  	v2 =	vld [tilespmem:s19+$0x14000];
	[tilespmem:s15+$0x14200] =	vst v0;
	v0 =	vmin.f32 v4, $1.000000000e+00  }
0x20b: {  	[tilespmem:s15+$0x14280] =	vst v0  }
0x20c: {  	v0 =	vld [tilespmem:s7+$0x14000]  }
0x20d: {  	v1 =	vmin.f32 v1, $1.000000000e+00  }
0x20e: {  	s0 =	sor.u32 $0x380, s10;
	v3 =	vld [tilespmem:s17+$0x14000];
	[tilespmem:s21+$0x14000] =	vst v1  }
0x20f: {  	v1 =	vmin.f32 v2, $1.000000000e+00;
	v2 =	vld [tilespmem:s0+$0x14000];
	_ =	sdelay $0x1  }
0x210: {  	[tilespmem:s19+$0x14000] =	vst v1;
	v0 =	vmin.f32 v0, $1.000000000e+00  }
0x211: {  	v1 =	vld [tilespmem:s18+$0x14000];
	[tilespmem:s7+$0x14000] =	vst v0  }
0x212: {  	v3 =	vmin.f32 v3, $1.000000000e+00;
	v0 =	vld [tilespmem:s2+$0x14000]  }
0x213: {  	[tilespmem:s17+$0x14000] =	vst v3;
	v2 =	vmin.f32 v2, $1.000000000e+00  }
0x214: {  	[tilespmem:s0+$0x14000] =	vst v2  }
0x215: {  	s0 =	rddreg [dreg:$0xd]  }
0x216: {  	v1 =	vmin.f32 v1, $1.000000000e+00;
	s0 =	sadd.s32 s4, s0  }
0x217: {  	[tilespmem:s18+$0x14000] =	vst v1;
	s0 =	sshll.u32 s0, $0x8;
	v0 =	vmin.f32 v0, $1.000000000e+00  }
0x218: {  	s22 =	simm.s32 $0x10000;
	s21 =	simm.s32 $0x0;
	s0 =	sadd.s32 s3, s0;
	[tilespmem:s2+$0x14000] =	vst v0  }
0x219: {  	[hbm4b:s0+s21] =	stream.linear.scatter [tilespmem:s22], [sflag:$0xB], $0x4000, $0x38;
	[tilespmem:$0x18000] =	vst v63  }
0x21a: {  	_ =	swait.ge [sflag:s28], $0x4000  }
0x21b: {  	s2 =	rddreg [dreg:$0xe]  }
0x21c: {  	s0 =	sadd.s32 s4, s2  }
0x21d: {  	[sflag:s28] =	ssyncset.done $0x0;
	s14 =	sshll.u32 s0, $0x8  }
0x21e: {  	s10 =	simm.s32 $0x8000;
	[sflag:s28] =	ssyncadd.s32 $0xFFFFC000;
	s0 =	sadd.s32 s1, s14  }
0x21f: {  	[tilespmem:s10], [sflag:$0x3] =	stream.linear.gather [hbm4b:s0+s21], $0x4000, $0x38;
	[tilespmem:$0x18000] =	vst v63  }
0x220: {  	s11 =	simm.s32 $0x0;
	_ =	swait.ge [sflag:s6], $0x4000  }
0x221: {  	s15 =	sand.u32 $0x3C00, s21;
	s0 =	sand.u32 $0x60, s11;
	[sflag:s6] =	ssyncset.done $0x0  }
0x222: {  	s2 =	sor.u32 s0, s15;
	[sflag:s6] =	ssyncadd.s32 $0xFFFFC000  }
0x223: {  	v0 =	vld [tilespmem:s2+$0x10]  }
0x224: {  	v1 =	vld [tilespmem:s2+$0x90]  }
0x225: {  	v4 =	vld [tilespmem:s2+$0x210]  }
0x226: {  	v5 =	vld [tilespmem:s2+$0x290]  }
0x227: {  	v2 =	vld [tilespmem:s2+$0x110]  }
0x228: {  	v3 =	vld [tilespmem:s2+$0x190]  }
0x229: {  	v0 =	vmin.f32 v0, $1.000000000e+00  }
0x22a: {  	v4 =	vmin.f32 v4, $1.000000000e+00;
	[tilespmem:s2+$0x10] =	vst v0;
	v0 =	vmin.f32 v1, $1.000000000e+00;
	v1 =	vld [tilespmem:s2+$0x0]  }
0x22b: {  	s16 =	sand.u32 $0x3, s21;
	[tilespmem:s2+$0x210] =	vst v4;
	v4 =	vmin.f32 v5, $1.000000000e+00;
	v5 =	vld [tilespmem:s2+$0x280]  }
0x22c: {  	s0 =	sshll.u32 s16, $0x5;
	[tilespmem:s2+$0x90] =	vst v0;
	v0 =	vmin.f32 v2, $1.000000000e+00;
	v2 =	vld [tilespmem:s2+$0x80]  }
0x22d: {  	s18 =	sadd.s32 $0x0, s0;
	[tilespmem:s2+$0x110] =	vst v0;
	v0 =	vmin.f32 v3, $1.000000000e+00;
	v3 =	vld [tilespmem:s2+$0x100]  }
0x22e: {  	s19 =	simm.s32 $0x100;
	s17 =	simm.s32 $0x20;
	s0 =	sadd.s32 $0x10, s18;
	[tilespmem:s2+$0x190] =	vst v0;
	v0 =	vld [tilespmem:s2+$0x180]  }
0x22f: {  	s7 =	sand.u32 $0x60, s17;
	s10 =	sand.u32 $0x3C00, s19;
	v6 =	vld [tilespmem:s2+$0x200];
	s11 =	sor.u32 $0x300, s0;
	[tilespmem:s2+$0x290] =	vst v4;
	v1 =	vmin.f32 v1, $1.000000000e+00  }
0x230: {  	s7 =	sor.u32 s7, s10;
	v4 =	vld [tilespmem:s11+$0x0];
	v5 =	vmin.f32 v5, $1.000000000e+00;
	[tilespmem:s2+$0x0] =	vst v1  }
0x231: {  	v1 =	vmin.f32 v2, $1.000000000e+00;
	v2 =	vld [tilespmem:s7+$0x10];
	[tilespmem:s2+$0x280] =	vst v5  }
0x232: {  	[tilespmem:s2+$0x80] =	vst v1;
	v1 =	vmin.f32 v3, $1.000000000e+00;
	v3 =	vld [tilespmem:s7+$0x90]  }
0x233: {  	[tilespmem:s2+$0x100] =	vst v1;
	v0 =	vmin.f32 v0, $1.000000000e+00;
	v1 =	vld [tilespmem:s7+$0x110]  }
0x234: {  	[tilespmem:s2+$0x180] =	vst v0;
	v0 =	vmin.f32 v6, $1.000000000e+00;
	v6 =	vld [tilespmem:s7+$0x190]  }
0x235: {  	[tilespmem:s2+$0x200] =	vst v0;
	v0 =	vmin.f32 v4, $1.000000000e+00;
	v4 =	vld [tilespmem:s7+$0x210]  }
0x236: {  	s0 =	sor.u32 $0x380, s0;
	[tilespmem:s11+$0x0] =	vst v0;
	v0 =	vmin.f32 v2, $1.000000000e+00;
	v2 =	vld [tilespmem:s7+$0x290]  }
0x237: {  	s20 =	simm.s32 $0x1;
	[tilespmem:s7+$0x10] =	vst v0;
	v0 =	vld [tilespmem:s0+$0x0];
	v3 =	vmin.f32 v3, $1.000000000e+00  }
0x238: {  	s10 =	sand.u32 $0x3, s20;
	[tilespmem:s7+$0x90] =	vst v3;
	v3 =	vld [tilespmem:s7+$0x0];
	v1 =	vmin.f32 v1, $1.000000000e+00  }
0x239: {  	s10 =	sshll.u32 s10, $0x5;
	[tilespmem:s7+$0x110] =	vst v1;
	v1 =	vld [tilespmem:s7+$0x80];
	v6 =	vmin.f32 v6, $1.000000000e+00  }
0x23a: {  	s10 =	sadd.s32 $0x100, s10;
	[tilespmem:s7+$0x190] =	vst v6;
	v6 =	vld [tilespmem:s7+$0x100];
	v4 =	vmin.f32 v4, $1.000000000e+00  }
0x23b: {  	s11 =	sadd.s32 $0x10, s10;
	[tilespmem:s7+$0x210] =	vst v4;
	v4 =	vld [tilespmem:s7+$0x180];
	v2 =	vmin.f32 v2, $1.000000000e+00  }
0x23c: {  	s21 =	sor.u32 $0x300, s11;
	[tilespmem:s7+$0x290] =	vst v2;
	v2 =	vld [tilespmem:s7+$0x200];
	v0 =	vmin.f32 v0, $1.000000000e+00  }
0x23d: {  	s17 =	simm.s32 $0x200;
	s15 =	simm.s32 $0x40;
	v5 =	vld [tilespmem:s21+$0x0];
	[tilespmem:s0+$0x0] =	vst v0;
	v0 =	vmin.f32 v3, $1.000000000e+00  }
0x23e: {  	s16 =	sand.u32 $0x3C00, s17;
	s20 =	sand.u32 $0x60, s15;
	s22 =	sor.u32 $0x300, s18;
	v3 =	vld [tilespmem:s7+$0x280];
	[tilespmem:s7+$0x0] =	vst v0;
	v0 =	vmin.f32 v1, $1.000000000e+00  }
0x23f: {  	s16 =	sor.u32 s20, s16;
	v1 =	vld [tilespmem:s22+$0x0];
	[tilespmem:s7+$0x80] =	vst v0;
	v0 =	vmin.f32 v6, $1.000000000e+00  }
0x240: {  	v6 =	vld [tilespmem:s16+$0x10];
	[tilespmem:s7+$0x100] =	vst v0;
	v0 =	vmin.f32 v4, $1.000000000e+00  }
0x241: {  	v4 =	vld [tilespmem:s16+$0x90];
	[tilespmem:s7+$0x180] =	vst v0;
	v2 =	vmin.f32 v2, $1.000000000e+00  }
0x242: {  	v0 =	vld [tilespmem:s16+$0x110];
	v5 =	vmin.f32 v5, $1.000000000e+00;
	[tilespmem:s7+$0x200] =	vst v2  }
0x243: {  	v2 =	vmin.f32 v3, $1.000000000e+00;
	[tilespmem:s21+$0x0] =	vst v5;
	v5 =	vld [tilespmem:s16+$0x190];
	s21 =	sor.u32 $0x380, s11  }
0x244: {  	[tilespmem:s7+$0x280] =	vst v2;
	v1 =	vmin.f32 v1, $1.000000000e+00;
	v3 =	vld [tilespmem:s21+$0x0]  }
0x245: {  	v2 =	vmin.f32 v6, $1.000000000e+00;
	v6 =	vld [tilespmem:s16+$0x210];
	[tilespmem:s22+$0x0] =	vst v1  }
0x246: {  	[tilespmem:s16+$0x10] =	vst v2;
	v1 =	vmin.f32 v4, $1.000000000e+00;
	v4 =	vld [tilespmem:s16+$0x290]  }
0x247: {  	v7 =	vld [tilespmem:s16+$0x0];
	s2 =	simm.s32 $0x2;
	[tilespmem:s16+$0x90] =	vst v1;
	v1 =	vmin.f32 v0, $1.000000000e+00  }
0x248: {  	s22 =	sand.u32 $0x3, s2;
	v0 =	vld [tilespmem:s16+$0x80];
	[tilespmem:s16+$0x110] =	vst v1;
	v2 =	vmin.f32 v5, $1.000000000e+00  }
0x249: {  	s7 =	sshll.u32 s22, $0x5;
	v1 =	vld [tilespmem:s16+$0x100];
	[tilespmem:s16+$0x190] =	vst v2;
	v3 =	vmin.f32 v3, $1.000000000e+00  }
0x24a: {  	s18 =	sor.u32 $0x380, s18;
	s7 =	sadd.s32 $0x200, s7;
	v2 =	vld [tilespmem:s16+$0x180];
	v5 =	vmin.f32 v6, $1.000000000e+00;
	[tilespmem:s21+$0x0] =	vst v3  }
0x24b: {  	s20 =	sor.u32 $0x300, s10;
	s19 =	sor.u32 $0x380, s10;
	v3 =	vld [tilespmem:s16+$0x200];
	[tilespmem:s16+$0x210] =	vst v5;
	v6 =	vmin.f32 v4, $1.000000000e+00;
	s21 =	sadd.s32 $0x10, s7  }
0x24c: {  	s10 =	sor.u32 $0x300, s7;
	s7 =	sor.u32 $0x380, s7;
	v5 =	vmin.f32 v7, $1.000000000e+00;
	v4 =	vld [tilespmem:s16+$0x280];
	[tilespmem:s16+$0x290] =	vst v6;
	s0 =	sor.u32 $0x300, s21  }
.LBB2_15:
0x24d: {  	s15 =	sadd.s32 $0x20, s15;
	[tilespmem:s16+$0x0] =	vst v5;
	v0 =	vmin.f32 v0, $1.000000000e+00;
	v5 =	vld [tilespmem:s0+$0x0];
	s17 =	sadd.s32 $0x100, s17  }
0x24e: {  	s11 =	sand.u32 $0x60, s15;
	s22 =	sand.u32 $0x3C00, s17;
	[tilespmem:s16+$0x80] =	vst v0;
	v0 =	vmin.f32 v1, $1.000000000e+00;
	v1 =	vld [tilespmem:s20+$0x0]  }
0x24f: {  	s11 =	sor.u32 s11, s22;
	[tilespmem:s16+$0x100] =	vst v0;
	v0 =	vmin.f32 v2, $1.000000000e+00;
	v2 =	vld [tilespmem:s18+$0x0]  }
0x250: {  	v6 =	vld [tilespmem:s11+$0x10];
	[tilespmem:s16+$0x180] =	vst v0;
	v0 =	vmin.f32 v3, $1.000000000e+00  }
0x251: {  	v3 =	vld [tilespmem:s11+$0x90];
	[tilespmem:s16+$0x200] =	vst v0;
	v0 =	vmin.f32 v4, $1.000000000e+00  }
0x252: {  	v4 =	vld [tilespmem:s11+$0x110];
	[tilespmem:s16+$0x280] =	vst v0;
	v0 =	vmin.f32 v5, $1.000000000e+00;
	s16 =	smov.u32 s11  }
0x253: {  	p0 =	slt.u32 s15, $0x7E0;
	v5 =	vld [tilespmem:s16+$0x190];
	[tilespmem:s0+$0x0] =	vst v0;
	s0 =	sor.u32 $0x380, s21;
	v0 =	vmin.f32 v1, $1.000000000e+00  }
0x254: {  	v7 =	vld [tilespmem:s0+$0x0];
	[tilespmem:s20+$0x0] =	vst v0;
	v0 =	vmin.f32 v2, $1.000000000e+00;
	s20 =	smov.u32 s10  }
0x255: {  	v1 =	vmin.f32 v6, $1.000000000e+00;
	v6 =	vld [tilespmem:s16+$0x210];
	[tilespmem:s18+$0x0] =	vst v0;
	s18 =	smov.u32 s19;
	s19 =	smov.u32 s7  }
0x256: {  	[tilespmem:s16+$0x10] =	vst v1;
	v0 =	vmin.f32 v3, $1.000000000e+00;
	v8 =	vld [tilespmem:s16+$0x290]  }
0x257: {  	s2 =	sadd.s32 $0x1, s2;
	v9 =	vld [tilespmem:s16+$0x0];
	[tilespmem:s16+$0x90] =	vst v0;
	v1 =	vmin.f32 v4, $1.000000000e+00  }
.Ltmp6:
0x258: {  	s7 =	sand.u32 $0x3, s2;
	v0 =	vld [tilespmem:s16+$0x80];
	[tilespmem:s16+$0x110] =	vst v1;
	v2 =	vmin.f32 v5, $1.000000000e+00;
	(pc) =	sbr.rel @p0 .LBB2_15-.Ltmp6, $4  }
0x259: {  	s7 =	sshll.u32 s7, $0x5;
	v1 =	vld [tilespmem:s16+$0x100];
	[tilespmem:s16+$0x190] =	vst v2;
	v3 =	vmin.f32 v7, $1.000000000e+00  }
0x25a: {  	s11 =	sadd.s32 s7, s17;
	v2 =	vld [tilespmem:s16+$0x180];
	v4 =	vmin.f32 v6, $1.000000000e+00;
	[tilespmem:s0+$0x0] =	vst v3  }
0x25b: {  	s10 =	sor.u32 $0x300, s11;
	s7 =	sor.u32 $0x380, s11;
	s21 =	sadd.s32 $0x10, s11;
	v3 =	vld [tilespmem:s16+$0x200];
	[tilespmem:s16+$0x210] =	vst v4;
	v6 =	vmin.f32 v8, $1.000000000e+00  }
0x25c: {  	s0 =	sor.u32 $0x300, s21;
	v5 =	vmin.f32 v9, $1.000000000e+00;
	v4 =	vld [tilespmem:s16+$0x280];
	[tilespmem:s16+$0x290] =	vst v6  }
0x25d: {  	[tilespmem:s16+$0x0] =	vst v5;
	v0 =	vmin.f32 v0, $1.000000000e+00  }
0x25e: {  	[tilespmem:s16+$0x80] =	vst v0;
	v0 =	vmin.f32 v1, $1.000000000e+00  }
0x25f: {  	v1 =	vld [tilespmem:s0+$0x0];
	[tilespmem:s16+$0x100] =	vst v0;
	v0 =	vmin.f32 v2, $1.000000000e+00  }
0x260: {  	[tilespmem:s16+$0x180] =	vst v0;
	v0 =	vmin.f32 v3, $1.000000000e+00  }
0x261: {  	v2 =	vld [tilespmem:s20+$0x0];
	[tilespmem:s16+$0x200] =	vst v0;
	v0 =	vmin.f32 v4, $1.000000000e+00  }
0x262: {  	[tilespmem:s16+$0x280] =	vst v0  }
0x263: {  	v0 =	vld [tilespmem:s10+$0x0]  }
0x264: {  	v1 =	vmin.f32 v1, $1.000000000e+00  }
0x265: {  	s21 =	sor.u32 $0x380, s21;
	v3 =	vld [tilespmem:s18+$0x0];
	[tilespmem:s0+$0x0] =	vst v1  }
0x266: {  	v1 =	vmin.f32 v2, $1.000000000e+00;
	v2 =	vld [tilespmem:s21+$0x0];
	_ =	sdelay $0x1  }
0x267: {  	[tilespmem:s20+$0x0] =	vst v1;
	v0 =	vmin.f32 v0, $1.000000000e+00  }
0x268: {  	v1 =	vld [tilespmem:s19+$0x0];
	[tilespmem:s10+$0x0] =	vst v0  }
0x269: {  	v3 =	vmin.f32 v3, $1.000000000e+00;
	v0 =	vld [tilespmem:s7+$0x0]  }
0x26a: {  	[tilespmem:s18+$0x0] =	vst v3;
	v2 =	vmin.f32 v2, $1.000000000e+00  }
0x26b: {  	[tilespmem:s21+$0x0] =	vst v2  }
0x26c: {  	s0 =	rddreg [dreg:$0xf]  }
0x26d: {  	v1 =	vmin.f32 v1, $1.000000000e+00;
	s0 =	sadd.s32 s4, s0  }
0x26e: {  	[tilespmem:s19+$0x0] =	vst v1;
	s0 =	sshll.u32 s0, $0x8;
	v0 =	vmin.f32 v0, $1.000000000e+00  }
0x26f: {  	s22 =	simm.s32 $0x0;
	s2 =	simm.s32 $0x14000;
	s0 =	sadd.s32 s3, s0;
	[tilespmem:s7+$0x0] =	vst v0  }
0x270: {  	[hbm4b:s0+s22] =	stream.linear.scatter [tilespmem:s2], [sflag:$0xC], $0x4000, $0x38;
	[tilespmem:$0x18000] =	vst v63  }
0x271: {  	_ =	swait.ge [sflag:s29], $0x4000  }
0x272: {  	s2 =	rddreg [dreg:$0x10]  }
0x273: {  	s0 =	sadd.s32 s4, s2  }
0x274: {  	[sflag:s29] =	ssyncset.done $0x0;
	s0 =	sshll.u32 s0, $0x8  }
0x275: {  	s10 =	simm.s32 $0xC000;
	[sflag:s29] =	ssyncadd.s32 $0xFFFFC000;
	s0 =	sadd.s32 s1, s0  }
0x276: {  	[tilespmem:s10], [sflag:$0x4] =	stream.linear.gather [hbm4b:s0+s22], $0x4000, $0x38;
	[tilespmem:$0x18000] =	vst v63  }
0x277: {  	s11 =	simm.s32 $0x0;
	_ =	swait.ge [sflag:s8], $0x4000  }
0x278: {  	s15 =	sand.u32 $0x3C00, s22;
	s0 =	sand.u32 $0x60, s11;
	[sflag:s8] =	ssyncset.done $0x0  }
0x279: {  	s2 =	sor.u32 s0, s15;
	[sflag:s8] =	ssyncadd.s32 $0xFFFFC000  }
0x27a: {  	v0 =	vld [tilespmem:s2+$0x4010]  }
0x27b: {  	v1 =	vld [tilespmem:s2+$0x4090]  }
0x27c: {  	v4 =	vld [tilespmem:s2+$0x4210]  }
0x27d: {  	v5 =	vld [tilespmem:s2+$0x4290]  }
0x27e: {  	v2 =	vld [tilespmem:s2+$0x4110]  }
0x27f: {  	v3 =	vld [tilespmem:s2+$0x4190]  }
0x280: {  	v0 =	vmin.f32 v0, $1.000000000e+00  }
0x281: {  	v4 =	vmin.f32 v4, $1.000000000e+00;
	[tilespmem:s2+$0x4010] =	vst v0;
	v0 =	vmin.f32 v1, $1.000000000e+00;
	v1 =	vld [tilespmem:s2+$0x4000]  }
0x282: {  	s16 =	sand.u32 $0x3, s22;
	[tilespmem:s2+$0x4210] =	vst v4;
	v4 =	vmin.f32 v5, $1.000000000e+00;
	v5 =	vld [tilespmem:s2+$0x4280]  }
0x283: {  	s0 =	sshll.u32 s16, $0x5;
	[tilespmem:s2+$0x4090] =	vst v0;
	v0 =	vmin.f32 v2, $1.000000000e+00;
	v2 =	vld [tilespmem:s2+$0x4080]  }
0x284: {  	s18 =	sadd.s32 $0x0, s0;
	[tilespmem:s2+$0x4110] =	vst v0;
	v0 =	vmin.f32 v3, $1.000000000e+00;
	v3 =	vld [tilespmem:s2+$0x4100]  }
0x285: {  	s17 =	simm.s32 $0x20;
	s19 =	simm.s32 $0x100;
	s0 =	sadd.s32 $0x10, s18;
	[tilespmem:s2+$0x4190] =	vst v0;
	v0 =	vld [tilespmem:s2+$0x4180]  }
0x286: {  	s7 =	sand.u32 $0x60, s17;
	s10 =	sand.u32 $0x3C00, s19;
	v6 =	vld [tilespmem:s2+$0x4200];
	s11 =	sor.u32 $0x300, s0;
	[tilespmem:s2+$0x4290] =	vst v4;
	v1 =	vmin.f32 v1, $1.000000000e+00  }
0x287: {  	s7 =	sor.u32 s7, s10;
	v4 =	vld [tilespmem:s11+$0x4000];
	v5 =	vmin.f32 v5, $1.000000000e+00;
	[tilespmem:s2+$0x4000] =	vst v1  }
0x288: {  	v1 =	vmin.f32 v2, $1.000000000e+00;
	v2 =	vld [tilespmem:s7+$0x4010];
	[tilespmem:s2+$0x4280] =	vst v5  }
0x289: {  	[tilespmem:s2+$0x4080] =	vst v1;
	v1 =	vmin.f32 v3, $1.000000000e+00;
	v3 =	vld [tilespmem:s7+$0x4090]  }
0x28a: {  	[tilespmem:s2+$0x4100] =	vst v1;
	v0 =	vmin.f32 v0, $1.000000000e+00;
	v1 =	vld [tilespmem:s7+$0x4110]  }
0x28b: {  	[tilespmem:s2+$0x4180] =	vst v0;
	v0 =	vmin.f32 v6, $1.000000000e+00;
	v6 =	vld [tilespmem:s7+$0x4190]  }
0x28c: {  	[tilespmem:s2+$0x4200] =	vst v0;
	v0 =	vmin.f32 v4, $1.000000000e+00;
	v4 =	vld [tilespmem:s7+$0x4210]  }
0x28d: {  	s0 =	sor.u32 $0x380, s0;
	[tilespmem:s11+$0x4000] =	vst v0;
	v0 =	vmin.f32 v2, $1.000000000e+00;
	v2 =	vld [tilespmem:s7+$0x4290]  }
0x28e: {  	s20 =	simm.s32 $0x1;
	[tilespmem:s7+$0x4010] =	vst v0;
	v0 =	vld [tilespmem:s0+$0x4000];
	v3 =	vmin.f32 v3, $1.000000000e+00  }
0x28f: {  	s10 =	sand.u32 $0x3, s20;
	[tilespmem:s7+$0x4090] =	vst v3;
	v3 =	vld [tilespmem:s7+$0x4000];
	v1 =	vmin.f32 v1, $1.000000000e+00  }
0x290: {  	s10 =	sshll.u32 s10, $0x5;
	[tilespmem:s7+$0x4110] =	vst v1;
	v1 =	vld [tilespmem:s7+$0x4080];
	v6 =	vmin.f32 v6, $1.000000000e+00  }
0x291: {  	s10 =	sadd.s32 $0x100, s10;
	[tilespmem:s7+$0x4190] =	vst v6;
	v6 =	vld [tilespmem:s7+$0x4100];
	v4 =	vmin.f32 v4, $1.000000000e+00  }
0x292: {  	s11 =	sadd.s32 $0x10, s10;
	[tilespmem:s7+$0x4210] =	vst v4;
	v4 =	vld [tilespmem:s7+$0x4180];
	v2 =	vmin.f32 v2, $1.000000000e+00  }
0x293: {  	s21 =	sor.u32 $0x300, s11;
	[tilespmem:s7+$0x4290] =	vst v2;
	v2 =	vld [tilespmem:s7+$0x4200];
	v0 =	vmin.f32 v0, $1.000000000e+00  }
0x294: {  	s17 =	simm.s32 $0x200;
	s15 =	simm.s32 $0x40;
	v5 =	vld [tilespmem:s21+$0x4000];
	[tilespmem:s0+$0x4000] =	vst v0;
	v0 =	vmin.f32 v3, $1.000000000e+00  }
0x295: {  	s20 =	sand.u32 $0x3C00, s17;
	s16 =	sand.u32 $0x60, s15;
	s22 =	sor.u32 $0x300, s18;
	v3 =	vld [tilespmem:s7+$0x4280];
	[tilespmem:s7+$0x4000] =	vst v0;
	v0 =	vmin.f32 v1, $1.000000000e+00  }
0x296: {  	s16 =	sor.u32 s16, s20;
	v1 =	vld [tilespmem:s22+$0x4000];
	[tilespmem:s7+$0x4080] =	vst v0;
	v0 =	vmin.f32 v6, $1.000000000e+00  }
0x297: {  	v6 =	vld [tilespmem:s16+$0x4010];
	[tilespmem:s7+$0x4100] =	vst v0;
	v0 =	vmin.f32 v4, $1.000000000e+00  }
0x298: {  	v4 =	vld [tilespmem:s16+$0x4090];
	[tilespmem:s7+$0x4180] =	vst v0;
	v2 =	vmin.f32 v2, $1.000000000e+00  }
0x299: {  	v0 =	vld [tilespmem:s16+$0x4110];
	v5 =	vmin.f32 v5, $1.000000000e+00;
	[tilespmem:s7+$0x4200] =	vst v2  }
0x29a: {  	v2 =	vmin.f32 v3, $1.000000000e+00;
	[tilespmem:s21+$0x4000] =	vst v5;
	v5 =	vld [tilespmem:s16+$0x4190];
	s21 =	sor.u32 $0x380, s11  }
0x29b: {  	[tilespmem:s7+$0x4280] =	vst v2;
	v1 =	vmin.f32 v1, $1.000000000e+00;
	v3 =	vld [tilespmem:s21+$0x4000]  }
0x29c: {  	v2 =	vmin.f32 v6, $1.000000000e+00;
	v6 =	vld [tilespmem:s16+$0x4210];
	[tilespmem:s22+$0x4000] =	vst v1  }
0x29d: {  	[tilespmem:s16+$0x4010] =	vst v2;
	v1 =	vmin.f32 v4, $1.000000000e+00;
	v4 =	vld [tilespmem:s16+$0x4290]  }
0x29e: {  	v7 =	vld [tilespmem:s16+$0x4000];
	s2 =	simm.s32 $0x2;
	[tilespmem:s16+$0x4090] =	vst v1;
	v1 =	vmin.f32 v0, $1.000000000e+00  }
0x29f: {  	s22 =	sand.u32 $0x3, s2;
	v0 =	vld [tilespmem:s16+$0x4080];
	[tilespmem:s16+$0x4110] =	vst v1;
	v2 =	vmin.f32 v5, $1.000000000e+00  }
0x2a0: {  	s7 =	sshll.u32 s22, $0x5;
	v1 =	vld [tilespmem:s16+$0x4100];
	[tilespmem:s16+$0x4190] =	vst v2;
	v3 =	vmin.f32 v3, $1.000000000e+00  }
0x2a1: {  	s18 =	sor.u32 $0x380, s18;
	s7 =	sadd.s32 $0x200, s7;
	v2 =	vld [tilespmem:s16+$0x4180];
	v5 =	vmin.f32 v6, $1.000000000e+00;
	[tilespmem:s21+$0x4000] =	vst v3  }
0x2a2: {  	s20 =	sor.u32 $0x300, s10;
	s19 =	sor.u32 $0x380, s10;
	v3 =	vld [tilespmem:s16+$0x4200];
	[tilespmem:s16+$0x4210] =	vst v5;
	v6 =	vmin.f32 v4, $1.000000000e+00;
	s21 =	sadd.s32 $0x10, s7  }
0x2a3: {  	s10 =	sor.u32 $0x300, s7;
	s7 =	sor.u32 $0x380, s7;
	v5 =	vmin.f32 v7, $1.000000000e+00;
	v4 =	vld [tilespmem:s16+$0x4280];
	[tilespmem:s16+$0x4290] =	vst v6;
	s0 =	sor.u32 $0x300, s21  }
.LBB2_17:
0x2a4: {  	s15 =	sadd.s32 $0x20, s15;
	[tilespmem:s16+$0x4000] =	vst v5;
	v0 =	vmin.f32 v0, $1.000000000e+00;
	v5 =	vld [tilespmem:s0+$0x4000];
	s17 =	sadd.s32 $0x100, s17  }
0x2a5: {  	s11 =	sand.u32 $0x60, s15;
	s22 =	sand.u32 $0x3C00, s17;
	[tilespmem:s16+$0x4080] =	vst v0;
	v0 =	vmin.f32 v1, $1.000000000e+00;
	v1 =	vld [tilespmem:s20+$0x4000]  }
0x2a6: {  	s11 =	sor.u32 s11, s22;
	[tilespmem:s16+$0x4100] =	vst v0;
	v0 =	vmin.f32 v2, $1.000000000e+00;
	v2 =	vld [tilespmem:s18+$0x4000]  }
0x2a7: {  	v6 =	vld [tilespmem:s11+$0x4010];
	[tilespmem:s16+$0x4180] =	vst v0;
	v0 =	vmin.f32 v3, $1.000000000e+00  }
0x2a8: {  	v3 =	vld [tilespmem:s11+$0x4090];
	[tilespmem:s16+$0x4200] =	vst v0;
	v0 =	vmin.f32 v4, $1.000000000e+00  }
0x2a9: {  	v4 =	vld [tilespmem:s11+$0x4110];
	[tilespmem:s16+$0x4280] =	vst v0;
	v0 =	vmin.f32 v5, $1.000000000e+00;
	s16 =	smov.u32 s11  }
0x2aa: {  	p0 =	slt.u32 s15, $0x7E0;
	v5 =	vld [tilespmem:s16+$0x4190];
	[tilespmem:s0+$0x4000] =	vst v0;
	s0 =	sor.u32 $0x380, s21;
	v0 =	vmin.f32 v1, $1.000000000e+00  }
0x2ab: {  	v7 =	vld [tilespmem:s0+$0x4000];
	[tilespmem:s20+$0x4000] =	vst v0;
	v0 =	vmin.f32 v2, $1.000000000e+00;
	s20 =	smov.u32 s10  }
0x2ac: {  	v1 =	vmin.f32 v6, $1.000000000e+00;
	v6 =	vld [tilespmem:s16+$0x4210];
	[tilespmem:s18+$0x4000] =	vst v0;
	s18 =	smov.u32 s19;
	s19 =	smov.u32 s7  }
0x2ad: {  	[tilespmem:s16+$0x4010] =	vst v1;
	v0 =	vmin.f32 v3, $1.000000000e+00;
	v8 =	vld [tilespmem:s16+$0x4290]  }
0x2ae: {  	s2 =	sadd.s32 $0x1, s2;
	v9 =	vld [tilespmem:s16+$0x4000];
	[tilespmem:s16+$0x4090] =	vst v0;
	v1 =	vmin.f32 v4, $1.000000000e+00  }
.Ltmp7:
0x2af: {  	s7 =	sand.u32 $0x3, s2;
	v0 =	vld [tilespmem:s16+$0x4080];
	[tilespmem:s16+$0x4110] =	vst v1;
	v2 =	vmin.f32 v5, $1.000000000e+00;
	(pc) =	sbr.rel @p0 .LBB2_17-.Ltmp7, $4  }
0x2b0: {  	s7 =	sshll.u32 s7, $0x5;
	v1 =	vld [tilespmem:s16+$0x4100];
	[tilespmem:s16+$0x4190] =	vst v2;
	v3 =	vmin.f32 v7, $1.000000000e+00  }
0x2b1: {  	s11 =	sadd.s32 s7, s17;
	v2 =	vld [tilespmem:s16+$0x4180];
	v4 =	vmin.f32 v6, $1.000000000e+00;
	[tilespmem:s0+$0x4000] =	vst v3  }
0x2b2: {  	s10 =	sor.u32 $0x300, s11;
	s7 =	sor.u32 $0x380, s11;
	s21 =	sadd.s32 $0x10, s11;
	v3 =	vld [tilespmem:s16+$0x4200];
	[tilespmem:s16+$0x4210] =	vst v4;
	v6 =	vmin.f32 v8, $1.000000000e+00  }
0x2b3: {  	s0 =	sor.u32 $0x300, s21;
	v5 =	vmin.f32 v9, $1.000000000e+00;
	v4 =	vld [tilespmem:s16+$0x4280];
	[tilespmem:s16+$0x4290] =	vst v6  }
0x2b4: {  	[tilespmem:s16+$0x4000] =	vst v5;
	v0 =	vmin.f32 v0, $1.000000000e+00  }
0x2b5: {  	[tilespmem:s16+$0x4080] =	vst v0;
	v0 =	vmin.f32 v1, $1.000000000e+00  }
0x2b6: {  	[tilespmem:s16+$0x4100] =	vst v0;
	v0 =	vmin.f32 v2, $1.000000000e+00  }
0x2b7: {  	[tilespmem:s16+$0x4180] =	vst v0;
	v0 =	vmin.f32 v3, $1.000000000e+00  }
0x2b8: {  	v1 =	vld [tilespmem:s0+$0x4000];
	[tilespmem:s16+$0x4200] =	vst v0;
	v0 =	vmin.f32 v4, $1.000000000e+00  }
0x2b9: {  	v2 =	vld [tilespmem:s20+$0x4000];
	[tilespmem:s16+$0x4280] =	vst v0  }
0x2ba: {  	v0 =	vld [tilespmem:s10+$0x4000];
	_ =	sdelay $0x2  }
0x2bb: {  	v1 =	vmin.f32 v1, $1.000000000e+00  }
0x2bc: {  	s17 =	sor.u32 $0x380, s21;
	v3 =	vld [tilespmem:s18+$0x4000];
	[tilespmem:s0+$0x4000] =	vst v1;
	v1 =	vmin.f32 v2, $1.000000000e+00  }
0x2bd: {  	v2 =	vld [tilespmem:s17+$0x4000];
	[tilespmem:s20+$0x4000] =	vst v1;
	v0 =	vmin.f32 v0, $1.000000000e+00  }
0x2be: {  	v1 =	vld [tilespmem:s19+$0x4000];
	[tilespmem:s10+$0x4000] =	vst v0  }
0x2bf: {  	v0 =	vld [tilespmem:s7+$0x4000];
	_ =	sdelay $0x1  }
0x2c0: {  	v3 =	vmin.f32 v3, $1.000000000e+00  }
0x2c1: {  	[tilespmem:s18+$0x4000] =	vst v3;
	v2 =	vmin.f32 v2, $1.000000000e+00  }
0x2c2: {  	[tilespmem:s17+$0x4000] =	vst v2;
	v1 =	vmin.f32 v1, $1.000000000e+00  }
0x2c3: {  	[tilespmem:s19+$0x4000] =	vst v1;
	v0 =	vmin.f32 v0, $1.000000000e+00  }
0x2c4: {  	s21 =	sadd.s32 s3, s12;
	s22 =	simm.s32 $0x0;
	[tilespmem:s7+$0x4000] =	vst v0  }
0x2c5: {  	[hbm4b:s21+s22] =	stream.linear.scatter [tilespmem:s22], [sflag:$0x7], $0x4000, $0x38;
	[tilespmem:$0x18000] =	vst v63  }
0x2c6: {  	_ =	swait.ge [sflag:s30], $0x4000  }
0x2c7: {  	s11 =	rddreg [dreg:$0x11]  }
0x2c8: {  	s0 =	sadd.s32 s4, s11  }
0x2c9: {  	s2 =	simm.s32 $0x10000;
	[sflag:s30] =	ssyncset.done $0x0;
	s0 =	sshll.u32 s0, $0x8  }
0x2ca: {  	s12 =	simm.s32 $0x3;
	[sflag:s30] =	ssyncadd.s32 $0xFFFFC000;
	s0 =	sadd.s32 s1, s0  }
0x2cb: {  	[tilespmem:s2], [sflag:$0x5] =	stream.linear.gather [hbm4b:s0+s22], $0x4000, $0x38;
	[tilespmem:$0x18000] =	vst v63  }
0x2cc: {  	s15 =	simm.s32 $0x0;
	_ =	swait.ge [sflag:s12], $0x4000  }
0x2cd: {  	s16 =	sand.u32 $0x3C00, s22;
	s0 =	sand.u32 $0x60, s15;
	[sflag:s12] =	ssyncset.done $0x0  }
0x2ce: {  	s2 =	sor.u32 s0, s16;
	[sflag:s12] =	ssyncadd.s32 $0xFFFFC000  }
0x2cf: {  	v0 =	vld [tilespmem:s2+$0x8010]  }
0x2d0: {  	v1 =	vld [tilespmem:s2+$0x8090]  }
0x2d1: {  	v4 =	vld [tilespmem:s2+$0x8210]  }
0x2d2: {  	v5 =	vld [tilespmem:s2+$0x8290]  }
0x2d3: {  	v2 =	vld [tilespmem:s2+$0x8110]  }
0x2d4: {  	v3 =	vld [tilespmem:s2+$0x8190]  }
0x2d5: {  	v0 =	vmin.f32 v0, $1.000000000e+00  }
0x2d6: {  	v4 =	vmin.f32 v4, $1.000000000e+00;
	[tilespmem:s2+$0x8010] =	vst v0;
	v0 =	vmin.f32 v1, $1.000000000e+00;
	v1 =	vld [tilespmem:s2+$0x8000]  }
0x2d7: {  	s17 =	sand.u32 $0x3, s22;
	[tilespmem:s2+$0x8210] =	vst v4;
	v4 =	vmin.f32 v5, $1.000000000e+00;
	v5 =	vld [tilespmem:s2+$0x8280]  }
0x2d8: {  	s0 =	sshll.u32 s17, $0x5;
	[tilespmem:s2+$0x8090] =	vst v0;
	v0 =	vmin.f32 v2, $1.000000000e+00;
	v2 =	vld [tilespmem:s2+$0x8080]  }
0x2d9: {  	s17 =	sadd.s32 $0x0, s0;
	[tilespmem:s2+$0x8110] =	vst v0;
	v0 =	vmin.f32 v3, $1.000000000e+00;
	v3 =	vld [tilespmem:s2+$0x8100]  }
0x2da: {  	s18 =	simm.s32 $0x20;
	s19 =	simm.s32 $0x100;
	s0 =	sadd.s32 $0x10, s17;
	[tilespmem:s2+$0x8190] =	vst v0;
	v0 =	vld [tilespmem:s2+$0x8180]  }
0x2db: {  	s10 =	sand.u32 $0x3C00, s19;
	s7 =	sand.u32 $0x60, s18;
	v6 =	vld [tilespmem:s2+$0x8200];
	s11 =	sor.u32 $0x300, s0;
	[tilespmem:s2+$0x8290] =	vst v4;
	v1 =	vmin.f32 v1, $1.000000000e+00  }
0x2dc: {  	s7 =	sor.u32 s7, s10;
	v4 =	vld [tilespmem:s11+$0x8000];
	v5 =	vmin.f32 v5, $1.000000000e+00;
	[tilespmem:s2+$0x8000] =	vst v1  }
0x2dd: {  	v1 =	vmin.f32 v2, $1.000000000e+00;
	v2 =	vld [tilespmem:s7+$0x8010];
	[tilespmem:s2+$0x8280] =	vst v5  }
0x2de: {  	[tilespmem:s2+$0x8080] =	vst v1;
	v1 =	vmin.f32 v3, $1.000000000e+00;
	v3 =	vld [tilespmem:s7+$0x8090]  }
0x2df: {  	[tilespmem:s2+$0x8100] =	vst v1;
	v0 =	vmin.f32 v0, $1.000000000e+00;
	v1 =	vld [tilespmem:s7+$0x8110]  }
0x2e0: {  	[tilespmem:s2+$0x8180] =	vst v0;
	v0 =	vmin.f32 v6, $1.000000000e+00;
	v6 =	vld [tilespmem:s7+$0x8190]  }
0x2e1: {  	[tilespmem:s2+$0x8200] =	vst v0;
	v0 =	vmin.f32 v4, $1.000000000e+00;
	v4 =	vld [tilespmem:s7+$0x8210]  }
0x2e2: {  	s0 =	sor.u32 $0x380, s0;
	[tilespmem:s11+$0x8000] =	vst v0;
	v0 =	vmin.f32 v2, $1.000000000e+00;
	v2 =	vld [tilespmem:s7+$0x8290]  }
0x2e3: {  	s20 =	simm.s32 $0x1;
	[tilespmem:s7+$0x8010] =	vst v0;
	v0 =	vld [tilespmem:s0+$0x8000];
	v3 =	vmin.f32 v3, $1.000000000e+00  }
0x2e4: {  	s10 =	sand.u32 $0x3, s20;
	[tilespmem:s7+$0x8090] =	vst v3;
	v3 =	vld [tilespmem:s7+$0x8000];
	v1 =	vmin.f32 v1, $1.000000000e+00  }
0x2e5: {  	s10 =	sshll.u32 s10, $0x5;
	[tilespmem:s7+$0x8110] =	vst v1;
	v1 =	vld [tilespmem:s7+$0x8080];
	v6 =	vmin.f32 v6, $1.000000000e+00  }
0x2e6: {  	s10 =	sadd.s32 $0x100, s10;
	[tilespmem:s7+$0x8190] =	vst v6;
	v6 =	vld [tilespmem:s7+$0x8100];
	v4 =	vmin.f32 v4, $1.000000000e+00  }
0x2e7: {  	s21 =	sadd.s32 $0x10, s10;
	[tilespmem:s7+$0x8210] =	vst v4;
	v4 =	vld [tilespmem:s7+$0x8180];
	v2 =	vmin.f32 v2, $1.000000000e+00  }
0x2e8: {  	s22 =	sor.u32 $0x300, s21;
	[tilespmem:s7+$0x8290] =	vst v2;
	v2 =	vld [tilespmem:s7+$0x8200];
	v0 =	vmin.f32 v0, $1.000000000e+00  }
0x2e9: {  	s16 =	simm.s32 $0x200;
	s12 =	simm.s32 $0x40;
	v5 =	vld [tilespmem:s22+$0x8000];
	[tilespmem:s0+$0x8000] =	vst v0;
	v0 =	vmin.f32 v3, $1.000000000e+00  }
0x2ea: {  	s15 =	sand.u32 $0x3C00, s16;
	s19 =	sor.u32 $0x300, s17;
	s20 =	sand.u32 $0x60, s12;
	v3 =	vld [tilespmem:s7+$0x8280];
	[tilespmem:s7+$0x8000] =	vst v0;
	v0 =	vmin.f32 v1, $1.000000000e+00  }
0x2eb: {  	s15 =	sor.u32 s20, s15;
	v1 =	vld [tilespmem:s19+$0x8000];
	[tilespmem:s7+$0x8080] =	vst v0;
	v0 =	vmin.f32 v6, $1.000000000e+00  }
0x2ec: {  	v6 =	vld [tilespmem:s15+$0x8010];
	[tilespmem:s7+$0x8100] =	vst v0;
	v0 =	vmin.f32 v4, $1.000000000e+00  }
0x2ed: {  	v4 =	vld [tilespmem:s15+$0x8090];
	[tilespmem:s7+$0x8180] =	vst v0;
	v2 =	vmin.f32 v2, $1.000000000e+00  }
0x2ee: {  	v0 =	vld [tilespmem:s15+$0x8110];
	v5 =	vmin.f32 v5, $1.000000000e+00;
	[tilespmem:s7+$0x8200] =	vst v2  }
0x2ef: {  	s21 =	sor.u32 $0x380, s21;
	v2 =	vmin.f32 v3, $1.000000000e+00;
	[tilespmem:s22+$0x8000] =	vst v5;
	v5 =	vld [tilespmem:s15+$0x8190]  }
0x2f0: {  	[tilespmem:s7+$0x8280] =	vst v2;
	v1 =	vmin.f32 v1, $1.000000000e+00;
	v3 =	vld [tilespmem:s21+$0x8000]  }
0x2f1: {  	v2 =	vmin.f32 v6, $1.000000000e+00;
	v6 =	vld [tilespmem:s15+$0x8210];
	[tilespmem:s19+$0x8000] =	vst v1  }
0x2f2: {  	[tilespmem:s15+$0x8010] =	vst v2;
	v1 =	vmin.f32 v4, $1.000000000e+00;
	v4 =	vld [tilespmem:s15+$0x8290]  }
0x2f3: {  	v7 =	vld [tilespmem:s15+$0x8000];
	s2 =	simm.s32 $0x2;
	[tilespmem:s15+$0x8090] =	vst v1;
	v1 =	vmin.f32 v0, $1.000000000e+00  }
0x2f4: {  	s22 =	sand.u32 $0x3, s2;
	v0 =	vld [tilespmem:s15+$0x8080];
	[tilespmem:s15+$0x8110] =	vst v1;
	v2 =	vmin.f32 v5, $1.000000000e+00  }
0x2f5: {  	s7 =	sshll.u32 s22, $0x5;
	v1 =	vld [tilespmem:s15+$0x8100];
	[tilespmem:s15+$0x8190] =	vst v2;
	v3 =	vmin.f32 v3, $1.000000000e+00  }
0x2f6: {  	s18 =	sor.u32 $0x380, s10;
	s7 =	sadd.s32 $0x200, s7;
	v2 =	vld [tilespmem:s15+$0x8180];
	v5 =	vmin.f32 v6, $1.000000000e+00;
	[tilespmem:s21+$0x8000] =	vst v3  }
0x2f7: {  	s17 =	sor.u32 $0x380, s17;
	s19 =	sor.u32 $0x300, s10;
	s20 =	sadd.s32 $0x10, s7;
	v3 =	vld [tilespmem:s15+$0x8200];
	[tilespmem:s15+$0x8210] =	vst v5;
	v6 =	vmin.f32 v4, $1.000000000e+00  }
0x2f8: {  	s10 =	sor.u32 $0x300, s7;
	s7 =	sor.u32 $0x380, s7;
	s0 =	sor.u32 $0x300, s20;
	v5 =	vmin.f32 v7, $1.000000000e+00;
	v4 =	vld [tilespmem:s15+$0x8280];
	[tilespmem:s15+$0x8290] =	vst v6  }
.LBB2_19:
0x2f9: {  	s12 =	sadd.s32 $0x20, s12;
	[tilespmem:s15+$0x8000] =	vst v5;
	v0 =	vmin.f32 v0, $1.000000000e+00;
	v5 =	vld [tilespmem:s0+$0x8000];
	s16 =	sadd.s32 $0x100, s16  }
0x2fa: {  	s11 =	sand.u32 $0x60, s12;
	s21 =	sand.u32 $0x3C00, s16;
	[tilespmem:s15+$0x8080] =	vst v0;
	v0 =	vmin.f32 v1, $1.000000000e+00;
	v1 =	vld [tilespmem:s19+$0x8000]  }
0x2fb: {  	s11 =	sor.u32 s11, s21;
	[tilespmem:s15+$0x8100] =	vst v0;
	v0 =	vmin.f32 v2, $1.000000000e+00;
	v2 =	vld [tilespmem:s17+$0x8000]  }
0x2fc: {  	v6 =	vld [tilespmem:s11+$0x8010];
	[tilespmem:s15+$0x8180] =	vst v0;
	v0 =	vmin.f32 v3, $1.000000000e+00  }
0x2fd: {  	v3 =	vld [tilespmem:s11+$0x8090];
	[tilespmem:s15+$0x8200] =	vst v0;
	v0 =	vmin.f32 v4, $1.000000000e+00  }
0x2fe: {  	v4 =	vld [tilespmem:s11+$0x8110];
	[tilespmem:s15+$0x8280] =	vst v0;
	v0 =	vmin.f32 v5, $1.000000000e+00;
	s15 =	smov.u32 s11  }
0x2ff: {  	p0 =	slt.u32 s12, $0x7E0;
	v5 =	vld [tilespmem:s15+$0x8190];
	[tilespmem:s0+$0x8000] =	vst v0;
	s0 =	sor.u32 $0x380, s20;
	v0 =	vmin.f32 v1, $1.000000000e+00  }
0x300: {  	v7 =	vld [tilespmem:s0+$0x8000];
	[tilespmem:s19+$0x8000] =	vst v0;
	v0 =	vmin.f32 v2, $1.000000000e+00;
	s19 =	smov.u32 s10  }
0x301: {  	v1 =	vmin.f32 v6, $1.000000000e+00;
	v6 =	vld [tilespmem:s15+$0x8210];
	[tilespmem:s17+$0x8000] =	vst v0;
	s17 =	smov.u32 s18;
	s18 =	smov.u32 s7  }
0x302: {  	[tilespmem:s15+$0x8010] =	vst v1;
	v0 =	vmin.f32 v3, $1.000000000e+00;
	v8 =	vld [tilespmem:s15+$0x8290]  }
0x303: {  	s2 =	sadd.s32 $0x1, s2;
	v9 =	vld [tilespmem:s15+$0x8000];
	[tilespmem:s15+$0x8090] =	vst v0;
	v1 =	vmin.f32 v4, $1.000000000e+00  }
.Ltmp8:
0x304: {  	s7 =	sand.u32 $0x3, s2;
	v0 =	vld [tilespmem:s15+$0x8080];
	[tilespmem:s15+$0x8110] =	vst v1;
	v2 =	vmin.f32 v5, $1.000000000e+00;
	(pc) =	sbr.rel @p0 .LBB2_19-.Ltmp8, $4  }
0x305: {  	s7 =	sshll.u32 s7, $0x5;
	v1 =	vld [tilespmem:s15+$0x8100];
	[tilespmem:s15+$0x8190] =	vst v2;
	v3 =	vmin.f32 v7, $1.000000000e+00  }
0x306: {  	s11 =	sadd.s32 s7, s16;
	v2 =	vld [tilespmem:s15+$0x8180];
	v4 =	vmin.f32 v6, $1.000000000e+00;
	[tilespmem:s0+$0x8000] =	vst v3  }
0x307: {  	s10 =	sor.u32 $0x300, s11;
	s7 =	sor.u32 $0x380, s11;
	s20 =	sadd.s32 $0x10, s11;
	v3 =	vld [tilespmem:s15+$0x8200];
	[tilespmem:s15+$0x8210] =	vst v4;
	v6 =	vmin.f32 v8, $1.000000000e+00  }
0x308: {  	s0 =	sor.u32 $0x300, s20;
	v5 =	vmin.f32 v9, $1.000000000e+00;
	v4 =	vld [tilespmem:s15+$0x8280];
	[tilespmem:s15+$0x8290] =	vst v6  }
0x309: {  	[tilespmem:s15+$0x8000] =	vst v5;
	v0 =	vmin.f32 v0, $1.000000000e+00  }
0x30a: {  	[tilespmem:s15+$0x8080] =	vst v0;
	v0 =	vmin.f32 v1, $1.000000000e+00  }
0x30b: {  	[tilespmem:s15+$0x8100] =	vst v0;
	v0 =	vmin.f32 v2, $1.000000000e+00  }
0x30c: {  	[tilespmem:s15+$0x8180] =	vst v0;
	v0 =	vmin.f32 v3, $1.000000000e+00  }
0x30d: {  	v1 =	vld [tilespmem:s0+$0x8000];
	[tilespmem:s15+$0x8200] =	vst v0;
	v0 =	vmin.f32 v4, $1.000000000e+00  }
0x30e: {  	v2 =	vld [tilespmem:s19+$0x8000];
	[tilespmem:s15+$0x8280] =	vst v0  }
0x30f: {  	v0 =	vld [tilespmem:s10+$0x8000];
	_ =	sdelay $0x2  }
0x310: {  	v1 =	vmin.f32 v1, $1.000000000e+00  }
0x311: {  	s16 =	sor.u32 $0x380, s20;
	v3 =	vld [tilespmem:s17+$0x8000];
	[tilespmem:s0+$0x8000] =	vst v1;
	v1 =	vmin.f32 v2, $1.000000000e+00  }
0x312: {  	v2 =	vld [tilespmem:s16+$0x8000];
	[tilespmem:s19+$0x8000] =	vst v1;
	v0 =	vmin.f32 v0, $1.000000000e+00  }
0x313: {  	v1 =	vld [tilespmem:s18+$0x8000];
	[tilespmem:s10+$0x8000] =	vst v0  }
0x314: {  	v0 =	vld [tilespmem:s7+$0x8000];
	_ =	sdelay $0x1  }
0x315: {  	v3 =	vmin.f32 v3, $1.000000000e+00  }
0x316: {  	[tilespmem:s17+$0x8000] =	vst v3;
	v2 =	vmin.f32 v2, $1.000000000e+00  }
0x317: {  	[tilespmem:s16+$0x8000] =	vst v2;
	v1 =	vmin.f32 v1, $1.000000000e+00  }
0x318: {  	[tilespmem:s18+$0x8000] =	vst v1;
	v0 =	vmin.f32 v0, $1.000000000e+00  }
0x319: {  	s22 =	simm.s32 $0x4000;
	s19 =	simm.s32 $0x0;
	s18 =	sadd.s32 s3, s13;
	[tilespmem:s7+$0x8000] =	vst v0  }
0x31a: {  	[hbm4b:s18+s19] =	stream.linear.scatter [tilespmem:s22], [sflag:$0x8], $0x4000, $0x38;
	[tilespmem:$0x18000] =	vst v63  }
0x31b: {  	_ =	swait.ge [sflag:s31], $0x4000  }
0x31c: {  	s20 =	rddreg [dreg:$0x12]  }
0x31d: {  	s0 =	sadd.s32 s4, s20  }
0x31e: {  	s2 =	simm.s32 $0x14000;
	[sflag:s31] =	ssyncset.done $0x0;
	s0 =	sshll.u32 s0, $0x8  }
0x31f: {  	s21 =	simm.s32 $0x4;
	[sflag:s31] =	ssyncadd.s32 $0xFFFFC000;
	s0 =	sadd.s32 s1, s0  }
0x320: {  	[tilespmem:s2], [sflag:$0x6] =	stream.linear.gather [hbm4b:s0+s19], $0x4000, $0x38;
	[tilespmem:$0x18000] =	vst v63  }
0x321: {  	s2 =	simm.s32 $0x0;
	_ =	swait.ge [sflag:s21], $0x4000  }
0x322: {  	s10 =	sand.u32 $0x3C00, s19;
	s0 =	sand.u32 $0x60, s2;
	[sflag:s21] =	ssyncset.done $0x0  }
0x323: {  	s2 =	sor.u32 s0, s10;
	[sflag:s21] =	ssyncadd.s32 $0xFFFFC000  }
0x324: {  	v0 =	vld [tilespmem:s2+$0xC010]  }
0x325: {  	v1 =	vld [tilespmem:s2+$0xC090]  }
0x326: {  	v4 =	vld [tilespmem:s2+$0xC210]  }
0x327: {  	v5 =	vld [tilespmem:s2+$0xC290]  }
0x328: {  	v2 =	vld [tilespmem:s2+$0xC110]  }
0x329: {  	v3 =	vld [tilespmem:s2+$0xC190]  }
0x32a: {  	v0 =	vmin.f32 v0, $1.000000000e+00  }
0x32b: {  	v4 =	vmin.f32 v4, $1.000000000e+00;
	[tilespmem:s2+$0xC010] =	vst v0;
	v0 =	vmin.f32 v1, $1.000000000e+00;
	v1 =	vld [tilespmem:s2+$0xC000]  }
0x32c: {  	s11 =	sand.u32 $0x3, s19;
	[tilespmem:s2+$0xC210] =	vst v4;
	v4 =	vmin.f32 v5, $1.000000000e+00;
	v5 =	vld [tilespmem:s2+$0xC280]  }
0x32d: {  	s0 =	sshll.u32 s11, $0x5;
	[tilespmem:s2+$0xC090] =	vst v0;
	v0 =	vmin.f32 v2, $1.000000000e+00;
	v2 =	vld [tilespmem:s2+$0xC080]  }
0x32e: {  	s15 =	sadd.s32 $0x0, s0;
	[tilespmem:s2+$0xC110] =	vst v0;
	v0 =	vmin.f32 v3, $1.000000000e+00;
	v3 =	vld [tilespmem:s2+$0xC100]  }
0x32f: {  	s12 =	simm.s32 $0x20;
	s13 =	simm.s32 $0x100;
	s0 =	sadd.s32 $0x10, s15;
	[tilespmem:s2+$0xC190] =	vst v0;
	v0 =	vld [tilespmem:s2+$0xC180]  }
0x330: {  	s7 =	sand.u32 $0x3C00, s13;
	s4 =	sand.u32 $0x60, s12;
	v6 =	vld [tilespmem:s2+$0xC200];
	s16 =	sor.u32 $0x300, s0;
	[tilespmem:s2+$0xC290] =	vst v4;
	v1 =	vmin.f32 v1, $1.000000000e+00  }
0x331: {  	s7 =	sor.u32 s4, s7;
	v4 =	vld [tilespmem:s16+$0xC000];
	v5 =	vmin.f32 v5, $1.000000000e+00;
	[tilespmem:s2+$0xC000] =	vst v1  }
0x332: {  	v1 =	vmin.f32 v2, $1.000000000e+00;
	v2 =	vld [tilespmem:s7+$0xC010];
	[tilespmem:s2+$0xC280] =	vst v5  }
0x333: {  	[tilespmem:s2+$0xC080] =	vst v1;
	v1 =	vmin.f32 v3, $1.000000000e+00;
	v3 =	vld [tilespmem:s7+$0xC090]  }
0x334: {  	[tilespmem:s2+$0xC100] =	vst v1;
	v0 =	vmin.f32 v0, $1.000000000e+00;
	v1 =	vld [tilespmem:s7+$0xC110]  }
0x335: {  	[tilespmem:s2+$0xC180] =	vst v0;
	v0 =	vmin.f32 v6, $1.000000000e+00;
	v6 =	vld [tilespmem:s7+$0xC190]  }
0x336: {  	[tilespmem:s2+$0xC200] =	vst v0;
	v0 =	vmin.f32 v4, $1.000000000e+00;
	v4 =	vld [tilespmem:s7+$0xC210]  }
0x337: {  	s0 =	sor.u32 $0x380, s0;
	[tilespmem:s16+$0xC000] =	vst v0;
	v0 =	vmin.f32 v2, $1.000000000e+00;
	v2 =	vld [tilespmem:s7+$0xC290]  }
0x338: {  	s17 =	simm.s32 $0x1;
	[tilespmem:s7+$0xC010] =	vst v0;
	v0 =	vld [tilespmem:s0+$0xC000];
	v3 =	vmin.f32 v3, $1.000000000e+00  }
0x339: {  	s4 =	sand.u32 $0x3, s17;
	[tilespmem:s7+$0xC090] =	vst v3;
	v3 =	vld [tilespmem:s7+$0xC000];
	v1 =	vmin.f32 v1, $1.000000000e+00  }
0x33a: {  	s4 =	sshll.u32 s4, $0x5;
	[tilespmem:s7+$0xC110] =	vst v1;
	v1 =	vld [tilespmem:s7+$0xC080];
	v6 =	vmin.f32 v6, $1.000000000e+00  }
0x33b: {  	s10 =	sadd.s32 $0x100, s4;
	[tilespmem:s7+$0xC190] =	vst v6;
	v6 =	vld [tilespmem:s7+$0xC100];
	v4 =	vmin.f32 v4, $1.000000000e+00  }
0x33c: {  	s11 =	sadd.s32 $0x10, s10;
	[tilespmem:s7+$0xC210] =	vst v4;
	v4 =	vld [tilespmem:s7+$0xC180];
	v2 =	vmin.f32 v2, $1.000000000e+00  }
0x33d: {  	s16 =	sor.u32 $0x300, s11;
	[tilespmem:s7+$0xC290] =	vst v2;
	v2 =	vld [tilespmem:s7+$0xC200];
	v0 =	vmin.f32 v0, $1.000000000e+00  }
0x33e: {  	s13 =	simm.s32 $0x200;
	s4 =	simm.s32 $0x40;
	v5 =	vld [tilespmem:s16+$0xC000];
	[tilespmem:s0+$0xC000] =	vst v0;
	v0 =	vmin.f32 v3, $1.000000000e+00  }
0x33f: {  	s12 =	sand.u32 $0x3C00, s13;
	s19 =	sand.u32 $0x60, s4;
	s18 =	sor.u32 $0x300, s15;
	v3 =	vld [tilespmem:s7+$0xC280];
	[tilespmem:s7+$0xC000] =	vst v0;
	v0 =	vmin.f32 v1, $1.000000000e+00  }
0x340: {  	s12 =	sor.u32 s19, s12;
	v1 =	vld [tilespmem:s18+$0xC000];
	[tilespmem:s7+$0xC080] =	vst v0;
	v0 =	vmin.f32 v6, $1.000000000e+00  }
0x341: {  	v6 =	vld [tilespmem:s12+$0xC010];
	[tilespmem:s7+$0xC100] =	vst v0;
	v0 =	vmin.f32 v4, $1.000000000e+00  }
0x342: {  	v4 =	vld [tilespmem:s12+$0xC090];
	[tilespmem:s7+$0xC180] =	vst v0;
	v2 =	vmin.f32 v2, $1.000000000e+00  }
0x343: {  	v0 =	vld [tilespmem:s12+$0xC110];
	v5 =	vmin.f32 v5, $1.000000000e+00;
	[tilespmem:s7+$0xC200] =	vst v2  }
0x344: {  	s20 =	sor.u32 $0x380, s11;
	v2 =	vmin.f32 v3, $1.000000000e+00;
	[tilespmem:s16+$0xC000] =	vst v5;
	v5 =	vld [tilespmem:s12+$0xC190]  }
0x345: {  	[tilespmem:s7+$0xC280] =	vst v2;
	v1 =	vmin.f32 v1, $1.000000000e+00;
	v3 =	vld [tilespmem:s20+$0xC000]  }
0x346: {  	v2 =	vmin.f32 v6, $1.000000000e+00;
	v6 =	vld [tilespmem:s12+$0xC210];
	[tilespmem:s18+$0xC000] =	vst v1  }
0x347: {  	[tilespmem:s12+$0xC010] =	vst v2;
	v1 =	vmin.f32 v4, $1.000000000e+00;
	v4 =	vld [tilespmem:s12+$0xC290]  }
0x348: {  	v7 =	vld [tilespmem:s12+$0xC000];
	s2 =	simm.s32 $0x2;
	[tilespmem:s12+$0xC090] =	vst v1;
	v1 =	vmin.f32 v0, $1.000000000e+00  }
0x349: {  	s21 =	sand.u32 $0x3, s2;
	v0 =	vld [tilespmem:s12+$0xC080];
	[tilespmem:s12+$0xC110] =	vst v1;
	v2 =	vmin.f32 v5, $1.000000000e+00  }
0x34a: {  	s7 =	sshll.u32 s21, $0x5;
	v1 =	vld [tilespmem:s12+$0xC100];
	[tilespmem:s12+$0xC190] =	vst v2;
	v3 =	vmin.f32 v3, $1.000000000e+00  }
0x34b: {  	s17 =	sor.u32 $0x300, s10;
	s7 =	sadd.s32 $0x200, s7;
	v2 =	vld [tilespmem:s12+$0xC180];
	v5 =	vmin.f32 v6, $1.000000000e+00;
	[tilespmem:s20+$0xC000] =	vst v3  }
0x34c: {  	s15 =	sor.u32 $0x380, s15;
	s16 =	sor.u32 $0x380, s10;
	s18 =	sadd.s32 $0x10, s7;
	v3 =	vld [tilespmem:s12+$0xC200];
	[tilespmem:s12+$0xC210] =	vst v5;
	v6 =	vmin.f32 v4, $1.000000000e+00  }
0x34d: {  	s10 =	sor.u32 $0x300, s7;
	s7 =	sor.u32 $0x380, s7;
	s0 =	sor.u32 $0x300, s18;
	v5 =	vmin.f32 v7, $1.000000000e+00;
	v4 =	vld [tilespmem:s12+$0xC280];
	[tilespmem:s12+$0xC290] =	vst v6  }
.LBB2_21:
0x34e: {  	s4 =	sadd.s32 $0x20, s4;
	[tilespmem:s12+$0xC000] =	vst v5;
	v0 =	vmin.f32 v0, $1.000000000e+00;
	v5 =	vld [tilespmem:s0+$0xC000];
	s13 =	sadd.s32 $0x100, s13  }
0x34f: {  	s11 =	sand.u32 $0x60, s4;
	s19 =	sand.u32 $0x3C00, s13;
	[tilespmem:s12+$0xC080] =	vst v0;
	v0 =	vmin.f32 v1, $1.000000000e+00;
	v1 =	vld [tilespmem:s17+$0xC000]  }
0x350: {  	s11 =	sor.u32 s11, s19;
	[tilespmem:s12+$0xC100] =	vst v0;
	v0 =	vmin.f32 v2, $1.000000000e+00;
	v2 =	vld [tilespmem:s15+$0xC000]  }
0x351: {  	v6 =	vld [tilespmem:s11+$0xC010];
	[tilespmem:s12+$0xC180] =	vst v0;
	v0 =	vmin.f32 v3, $1.000000000e+00  }
0x352: {  	v3 =	vld [tilespmem:s11+$0xC090];
	[tilespmem:s12+$0xC200] =	vst v0;
	v0 =	vmin.f32 v4, $1.000000000e+00  }
0x353: {  	v4 =	vld [tilespmem:s11+$0xC110];
	[tilespmem:s12+$0xC280] =	vst v0;
	v0 =	vmin.f32 v5, $1.000000000e+00;
	s12 =	smov.u32 s11  }
0x354: {  	p0 =	slt.u32 s4, $0x7E0;
	v5 =	vld [tilespmem:s12+$0xC190];
	[tilespmem:s0+$0xC000] =	vst v0;
	s0 =	sor.u32 $0x380, s18;
	v0 =	vmin.f32 v1, $1.000000000e+00  }
0x355: {  	v7 =	vld [tilespmem:s0+$0xC000];
	[tilespmem:s17+$0xC000] =	vst v0;
	v0 =	vmin.f32 v2, $1.000000000e+00;
	s17 =	smov.u32 s10  }
0x356: {  	v1 =	vmin.f32 v6, $1.000000000e+00;
	v6 =	vld [tilespmem:s12+$0xC210];
	[tilespmem:s15+$0xC000] =	vst v0;
	s15 =	smov.u32 s16;
	s16 =	smov.u32 s7  }
0x357: {  	[tilespmem:s12+$0xC010] =	vst v1;
	v0 =	vmin.f32 v3, $1.000000000e+00;
	v8 =	vld [tilespmem:s12+$0xC290]  }
0x358: {  	s2 =	sadd.s32 $0x1, s2;
	v9 =	vld [tilespmem:s12+$0xC000];
	[tilespmem:s12+$0xC090] =	vst v0;
	v1 =	vmin.f32 v4, $1.000000000e+00  }
.Ltmp9:
0x359: {  	s7 =	sand.u32 $0x3, s2;
	v0 =	vld [tilespmem:s12+$0xC080];
	[tilespmem:s12+$0xC110] =	vst v1;
	v2 =	vmin.f32 v5, $1.000000000e+00;
	(pc) =	sbr.rel @p0 .LBB2_21-.Ltmp9, $4  }
0x35a: {  	s7 =	sshll.u32 s7, $0x5;
	v1 =	vld [tilespmem:s12+$0xC100];
	[tilespmem:s12+$0xC190] =	vst v2;
	v3 =	vmin.f32 v7, $1.000000000e+00  }
0x35b: {  	s11 =	sadd.s32 s7, s13;
	v2 =	vld [tilespmem:s12+$0xC180];
	v4 =	vmin.f32 v6, $1.000000000e+00;
	[tilespmem:s0+$0xC000] =	vst v3  }
0x35c: {  	s10 =	sor.u32 $0x300, s11;
	s7 =	sor.u32 $0x380, s11;
	s18 =	sadd.s32 $0x10, s11;
	v3 =	vld [tilespmem:s12+$0xC200];
	[tilespmem:s12+$0xC210] =	vst v4;
	v6 =	vmin.f32 v8, $1.000000000e+00  }
0x35d: {  	s0 =	sor.u32 $0x300, s18;
	v5 =	vmin.f32 v9, $1.000000000e+00;
	v4 =	vld [tilespmem:s12+$0xC280];
	[tilespmem:s12+$0xC290] =	vst v6  }
0x35e: {  	[tilespmem:s12+$0xC000] =	vst v5;
	v0 =	vmin.f32 v0, $1.000000000e+00  }
0x35f: {  	[tilespmem:s12+$0xC080] =	vst v0;
	v55 =	vmin.f32 v1, $1.000000000e+00  }
0x360: {  	[tilespmem:s12+$0xC100] =	vst v55;
	v56 =	vmin.f32 v2, $1.000000000e+00  }
0x361: {  	[tilespmem:s12+$0xC180] =	vst v56;
	v57 =	vmin.f32 v3, $1.000000000e+00  }
0x362: {  	v58 =	vld [tilespmem:s0+$0xC000];
	[tilespmem:s12+$0xC200] =	vst v57;
	v59 =	vmin.f32 v4, $1.000000000e+00  }
0x363: {  	v60 =	vld [tilespmem:s17+$0xC000];
	[tilespmem:s12+$0xC280] =	vst v59  }
0x364: {  	v0 =	vld [tilespmem:s10+$0xC000];
	_ =	sdelay $0x2  }
0x365: {  	v1 =	vmin.f32 v58, $1.000000000e+00  }
0x366: {  	v61 =	vld [tilespmem:s15+$0xC000];
	s20 =	sor.u32 $0x380, s18;
	v62 =	vmin.f32 v60, $1.000000000e+00;
	[tilespmem:s0+$0xC000] =	vst v1  }
0x367: {  	[tilespmem:s17+$0xC000] =	vst v62;
	v63 =	vld [tilespmem:s20+$0xC000];
	v0 =	vmin.f32 v0, $1.000000000e+00  }
0x368: {  	v1 =	vld [tilespmem:s16+$0xC000];
	[tilespmem:s10+$0xC000] =	vst v0  }
0x369: {  	v0 =	vld [tilespmem:s7+$0xC000]  }
0x36a: {  	s5 =	sadd.s32 $0x1, s5  }
0x36b: {  	p0 =	sne.s32 s5, $0x14;
	v3 =	vmin.f32 v61, $1.000000000e+00  }
.Ltmp10:
0x36c: {  	[tilespmem:s15+$0xC000] =	vst v3;
	v2 =	vmin.f32 v63, $1.000000000e+00;
	(pc) =	sbr.rel @p0 .LBB2_10-.Ltmp10, $4  }
0x36d: {  	v1 =	vmin.f32 v1, $1.000000000e+00;
	[tilespmem:s20+$0xC000] =	vst v2  }
0x36e: {  	[tilespmem:s16+$0xC000] =	vst v1;
	v0 =	vmin.f32 v0, $1.000000000e+00  }
0x36f: {  	s21 =	sadd.s32 s3, s14;
	s2 =	simm.s32 $0x8000;
	s17 =	simm.s32 $0x0;
	[tilespmem:s7+$0xC000] =	vst v0  }
0x370: {  	[hbm4b:s21+s17] =	stream.linear.scatter [tilespmem:s2], [sflag:$0x9], $0x4000, $0x38;
	[tilespmem:$0x18000] =	vst v63  }
0x371: {  	_ =	swait.ge [sflag:s23], $0x4000  }
0x372: {  	[sflag:s23] =	ssyncset.done $0x0  }
0x373: {  	s0 =	simm.s32 $0x0;
	s2 =	rddreg [dreg:$0x13];
	[sflag:s23] =	ssyncadd.s32 $0xFFFFC000  }
0x374: {  	[tilespmem:s0], [sflag:$0x1] =	stream.linear.gather [hbm4b:s2+s0], $0x4000, $0x38;
	[tilespmem:$0x18000] =	vst v63  }
0x375: {  	s13 =	simm.s32 $0x0;
	_ =	swait.ge [sflag:s24], $0x4000  }
0x376: {  	s4 =	sand.u32 $0x3C00, s0;
	s2 =	sand.u32 $0x60, s13;
	[sflag:s24] =	ssyncset.done $0x0  }
0x377: {  	s2 =	sor.u32 s2, s4;
	[sflag:s24] =	ssyncadd.s32 $0xFFFFC000  }
0x378: {  	v0 =	vld [tilespmem:s2+$0x10010]  }
0x379: {  	v1 =	vld [tilespmem:s2+$0x10090]  }
0x37a: {  	v4 =	vld [tilespmem:s2+$0x10210]  }
0x37b: {  	v5 =	vld [tilespmem:s2+$0x10290]  }
0x37c: {  	v2 =	vld [tilespmem:s2+$0x10110]  }
0x37d: {  	v3 =	vld [tilespmem:s2+$0x10190]  }
0x37e: {  	v0 =	vmin.f32 v0, $1.000000000e+00  }
0x37f: {  	v4 =	vmin.f32 v4, $1.000000000e+00;
	[tilespmem:s2+$0x10010] =	vst v0;
	v0 =	vmin.f32 v1, $1.000000000e+00;
	v1 =	vld [tilespmem:s2+$0x10000]  }
0x380: {  	s0 =	sand.u32 $0x3, s0;
	[tilespmem:s2+$0x10210] =	vst v4;
	v4 =	vmin.f32 v5, $1.000000000e+00;
	v5 =	vld [tilespmem:s2+$0x10280]  }
0x381: {  	s0 =	sshll.u32 s0, $0x5;
	[tilespmem:s2+$0x10090] =	vst v0;
	v0 =	vmin.f32 v2, $1.000000000e+00;
	v2 =	vld [tilespmem:s2+$0x10080]  }
0x382: {  	s12 =	sadd.s32 $0x0, s0;
	[tilespmem:s2+$0x10110] =	vst v0;
	v0 =	vmin.f32 v3, $1.000000000e+00;
	v3 =	vld [tilespmem:s2+$0x10100]  }
0x383: {  	s14 =	simm.s32 $0x20;
	s5 =	simm.s32 $0x100;
	s0 =	sadd.s32 $0x10, s12;
	[tilespmem:s2+$0x10190] =	vst v0;
	v0 =	vld [tilespmem:s2+$0x10180]  }
0x384: {  	s5 =	sand.u32 $0x3C00, s5;
	s4 =	sand.u32 $0x60, s14;
	v6 =	vld [tilespmem:s2+$0x10200];
	s9 =	sor.u32 $0x300, s0;
	[tilespmem:s2+$0x10290] =	vst v4;
	v1 =	vmin.f32 v1, $1.000000000e+00  }
0x385: {  	s7 =	sor.u32 s4, s5;
	v4 =	vld [tilespmem:s9+$0x10000];
	v5 =	vmin.f32 v5, $1.000000000e+00;
	[tilespmem:s2+$0x10000] =	vst v1  }
0x386: {  	v1 =	vmin.f32 v2, $1.000000000e+00;
	v2 =	vld [tilespmem:s7+$0x10010];
	[tilespmem:s2+$0x10280] =	vst v5  }
0x387: {  	[tilespmem:s2+$0x10080] =	vst v1;
	v1 =	vmin.f32 v3, $1.000000000e+00;
	v3 =	vld [tilespmem:s7+$0x10090]  }
0x388: {  	[tilespmem:s2+$0x10100] =	vst v1;
	v0 =	vmin.f32 v0, $1.000000000e+00;
	v1 =	vld [tilespmem:s7+$0x10110]  }
0x389: {  	[tilespmem:s2+$0x10180] =	vst v0;
	v0 =	vmin.f32 v6, $1.000000000e+00;
	v6 =	vld [tilespmem:s7+$0x10190]  }
0x38a: {  	[tilespmem:s2+$0x10200] =	vst v0;
	v0 =	vmin.f32 v4, $1.000000000e+00;
	v4 =	vld [tilespmem:s7+$0x10210]  }
0x38b: {  	s0 =	sor.u32 $0x380, s0;
	[tilespmem:s9+$0x10000] =	vst v0;
	v0 =	vmin.f32 v2, $1.000000000e+00;
	v2 =	vld [tilespmem:s7+$0x10290]  }
0x38c: {  	s15 =	simm.s32 $0x1;
	[tilespmem:s7+$0x10010] =	vst v0;
	v0 =	vld [tilespmem:s0+$0x10000];
	v3 =	vmin.f32 v3, $1.000000000e+00  }
0x38d: {  	s4 =	sand.u32 $0x3, s15;
	[tilespmem:s7+$0x10090] =	vst v3;
	v3 =	vld [tilespmem:s7+$0x10000];
	v1 =	vmin.f32 v1, $1.000000000e+00  }
0x38e: {  	s4 =	sshll.u32 s4, $0x5;
	[tilespmem:s7+$0x10110] =	vst v1;
	v1 =	vld [tilespmem:s7+$0x10080];
	v6 =	vmin.f32 v6, $1.000000000e+00  }
0x38f: {  	s10 =	sadd.s32 $0x100, s4;
	[tilespmem:s7+$0x10190] =	vst v6;
	v6 =	vld [tilespmem:s7+$0x10100];
	v4 =	vmin.f32 v4, $1.000000000e+00  }
0x390: {  	s11 =	sadd.s32 $0x10, s10;
	[tilespmem:s7+$0x10210] =	vst v4;
	v4 =	vld [tilespmem:s7+$0x10180];
	v2 =	vmin.f32 v2, $1.000000000e+00  }
0x391: {  	s13 =	sor.u32 $0x300, s11;
	[tilespmem:s7+$0x10290] =	vst v2;
	v2 =	vld [tilespmem:s7+$0x10200];
	v0 =	vmin.f32 v0, $1.000000000e+00  }
0x392: {  	s4 =	simm.s32 $0x40;
	s9 =	simm.s32 $0x200;
	v5 =	vld [tilespmem:s13+$0x10000];
	[tilespmem:s0+$0x10000] =	vst v0;
	v0 =	vmin.f32 v3, $1.000000000e+00  }
0x393: {  	s16 =	sor.u32 $0x300, s12;
	s18 =	sand.u32 $0x60, s4;
	s19 =	sand.u32 $0x3C00, s9;
	v3 =	vld [tilespmem:s7+$0x10280];
	[tilespmem:s7+$0x10000] =	vst v0;
	v0 =	vmin.f32 v1, $1.000000000e+00  }
0x394: {  	s5 =	sor.u32 s18, s19;
	v1 =	vld [tilespmem:s16+$0x10000];
	[tilespmem:s7+$0x10080] =	vst v0;
	v0 =	vmin.f32 v6, $1.000000000e+00  }
0x395: {  	v6 =	vld [tilespmem:s5+$0x10010];
	[tilespmem:s7+$0x10100] =	vst v0;
	v0 =	vmin.f32 v4, $1.000000000e+00  }
0x396: {  	v4 =	vld [tilespmem:s5+$0x10090];
	[tilespmem:s7+$0x10180] =	vst v0;
	v2 =	vmin.f32 v2, $1.000000000e+00  }
0x397: {  	v0 =	vld [tilespmem:s5+$0x10110];
	v5 =	vmin.f32 v5, $1.000000000e+00;
	[tilespmem:s7+$0x10200] =	vst v2  }
0x398: {  	s20 =	sor.u32 $0x380, s11;
	v2 =	vmin.f32 v3, $1.000000000e+00;
	[tilespmem:s13+$0x10000] =	vst v5;
	v5 =	vld [tilespmem:s5+$0x10190]  }
0x399: {  	[tilespmem:s7+$0x10280] =	vst v2;
	v1 =	vmin.f32 v1, $1.000000000e+00;
	v3 =	vld [tilespmem:s20+$0x10000]  }
0x39a: {  	v2 =	vmin.f32 v6, $1.000000000e+00;
	v6 =	vld [tilespmem:s5+$0x10210];
	[tilespmem:s16+$0x10000] =	vst v1  }
0x39b: {  	[tilespmem:s5+$0x10010] =	vst v2;
	v1 =	vmin.f32 v4, $1.000000000e+00;
	v4 =	vld [tilespmem:s5+$0x10290]  }
0x39c: {  	s2 =	simm.s32 $0x2;
	v7 =	vld [tilespmem:s5+$0x10000];
	[tilespmem:s5+$0x10090] =	vst v1;
	v1 =	vmin.f32 v0, $1.000000000e+00  }
0x39d: {  	s21 =	sand.u32 $0x3, s2;
	v0 =	vld [tilespmem:s5+$0x10080];
	[tilespmem:s5+$0x10110] =	vst v1;
	v2 =	vmin.f32 v5, $1.000000000e+00  }
0x39e: {  	s7 =	sshll.u32 s21, $0x5;
	v1 =	vld [tilespmem:s5+$0x10100];
	[tilespmem:s5+$0x10190] =	vst v2;
	v3 =	vmin.f32 v3, $1.000000000e+00  }
0x39f: {  	s12 =	sor.u32 $0x380, s12;
	s7 =	sadd.s32 $0x200, s7;
	v2 =	vld [tilespmem:s5+$0x10180];
	v5 =	vmin.f32 v6, $1.000000000e+00;
	[tilespmem:s20+$0x10000] =	vst v3  }
0x3a0: {  	s14 =	sor.u32 $0x300, s10;
	s13 =	sor.u32 $0x380, s10;
	s15 =	sadd.s32 $0x10, s7;
	v3 =	vld [tilespmem:s5+$0x10200];
	[tilespmem:s5+$0x10210] =	vst v5;
	v6 =	vmin.f32 v4, $1.000000000e+00  }
0x3a1: {  	s10 =	sor.u32 $0x300, s7;
	s7 =	sor.u32 $0x380, s7;
	s0 =	sor.u32 $0x300, s15;
	v5 =	vmin.f32 v7, $1.000000000e+00;
	v4 =	vld [tilespmem:s5+$0x10280];
	[tilespmem:s5+$0x10290] =	vst v6  }
.LBB2_24:
0x3a2: {  	s4 =	sadd.s32 $0x20, s4;
	[tilespmem:s5+$0x10000] =	vst v5;
	v0 =	vmin.f32 v0, $1.000000000e+00;
	v5 =	vld [tilespmem:s0+$0x10000];
	s9 =	sadd.s32 $0x100, s9  }
0x3a3: {  	s11 =	sand.u32 $0x60, s4;
	s16 =	sand.u32 $0x3C00, s9;
	[tilespmem:s5+$0x10080] =	vst v0;
	v0 =	vmin.f32 v1, $1.000000000e+00;
	v1 =	vld [tilespmem:s14+$0x10000]  }
0x3a4: {  	s11 =	sor.u32 s11, s16;
	[tilespmem:s5+$0x10100] =	vst v0;
	v0 =	vmin.f32 v2, $1.000000000e+00;
	v2 =	vld [tilespmem:s12+$0x10000]  }
0x3a5: {  	v6 =	vld [tilespmem:s11+$0x10010];
	[tilespmem:s5+$0x10180] =	vst v0;
	v0 =	vmin.f32 v3, $1.000000000e+00  }
0x3a6: {  	v3 =	vld [tilespmem:s11+$0x10090];
	[tilespmem:s5+$0x10200] =	vst v0;
	v0 =	vmin.f32 v4, $1.000000000e+00  }
0x3a7: {  	v4 =	vld [tilespmem:s11+$0x10110];
	[tilespmem:s5+$0x10280] =	vst v0;
	v0 =	vmin.f32 v5, $1.000000000e+00;
	s5 =	smov.u32 s11  }
0x3a8: {  	p0 =	slt.u32 s4, $0x7E0;
	v5 =	vld [tilespmem:s5+$0x10190];
	[tilespmem:s0+$0x10000] =	vst v0;
	s0 =	sor.u32 $0x380, s15;
	v0 =	vmin.f32 v1, $1.000000000e+00  }
0x3a9: {  	v7 =	vld [tilespmem:s0+$0x10000];
	[tilespmem:s14+$0x10000] =	vst v0;
	v0 =	vmin.f32 v2, $1.000000000e+00;
	s14 =	smov.u32 s10  }
0x3aa: {  	v1 =	vmin.f32 v6, $1.000000000e+00;
	v6 =	vld [tilespmem:s5+$0x10210];
	[tilespmem:s12+$0x10000] =	vst v0;
	s12 =	smov.u32 s13;
	s13 =	smov.u32 s7  }
0x3ab: {  	[tilespmem:s5+$0x10010] =	vst v1;
	v0 =	vmin.f32 v3, $1.000000000e+00;
	v8 =	vld [tilespmem:s5+$0x10290]  }
0x3ac: {  	s2 =	sadd.s32 $0x1, s2;
	v9 =	vld [tilespmem:s5+$0x10000];
	[tilespmem:s5+$0x10090] =	vst v0;
	v1 =	vmin.f32 v4, $1.000000000e+00  }
.Ltmp11:
0x3ad: {  	s7 =	sand.u32 $0x3, s2;
	v0 =	vld [tilespmem:s5+$0x10080];
	[tilespmem:s5+$0x10110] =	vst v1;
	v2 =	vmin.f32 v5, $1.000000000e+00;
	(pc) =	sbr.rel @p0 .LBB2_24-.Ltmp11, $4  }
0x3ae: {  	s7 =	sshll.u32 s7, $0x5;
	v1 =	vld [tilespmem:s5+$0x10100];
	[tilespmem:s5+$0x10190] =	vst v2;
	v3 =	vmin.f32 v7, $1.000000000e+00  }
0x3af: {  	s11 =	sadd.s32 s7, s9;
	v2 =	vld [tilespmem:s5+$0x10180];
	v4 =	vmin.f32 v6, $1.000000000e+00;
	[tilespmem:s0+$0x10000] =	vst v3  }
0x3b0: {  	s10 =	sor.u32 $0x300, s11;
	s7 =	sor.u32 $0x380, s11;
	s15 =	sadd.s32 $0x10, s11;
	v3 =	vld [tilespmem:s5+$0x10200];
	[tilespmem:s5+$0x10210] =	vst v4;
	v6 =	vmin.f32 v8, $1.000000000e+00  }
0x3b1: {  	s0 =	sor.u32 $0x300, s15;
	v5 =	vmin.f32 v9, $1.000000000e+00;
	v4 =	vld [tilespmem:s5+$0x10280];
	[tilespmem:s5+$0x10290] =	vst v6  }
0x3b2: {  	[tilespmem:s5+$0x10000] =	vst v5;
	v0 =	vmin.f32 v0, $1.000000000e+00  }
0x3b3: {  	[tilespmem:s5+$0x10080] =	vst v0;
	v0 =	vmin.f32 v1, $1.000000000e+00  }
0x3b4: {  	[tilespmem:s5+$0x10100] =	vst v0;
	v0 =	vmin.f32 v2, $1.000000000e+00  }
0x3b5: {  	[tilespmem:s5+$0x10180] =	vst v0;
	v0 =	vmin.f32 v3, $1.000000000e+00  }
0x3b6: {  	v1 =	vld [tilespmem:s0+$0x10000];
	[tilespmem:s5+$0x10200] =	vst v0;
	v0 =	vmin.f32 v4, $1.000000000e+00  }
0x3b7: {  	v2 =	vld [tilespmem:s14+$0x10000];
	[tilespmem:s5+$0x10280] =	vst v0  }
0x3b8: {  	v0 =	vld [tilespmem:s10+$0x10000];
	_ =	sdelay $0x2  }
0x3b9: {  	v1 =	vmin.f32 v1, $1.000000000e+00  }
0x3ba: {  	s11 =	sor.u32 $0x380, s15;
	v3 =	vld [tilespmem:s12+$0x10000];
	[tilespmem:s0+$0x10000] =	vst v1;
	v1 =	vmin.f32 v2, $1.000000000e+00  }
0x3bb: {  	v2 =	vld [tilespmem:s11+$0x10000];
	[tilespmem:s14+$0x10000] =	vst v1;
	v0 =	vmin.f32 v0, $1.000000000e+00  }
0x3bc: {  	v1 =	vld [tilespmem:s13+$0x10000];
	[tilespmem:s10+$0x10000] =	vst v0  }
0x3bd: {  	v0 =	vld [tilespmem:s7+$0x10000];
	_ =	sdelay $0x1  }
0x3be: {  	v3 =	vmin.f32 v3, $1.000000000e+00  }
0x3bf: {  	[tilespmem:s12+$0x10000] =	vst v3;
	v2 =	vmin.f32 v2, $1.000000000e+00  }
0x3c0: {  	[tilespmem:s11+$0x10000] =	vst v2;
	v1 =	vmin.f32 v1, $1.000000000e+00  }
0x3c1: {  	[tilespmem:s13+$0x10000] =	vst v1;
	v0 =	vmin.f32 v0, $1.000000000e+00  }
0x3c2: {  	[tilespmem:s7+$0x10000] =	vst v0  }
0x3c3: {  	s4 =	simm.s32 $0xC000;
	s14 =	simm.s32 $0x0;
	s2 =	rddreg [dreg:$0x1a]  }
0x3c4: {  	[hbm4b:s2+s14] =	stream.linear.scatter [tilespmem:s4], [sflag:$0xA], $0x4000, $0x38;
	[tilespmem:$0x18000] =	vst v63  }
0x3c5: {  	_ =	swait.ge [sflag:s25], $0x4000  }
0x3c6: {  	[sflag:s25] =	ssyncset.done $0x0  }
0x3c7: {  	s15 =	rddreg [dreg:$0x14];
	[sflag:s25] =	ssyncadd.s32 $0xFFFFC000  }
0x3c8: {  	[tilespmem:s22], [sflag:$0x2] =	stream.linear.gather [hbm4b:s15+s14], $0x4000, $0x38;
	[tilespmem:$0x18000] =	vst v63  }
0x3c9: {  	s16 =	simm.s32 $0x0;
	_ =	swait.ge [sflag:s26], $0x4000  }
0x3ca: {  	s18 =	sand.u32 $0x3C00, s14;
	s2 =	sand.u32 $0x60, s16;
	[sflag:s26] =	ssyncset.done $0x0  }
0x3cb: {  	s2 =	sor.u32 s2, s18;
	[sflag:s26] =	ssyncadd.s32 $0xFFFFC000  }
0x3cc: {  	v0 =	vld [tilespmem:s2+$0x14010]  }
0x3cd: {  	v1 =	vld [tilespmem:s2+$0x14090]  }
0x3ce: {  	v4 =	vld [tilespmem:s2+$0x14210]  }
0x3cf: {  	v5 =	vld [tilespmem:s2+$0x14290]  }
0x3d0: {  	v2 =	vld [tilespmem:s2+$0x14110]  }
0x3d1: {  	v3 =	vld [tilespmem:s2+$0x14190]  }
0x3d2: {  	v0 =	vmin.f32 v0, $1.000000000e+00  }
0x3d3: {  	v4 =	vmin.f32 v4, $1.000000000e+00;
	[tilespmem:s2+$0x14010] =	vst v0;
	v0 =	vmin.f32 v1, $1.000000000e+00;
	v1 =	vld [tilespmem:s2+$0x14000]  }
0x3d4: {  	s0 =	sand.u32 $0x3, s14;
	[tilespmem:s2+$0x14210] =	vst v4;
	v4 =	vmin.f32 v5, $1.000000000e+00;
	v5 =	vld [tilespmem:s2+$0x14280]  }
0x3d5: {  	s0 =	sshll.u32 s0, $0x5;
	[tilespmem:s2+$0x14090] =	vst v0;
	v0 =	vmin.f32 v2, $1.000000000e+00;
	v2 =	vld [tilespmem:s2+$0x14080]  }
0x3d6: {  	s12 =	sadd.s32 $0x0, s0;
	[tilespmem:s2+$0x14110] =	vst v0;
	v0 =	vmin.f32 v3, $1.000000000e+00;
	v3 =	vld [tilespmem:s2+$0x14100]  }
0x3d7: {  	s19 =	simm.s32 $0x20;
	s20 =	simm.s32 $0x100;
	s0 =	sadd.s32 $0x10, s12;
	[tilespmem:s2+$0x14190] =	vst v0;
	v0 =	vld [tilespmem:s2+$0x14180]  }
0x3d8: {  	s5 =	sand.u32 $0x3C00, s20;
	s9 =	sor.u32 $0x300, s0;
	s4 =	sand.u32 $0x60, s19;
	v6 =	vld [tilespmem:s2+$0x14200];
	[tilespmem:s2+$0x14290] =	vst v4;
	v1 =	vmin.f32 v1, $1.000000000e+00  }
0x3d9: {  	s21 =	sor.u32 s4, s5;
	v4 =	vld [tilespmem:s9+$0x14000];
	v5 =	vmin.f32 v5, $1.000000000e+00;
	[tilespmem:s2+$0x14000] =	vst v1  }
0x3da: {  	v1 =	vmin.f32 v2, $1.000000000e+00;
	v2 =	vld [tilespmem:s21+$0x14010];
	[tilespmem:s2+$0x14280] =	vst v5  }
0x3db: {  	[tilespmem:s2+$0x14080] =	vst v1;
	v1 =	vmin.f32 v3, $1.000000000e+00;
	v3 =	vld [tilespmem:s21+$0x14090]  }
0x3dc: {  	[tilespmem:s2+$0x14100] =	vst v1;
	v0 =	vmin.f32 v0, $1.000000000e+00;
	v1 =	vld [tilespmem:s21+$0x14110]  }
0x3dd: {  	[tilespmem:s2+$0x14180] =	vst v0;
	v0 =	vmin.f32 v6, $1.000000000e+00;
	v6 =	vld [tilespmem:s21+$0x14190]  }
0x3de: {  	[tilespmem:s2+$0x14200] =	vst v0;
	v0 =	vmin.f32 v4, $1.000000000e+00;
	v4 =	vld [tilespmem:s21+$0x14210]  }
0x3df: {  	s0 =	sor.u32 $0x380, s0;
	[tilespmem:s9+$0x14000] =	vst v0;
	v0 =	vmin.f32 v2, $1.000000000e+00;
	v2 =	vld [tilespmem:s21+$0x14290]  }
0x3e0: {  	s14 =	simm.s32 $0x1;
	[tilespmem:s21+$0x14010] =	vst v0;
	v0 =	vld [tilespmem:s0+$0x14000];
	v3 =	vmin.f32 v3, $1.000000000e+00  }
0x3e1: {  	s4 =	sand.u32 $0x3, s14;
	[tilespmem:s21+$0x14090] =	vst v3;
	v3 =	vld [tilespmem:s21+$0x14000];
	v1 =	vmin.f32 v1, $1.000000000e+00  }
0x3e2: {  	s4 =	sshll.u32 s4, $0x5;
	[tilespmem:s21+$0x14110] =	vst v1;
	v1 =	vld [tilespmem:s21+$0x14080];
	v6 =	vmin.f32 v6, $1.000000000e+00  }
0x3e3: {  	s10 =	sadd.s32 $0x100, s4;
	[tilespmem:s21+$0x14190] =	vst v6;
	v6 =	vld [tilespmem:s21+$0x14100];
	v4 =	vmin.f32 v4, $1.000000000e+00  }
0x3e4: {  	s11 =	sadd.s32 $0x10, s10;
	[tilespmem:s21+$0x14210] =	vst v4;
	v4 =	vld [tilespmem:s21+$0x14180];
	v2 =	vmin.f32 v2, $1.000000000e+00  }
0x3e5: {  	s15 =	sor.u32 $0x300, s11;
	[tilespmem:s21+$0x14290] =	vst v2;
	v2 =	vld [tilespmem:s21+$0x14200];
	v0 =	vmin.f32 v0, $1.000000000e+00  }
0x3e6: {  	s4 =	simm.s32 $0x40;
	s9 =	simm.s32 $0x200;
	v5 =	vld [tilespmem:s15+$0x14000];
	[tilespmem:s0+$0x14000] =	vst v0;
	v0 =	vmin.f32 v3, $1.000000000e+00  }
0x3e7: {  	s16 =	sor.u32 $0x300, s12;
	s18 =	sand.u32 $0x60, s4;
	s19 =	sand.u32 $0x3C00, s9;
	v3 =	vld [tilespmem:s21+$0x14280];
	[tilespmem:s21+$0x14000] =	vst v0;
	v0 =	vmin.f32 v1, $1.000000000e+00  }
0x3e8: {  	s5 =	sor.u32 s18, s19;
	v1 =	vld [tilespmem:s16+$0x14000];
	[tilespmem:s21+$0x14080] =	vst v0;
	v0 =	vmin.f32 v6, $1.000000000e+00  }
0x3e9: {  	v6 =	vld [tilespmem:s5+$0x14010];
	[tilespmem:s21+$0x14100] =	vst v0;
	v0 =	vmin.f32 v4, $1.000000000e+00  }
0x3ea: {  	v4 =	vld [tilespmem:s5+$0x14090];
	[tilespmem:s21+$0x14180] =	vst v0;
	v2 =	vmin.f32 v2, $1.000000000e+00  }
0x3eb: {  	v0 =	vld [tilespmem:s5+$0x14110];
	v5 =	vmin.f32 v5, $1.000000000e+00;
	[tilespmem:s21+$0x14200] =	vst v2  }
0x3ec: {  	s20 =	sor.u32 $0x380, s11;
	v2 =	vmin.f32 v3, $1.000000000e+00;
	[tilespmem:s15+$0x14000] =	vst v5;
	v5 =	vld [tilespmem:s5+$0x14190]  }
0x3ed: {  	[tilespmem:s21+$0x14280] =	vst v2;
	v1 =	vmin.f32 v1, $1.000000000e+00;
	v3 =	vld [tilespmem:s20+$0x14000]  }
0x3ee: {  	v2 =	vmin.f32 v6, $1.000000000e+00;
	v6 =	vld [tilespmem:s5+$0x14210];
	[tilespmem:s16+$0x14000] =	vst v1  }
0x3ef: {  	[tilespmem:s5+$0x14010] =	vst v2;
	v1 =	vmin.f32 v4, $1.000000000e+00;
	v4 =	vld [tilespmem:s5+$0x14290]  }
0x3f0: {  	s2 =	simm.s32 $0x2;
	v7 =	vld [tilespmem:s5+$0x14000];
	[tilespmem:s5+$0x14090] =	vst v1;
	v1 =	vmin.f32 v0, $1.000000000e+00  }
0x3f1: {  	s21 =	sand.u32 $0x3, s2;
	v0 =	vld [tilespmem:s5+$0x14080];
	[tilespmem:s5+$0x14110] =	vst v1;
	v2 =	vmin.f32 v5, $1.000000000e+00  }
0x3f2: {  	s7 =	sshll.u32 s21, $0x5;
	v1 =	vld [tilespmem:s5+$0x14100];
	[tilespmem:s5+$0x14190] =	vst v2;
	v3 =	vmin.f32 v3, $1.000000000e+00  }
0x3f3: {  	s12 =	sor.u32 $0x380, s12;
	s7 =	sadd.s32 $0x200, s7;
	v2 =	vld [tilespmem:s5+$0x14180];
	v5 =	vmin.f32 v6, $1.000000000e+00;
	[tilespmem:s20+$0x14000] =	vst v3  }
0x3f4: {  	s14 =	sor.u32 $0x300, s10;
	s13 =	sor.u32 $0x380, s10;
	s15 =	sadd.s32 $0x10, s7;
	v3 =	vld [tilespmem:s5+$0x14200];
	[tilespmem:s5+$0x14210] =	vst v5;
	v6 =	vmin.f32 v4, $1.000000000e+00  }
0x3f5: {  	s10 =	sor.u32 $0x300, s7;
	s7 =	sor.u32 $0x380, s7;
	s0 =	sor.u32 $0x300, s15;
	v5 =	vmin.f32 v7, $1.000000000e+00;
	v4 =	vld [tilespmem:s5+$0x14280];
	[tilespmem:s5+$0x14290] =	vst v6  }
.LBB2_26:
0x3f6: {  	s4 =	sadd.s32 $0x20, s4;
	[tilespmem:s5+$0x14000] =	vst v5;
	v0 =	vmin.f32 v0, $1.000000000e+00;
	v5 =	vld [tilespmem:s0+$0x14000];
	s9 =	sadd.s32 $0x100, s9  }
0x3f7: {  	s11 =	sand.u32 $0x60, s4;
	s16 =	sand.u32 $0x3C00, s9;
	[tilespmem:s5+$0x14080] =	vst v0;
	v0 =	vmin.f32 v1, $1.000000000e+00;
	v1 =	vld [tilespmem:s14+$0x14000]  }
0x3f8: {  	s11 =	sor.u32 s11, s16;
	[tilespmem:s5+$0x14100] =	vst v0;
	v0 =	vmin.f32 v2, $1.000000000e+00;
	v2 =	vld [tilespmem:s12+$0x14000]  }
0x3f9: {  	v6 =	vld [tilespmem:s11+$0x14010];
	[tilespmem:s5+$0x14180] =	vst v0;
	v0 =	vmin.f32 v3, $1.000000000e+00  }
0x3fa: {  	v3 =	vld [tilespmem:s11+$0x14090];
	[tilespmem:s5+$0x14200] =	vst v0;
	v0 =	vmin.f32 v4, $1.000000000e+00  }
0x3fb: {  	v4 =	vld [tilespmem:s11+$0x14110];
	[tilespmem:s5+$0x14280] =	vst v0;
	v0 =	vmin.f32 v5, $1.000000000e+00;
	s5 =	smov.u32 s11  }
0x3fc: {  	p0 =	slt.u32 s4, $0x7E0;
	v5 =	vld [tilespmem:s5+$0x14190];
	[tilespmem:s0+$0x14000] =	vst v0;
	s0 =	sor.u32 $0x380, s15;
	v0 =	vmin.f32 v1, $1.000000000e+00  }
0x3fd: {  	v7 =	vld [tilespmem:s0+$0x14000];
	[tilespmem:s14+$0x14000] =	vst v0;
	v0 =	vmin.f32 v2, $1.000000000e+00;
	s14 =	smov.u32 s10  }
0x3fe: {  	v1 =	vmin.f32 v6, $1.000000000e+00;
	v6 =	vld [tilespmem:s5+$0x14210];
	[tilespmem:s12+$0x14000] =	vst v0;
	s12 =	smov.u32 s13;
	s13 =	smov.u32 s7  }
0x3ff: {  	[tilespmem:s5+$0x14010] =	vst v1;
	v0 =	vmin.f32 v3, $1.000000000e+00;
	v8 =	vld [tilespmem:s5+$0x14290]  }
0x400: {  	s2 =	sadd.s32 $0x1, s2;
	v9 =	vld [tilespmem:s5+$0x14000];
	[tilespmem:s5+$0x14090] =	vst v0;
	v1 =	vmin.f32 v4, $1.000000000e+00  }
.Ltmp12:
0x401: {  	s7 =	sand.u32 $0x3, s2;
	v0 =	vld [tilespmem:s5+$0x14080];
	[tilespmem:s5+$0x14110] =	vst v1;
	v2 =	vmin.f32 v5, $1.000000000e+00;
	(pc) =	sbr.rel @p0 .LBB2_26-.Ltmp12, $4  }
0x402: {  	s7 =	sshll.u32 s7, $0x5;
	v1 =	vld [tilespmem:s5+$0x14100];
	[tilespmem:s5+$0x14190] =	vst v2;
	v3 =	vmin.f32 v7, $1.000000000e+00  }
0x403: {  	s11 =	sadd.s32 s7, s9;
	v2 =	vld [tilespmem:s5+$0x14180];
	v4 =	vmin.f32 v6, $1.000000000e+00;
	[tilespmem:s0+$0x14000] =	vst v3  }
0x404: {  	s10 =	sor.u32 $0x300, s11;
	s7 =	sor.u32 $0x380, s11;
	s15 =	sadd.s32 $0x10, s11;
	v3 =	vld [tilespmem:s5+$0x14200];
	[tilespmem:s5+$0x14210] =	vst v4;
	v6 =	vmin.f32 v8, $1.000000000e+00  }
0x405: {  	s0 =	sor.u32 $0x300, s15;
	v5 =	vmin.f32 v9, $1.000000000e+00;
	v4 =	vld [tilespmem:s5+$0x14280];
	[tilespmem:s5+$0x14290] =	vst v6  }
0x406: {  	[tilespmem:s5+$0x14000] =	vst v5;
	v0 =	vmin.f32 v0, $1.000000000e+00  }
0x407: {  	[tilespmem:s5+$0x14080] =	vst v0;
	v0 =	vmin.f32 v1, $1.000000000e+00  }
0x408: {  	[tilespmem:s5+$0x14100] =	vst v0;
	v0 =	vmin.f32 v2, $1.000000000e+00  }
0x409: {  	[tilespmem:s5+$0x14180] =	vst v0;
	v0 =	vmin.f32 v3, $1.000000000e+00  }
0x40a: {  	v1 =	vld [tilespmem:s0+$0x14000];
	[tilespmem:s5+$0x14200] =	vst v0;
	v0 =	vmin.f32 v4, $1.000000000e+00  }
0x40b: {  	v2 =	vld [tilespmem:s14+$0x14000];
	[tilespmem:s5+$0x14280] =	vst v0  }
0x40c: {  	v0 =	vld [tilespmem:s10+$0x14000];
	_ =	sdelay $0x2  }
0x40d: {  	v1 =	vmin.f32 v1, $1.000000000e+00  }
0x40e: {  	s11 =	sor.u32 $0x380, s15;
	v3 =	vld [tilespmem:s12+$0x14000];
	[tilespmem:s0+$0x14000] =	vst v1;
	v1 =	vmin.f32 v2, $1.000000000e+00  }
0x40f: {  	v2 =	vld [tilespmem:s11+$0x14000];
	[tilespmem:s14+$0x14000] =	vst v1;
	v0 =	vmin.f32 v0, $1.000000000e+00  }
0x410: {  	v1 =	vld [tilespmem:s13+$0x14000];
	[tilespmem:s10+$0x14000] =	vst v0  }
0x411: {  	v0 =	vld [tilespmem:s7+$0x14000];
	_ =	sdelay $0x1  }
0x412: {  	v3 =	vmin.f32 v3, $1.000000000e+00  }
0x413: {  	[tilespmem:s12+$0x14000] =	vst v3;
	v2 =	vmin.f32 v2, $1.000000000e+00  }
0x414: {  	[tilespmem:s11+$0x14000] =	vst v2;
	v1 =	vmin.f32 v1, $1.000000000e+00  }
0x415: {  	[tilespmem:s13+$0x14000] =	vst v1;
	v0 =	vmin.f32 v0, $1.000000000e+00  }
0x416: {  	[tilespmem:s7+$0x14000] =	vst v0  }
0x417: {  	s15 =	simm.s32 $0x0;
	s4 =	simm.s32 $0x10000;
	s2 =	rddreg [dreg:$0x1b]  }
0x418: {  	[hbm4b:s2+s15] =	stream.linear.scatter [tilespmem:s4], [sflag:$0xB], $0x4000, $0x38;
	[tilespmem:$0x18000] =	vst v63  }
0x419: {  	s16 =	simm.s32 $0x0;
	_ =	swait.ge [sflag:s6], $0x4000  }
0x41a: {  	s18 =	sand.u32 $0x3C00, s15;
	s2 =	sand.u32 $0x60, s16;
	[sflag:s6] =	ssyncset.done $0x0  }
0x41b: {  	s2 =	sor.u32 s2, s18;
	[sflag:s6] =	ssyncadd.s32 $0xFFFFC000  }
0x41c: {  	v0 =	vld [tilespmem:s2+$0x10]  }
0x41d: {  	v1 =	vld [tilespmem:s2+$0x90]  }
0x41e: {  	v4 =	vld [tilespmem:s2+$0x210]  }
0x41f: {  	v5 =	vld [tilespmem:s2+$0x290]  }
0x420: {  	v2 =	vld [tilespmem:s2+$0x110]  }
0x421: {  	v3 =	vld [tilespmem:s2+$0x190]  }
0x422: {  	v0 =	vmin.f32 v0, $1.000000000e+00  }
0x423: {  	v4 =	vmin.f32 v4, $1.000000000e+00;
	[tilespmem:s2+$0x10] =	vst v0;
	v0 =	vmin.f32 v1, $1.000000000e+00;
	v1 =	vld [tilespmem:s2+$0x0]  }
0x424: {  	s0 =	sand.u32 $0x3, s15;
	[tilespmem:s2+$0x210] =	vst v4;
	v4 =	vmin.f32 v5, $1.000000000e+00;
	v5 =	vld [tilespmem:s2+$0x280]  }
0x425: {  	s0 =	sshll.u32 s0, $0x5;
	[tilespmem:s2+$0x90] =	vst v0;
	v0 =	vmin.f32 v2, $1.000000000e+00;
	v2 =	vld [tilespmem:s2+$0x80]  }
0x426: {  	s12 =	sadd.s32 $0x0, s0;
	[tilespmem:s2+$0x110] =	vst v0;
	v0 =	vmin.f32 v3, $1.000000000e+00;
	v3 =	vld [tilespmem:s2+$0x100]  }
0x427: {  	s19 =	simm.s32 $0x20;
	s20 =	simm.s32 $0x100;
	s0 =	sadd.s32 $0x10, s12;
	[tilespmem:s2+$0x190] =	vst v0;
	v0 =	vld [tilespmem:s2+$0x180]  }
0x428: {  	s5 =	sand.u32 $0x3C00, s20;
	s9 =	sor.u32 $0x300, s0;
	s4 =	sand.u32 $0x60, s19;
	v6 =	vld [tilespmem:s2+$0x200];
	[tilespmem:s2+$0x290] =	vst v4;
	v1 =	vmin.f32 v1, $1.000000000e+00  }
0x429: {  	s21 =	sor.u32 s4, s5;
	v4 =	vld [tilespmem:s9+$0x0];
	v5 =	vmin.f32 v5, $1.000000000e+00;
	[tilespmem:s2+$0x0] =	vst v1  }
0x42a: {  	v1 =	vmin.f32 v2, $1.000000000e+00;
	v2 =	vld [tilespmem:s21+$0x10];
	[tilespmem:s2+$0x280] =	vst v5  }
0x42b: {  	[tilespmem:s2+$0x80] =	vst v1;
	v1 =	vmin.f32 v3, $1.000000000e+00;
	v3 =	vld [tilespmem:s21+$0x90]  }
0x42c: {  	[tilespmem:s2+$0x100] =	vst v1;
	v0 =	vmin.f32 v0, $1.000000000e+00;
	v1 =	vld [tilespmem:s21+$0x110]  }
0x42d: {  	[tilespmem:s2+$0x180] =	vst v0;
	v0 =	vmin.f32 v6, $1.000000000e+00;
	v6 =	vld [tilespmem:s21+$0x190]  }
0x42e: {  	[tilespmem:s2+$0x200] =	vst v0;
	v0 =	vmin.f32 v4, $1.000000000e+00;
	v4 =	vld [tilespmem:s21+$0x210]  }
0x42f: {  	s0 =	sor.u32 $0x380, s0;
	[tilespmem:s9+$0x0] =	vst v0;
	v0 =	vmin.f32 v2, $1.000000000e+00;
	v2 =	vld [tilespmem:s21+$0x290]  }
0x430: {  	s14 =	simm.s32 $0x1;
	[tilespmem:s21+$0x10] =	vst v0;
	v0 =	vld [tilespmem:s0+$0x0];
	v3 =	vmin.f32 v3, $1.000000000e+00  }
0x431: {  	s4 =	sand.u32 $0x3, s14;
	[tilespmem:s21+$0x90] =	vst v3;
	v3 =	vld [tilespmem:s21+$0x0];
	v1 =	vmin.f32 v1, $1.000000000e+00  }
0x432: {  	s4 =	sshll.u32 s4, $0x5;
	[tilespmem:s21+$0x110] =	vst v1;
	v1 =	vld [tilespmem:s21+$0x80];
	v6 =	vmin.f32 v6, $1.000000000e+00  }
0x433: {  	s10 =	sadd.s32 $0x100, s4;
	[tilespmem:s21+$0x190] =	vst v6;
	v6 =	vld [tilespmem:s21+$0x100];
	v4 =	vmin.f32 v4, $1.000000000e+00  }
0x434: {  	s11 =	sadd.s32 $0x10, s10;
	[tilespmem:s21+$0x210] =	vst v4;
	v4 =	vld [tilespmem:s21+$0x180];
	v2 =	vmin.f32 v2, $1.000000000e+00  }
0x435: {  	s15 =	sor.u32 $0x300, s11;
	[tilespmem:s21+$0x290] =	vst v2;
	v2 =	vld [tilespmem:s21+$0x200];
	v0 =	vmin.f32 v0, $1.000000000e+00  }
0x436: {  	s4 =	simm.s32 $0x40;
	s9 =	simm.s32 $0x200;
	v5 =	vld [tilespmem:s15+$0x0];
	[tilespmem:s0+$0x0] =	vst v0;
	v0 =	vmin.f32 v3, $1.000000000e+00  }
0x437: {  	s16 =	sor.u32 $0x300, s12;
	s18 =	sand.u32 $0x60, s4;
	s19 =	sand.u32 $0x3C00, s9;
	v3 =	vld [tilespmem:s21+$0x280];
	[tilespmem:s21+$0x0] =	vst v0;
	v0 =	vmin.f32 v1, $1.000000000e+00  }
0x438: {  	s5 =	sor.u32 s18, s19;
	v1 =	vld [tilespmem:s16+$0x0];
	[tilespmem:s21+$0x80] =	vst v0;
	v0 =	vmin.f32 v6, $1.000000000e+00  }
0x439: {  	v6 =	vld [tilespmem:s5+$0x10];
	[tilespmem:s21+$0x100] =	vst v0;
	v0 =	vmin.f32 v4, $1.000000000e+00  }
0x43a: {  	v4 =	vld [tilespmem:s5+$0x90];
	[tilespmem:s21+$0x180] =	vst v0;
	v2 =	vmin.f32 v2, $1.000000000e+00  }
0x43b: {  	v0 =	vld [tilespmem:s5+$0x110];
	v5 =	vmin.f32 v5, $1.000000000e+00;
	[tilespmem:s21+$0x200] =	vst v2  }
0x43c: {  	s20 =	sor.u32 $0x380, s11;
	v2 =	vmin.f32 v3, $1.000000000e+00;
	[tilespmem:s15+$0x0] =	vst v5;
	v5 =	vld [tilespmem:s5+$0x190]  }
0x43d: {  	[tilespmem:s21+$0x280] =	vst v2;
	v1 =	vmin.f32 v1, $1.000000000e+00;
	v3 =	vld [tilespmem:s20+$0x0]  }
0x43e: {  	v2 =	vmin.f32 v6, $1.000000000e+00;
	v6 =	vld [tilespmem:s5+$0x210];
	[tilespmem:s16+$0x0] =	vst v1  }
0x43f: {  	[tilespmem:s5+$0x10] =	vst v2;
	v1 =	vmin.f32 v4, $1.000000000e+00;
	v4 =	vld [tilespmem:s5+$0x290]  }
0x440: {  	s2 =	simm.s32 $0x2;
	v7 =	vld [tilespmem:s5+$0x0];
	[tilespmem:s5+$0x90] =	vst v1;
	v1 =	vmin.f32 v0, $1.000000000e+00  }
0x441: {  	s21 =	sand.u32 $0x3, s2;
	v0 =	vld [tilespmem:s5+$0x80];
	[tilespmem:s5+$0x110] =	vst v1;
	v2 =	vmin.f32 v5, $1.000000000e+00  }
0x442: {  	s7 =	sshll.u32 s21, $0x5;
	v1 =	vld [tilespmem:s5+$0x100];
	[tilespmem:s5+$0x190] =	vst v2;
	v3 =	vmin.f32 v3, $1.000000000e+00  }
0x443: {  	s12 =	sor.u32 $0x380, s12;
	s7 =	sadd.s32 $0x200, s7;
	v2 =	vld [tilespmem:s5+$0x180];
	v5 =	vmin.f32 v6, $1.000000000e+00;
	[tilespmem:s20+$0x0] =	vst v3  }
0x444: {  	s14 =	sor.u32 $0x300, s10;
	s13 =	sor.u32 $0x380, s10;
	s15 =	sadd.s32 $0x10, s7;
	v3 =	vld [tilespmem:s5+$0x200];
	[tilespmem:s5+$0x210] =	vst v5;
	v6 =	vmin.f32 v4, $1.000000000e+00  }
0x445: {  	s10 =	sor.u32 $0x300, s7;
	s7 =	sor.u32 $0x380, s7;
	s0 =	sor.u32 $0x300, s15;
	v5 =	vmin.f32 v7, $1.000000000e+00;
	v4 =	vld [tilespmem:s5+$0x280];
	[tilespmem:s5+$0x290] =	vst v6  }
.LBB2_28:
0x446: {  	s4 =	sadd.s32 $0x20, s4;
	[tilespmem:s5+$0x0] =	vst v5;
	v0 =	vmin.f32 v0, $1.000000000e+00;
	v5 =	vld [tilespmem:s0+$0x0];
	s9 =	sadd.s32 $0x100, s9  }
0x447: {  	s11 =	sand.u32 $0x60, s4;
	s16 =	sand.u32 $0x3C00, s9;
	[tilespmem:s5+$0x80] =	vst v0;
	v0 =	vmin.f32 v1, $1.000000000e+00;
	v1 =	vld [tilespmem:s14+$0x0]  }
0x448: {  	s11 =	sor.u32 s11, s16;
	[tilespmem:s5+$0x100] =	vst v0;
	v0 =	vmin.f32 v2, $1.000000000e+00;
	v2 =	vld [tilespmem:s12+$0x0]  }
0x449: {  	v6 =	vld [tilespmem:s11+$0x10];
	[tilespmem:s5+$0x180] =	vst v0;
	v0 =	vmin.f32 v3, $1.000000000e+00  }
0x44a: {  	v3 =	vld [tilespmem:s11+$0x90];
	[tilespmem:s5+$0x200] =	vst v0;
	v0 =	vmin.f32 v4, $1.000000000e+00  }
0x44b: {  	v4 =	vld [tilespmem:s11+$0x110];
	[tilespmem:s5+$0x280] =	vst v0;
	v0 =	vmin.f32 v5, $1.000000000e+00;
	s5 =	smov.u32 s11  }
0x44c: {  	p0 =	slt.u32 s4, $0x7E0;
	v5 =	vld [tilespmem:s5+$0x190];
	[tilespmem:s0+$0x0] =	vst v0;
	s0 =	sor.u32 $0x380, s15;
	v0 =	vmin.f32 v1, $1.000000000e+00  }
0x44d: {  	v7 =	vld [tilespmem:s0+$0x0];
	[tilespmem:s14+$0x0] =	vst v0;
	v0 =	vmin.f32 v2, $1.000000000e+00;
	s14 =	smov.u32 s10  }
0x44e: {  	v1 =	vmin.f32 v6, $1.000000000e+00;
	v6 =	vld [tilespmem:s5+$0x210];
	[tilespmem:s12+$0x0] =	vst v0;
	s12 =	smov.u32 s13;
	s13 =	smov.u32 s7  }
0x44f: {  	[tilespmem:s5+$0x10] =	vst v1;
	v0 =	vmin.f32 v3, $1.000000000e+00;
	v8 =	vld [tilespmem:s5+$0x290]  }
0x450: {  	s2 =	sadd.s32 $0x1, s2;
	v9 =	vld [tilespmem:s5+$0x0];
	[tilespmem:s5+$0x90] =	vst v0;
	v1 =	vmin.f32 v4, $1.000000000e+00  }
.Ltmp13:
0x451: {  	s7 =	sand.u32 $0x3, s2;
	v0 =	vld [tilespmem:s5+$0x80];
	[tilespmem:s5+$0x110] =	vst v1;
	v2 =	vmin.f32 v5, $1.000000000e+00;
	(pc) =	sbr.rel @p0 .LBB2_28-.Ltmp13, $4  }
0x452: {  	s7 =	sshll.u32 s7, $0x5;
	v1 =	vld [tilespmem:s5+$0x100];
	[tilespmem:s5+$0x190] =	vst v2;
	v3 =	vmin.f32 v7, $1.000000000e+00  }
0x453: {  	s11 =	sadd.s32 s7, s9;
	v2 =	vld [tilespmem:s5+$0x180];
	v4 =	vmin.f32 v6, $1.000000000e+00;
	[tilespmem:s0+$0x0] =	vst v3  }
0x454: {  	s10 =	sor.u32 $0x300, s11;
	s7 =	sor.u32 $0x380, s11;
	s15 =	sadd.s32 $0x10, s11;
	v3 =	vld [tilespmem:s5+$0x200];
	[tilespmem:s5+$0x210] =	vst v4;
	v6 =	vmin.f32 v8, $1.000000000e+00  }
0x455: {  	s0 =	sor.u32 $0x300, s15;
	v5 =	vmin.f32 v9, $1.000000000e+00;
	v4 =	vld [tilespmem:s5+$0x280];
	[tilespmem:s5+$0x290] =	vst v6  }
0x456: {  	[tilespmem:s5+$0x0] =	vst v5;
	v0 =	vmin.f32 v0, $1.000000000e+00  }
0x457: {  	[tilespmem:s5+$0x80] =	vst v0;
	v0 =	vmin.f32 v1, $1.000000000e+00  }
0x458: {  	[tilespmem:s5+$0x100] =	vst v0;
	v0 =	vmin.f32 v2, $1.000000000e+00  }
0x459: {  	[tilespmem:s5+$0x180] =	vst v0;
	v0 =	vmin.f32 v3, $1.000000000e+00  }
0x45a: {  	v1 =	vld [tilespmem:s0+$0x0];
	[tilespmem:s5+$0x200] =	vst v0;
	v0 =	vmin.f32 v4, $1.000000000e+00  }
0x45b: {  	v2 =	vld [tilespmem:s14+$0x0];
	[tilespmem:s5+$0x280] =	vst v0  }
0x45c: {  	v0 =	vld [tilespmem:s10+$0x0];
	_ =	sdelay $0x2  }
0x45d: {  	v1 =	vmin.f32 v1, $1.000000000e+00  }
0x45e: {  	s11 =	sor.u32 $0x380, s15;
	v3 =	vld [tilespmem:s12+$0x0];
	[tilespmem:s0+$0x0] =	vst v1;
	v1 =	vmin.f32 v2, $1.000000000e+00  }
0x45f: {  	v2 =	vld [tilespmem:s11+$0x0];
	[tilespmem:s14+$0x0] =	vst v1;
	v0 =	vmin.f32 v0, $1.000000000e+00  }
0x460: {  	v1 =	vld [tilespmem:s13+$0x0];
	[tilespmem:s10+$0x0] =	vst v0  }
0x461: {  	v0 =	vld [tilespmem:s7+$0x0];
	_ =	sdelay $0x1  }
0x462: {  	v3 =	vmin.f32 v3, $1.000000000e+00  }
0x463: {  	[tilespmem:s12+$0x0] =	vst v3;
	v2 =	vmin.f32 v2, $1.000000000e+00  }
0x464: {  	[tilespmem:s11+$0x0] =	vst v2;
	v1 =	vmin.f32 v1, $1.000000000e+00  }
0x465: {  	[tilespmem:s13+$0x0] =	vst v1;
	v0 =	vmin.f32 v0, $1.000000000e+00  }
0x466: {  	[tilespmem:s7+$0x0] =	vst v0  }
0x467: {  	s15 =	simm.s32 $0x0;
	s4 =	simm.s32 $0x14000;
	s2 =	rddreg [dreg:$0x1c]  }
0x468: {  	[hbm4b:s2+s15] =	stream.linear.scatter [tilespmem:s4], [sflag:$0xC], $0x4000, $0x38;
	[tilespmem:$0x18000] =	vst v63  }
0x469: {  	s16 =	simm.s32 $0x0;
	_ =	swait.ge [sflag:s8], $0x4000  }
0x46a: {  	s18 =	sand.u32 $0x3C00, s15;
	s2 =	sand.u32 $0x60, s16;
	[sflag:s8] =	ssyncset.done $0x0  }
0x46b: {  	s2 =	sor.u32 s2, s18;
	[sflag:s8] =	ssyncadd.s32 $0xFFFFC000  }
0x46c: {  	v0 =	vld [tilespmem:s2+$0x4010]  }
0x46d: {  	v1 =	vld [tilespmem:s2+$0x4090]  }
0x46e: {  	v4 =	vld [tilespmem:s2+$0x4210]  }
0x46f: {  	v5 =	vld [tilespmem:s2+$0x4290]  }
0x470: {  	v2 =	vld [tilespmem:s2+$0x4110]  }
0x471: {  	v3 =	vld [tilespmem:s2+$0x4190]  }
0x472: {  	v0 =	vmin.f32 v0, $1.000000000e+00  }
0x473: {  	v4 =	vmin.f32 v4, $1.000000000e+00;
	[tilespmem:s2+$0x4010] =	vst v0;
	v0 =	vmin.f32 v1, $1.000000000e+00;
	v1 =	vld [tilespmem:s2+$0x4000]  }
0x474: {  	s0 =	sand.u32 $0x3, s15;
	[tilespmem:s2+$0x4210] =	vst v4;
	v4 =	vmin.f32 v5, $1.000000000e+00;
	v5 =	vld [tilespmem:s2+$0x4280]  }
0x475: {  	s0 =	sshll.u32 s0, $0x5;
	[tilespmem:s2+$0x4090] =	vst v0;
	v0 =	vmin.f32 v2, $1.000000000e+00;
	v2 =	vld [tilespmem:s2+$0x4080]  }
0x476: {  	s12 =	sadd.s32 $0x0, s0;
	[tilespmem:s2+$0x4110] =	vst v0;
	v0 =	vmin.f32 v3, $1.000000000e+00;
	v3 =	vld [tilespmem:s2+$0x4100]  }
0x477: {  	s19 =	simm.s32 $0x20;
	s20 =	simm.s32 $0x100;
	s0 =	sadd.s32 $0x10, s12;
	[tilespmem:s2+$0x4190] =	vst v0;
	v0 =	vld [tilespmem:s2+$0x4180]  }
0x478: {  	s5 =	sand.u32 $0x3C00, s20;
	s9 =	sor.u32 $0x300, s0;
	s4 =	sand.u32 $0x60, s19;
	v6 =	vld [tilespmem:s2+$0x4200];
	[tilespmem:s2+$0x4290] =	vst v4;
	v1 =	vmin.f32 v1, $1.000000000e+00  }
0x479: {  	s21 =	sor.u32 s4, s5;
	v4 =	vld [tilespmem:s9+$0x4000];
	v5 =	vmin.f32 v5, $1.000000000e+00;
	[tilespmem:s2+$0x4000] =	vst v1  }
0x47a: {  	v1 =	vmin.f32 v2, $1.000000000e+00;
	v2 =	vld [tilespmem:s21+$0x4010];
	[tilespmem:s2+$0x4280] =	vst v5  }
0x47b: {  	[tilespmem:s2+$0x4080] =	vst v1;
	v1 =	vmin.f32 v3, $1.000000000e+00;
	v3 =	vld [tilespmem:s21+$0x4090]  }
0x47c: {  	[tilespmem:s2+$0x4100] =	vst v1;
	v0 =	vmin.f32 v0, $1.000000000e+00;
	v1 =	vld [tilespmem:s21+$0x4110]  }
0x47d: {  	[tilespmem:s2+$0x4180] =	vst v0;
	v0 =	vmin.f32 v6, $1.000000000e+00;
	v6 =	vld [tilespmem:s21+$0x4190]  }
0x47e: {  	[tilespmem:s2+$0x4200] =	vst v0;
	v0 =	vmin.f32 v4, $1.000000000e+00;
	v4 =	vld [tilespmem:s21+$0x4210]  }
0x47f: {  	s0 =	sor.u32 $0x380, s0;
	[tilespmem:s9+$0x4000] =	vst v0;
	v0 =	vmin.f32 v2, $1.000000000e+00;
	v2 =	vld [tilespmem:s21+$0x4290]  }
0x480: {  	s14 =	simm.s32 $0x1;
	[tilespmem:s21+$0x4010] =	vst v0;
	v0 =	vld [tilespmem:s0+$0x4000];
	v3 =	vmin.f32 v3, $1.000000000e+00  }
0x481: {  	s4 =	sand.u32 $0x3, s14;
	[tilespmem:s21+$0x4090] =	vst v3;
	v3 =	vld [tilespmem:s21+$0x4000];
	v1 =	vmin.f32 v1, $1.000000000e+00  }
0x482: {  	s4 =	sshll.u32 s4, $0x5;
	[tilespmem:s21+$0x4110] =	vst v1;
	v1 =	vld [tilespmem:s21+$0x4080];
	v6 =	vmin.f32 v6, $1.000000000e+00  }
0x483: {  	s10 =	sadd.s32 $0x100, s4;
	[tilespmem:s21+$0x4190] =	vst v6;
	v6 =	vld [tilespmem:s21+$0x4100];
	v4 =	vmin.f32 v4, $1.000000000e+00  }
0x484: {  	s11 =	sadd.s32 $0x10, s10;
	[tilespmem:s21+$0x4210] =	vst v4;
	v4 =	vld [tilespmem:s21+$0x4180];
	v2 =	vmin.f32 v2, $1.000000000e+00  }
0x485: {  	s15 =	sor.u32 $0x300, s11;
	[tilespmem:s21+$0x4290] =	vst v2;
	v2 =	vld [tilespmem:s21+$0x4200];
	v0 =	vmin.f32 v0, $1.000000000e+00  }
0x486: {  	s4 =	simm.s32 $0x40;
	s9 =	simm.s32 $0x200;
	v5 =	vld [tilespmem:s15+$0x4000];
	[tilespmem:s0+$0x4000] =	vst v0;
	v0 =	vmin.f32 v3, $1.000000000e+00  }
0x487: {  	s16 =	sor.u32 $0x300, s12;
	s18 =	sand.u32 $0x60, s4;
	s19 =	sand.u32 $0x3C00, s9;
	v3 =	vld [tilespmem:s21+$0x4280];
	[tilespmem:s21+$0x4000] =	vst v0;
	v0 =	vmin.f32 v1, $1.000000000e+00  }
0x488: {  	s5 =	sor.u32 s18, s19;
	v1 =	vld [tilespmem:s16+$0x4000];
	[tilespmem:s21+$0x4080] =	vst v0;
	v0 =	vmin.f32 v6, $1.000000000e+00  }
0x489: {  	v6 =	vld [tilespmem:s5+$0x4010];
	[tilespmem:s21+$0x4100] =	vst v0;
	v0 =	vmin.f32 v4, $1.000000000e+00  }
0x48a: {  	v4 =	vld [tilespmem:s5+$0x4090];
	[tilespmem:s21+$0x4180] =	vst v0;
	v2 =	vmin.f32 v2, $1.000000000e+00  }
0x48b: {  	v0 =	vld [tilespmem:s5+$0x4110];
	v5 =	vmin.f32 v5, $1.000000000e+00;
	[tilespmem:s21+$0x4200] =	vst v2  }
0x48c: {  	s20 =	sor.u32 $0x380, s11;
	v2 =	vmin.f32 v3, $1.000000000e+00;
	[tilespmem:s15+$0x4000] =	vst v5;
	v5 =	vld [tilespmem:s5+$0x4190]  }
0x48d: {  	[tilespmem:s21+$0x4280] =	vst v2;
	v1 =	vmin.f32 v1, $1.000000000e+00;
	v3 =	vld [tilespmem:s20+$0x4000]  }
0x48e: {  	v2 =	vmin.f32 v6, $1.000000000e+00;
	v6 =	vld [tilespmem:s5+$0x4210];
	[tilespmem:s16+$0x4000] =	vst v1  }
0x48f: {  	[tilespmem:s5+$0x4010] =	vst v2;
	v1 =	vmin.f32 v4, $1.000000000e+00;
	v4 =	vld [tilespmem:s5+$0x4290]  }
0x490: {  	s2 =	simm.s32 $0x2;
	v7 =	vld [tilespmem:s5+$0x4000];
	[tilespmem:s5+$0x4090] =	vst v1;
	v1 =	vmin.f32 v0, $1.000000000e+00  }
0x491: {  	s21 =	sand.u32 $0x3, s2;
	v0 =	vld [tilespmem:s5+$0x4080];
	[tilespmem:s5+$0x4110] =	vst v1;
	v2 =	vmin.f32 v5, $1.000000000e+00  }
0x492: {  	s7 =	sshll.u32 s21, $0x5;
	v1 =	vld [tilespmem:s5+$0x4100];
	[tilespmem:s5+$0x4190] =	vst v2;
	v3 =	vmin.f32 v3, $1.000000000e+00  }
0x493: {  	s12 =	sor.u32 $0x380, s12;
	s7 =	sadd.s32 $0x200, s7;
	v2 =	vld [tilespmem:s5+$0x4180];
	v5 =	vmin.f32 v6, $1.000000000e+00;
	[tilespmem:s20+$0x4000] =	vst v3  }
0x494: {  	s14 =	sor.u32 $0x300, s10;
	s13 =	sor.u32 $0x380, s10;
	s15 =	sadd.s32 $0x10, s7;
	v3 =	vld [tilespmem:s5+$0x4200];
	[tilespmem:s5+$0x4210] =	vst v5;
	v6 =	vmin.f32 v4, $1.000000000e+00  }
0x495: {  	s10 =	sor.u32 $0x300, s7;
	s7 =	sor.u32 $0x380, s7;
	s0 =	sor.u32 $0x300, s15;
	v5 =	vmin.f32 v7, $1.000000000e+00;
	v4 =	vld [tilespmem:s5+$0x4280];
	[tilespmem:s5+$0x4290] =	vst v6  }
.LBB2_30:
0x496: {  	s4 =	sadd.s32 $0x20, s4;
	[tilespmem:s5+$0x4000] =	vst v5;
	v0 =	vmin.f32 v0, $1.000000000e+00;
	v5 =	vld [tilespmem:s0+$0x4000];
	s9 =	sadd.s32 $0x100, s9  }
0x497: {  	s11 =	sand.u32 $0x60, s4;
	s16 =	sand.u32 $0x3C00, s9;
	[tilespmem:s5+$0x4080] =	vst v0;
	v0 =	vmin.f32 v1, $1.000000000e+00;
	v1 =	vld [tilespmem:s14+$0x4000]  }
0x498: {  	s11 =	sor.u32 s11, s16;
	[tilespmem:s5+$0x4100] =	vst v0;
	v0 =	vmin.f32 v2, $1.000000000e+00;
	v2 =	vld [tilespmem:s12+$0x4000]  }
0x499: {  	v6 =	vld [tilespmem:s11+$0x4010];
	[tilespmem:s5+$0x4180] =	vst v0;
	v0 =	vmin.f32 v3, $1.000000000e+00  }
0x49a: {  	v3 =	vld [tilespmem:s11+$0x4090];
	[tilespmem:s5+$0x4200] =	vst v0;
	v0 =	vmin.f32 v4, $1.000000000e+00  }
0x49b: {  	v4 =	vld [tilespmem:s11+$0x4110];
	[tilespmem:s5+$0x4280] =	vst v0;
	v0 =	vmin.f32 v5, $1.000000000e+00;
	s5 =	smov.u32 s11  }
0x49c: {  	p0 =	slt.u32 s4, $0x7E0;
	v5 =	vld [tilespmem:s5+$0x4190];
	[tilespmem:s0+$0x4000] =	vst v0;
	s0 =	sor.u32 $0x380, s15;
	v0 =	vmin.f32 v1, $1.000000000e+00  }
0x49d: {  	v7 =	vld [tilespmem:s0+$0x4000];
	[tilespmem:s14+$0x4000] =	vst v0;
	v0 =	vmin.f32 v2, $1.000000000e+00;
	s14 =	smov.u32 s10  }
0x49e: {  	v1 =	vmin.f32 v6, $1.000000000e+00;
	v6 =	vld [tilespmem:s5+$0x4210];
	[tilespmem:s12+$0x4000] =	vst v0;
	s12 =	smov.u32 s13;
	s13 =	smov.u32 s7  }
0x49f: {  	[tilespmem:s5+$0x4010] =	vst v1;
	v0 =	vmin.f32 v3, $1.000000000e+00;
	v8 =	vld [tilespmem:s5+$0x4290]  }
0x4a0: {  	s2 =	sadd.s32 $0x1, s2;
	v9 =	vld [tilespmem:s5+$0x4000];
	[tilespmem:s5+$0x4090] =	vst v0;
	v1 =	vmin.f32 v4, $1.000000000e+00  }
.Ltmp14:
0x4a1: {  	s7 =	sand.u32 $0x3, s2;
	v0 =	vld [tilespmem:s5+$0x4080];
	[tilespmem:s5+$0x4110] =	vst v1;
	v2 =	vmin.f32 v5, $1.000000000e+00;
	(pc) =	sbr.rel @p0 .LBB2_30-.Ltmp14, $4  }
0x4a2: {  	s7 =	sshll.u32 s7, $0x5;
	v1 =	vld [tilespmem:s5+$0x4100];
	[tilespmem:s5+$0x4190] =	vst v2;
	v3 =	vmin.f32 v7, $1.000000000e+00  }
0x4a3: {  	s11 =	sadd.s32 s7, s9;
	v2 =	vld [tilespmem:s5+$0x4180];
	v4 =	vmin.f32 v6, $1.000000000e+00;
	[tilespmem:s0+$0x4000] =	vst v3  }
0x4a4: {  	s10 =	sor.u32 $0x300, s11;
	s7 =	sor.u32 $0x380, s11;
	s15 =	sadd.s32 $0x10, s11;
	v3 =	vld [tilespmem:s5+$0x4200];
	[tilespmem:s5+$0x4210] =	vst v4;
	v6 =	vmin.f32 v8, $1.000000000e+00  }
0x4a5: {  	s0 =	sor.u32 $0x300, s15;
	v5 =	vmin.f32 v9, $1.000000000e+00;
	v4 =	vld [tilespmem:s5+$0x4280];
	[tilespmem:s5+$0x4290] =	vst v6  }
0x4a6: {  	[tilespmem:s5+$0x4000] =	vst v5;
	v0 =	vmin.f32 v0, $1.000000000e+00  }
0x4a7: {  	[tilespmem:s5+$0x4080] =	vst v0;
	v55 =	vmin.f32 v1, $1.000000000e+00  }
0x4a8: {  	[tilespmem:s5+$0x4100] =	vst v55;
	v56 =	vmin.f32 v2, $1.000000000e+00  }
0x4a9: {  	[tilespmem:s5+$0x4180] =	vst v56;
	v57 =	vmin.f32 v3, $1.000000000e+00  }
0x4aa: {  	v58 =	vld [tilespmem:s0+$0x4000];
	[tilespmem:s5+$0x4200] =	vst v57;
	v59 =	vmin.f32 v4, $1.000000000e+00  }
0x4ab: {  	v60 =	vld [tilespmem:s14+$0x4000];
	[tilespmem:s5+$0x4280] =	vst v59  }
0x4ac: {  	v0 =	vld [tilespmem:s10+$0x4000];
	_ =	sdelay $0x2  }
0x4ad: {  	v1 =	vmin.f32 v58, $1.000000000e+00  }
0x4ae: {  	v61 =	vld [tilespmem:s12+$0x4000];
	s19 =	sor.u32 $0x380, s15;
	v62 =	vmin.f32 v60, $1.000000000e+00;
	[tilespmem:s0+$0x4000] =	vst v1  }
0x4af: {  	[tilespmem:s14+$0x4000] =	vst v62;
	v63 =	vld [tilespmem:s19+$0x4000];
	v0 =	vmin.f32 v0, $1.000000000e+00  }
0x4b0: {  	v1 =	vld [tilespmem:s13+$0x4000];
	[tilespmem:s10+$0x4000] =	vst v0  }
0x4b1: {  	v0 =	vld [tilespmem:s7+$0x4000];
	_ =	sdelay $0x1  }
0x4b2: {  	v3 =	vmin.f32 v61, $1.000000000e+00  }
0x4b3: {  	[tilespmem:s12+$0x4000] =	vst v3;
	v2 =	vmin.f32 v63, $1.000000000e+00  }
0x4b4: {  	v1 =	vmin.f32 v1, $1.000000000e+00;
	[tilespmem:s19+$0x4000] =	vst v2  }
0x4b5: {  	[tilespmem:s13+$0x4000] =	vst v1;
	v0 =	vmin.f32 v0, $1.000000000e+00  }
0x4b6: {  	[tilespmem:s7+$0x4000] =	vst v0  }
0x4b7: {  	s0 =	rddreg [dreg:$0x15]  }
0x4b8: {  	[hbm4b:s0+s17] =	stream.linear.scatter [tilespmem:s17], [sflag:$0x7], $0x4000, $0x38;
	[tilespmem:$0x18000] =	vst v63  }
0x4b9: {  	s20 =	rddreg [dreg:$0x16]  }
0x4ba: {  	[hbm4b:s20+s17] =	stream.linear.scatter [tilespmem:s22], [sflag:$0x8], $0x4000, $0x38;
	[tilespmem:$0x18000] =	vst v63  }
0x4bb: {  	_ =	swait.ge [sflag:s23], $0x4000  }
0x4bc: {  	[sflag:s23] =	ssyncset.done $0x0  }
0x4bd: {  	[sflag:s23] =	ssyncadd.s32 $0xFFFFC000  }
0x4be: {  	_ =	swait.ge [sflag:s25], $0x4000  }
0x4bf: {  	[sflag:s25] =	ssyncset.done $0x0  }
0x4c0: {  	[sflag:s25] =	ssyncadd.s32 $0xFFFFC000  }
0x4c1: {  	_ =	swait.ge [sflag:s28], $0x4000  }
0x4c2: {  	[sflag:s28] =	ssyncset.done $0x0  }
0x4c3: {  	[sflag:s28] =	ssyncadd.s32 $0xFFFFC000  }
0x4c4: {  	_ =	swait.ge [sflag:s29], $0x4000  }
0x4c5: {  	[sflag:s29] =	ssyncset.done $0x0  }
0x4c6: {  	[sflag:s29] =	ssyncadd.s32 $0xFFFFC000  }
0x4c7: {  	_ =	swait.ge [sflag:s30], $0x4000  }
0x4c8: {  	[sflag:s30] =	ssyncset.done $0x0  }
0x4c9: {  	[sflag:s30] =	ssyncadd.s32 $0xFFFFC000  }
0x4ca: {  	_ =	swait.ge [sflag:s31], $0x4000  }
0x4cb: {  	s2 =	rddreg [dreg:$0x1d]  }
0x4cc: {  	s21 =	rddreg [dreg:$0x17];
	s2 =	sadd.s32 $0x1, s2  }
0x4cd: {  	p0 =	sne.s32 s2, s21  }
.Ltmp15:
0x4ce: {  	_ = 	snop;
	(pc) =	sbr.rel @p0 .LBB2_1-.Ltmp15, $3  }
0x4cf: {  	_ =	sdelay $0x1  }
0x4d0: {  	[sflag:s31] =	ssyncset.done $0x0  }
0x4d1: {  	[sflag:s31] =	ssyncadd.s32 $0xFFFFC000  }
0x4d2: {  	_ =	sfence.sel $0x180000  }
0x4d3: {  	[bflag:$0x0] =	sbarrier.arrive $0xFFFF  }
0x4d4: {  	_ =	strace $0x90000047  }
0x4d5: {  	s0 =	stileid.u32;
	[bflag:$0x2] =	sbarrier.arrive $0xFFFF  }
0x4d6: {  	p0 =	sne.s32 s0, $0x0;
	s0 =	rddreg [dreg:$0x2]  }
0x4d7: {  	s0 =	sadd.s32 @!p0 $0x100000, s0  }
0x4d8: {  	[sflag:s0] =	ssyncadd.tile.s32 @!p0 $0x1;
	_ =	shalt  }
.Lfunc_end2:
_tile_overlayer_lowered:
.L_overlay_start_2:
0x4d9: {  	(tag) =	ssettag $0x2  }
0x4da: {  	s0 =	rddreg [dreg:$0x0];
	s2 =	stileid.u32  }
0x4db: {  	s1 =	rddreg [dreg:$0x1];
	p0 =	sne.s32 s2, $0x0  }
0x4dc: {  	s3 =	rddreg [dreg:$0x2];
	[bflag:$0x3] =	sbarrier.arrive $0xFFFF;
	s2 =	simm.s32 @!p0 $0x1C0D  }
0x4dd: {  	[timem:s3], [sflag:s2] =	dma.local @!p0 [hbm:s0], s1  }
0x4de: {  	s0 =	simm.s32 @!p0 $0xD  }
0x4df: {  	_ =	swait.ge @!p0 [sflag:s0], s1  }
0x4e0: {  	s1 =	ssub.s32 @!p0 $0x0, s1;
	[sflag:s0] =	ssyncset.done @!p0 $0x0  }
0x4e1: {  	[sflag:s0] =	ssyncadd.s32 @!p0 s1  }
0x4e2: {  	[bflag:$0x3] =	sbarrier.arrive $0xFFFF  }
0x4e3: {  	_ =	shalt  }

</sc_bundles>
